<compile_context>
chip_gen: v7x
topology: tpu7x:2x2x1
jax: 0.10.2.dev20260603
libtpu: 0.0.44.dev20260713+nightly
codegen_flags: <defaults>
</compile_context>

<pallas_src>
import functools

import jax
import jax.numpy as jnp
from jax import lax
from jax.experimental import pallas as pl
from jax.experimental.pallas import tpu as pltpu
from jax.experimental.pallas import tpu_sc as plsc

V = 8
N = 16384
D = 64
K = 1024
BN = 8192
NB = N // BN

NC = 2
NS = 16
NW = NC * NS
BW = (V * N) // NW
CH = 128
NCH = BW // CH


def _make_idx_body(v_base):
    def _idx_body(xt_ref, wt_ref, out_ref):
        v = pl.program_id(0) + v_base
        xt = xt_ref[0]
        wt = wt_ref[0]
        scores2 = jnp.dot(-2.0 * wt, xt, preferred_element_type=jnp.float32)
        xsq = jnp.sum(xt * xt, axis=0, keepdims=True)
        wsq = jnp.sum(wt * wt, axis=1, keepdims=True)
        dist = (xsq + scores2) + wsq
        m = jnp.min(dist, axis=0, keepdims=True)
        iota = jax.lax.broadcasted_iota(jnp.int32, (K, BN), 0).astype(jnp.float32)
        idxf = jnp.min(jnp.where(dist == m, iota, float(K)), axis=0)
        out_ref[0, 0] = idxf.astype(jnp.int32) + v * K

    return _idx_body


def _vq_idx(inputs_t, emb_t, v_base):
    nv = inputs_t.shape[0]
    return pl.pallas_call(
        _make_idx_body(v_base),
        grid=(nv, NB),
        in_specs=[
            pl.BlockSpec((1, D, BN), lambda v, n: (v, 0, n)),
            pl.BlockSpec((1, K, D), lambda v, n: (v, 0, 0)),
        ],
        out_specs=pl.BlockSpec((1, 1, BN), lambda v, n: (v * NB + n, 0, 0)),
        out_shape=jax.ShapeDtypeStruct((nv * NB, 1, BN), jnp.int32),
    )(inputs_t, emb_t)


_SC_MESH = plsc.VectorSubcoreMesh(core_axis_name="c", subcore_axis_name="s")


@functools.partial(
    pl.kernel,
    out_type=jax.ShapeDtypeStruct((V * N, D), jnp.float32),
    mesh=_SC_MESH,
    scratch_types=[
        pltpu.VMEM((BW,), jnp.int32),
        pltpu.VMEM((CH, 2 * D), jnp.float32),
        pltpu.VMEM((CH, 2 * D), jnp.float32),
        pltpu.VMEM((CH, D), jnp.float32),
        pltpu.VMEM((CH, D), jnp.float32),
        pltpu.SemaphoreType.DMA,
        pltpu.SemaphoreType.DMA,
        pltpu.SemaphoreType.DMA,
        pltpu.SemaphoreType.DMA,
    ],
)
def _sc_gather(table_hbm, idx_hbm, out_hbm, idx_v, rows0, rows1,
               comp0, comp1, semg0, semg1, semw0, semw1):
    wid = lax.axis_index("s") * NC + lax.axis_index("c")
    base = wid * BW
    rows = (rows0, rows1)
    comp = (comp0, comp1)
    semg = (semg0, semg1)
    semw = (semw0, semw1)

    pltpu.sync_copy(idx_hbm.at[pl.ds(base, BW)], idx_v)

    gh = [None] * NCH
    wh = [None] * NCH
    gh[0] = pltpu.async_copy(
        table_hbm.at[idx_v.at[pl.ds(0, CH)]], rows[0], semg[0])
    for i in range(NCH):
        cur = i % 2
        if i + 1 < NCH:
            gh[i + 1] = pltpu.async_copy(
                table_hbm.at[idx_v.at[pl.ds((i + 1) * CH, CH)]],
                rows[(i + 1) % 2], semg[(i + 1) % 2])
        gh[i].wait()
        if i >= 2:
            wh[i - 2].wait()
        rcur = rows[cur]
        ccur = comp[cur]

        def crow(t, c, rcur=rcur, ccur=ccur):
            for j in range(D // 16):
                ccur[t, pl.ds(j * 16, 16)] = rcur[t, pl.ds(j * 16, 16)]
            return c

        lax.fori_loop(0, CH, crow, 0)
        wh[i] = pltpu.async_copy(
            ccur, out_hbm.at[pl.ds(base + i * CH, CH)], semw[cur])
    wh[NCH - 2].wait()
    wh[NCH - 1].wait()


def kernel(inputs, embeddings):
    emb_t = jnp.transpose(embeddings, (0, 2, 1))
    inputs_t = jnp.transpose(inputs, (0, 2, 1))
    table = jnp.pad(emb_t.reshape(V * K, D), ((0, 0), (0, D)))
    idx3 = _vq_idx(inputs_t, emb_t, 0)
    q = _sc_gather(table, idx3.reshape(V * N))
    return q.reshape(V, N, D)

# --- scband reference (transcript-rebuilt; emitter-appended) ---
"""Pipeline reference for scband-vector-quantizer-ema-17592186045166 (READ-ONLY COPY).

The authoritative reference and input builder live on the scoring server;
editing this copy changes nothing except your own understanding.
"""

import jax, jax.numpy as jnp
import numpy as np

NUM_VAR = 8
N_TOKENS = 16384
EMBEDDING_DIM = 64
NUM_EMBEDDINGS = 1024
COMMITMENT_COST = 0.25


def setup_inputs(seed: int = 0) -> dict:
    key = jax.random.key(seed)
    k1, k2 = jax.random.split(key)
    inputs = jax.random.normal(k1, (NUM_VAR, N_TOKENS, EMBEDDING_DIM), dtype=jnp.float32)
    # VarianceScaling(distribution='uniform') approx: uniform(-sqrt(3/fan_in), sqrt(3/fan_in))
    limit = float(np.sqrt(3.0 / EMBEDDING_DIM))
    embeddings = jax.random.uniform(
        k2, (NUM_VAR, EMBEDDING_DIM, NUM_EMBEDDINGS),
        minval=-limit, maxval=limit, dtype=jnp.float32)
    return {"inputs": inputs, "embeddings": embeddings}


def reference(inputs, embeddings):
    # inputs: [V, N, D]; embeddings (w): [V, D, K]
    w = embeddings
    distances = (
        jnp.sum(inputs ** 2, axis=2, keepdims=True)
        - 2.0 * jnp.matmul(inputs, w)
        + jnp.sum(w ** 2, axis=1, keepdims=True)
    )  # [V, N, K]
    encoding_indices = jnp.argmin(distances, axis=2)  # [V, N]
    # quantized = gather(w^T, idx, batch_dims=1): [V, K, D] gathered along axis 1
    w_t = jnp.transpose(w, (0, 2, 1))  # [V, K, D]
    quantized = jnp.take_along_axis(w_t, encoding_indices[:, :, None], axis=1)  # [V, N, D]
    # straight-through estimator output (eval path; EMA updates only occur when training)
    output = inputs + jax.lax.stop_gradient(quantized - inputs)
    return output

if __name__ == "__main__":
    import jax
    _d = setup_inputs()
    print(jax.jit(kernel)(*tuple(_d.values())))

</pallas_src>

<mosaic_0001>
#map = affine_map<(d0, d1) -> (0, 0)>
#map1 = affine_map<(d0, d1) -> (0)>
module attributes {stable_mosaic.version = 14 : i64} {
  func.func @_sc_gather(%arg0: i32, %arg1: i32, %arg2: memref<8192x128xf32, #tpu.memory_space<hbm>>, %arg3: memref<131072xi32, #tpu.memory_space<hbm>>, %arg4: memref<131072x64xf32, #tpu.memory_space<hbm>>, %arg5: memref<4096xi32, #tpu.memory_space<vmem>>, %arg6: memref<128x128xf32, #tpu.memory_space<vmem>>, %arg7: memref<128x128xf32, #tpu.memory_space<vmem>>, %arg8: memref<128x64xf32, #tpu.memory_space<vmem>>, %arg9: memref<128x64xf32, #tpu.memory_space<vmem>>, %arg10: memref<!tpu.dma_semaphore, #tpu.memory_space<semaphore_mem>>, %arg11: memref<!tpu.dma_semaphore, #tpu.memory_space<semaphore_mem>>, %arg12: memref<!tpu.dma_semaphore, #tpu.memory_space<semaphore_mem>>, %arg13: memref<!tpu.dma_semaphore, #tpu.memory_space<semaphore_mem>>) attributes {dimension_semantics = [#tpu.dimension_semantics<core_parallel>, #tpu.dimension_semantics<subcore_parallel>], iteration_bounds = array<i64: 2, 16>, scalar_prefetch = 0 : i64, scratch_operands = 9 : i64, tpu.core_type = #tpu.core_type<sc_vector_subcore>, window_params = [{transform_indices = #map}, {transform_indices = #map1}, {transform_indices = #map}]} {
    %mul3A = arith.constant 2 : i32
    %mul3A_0 = arith.muli %arg1, %mul3A : i32
    %add3A = arith.addi %mul3A_0, %arg0 : i32
    %mul3A_1 = arith.constant 4096 : i32
    %mul3A_2 = arith.muli %add3A, %mul3A_1 : i32
    "tpu.region"() ({
      %run_scoped3A = tpu.sem_alloc : memref<!tpu.dma_semaphore, #tpu.memory_space<semaphore_mem>>
      %dma_start3A_832 = tpu.memref_slice %arg3[%mul3A_2] : memref<131072xi32, #tpu.memory_space<hbm>> -> memref<4096xi32, #tpu.memory_space<hbm>>
      %dma_start3A_833 = tpu.memref_slice %arg3[%mul3A_2] : memref<131072xi32, #tpu.memory_space<hbm>> -> memref<4096xi32, #tpu.memory_space<hbm>>
      tpu.enqueue_dma source(%dma_start3A_833 : memref<4096xi32, #tpu.memory_space<hbm>>) target(%arg5 : memref<4096xi32, #tpu.memory_space<vmem>>) target_semaphore(%run_scoped3A : memref<!tpu.dma_semaphore, #tpu.memory_space<semaphore_mem>>)
      %dma_wait3A_834 = tpu.memref_slice %arg3[%mul3A_2] : memref<131072xi32, #tpu.memory_space<hbm>> -> memref<4096xi32, #tpu.memory_space<hbm>>
      %dma_wait3A_835 = tpu.memref_slice %arg3[%mul3A_2] : memref<131072xi32, #tpu.memory_space<hbm>> -> memref<4096xi32, #tpu.memory_space<hbm>>
      tpu.wait_dma2 semaphore(%run_scoped3A : memref<!tpu.dma_semaphore, #tpu.memory_space<semaphore_mem>>) src(%dma_wait3A_835 : memref<4096xi32, #tpu.memory_space<hbm>>) dst(%arg5 : memref<4096xi32, #tpu.memory_space<vmem>>)
      tpu.yield
    }) : () -> ()
    %dma_start3A = arith.constant 0 : i32
    %dma_start3A_3 = tpu.memref_slice %arg5[%dma_start3A] : memref<4096xi32, #tpu.memory_space<vmem>> -> memref<128xi32, #tpu.memory_space<vmem>>
    %dma_start3A_4 = arith.constant 0 : i32
    %dma_start3A_5 = arith.constant 0 : i32
    %dma_start3A_6 = tpu.memref_slice %arg2[%dma_start3A_4, %dma_start3A_5] : memref<8192x128xf32, #tpu.memory_space<hbm>> -> memref<8192x128xf32, #tpu.memory_space<hbm>>
    tpu.enqueue_indirect_dma source(%dma_start3A_6 : memref<8192x128xf32, #tpu.memory_space<hbm>>) target(%arg6 : memref<128x128xf32, #tpu.memory_space<vmem>>) offsets(%dma_start3A_3 : memref<128xi32, #tpu.memory_space<vmem>>) semaphore(%arg10 : memref<!tpu.dma_semaphore, #tpu.memory_space<semaphore_mem>>)
    %dma_start3A_7 = arith.constant 128 : i32
    %dma_start3A_8 = tpu.memref_slice %arg5[%dma_start3A_7] : memref<4096xi32, #tpu.memory_space<vmem>> -> memref<128xi32, #tpu.memory_space<vmem>>
    %dma_start3A_9 = arith.constant 0 : i32
    %dma_start3A_10 = arith.constant 0 : i32
    %dma_start3A_11 = tpu.memref_slice %arg2[%dma_start3A_9, %dma_start3A_10] : memref<8192x128xf32, #tpu.memory_space<hbm>> -> memref<8192x128xf32, #tpu.memory_space<hbm>>
    tpu.enqueue_indirect_dma source(%dma_start3A_11 : memref<8192x128xf32, #tpu.memory_space<hbm>>) target(%arg7 : memref<128x128xf32, #tpu.memory_space<vmem>>) offsets(%dma_start3A_8 : memref<128xi32, #tpu.memory_space<vmem>>) semaphore(%arg11 : memref<!tpu.dma_semaphore, #tpu.memory_space<semaphore_mem>>)
    %dma_wait3A = arith.constant 0 : i32
    %dma_wait3A_12 = tpu.memref_slice %arg5[%dma_wait3A] : memref<4096xi32, #tpu.memory_space<vmem>> -> memref<128xi32, #tpu.memory_space<vmem>>
    %dma_wait3A_13 = arith.constant 0 : i32
    %dma_wait3A_14 = arith.constant 0 : i32
    %dma_wait3A_15 = tpu.memref_slice %arg2[%dma_wait3A_13, %dma_wait3A_14] : memref<8192x128xf32, #tpu.memory_space<hbm>> -> memref<8192x128xf32, #tpu.memory_space<hbm>>
    tpu.wait_indirect_dma semaphore(%arg10 : memref<!tpu.dma_semaphore, #tpu.memory_space<semaphore_mem>>) src(%dma_wait3A_15 : memref<8192x128xf32, #tpu.memory_space<hbm>>) dst(%arg6 : memref<128x128xf32, #tpu.memory_space<vmem>>)
    %scan3A = arith.constant 0 : i32
    %scan3A_16 = arith.constant 0 : i32
    %scan3A_17 = arith.constant 128 : i32
    %scan3A_18 = arith.addi %scan3A_16, %scan3A_17 : i32
    %scan3A_19 = arith.constant 1 : i32
    scf.for %scan3A_832 = %scan3A_16 to %scan3A_18 step %scan3A_19  : i32 {
      %get3A = arith.index_cast %scan3A_832 : i32 to index
      %get3A_833 = arith.constant 0 : index
      %get3A_834 = tpu.vector_load %arg6[%get3A, %get3A_833] {strides = array<i32>} : memref<128x128xf32, #tpu.memory_space<vmem>>, vector<1x16xf32>,
      %get3A_835 = vector.shape_cast %get3A_834 : vector<1x16xf32> to vector<16xf32>
      %swap3A = arith.index_cast %scan3A_832 : i32 to index
      %swap3A_836 = arith.constant 0 : index
      %swap3A_837 = tpu.vector_load %arg8[%swap3A, %swap3A_836] {strides = array<i32>} : memref<128x64xf32, #tpu.memory_space<vmem>>, vector<1x16xf32>,
      %swap3A_838 = vector.shape_cast %swap3A_837 : vector<1x16xf32> to vector<16xf32>
      %swap3A_839 = vector.shape_cast %get3A_835 : vector<16xf32> to vector<1x16xf32>
      tpu.vector_store %arg8[%swap3A, %swap3A_836], %swap3A_839 {strides = array<i32>} : memref<128x64xf32, #tpu.memory_space<vmem>>, vector<1x16xf32>,
      %get3A_840 = arith.index_cast %scan3A_832 : i32 to index
      %get3A_841 = arith.constant 16 : index
      %get3A_842 = tpu.vector_load %arg6[%get3A_840, %get3A_841] {strides = array<i32>} : memref<128x128xf32, #tpu.memory_space<vmem>>, vector<1x16xf32>,
      %get3A_843 = vector.shape_cast %get3A_842 : vector<1x16xf32> to vector<16xf32>
      %swap3A_844 = arith.index_cast %scan3A_832 : i32 to index
      %swap3A_845 = arith.constant 16 : index
      %swap3A_846 = tpu.vector_load %arg8[%swap3A_844, %swap3A_845] {strides = array<i32>} : memref<128x64xf32, #tpu.memory_space<vmem>>, vector<1x16xf32>,
      %swap3A_847 = vector.shape_cast %swap3A_846 : vector<1x16xf32> to vector<16xf32>
      %swap3A_848 = vector.shape_cast %get3A_843 : vector<16xf32> to vector<1x16xf32>
      tpu.vector_store %arg8[%swap3A_844, %swap3A_845], %swap3A_848 {strides = array<i32>} : memref<128x64xf32, #tpu.memory_space<vmem>>, vector<1x16xf32>,
      %get3A_849 = arith.index_cast %scan3A_832 : i32 to index
      %get3A_850 = arith.constant 32 : index
      %get3A_851 = tpu.vector_load %arg6[%get3A_849, %get3A_850] {strides = array<i32>} : memref<128x128xf32, #tpu.memory_space<vmem>>, vector<1x16xf32>,
      %get3A_852 = vector.shape_cast %get3A_851 : vector<1x16xf32> to vector<16xf32>
      %swap3A_853 = arith.index_cast %scan3A_832 : i32 to index
      %swap3A_854 = arith.constant 32 : index
      %swap3A_855 = tpu.vector_load %arg8[%swap3A_853, %swap3A_854] {strides = array<i32>} : memref<128x64xf32, #tpu.memory_space<vmem>>, vector<1x16xf32>,
      %swap3A_856 = vector.shape_cast %swap3A_855 : vector<1x16xf32> to vector<16xf32>
      %swap3A_857 = vector.shape_cast %get3A_852 : vector<16xf32> to vector<1x16xf32>
      tpu.vector_store %arg8[%swap3A_853, %swap3A_854], %swap3A_857 {strides = array<i32>} : memref<128x64xf32, #tpu.memory_space<vmem>>, vector<1x16xf32>,
      %get3A_858 = arith.index_cast %scan3A_832 : i32 to index
      %get3A_859 = arith.constant 48 : index
      %get3A_860 = tpu.vector_load %arg6[%get3A_858, %get3A_859] {strides = array<i32>} : memref<128x128xf32, #tpu.memory_space<vmem>>, vector<1x16xf32>,
      %get3A_861 = vector.shape_cast %get3A_860 : vector<1x16xf32> to vector<16xf32>
      %swap3A_862 = arith.index_cast %scan3A_832 : i32 to index
      %swap3A_863 = arith.constant 48 : index
      %swap3A_864 = tpu.vector_load %arg8[%swap3A_862, %swap3A_863] {strides = array<i32>} : memref<128x64xf32, #tpu.memory_space<vmem>>, vector<1x16xf32>,
      %swap3A_865 = vector.shape_cast %swap3A_864 : vector<1x16xf32> to vector<16xf32>
      %swap3A_866 = vector.shape_cast %get3A_861 : vector<16xf32> to vector<1x16xf32>
      tpu.vector_store %arg8[%swap3A_862, %swap3A_863], %swap3A_866 {strides = array<i32>} : memref<128x64xf32, #tpu.memory_space<vmem>>, vector<1x16xf32>,
    }
    %scan3A_20 = arith.constant 128 : i32
    %add3A_21 = arith.constant 0 : i32
    %add3A_22 = arith.addi %mul3A_2, %add3A_21 : i32
    %dma_start3A_23 = arith.constant 0 : i32
    %dma_start3A_24 = tpu.memref_slice %arg4[%add3A_22, %dma_start3A_23] : memref<131072x64xf32, #tpu.memory_space<hbm>> -> memref<128x64xf32, #tpu.memory_space<hbm>>
    %dma_start3A_25 = arith.constant 0 : i32
    %dma_start3A_26 = tpu.memref_slice %arg4[%add3A_22, %dma_start3A_25] : memref<131072x64xf32, #tpu.memory_space<hbm>> -> memref<128x64xf32, #tpu.memory_space<hbm>>
    tpu.enqueue_dma source(%arg8 : memref<128x64xf32, #tpu.memory_space<vmem>>) target(%dma_start3A_26 : memref<128x64xf32, #tpu.memory_space<hbm>>) target_semaphore(%arg12 : memref<!tpu.dma_semaphore, #tpu.memory_space<semaphore_mem>>)
    %dma_start3A_27 = arith.constant 256 : i32
    %dma_start3A_28 = tpu.memref_slice %arg5[%dma_start3A_27] : memref<4096xi32, #tpu.memory_space<vmem>> -> memref<128xi32, #tpu.memory_space<vmem>>
    %dma_start3A_29 = arith.constant 0 : i32
    %dma_start3A_30 = arith.constant 0 : i32
    %dma_start3A_31 = tpu.memref_slice %arg2[%dma_start3A_29, %dma_start3A_30] : memref<8192x128xf32, #tpu.memory_space<hbm>> -> memref<8192x128xf32, #tpu.memory_space<hbm>>
    tpu.enqueue_indirect_dma source(%dma_start3A_31 : memref<8192x128xf32, #tpu.memory_space<hbm>>) target(%arg6 : memref<128x128xf32, #tpu.memory_space<vmem>>) offsets(%dma_start3A_28 : memref<128xi32, #tpu.memory_space<vmem>>) semaphore(%arg10 : memref<!tpu.dma_semaphore, #tpu.memory_space<semaphore_mem>>)
    %dma_wait3A_32 = arith.constant 128 : i32
    %dma_wait3A_33 = tpu.memref_slice %arg5[%dma_wait3A_32] : memref<4096xi32, #tpu.memory_space<vmem>> -> memref<128xi32, #tpu.memory_space<vmem>>
    %dma_wait3A_34 = arith.constant 0 : i32
    %dma_wait3A_35 = arith.constant 0 : i32
    %dma_wait3A_36 = tpu.memref_slice %arg2[%dma_wait3A_34, %dma_wait3A_35] : memref<8192x128xf32, #tpu.memory_space<hbm>> -> memref<8192x128xf32, #tpu.memory_space<hbm>>
    tpu.wait_indirect_dma semaphore(%arg11 : memref<!tpu.dma_semaphore, #tpu.memory_space<semaphore_mem>>) src(%dma_wait3A_36 : memref<8192x128xf32, #tpu.memory_space<hbm>>) dst(%arg7 : memref<128x128xf32, #tpu.memory_space<vmem>>)
    %scan3A_37 = arith.constant 0 : i32
    %scan3A_38 = arith.constant 0 : i32
    %scan3A_39 = arith.constant 128 : i32
    %scan3A_40 = arith.addi %scan3A_38, %scan3A_39 : i32
    %scan3A_41 = arith.constant 1 : i32
    scf.for %scan3A_832 = %scan3A_38 to %scan3A_40 step %scan3A_41  : i32 {
      %get3A = arith.index_cast %scan3A_832 : i32 to index
      %get3A_833 = arith.constant 0 : index
      %get3A_834 = tpu.vector_load %arg7[%get3A, %get3A_833] {strides = array<i32>} : memref<128x128xf32, #tpu.memory_space<vmem>>, vector<1x16xf32>,
      %get3A_835 = vector.shape_cast %get3A_834 : vector<1x16xf32> to vector<16xf32>
      %swap3A = arith.index_cast %scan3A_832 : i32 to index
      %swap3A_836 = arith.constant 0 : index
      %swap3A_837 = tpu.vector_load %arg9[%swap3A, %swap3A_836] {strides = array<i32>} : memref<128x64xf32, #tpu.memory_space<vmem>>, vector<1x16xf32>,
      %swap3A_838 = vector.shape_cast %swap3A_837 : vector<1x16xf32> to vector<16xf32>
      %swap3A_839 = vector.shape_cast %get3A_835 : vector<16xf32> to vector<1x16xf32>
      tpu.vector_store %arg9[%swap3A, %swap3A_836], %swap3A_839 {strides = array<i32>} : memref<128x64xf32, #tpu.memory_space<vmem>>, vector<1x16xf32>,
      %get3A_840 = arith.index_cast %scan3A_832 : i32 to index
      %get3A_841 = arith.constant 16 : index
      %get3A_842 = tpu.vector_load %arg7[%get3A_840, %get3A_841] {strides = array<i32>} : memref<128x128xf32, #tpu.memory_space<vmem>>, vector<1x16xf32>,
      %get3A_843 = vector.shape_cast %get3A_842 : vector<1x16xf32> to vector<16xf32>
      %swap3A_844 = arith.index_cast %scan3A_832 : i32 to index
      %swap3A_845 = arith.constant 16 : index
      %swap3A_846 = tpu.vector_load %arg9[%swap3A_844, %swap3A_845] {strides = array<i32>} : memref<128x64xf32, #tpu.memory_space<vmem>>, vector<1x16xf32>,
      %swap3A_847 = vector.shape_cast %swap3A_846 : vector<1x16xf32> to vector<16xf32>
      %swap3A_848 = vector.shape_cast %get3A_843 : vector<16xf32> to vector<1x16xf32>
      tpu.vector_store %arg9[%swap3A_844, %swap3A_845], %swap3A_848 {strides = array<i32>} : memref<128x64xf32, #tpu.memory_space<vmem>>, vector<1x16xf32>,
      %get3A_849 = arith.index_cast %scan3A_832 : i32 to index
      %get3A_850 = arith.constant 32 : index
      %get3A_851 = tpu.vector_load %arg7[%get3A_849, %get3A_850] {strides = array<i32>} : memref<128x128xf32, #tpu.memory_space<vmem>>, vector<1x16xf32>,
      %get3A_852 = vector.shape_cast %get3A_851 : vector<1x16xf32> to vector<16xf32>
      %swap3A_853 = arith.index_cast %scan3A_832 : i32 to index
      %swap3A_854 = arith.constant 32 : index
      %swap3A_855 = tpu.vector_load %arg9[%swap3A_853, %swap3A_854] {strides = array<i32>} : memref<128x64xf32, #tpu.memory_space<vmem>>, vector<1x16xf32>,
      %swap3A_856 = vector.shape_cast %swap3A_855 : vector<1x16xf32> to vector<16xf32>
      %swap3A_857 = vector.shape_cast %get3A_852 : vector<16xf32> to vector<1x16xf32>
      tpu.vector_store %arg9[%swap3A_853, %swap3A_854], %swap3A_857 {strides = array<i32>} : memref<128x64xf32, #tpu.memory_space<vmem>>, vector<1x16xf32>,
      %get3A_858 = arith.index_cast %scan3A_832 : i32 to index
      %get3A_859 = arith.constant 48 : index
      %get3A_860 = tpu.vector_load %arg7[%get3A_858, %get3A_859] {strides = array<i32>} : memref<128x128xf32, #tpu.memory_space<vmem>>, vector<1x16xf32>,
      %get3A_861 = vector.shape_cast %get3A_860 : vector<1x16xf32> to vector<16xf32>
      %swap3A_862 = arith.index_cast %scan3A_832 : i32 to index
      %swap3A_863 = arith.constant 48 : index
      %swap3A_864 = tpu.vector_load %arg9[%swap3A_862, %swap3A_863] {strides = array<i32>} : memref<128x64xf32, #tpu.memory_space<vmem>>, vector<1x16xf32>,
      %swap3A_865 = vector.shape_cast %swap3A_864 : vector<1x16xf32> to vector<16xf32>
      %swap3A_866 = vector.shape_cast %get3A_861 : vector<16xf32> to vector<1x16xf32>
      tpu.vector_store %arg9[%swap3A_862, %swap3A_863], %swap3A_866 {strides = array<i32>} : memref<128x64xf32, #tpu.memory_space<vmem>>, vector<1x16xf32>,
    }
    %scan3A_42 = arith.constant 128 : i32
    %add3A_43 = arith.constant 128 : i32
    %add3A_44 = arith.addi %mul3A_2, %add3A_43 : i32
    %dma_start3A_45 = arith.constant 0 : i32
    %dma_start3A_46 = tpu.memref_slice %arg4[%add3A_44, %dma_start3A_45] : memref<131072x64xf32, #tpu.memory_space<hbm>> -> memref<128x64xf32, #tpu.memory_space<hbm>>
    %dma_start3A_47 = arith.constant 0 : i32
    %dma_start3A_48 = tpu.memref_slice %arg4[%add3A_44, %dma_start3A_47] : memref<131072x64xf32, #tpu.memory_space<hbm>> -> memref<128x64xf32, #tpu.memory_space<hbm>>
    tpu.enqueue_dma source(%arg9 : memref<128x64xf32, #tpu.memory_space<vmem>>) target(%dma_start3A_48 : memref<128x64xf32, #tpu.memory_space<hbm>>) target_semaphore(%arg13 : memref<!tpu.dma_semaphore, #tpu.memory_space<semaphore_mem>>)
    %dma_start3A_49 = arith.constant 384 : i32
    %dma_start3A_50 = tpu.memref_slice %arg5[%dma_start3A_49] : memref<4096xi32, #tpu.memory_space<vmem>> -> memref<128xi32, #tpu.memory_space<vmem>>
    %dma_start3A_51 = arith.constant 0 : i32
    %dma_start3A_52 = arith.constant 0 : i32
    %dma_start3A_53 = tpu.memref_slice %arg2[%dma_start3A_51, %dma_start3A_52] : memref<8192x128xf32, #tpu.memory_space<hbm>> -> memref<8192x128xf32, #tpu.memory_space<hbm>>
    tpu.enqueue_indirect_dma source(%dma_start3A_53 : memref<8192x128xf32, #tpu.memory_space<hbm>>) target(%arg7 : memref<128x128xf32, #tpu.memory_space<vmem>>) offsets(%dma_start3A_50 : memref<128xi32, #tpu.memory_space<vmem>>) semaphore(%arg11 : memref<!tpu.dma_semaphore, #tpu.memory_space<semaphore_mem>>)
    %dma_wait3A_54 = arith.constant 256 : i32
    %dma_wait3A_55 = tpu.memref_slice %arg5[%dma_wait3A_54] : memref<4096xi32, #tpu.memory_space<vmem>> -> memref<128xi32, #tpu.memory_space<vmem>>
    %dma_wait3A_56 = arith.constant 0 : i32
    %dma_wait3A_57 = arith.constant 0 : i32
    %dma_wait3A_58 = tpu.memref_slice %arg2[%dma_wait3A_56, %dma_wait3A_57] : memref<8192x128xf32, #tpu.memory_space<hbm>> -> memref<8192x128xf32, #tpu.memory_space<hbm>>
    tpu.wait_indirect_dma semaphore(%arg10 : memref<!tpu.dma_semaphore, #tpu.memory_space<semaphore_mem>>) src(%dma_wait3A_58 : memref<8192x128xf32, #tpu.memory_space<hbm>>) dst(%arg6 : memref<128x128xf32, #tpu.memory_space<vmem>>)
    %dma_wait3A_59 = arith.constant 0 : i32
    %dma_wait3A_60 = tpu.memref_slice %arg4[%add3A_22, %dma_wait3A_59] : memref<131072x64xf32, #tpu.memory_space<hbm>> -> memref<128x64xf32, #tpu.memory_space<hbm>>
    %dma_wait3A_61 = arith.constant 0 : i32
    %dma_wait3A_62 = tpu.memref_slice %arg4[%add3A_22, %dma_wait3A_61] : memref<131072x64xf32, #tpu.memory_space<hbm>> -> memref<128x64xf32, #tpu.memory_space<hbm>>
    tpu.wait_dma2 semaphore(%arg12 : memref<!tpu.dma_semaphore, #tpu.memory_space<semaphore_mem>>) src(%arg8 : memref<128x64xf32, #tpu.memory_space<vmem>>) dst(%dma_wait3A_62 : memref<128x64xf32, #tpu.memory_space<hbm>>)
    %scan3A_63 = arith.constant 0 : i32
    %scan3A_64 = arith.constant 0 : i32
    %scan3A_65 = arith.constant 128 : i32
    %scan3A_66 = arith.addi %scan3A_64, %scan3A_65 : i32
    %scan3A_67 = arith.constant 1 : i32
    scf.for %scan3A_832 = %scan3A_64 to %scan3A_66 step %scan3A_67  : i32 {
      %get3A = arith.index_cast %scan3A_832 : i32 to index
      %get3A_833 = arith.constant 0 : index
      %get3A_834 = tpu.vector_load %arg6[%get3A, %get3A_833] {strides = array<i32>} : memref<128x128xf32, #tpu.memory_space<vmem>>, vector<1x16xf32>,
      %get3A_835 = vector.shape_cast %get3A_834 : vector<1x16xf32> to vector<16xf32>
      %swap3A = arith.index_cast %scan3A_832 : i32 to index
      %swap3A_836 = arith.constant 0 : index
      %swap3A_837 = tpu.vector_load %arg8[%swap3A, %swap3A_836] {strides = array<i32>} : memref<128x64xf32, #tpu.memory_space<vmem>>, vector<1x16xf32>,
      %swap3A_838 = vector.shape_cast %swap3A_837 : vector<1x16xf32> to vector<16xf32>
      %swap3A_839 = vector.shape_cast %get3A_835 : vector<16xf32> to vector<1x16xf32>
      tpu.vector_store %arg8[%swap3A, %swap3A_836], %swap3A_839 {strides = array<i32>} : memref<128x64xf32, #tpu.memory_space<vmem>>, vector<1x16xf32>,
      %get3A_840 = arith.index_cast %scan3A_832 : i32 to index
      %get3A_841 = arith.constant 16 : index
      %get3A_842 = tpu.vector_load %arg6[%get3A_840, %get3A_841] {strides = array<i32>} : memref<128x128xf32, #tpu.memory_space<vmem>>, vector<1x16xf32>,
      %get3A_843 = vector.shape_cast %get3A_842 : vector<1x16xf32> to vector<16xf32>
      %swap3A_844 = arith.index_cast %scan3A_832 : i32 to index
      %swap3A_845 = arith.constant 16 : index
      %swap3A_846 = tpu.vector_load %arg8[%swap3A_844, %swap3A_845] {strides = array<i32>} : memref<128x64xf32, #tpu.memory_space<vmem>>, vector<1x16xf32>,
      %swap3A_847 = vector.shape_cast %swap3A_846 : vector<1x16xf32> to vector<16xf32>
      %swap3A_848 = vector.shape_cast %get3A_843 : vector<16xf32> to vector<1x16xf32>
      tpu.vector_store %arg8[%swap3A_844, %swap3A_845], %swap3A_848 {strides = array<i32>} : memref<128x64xf32, #tpu.memory_space<vmem>>, vector<1x16xf32>,
      %get3A_849 = arith.index_cast %scan3A_832 : i32 to index
      %get3A_850 = arith.constant 32 : index
      %get3A_851 = tpu.vector_load %arg6[%get3A_849, %get3A_850] {strides = array<i32>} : memref<128x128xf32, #tpu.memory_space<vmem>>, vector<1x16xf32>,
      %get3A_852 = vector.shape_cast %get3A_851 : vector<1x16xf32> to vector<16xf32>
      %swap3A_853 = arith.index_cast %scan3A_832 : i32 to index
      %swap3A_854 = arith.constant 32 : index
      %swap3A_855 = tpu.vector_load %arg8[%swap3A_853, %swap3A_854] {strides = array<i32>} : memref<128x64xf32, #tpu.memory_space<vmem>>, vector<1x16xf32>,
      %swap3A_856 = vector.shape_cast %swap3A_855 : vector<1x16xf32> to vector<16xf32>
      %swap3A_857 = vector.shape_cast %get3A_852 : vector<16xf32> to vector<1x16xf32>
      tpu.vector_store %arg8[%swap3A_853, %swap3A_854], %swap3A_857 {strides = array<i32>} : memref<128x64xf32, #tpu.memory_space<vmem>>, vector<1x16xf32>,
      %get3A_858 = arith.index_cast %scan3A_832 : i32 to index
      %get3A_859 = arith.constant 48 : index
      %get3A_860 = tpu.vector_load %arg6[%get3A_858, %get3A_859] {strides = array<i32>} : memref<128x128xf32, #tpu.memory_space<vmem>>, vector<1x16xf32>,
      %get3A_861 = vector.shape_cast %get3A_860 : vector<1x16xf32> to vector<16xf32>
      %swap3A_862 = arith.index_cast %scan3A_832 : i32 to index
      %swap3A_863 = arith.constant 48 : index
      %swap3A_864 = tpu.vector_load %arg8[%swap3A_862, %swap3A_863] {strides = array<i32>} : memref<128x64xf32, #tpu.memory_space<vmem>>, vector<1x16xf32>,
      %swap3A_865 = vector.shape_cast %swap3A_864 : vector<1x16xf32> to vector<16xf32>
      %swap3A_866 = vector.shape_cast %get3A_861 : vector<16xf32> to vector<1x16xf32>
      tpu.vector_store %arg8[%swap3A_862, %swap3A_863], %swap3A_866 {strides = array<i32>} : memref<128x64xf32, #tpu.memory_space<vmem>>, vector<1x16xf32>,
    }
    %scan3A_68 = arith.constant 128 : i32
    %add3A_69 = arith.constant 256 : i32
    %add3A_70 = arith.addi %mul3A_2, %add3A_69 : i32
    %dma_start3A_71 = arith.constant 0 : i32
    %dma_start3A_72 = tpu.memref_slice %arg4[%add3A_70, %dma_start3A_71] : memref<131072x64xf32, #tpu.memory_space<hbm>> -> memref<128x64xf32, #tpu.memory_space<hbm>>
    %dma_start3A_73 = arith.constant 0 : i32
    %dma_start3A_74 = tpu.memref_slice %arg4[%add3A_70, %dma_start3A_73] : memref<131072x64xf32, #tpu.memory_space<hbm>> -> memref<128x64xf32, #tpu.memory_space<hbm>>
    tpu.enqueue_dma source(%arg8 : memref<128x64xf32, #tpu.memory_space<vmem>>) target(%dma_start3A_74 : memref<128x64xf32, #tpu.memory_space<hbm>>) target_semaphore(%arg12 : memref<!tpu.dma_semaphore, #tpu.memory_space<semaphore_mem>>)
    %dma_start3A_75 = arith.constant 512 : i32
    %dma_start3A_76 = tpu.memref_slice %arg5[%dma_start3A_75] : memref<4096xi32, #tpu.memory_space<vmem>> -> memref<128xi32, #tpu.memory_space<vmem>>
    %dma_start3A_77 = arith.constant 0 : i32
    %dma_start3A_78 = arith.constant 0 : i32
    %dma_start3A_79 = tpu.memref_slice %arg2[%dma_start3A_77, %dma_start3A_78] : memref<8192x128xf32, #tpu.memory_space<hbm>> -> memref<8192x128xf32, #tpu.memory_space<hbm>>
    tpu.enqueue_indirect_dma source(%dma_start3A_79 : memref<8192x128xf32, #tpu.memory_space<hbm>>) target(%arg6 : memref<128x128xf32, #tpu.memory_space<vmem>>) offsets(%dma_start3A_76 : memref<128xi32, #tpu.memory_space<vmem>>) semaphore(%arg10 : memref<!tpu.dma_semaphore, #tpu.memory_space<semaphore_mem>>)
    %dma_wait3A_80 = arith.constant 384 : i32
    %dma_wait3A_81 = tpu.memref_slice %arg5[%dma_wait3A_80] : memref<4096xi32, #tpu.memory_space<vmem>> -> memref<128xi32, #tpu.memory_space<vmem>>
    %dma_wait3A_82 = arith.constant 0 : i32
    %dma_wait3A_83 = arith.constant 0 : i32
    %dma_wait3A_84 = tpu.memref_slice %arg2[%dma_wait3A_82, %dma_wait3A_83] : memref<8192x128xf32, #tpu.memory_space<hbm>> -> memref<8192x128xf32, #tpu.memory_space<hbm>>
    tpu.wait_indirect_dma semaphore(%arg11 : memref<!tpu.dma_semaphore, #tpu.memory_space<semaphore_mem>>) src(%dma_wait3A_84 : memref<8192x128xf32, #tpu.memory_space<hbm>>) dst(%arg7 : memref<128x128xf32, #tpu.memory_space<vmem>>)
    %dma_wait3A_85 = arith.constant 0 : i32
    %dma_wait3A_86 = tpu.memref_slice %arg4[%add3A_44, %dma_wait3A_85] : memref<131072x64xf32, #tpu.memory_space<hbm>> -> memref<128x64xf32, #tpu.memory_space<hbm>>
    %dma_wait3A_87 = arith.constant 0 : i32
    %dma_wait3A_88 = tpu.memref_slice %arg4[%add3A_44, %dma_wait3A_87] : memref<131072x64xf32, #tpu.memory_space<hbm>> -> memref<128x64xf32, #tpu.memory_space<hbm>>
    tpu.wait_dma2 semaphore(%arg13 : memref<!tpu.dma_semaphore, #tpu.memory_space<semaphore_mem>>) src(%arg9 : memref<128x64xf32, #tpu.memory_space<vmem>>) dst(%dma_wait3A_88 : memref<128x64xf32, #tpu.memory_space<hbm>>)
    %scan3A_89 = arith.constant 0 : i32
    %scan3A_90 = arith.constant 0 : i32
    %scan3A_91 = arith.constant 128 : i32
    %scan3A_92 = arith.addi %scan3A_90, %scan3A_91 : i32
    %scan3A_93 = arith.constant 1 : i32
    scf.for %scan3A_832 = %scan3A_90 to %scan3A_92 step %scan3A_93  : i32 {
      %get3A = arith.index_cast %scan3A_832 : i32 to index
      %get3A_833 = arith.constant 0 : index
      %get3A_834 = tpu.vector_load %arg7[%get3A, %get3A_833] {strides = array<i32>} : memref<128x128xf32, #tpu.memory_space<vmem>>, vector<1x16xf32>,
      %get3A_835 = vector.shape_cast %get3A_834 : vector<1x16xf32> to vector<16xf32>
      %swap3A = arith.index_cast %scan3A_832 : i32 to index
      %swap3A_836 = arith.constant 0 : index
      %swap3A_837 = tpu.vector_load %arg9[%swap3A, %swap3A_836] {strides = array<i32>} : memref<128x64xf32, #tpu.memory_space<vmem>>, vector<1x16xf32>,
      %swap3A_838 = vector.shape_cast %swap3A_837 : vector<1x16xf32> to vector<16xf32>
      %swap3A_839 = vector.shape_cast %get3A_835 : vector<16xf32> to vector<1x16xf32>
      tpu.vector_store %arg9[%swap3A, %swap3A_836], %swap3A_839 {strides = array<i32>} : memref<128x64xf32, #tpu.memory_space<vmem>>, vector<1x16xf32>,
      %get3A_840 = arith.index_cast %scan3A_832 : i32 to index
      %get3A_841 = arith.constant 16 : index
      %get3A_842 = tpu.vector_load %arg7[%get3A_840, %get3A_841] {strides = array<i32>} : memref<128x128xf32, #tpu.memory_space<vmem>>, vector<1x16xf32>,
      %get3A_843 = vector.shape_cast %get3A_842 : vector<1x16xf32> to vector<16xf32>
      %swap3A_844 = arith.index_cast %scan3A_832 : i32 to index
      %swap3A_845 = arith.constant 16 : index
      %swap3A_846 = tpu.vector_load %arg9[%swap3A_844, %swap3A_845] {strides = array<i32>} : memref<128x64xf32, #tpu.memory_space<vmem>>, vector<1x16xf32>,
      %swap3A_847 = vector.shape_cast %swap3A_846 : vector<1x16xf32> to vector<16xf32>
      %swap3A_848 = vector.shape_cast %get3A_843 : vector<16xf32> to vector<1x16xf32>
      tpu.vector_store %arg9[%swap3A_844, %swap3A_845], %swap3A_848 {strides = array<i32>} : memref<128x64xf32, #tpu.memory_space<vmem>>, vector<1x16xf32>,
      %get3A_849 = arith.index_cast %scan3A_832 : i32 to index
      %get3A_850 = arith.constant 32 : index
      %get3A_851 = tpu.vector_load %arg7[%get3A_849, %get3A_850] {strides = array<i32>} : memref<128x128xf32, #tpu.memory_space<vmem>>, vector<1x16xf32>,
      %get3A_852 = vector.shape_cast %get3A_851 : vector<1x16xf32> to vector<16xf32>
      %swap3A_853 = arith.index_cast %scan3A_832 : i32 to index
      %swap3A_854 = arith.constant 32 : index
      %swap3A_855 = tpu.vector_load %arg9[%swap3A_853, %swap3A_854] {strides = array<i32>} : memref<128x64xf32, #tpu.memory_space<vmem>>, vector<1x16xf32>,
      %swap3A_856 = vector.shape_cast %swap3A_855 : vector<1x16xf32> to vector<16xf32>
      %swap3A_857 = vector.shape_cast %get3A_852 : vector<16xf32> to vector<1x16xf32>
      tpu.vector_store %arg9[%swap3A_853, %swap3A_854], %swap3A_857 {strides = array<i32>} : memref<128x64xf32, #tpu.memory_space<vmem>>, vector<1x16xf32>,
      %get3A_858 = arith.index_cast %scan3A_832 : i32 to index
      %get3A_859 = arith.constant 48 : index
      %get3A_860 = tpu.vector_load %arg7[%get3A_858, %get3A_859] {strides = array<i32>} : memref<128x128xf32, #tpu.memory_space<vmem>>, vector<1x16xf32>,
      %get3A_861 = vector.shape_cast %get3A_860 : vector<1x16xf32> to vector<16xf32>
      %swap3A_862 = arith.index_cast %scan3A_832 : i32 to index
      %swap3A_863 = arith.constant 48 : index
      %swap3A_864 = tpu.vector_load %arg9[%swap3A_862, %swap3A_863] {strides = array<i32>} : memref<128x64xf32, #tpu.memory_space<vmem>>, vector<1x16xf32>,
      %swap3A_865 = vector.shape_cast %swap3A_864 : vector<1x16xf32> to vector<16xf32>
      %swap3A_866 = vector.shape_cast %get3A_861 : vector<16xf32> to vector<1x16xf32>
      tpu.vector_store %arg9[%swap3A_862, %swap3A_863], %swap3A_866 {strides = array<i32>} : memref<128x64xf32, #tpu.memory_space<vmem>>, vector<1x16xf32>,
    }
    %scan3A_94 = arith.constant 128 : i32
    %add3A_95 = arith.constant 384 : i32
    %add3A_96 = arith.addi %mul3A_2, %add3A_95 : i32
    %dma_start3A_97 = arith.constant 0 : i32
    %dma_start3A_98 = tpu.memref_slice %arg4[%add3A_96, %dma_start3A_97] : memref<131072x64xf32, #tpu.memory_space<hbm>> -> memref<128x64xf32, #tpu.memory_space<hbm>>
    %dma_start3A_99 = arith.constant 0 : i32
    %dma_start3A_100 = tpu.memref_slice %arg4[%add3A_96, %dma_start3A_99] : memref<131072x64xf32, #tpu.memory_space<hbm>> -> memref<128x64xf32, #tpu.memory_space<hbm>>
    tpu.enqueue_dma source(%arg9 : memref<128x64xf32, #tpu.memory_space<vmem>>) target(%dma_start3A_100 : memref<128x64xf32, #tpu.memory_space<hbm>>) target_semaphore(%arg13 : memref<!tpu.dma_semaphore, #tpu.memory_space<semaphore_mem>>)
    %dma_start3A_101 = arith.constant 640 : i32
    %dma_start3A_102 = tpu.memref_slice %arg5[%dma_start3A_101] : memref<4096xi32, #tpu.memory_space<vmem>> -> memref<128xi32, #tpu.memory_space<vmem>>
    %dma_start3A_103 = arith.constant 0 : i32
    %dma_start3A_104 = arith.constant 0 : i32
    %dma_start3A_105 = tpu.memref_slice %arg2[%dma_start3A_103, %dma_start3A_104] : memref<8192x128xf32, #tpu.memory_space<hbm>> -> memref<8192x128xf32, #tpu.memory_space<hbm>>
    tpu.enqueue_indirect_dma source(%dma_start3A_105 : memref<8192x128xf32, #tpu.memory_space<hbm>>) target(%arg7 : memref<128x128xf32, #tpu.memory_space<vmem>>) offsets(%dma_start3A_102 : memref<128xi32, #tpu.memory_space<vmem>>) semaphore(%arg11 : memref<!tpu.dma_semaphore, #tpu.memory_space<semaphore_mem>>)
    %dma_wait3A_106 = arith.constant 512 : i32
    %dma_wait3A_107 = tpu.memref_slice %arg5[%dma_wait3A_106] : memref<4096xi32, #tpu.memory_space<vmem>> -> memref<128xi32, #tpu.memory_space<vmem>>
    %dma_wait3A_108 = arith.constant 0 : i32
    %dma_wait3A_109 = arith.constant 0 : i32
    %dma_wait3A_110 = tpu.memref_slice %arg2[%dma_wait3A_108, %dma_wait3A_109] : memref<8192x128xf32, #tpu.memory_space<hbm>> -> memref<8192x128xf32, #tpu.memory_space<hbm>>
    tpu.wait_indirect_dma semaphore(%arg10 : memref<!tpu.dma_semaphore, #tpu.memory_space<semaphore_mem>>) src(%dma_wait3A_110 : memref<8192x128xf32, #tpu.memory_space<hbm>>) dst(%arg6 : memref<128x128xf32, #tpu.memory_space<vmem>>)
    %dma_wait3A_111 = arith.constant 0 : i32
    %dma_wait3A_112 = tpu.memref_slice %arg4[%add3A_70, %dma_wait3A_111] : memref<131072x64xf32, #tpu.memory_space<hbm>> -> memref<128x64xf32, #tpu.memory_space<hbm>>
    %dma_wait3A_113 = arith.constant 0 : i32
    %dma_wait3A_114 = tpu.memref_slice %arg4[%add3A_70, %dma_wait3A_113] : memref<131072x64xf32, #tpu.memory_space<hbm>> -> memref<128x64xf32, #tpu.memory_space<hbm>>
    tpu.wait_dma2 semaphore(%arg12 : memref<!tpu.dma_semaphore, #tpu.memory_space<semaphore_mem>>) src(%arg8 : memref<128x64xf32, #tpu.memory_space<vmem>>) dst(%dma_wait3A_114 : memref<128x64xf32, #tpu.memory_space<hbm>>)
    %scan3A_115 = arith.constant 0 : i32
    %scan3A_116 = arith.constant 0 : i32
    %scan3A_117 = arith.constant 128 : i32
    %scan3A_118 = arith.addi %scan3A_116, %scan3A_117 : i32
    %scan3A_119 = arith.constant 1 : i32
    scf.for %scan3A_832 = %scan3A_116 to %scan3A_118 step %scan3A_119  : i32 {
      %get3A = arith.index_cast %scan3A_832 : i32 to index
      %get3A_833 = arith.constant 0 : index
      %get3A_834 = tpu.vector_load %arg6[%get3A, %get3A_833] {strides = array<i32>} : memref<128x128xf32, #tpu.memory_space<vmem>>, vector<1x16xf32>,
      %get3A_835 = vector.shape_cast %get3A_834 : vector<1x16xf32> to vector<16xf32>
      %swap3A = arith.index_cast %scan3A_832 : i32 to index
      %swap3A_836 = arith.constant 0 : index
      %swap3A_837 = tpu.vector_load %arg8[%swap3A, %swap3A_836] {strides = array<i32>} : memref<128x64xf32, #tpu.memory_space<vmem>>, vector<1x16xf32>,
      %swap3A_838 = vector.shape_cast %swap3A_837 : vector<1x16xf32> to vector<16xf32>
      %swap3A_839 = vector.shape_cast %get3A_835 : vector<16xf32> to vector<1x16xf32>
      tpu.vector_store %arg8[%swap3A, %swap3A_836], %swap3A_839 {strides = array<i32>} : memref<128x64xf32, #tpu.memory_space<vmem>>, vector<1x16xf32>,
      %get3A_840 = arith.index_cast %scan3A_832 : i32 to index
      %get3A_841 = arith.constant 16 : index
      %get3A_842 = tpu.vector_load %arg6[%get3A_840, %get3A_841] {strides = array<i32>} : memref<128x128xf32, #tpu.memory_space<vmem>>, vector<1x16xf32>,
      %get3A_843 = vector.shape_cast %get3A_842 : vector<1x16xf32> to vector<16xf32>
      %swap3A_844 = arith.index_cast %scan3A_832 : i32 to index
      %swap3A_845 = arith.constant 16 : index
      %swap3A_846 = tpu.vector_load %arg8[%swap3A_844, %swap3A_845] {strides = array<i32>} : memref<128x64xf32, #tpu.memory_space<vmem>>, vector<1x16xf32>,
      %swap3A_847 = vector.shape_cast %swap3A_846 : vector<1x16xf32> to vector<16xf32>
      %swap3A_848 = vector.shape_cast %get3A_843 : vector<16xf32> to vector<1x16xf32>
      tpu.vector_store %arg8[%swap3A_844, %swap3A_845], %swap3A_848 {strides = array<i32>} : memref<128x64xf32, #tpu.memory_space<vmem>>, vector<1x16xf32>,
      %get3A_849 = arith.index_cast %scan3A_832 : i32 to index
      %get3A_850 = arith.constant 32 : index
      %get3A_851 = tpu.vector_load %arg6[%get3A_849, %get3A_850] {strides = array<i32>} : memref<128x128xf32, #tpu.memory_space<vmem>>, vector<1x16xf32>,
      %get3A_852 = vector.shape_cast %get3A_851 : vector<1x16xf32> to vector<16xf32>
      %swap3A_853 = arith.index_cast %scan3A_832 : i32 to index
      %swap3A_854 = arith.constant 32 : index
      %swap3A_855 = tpu.vector_load %arg8[%swap3A_853, %swap3A_854] {strides = array<i32>} : memref<128x64xf32, #tpu.memory_space<vmem>>, vector<1x16xf32>,
      %swap3A_856 = vector.shape_cast %swap3A_855 : vector<1x16xf32> to vector<16xf32>
      %swap3A_857 = vector.shape_cast %get3A_852 : vector<16xf32> to vector<1x16xf32>
      tpu.vector_store %arg8[%swap3A_853, %swap3A_854], %swap3A_857 {strides = array<i32>} : memref<128x64xf32, #tpu.memory_space<vmem>>, vector<1x16xf32>,
      %get3A_858 = arith.index_cast %scan3A_832 : i32 to index
      %get3A_859 = arith.constant 48 : index
      %get3A_860 = tpu.vector_load %arg6[%get3A_858, %get3A_859] {strides = array<i32>} : memref<128x128xf32, #tpu.memory_space<vmem>>, vector<1x16xf32>,
      %get3A_861 = vector.shape_cast %get3A_860 : vector<1x16xf32> to vector<16xf32>
      %swap3A_862 = arith.index_cast %scan3A_832 : i32 to index
      %swap3A_863 = arith.constant 48 : index
      %swap3A_864 = tpu.vector_load %arg8[%swap3A_862, %swap3A_863] {strides = array<i32>} : memref<128x64xf32, #tpu.memory_space<vmem>>, vector<1x16xf32>,
      %swap3A_865 = vector.shape_cast %swap3A_864 : vector<1x16xf32> to vector<16xf32>
      %swap3A_866 = vector.shape_cast %get3A_861 : vector<16xf32> to vector<1x16xf32>
      tpu.vector_store %arg8[%swap3A_862, %swap3A_863], %swap3A_866 {strides = array<i32>} : memref<128x64xf32, #tpu.memory_space<vmem>>, vector<1x16xf32>,
    }
    %scan3A_120 = arith.constant 128 : i32
    %add3A_121 = arith.constant 512 : i32
    %add3A_122 = arith.addi %mul3A_2, %add3A_121 : i32
    %dma_start3A_123 = arith.constant 0 : i32
    %dma_start3A_124 = tpu.memref_slice %arg4[%add3A_122, %dma_start3A_123] : memref<131072x64xf32, #tpu.memory_space<hbm>> -> memref<128x64xf32, #tpu.memory_space<hbm>>
    %dma_start3A_125 = arith.constant 0 : i32
    %dma_start3A_126 = tpu.memref_slice %arg4[%add3A_122, %dma_start3A_125] : memref<131072x64xf32, #tpu.memory_space<hbm>> -> memref<128x64xf32, #tpu.memory_space<hbm>>
    tpu.enqueue_dma source(%arg8 : memref<128x64xf32, #tpu.memory_space<vmem>>) target(%dma_start3A_126 : memref<128x64xf32, #tpu.memory_space<hbm>>) target_semaphore(%arg12 : memref<!tpu.dma_semaphore, #tpu.memory_space<semaphore_mem>>)
    %dma_start3A_127 = arith.constant 768 : i32
    %dma_start3A_128 = tpu.memref_slice %arg5[%dma_start3A_127] : memref<4096xi32, #tpu.memory_space<vmem>> -> memref<128xi32, #tpu.memory_space<vmem>>
    %dma_start3A_129 = arith.constant 0 : i32
    %dma_start3A_130 = arith.constant 0 : i32
    %dma_start3A_131 = tpu.memref_slice %arg2[%dma_start3A_129, %dma_start3A_130] : memref<8192x128xf32, #tpu.memory_space<hbm>> -> memref<8192x128xf32, #tpu.memory_space<hbm>>
    tpu.enqueue_indirect_dma source(%dma_start3A_131 : memref<8192x128xf32, #tpu.memory_space<hbm>>) target(%arg6 : memref<128x128xf32, #tpu.memory_space<vmem>>) offsets(%dma_start3A_128 : memref<128xi32, #tpu.memory_space<vmem>>) semaphore(%arg10 : memref<!tpu.dma_semaphore, #tpu.memory_space<semaphore_mem>>)
    %dma_wait3A_132 = arith.constant 640 : i32
    %dma_wait3A_133 = tpu.memref_slice %arg5[%dma_wait3A_132] : memref<4096xi32, #tpu.memory_space<vmem>> -> memref<128xi32, #tpu.memory_space<vmem>>
    %dma_wait3A_134 = arith.constant 0 : i32
    %dma_wait3A_135 = arith.constant 0 : i32
    %dma_wait3A_136 = tpu.memref_slice %arg2[%dma_wait3A_134, %dma_wait3A_135] : memref<8192x128xf32, #tpu.memory_space<hbm>> -> memref<8192x128xf32, #tpu.memory_space<hbm>>
    tpu.wait_indirect_dma semaphore(%arg11 : memref<!tpu.dma_semaphore, #tpu.memory_space<semaphore_mem>>) src(%dma_wait3A_136 : memref<8192x128xf32, #tpu.memory_space<hbm>>) dst(%arg7 : memref<128x128xf32, #tpu.memory_space<vmem>>)
    %dma_wait3A_137 = arith.constant 0 : i32
    %dma_wait3A_138 = tpu.memref_slice %arg4[%add3A_96, %dma_wait3A_137] : memref<131072x64xf32, #tpu.memory_space<hbm>> -> memref<128x64xf32, #tpu.memory_space<hbm>>
    %dma_wait3A_139 = arith.constant 0 : i32
    %dma_wait3A_140 = tpu.memref_slice %arg4[%add3A_96, %dma_wait3A_139] : memref<131072x64xf32, #tpu.memory_space<hbm>> -> memref<128x64xf32, #tpu.memory_space<hbm>>
    tpu.wait_dma2 semaphore(%arg13 : memref<!tpu.dma_semaphore, #tpu.memory_space<semaphore_mem>>) src(%arg9 : memref<128x64xf32, #tpu.memory_space<vmem>>) dst(%dma_wait3A_140 : memref<128x64xf32, #tpu.memory_space<hbm>>)
    %scan3A_141 = arith.constant 0 : i32
    %scan3A_142 = arith.constant 0 : i32
    %scan3A_143 = arith.constant 128 : i32
    %scan3A_144 = arith.addi %scan3A_142, %scan3A_143 : i32
    %scan3A_145 = arith.constant 1 : i32
    scf.for %scan3A_832 = %scan3A_142 to %scan3A_144 step %scan3A_145  : i32 {
      %get3A = arith.index_cast %scan3A_832 : i32 to index
      %get3A_833 = arith.constant 0 : index
      %get3A_834 = tpu.vector_load %arg7[%get3A, %get3A_833] {strides = array<i32>} : memref<128x128xf32, #tpu.memory_space<vmem>>, vector<1x16xf32>,
      %get3A_835 = vector.shape_cast %get3A_834 : vector<1x16xf32> to vector<16xf32>
      %swap3A = arith.index_cast %scan3A_832 : i32 to index
      %swap3A_836 = arith.constant 0 : index
      %swap3A_837 = tpu.vector_load %arg9[%swap3A, %swap3A_836] {strides = array<i32>} : memref<128x64xf32, #tpu.memory_space<vmem>>, vector<1x16xf32>,
      %swap3A_838 = vector.shape_cast %swap3A_837 : vector<1x16xf32> to vector<16xf32>
      %swap3A_839 = vector.shape_cast %get3A_835 : vector<16xf32> to vector<1x16xf32>
      tpu.vector_store %arg9[%swap3A, %swap3A_836], %swap3A_839 {strides = array<i32>} : memref<128x64xf32, #tpu.memory_space<vmem>>, vector<1x16xf32>,
      %get3A_840 = arith.index_cast %scan3A_832 : i32 to index
      %get3A_841 = arith.constant 16 : index
      %get3A_842 = tpu.vector_load %arg7[%get3A_840, %get3A_841] {strides = array<i32>} : memref<128x128xf32, #tpu.memory_space<vmem>>, vector<1x16xf32>,
      %get3A_843 = vector.shape_cast %get3A_842 : vector<1x16xf32> to vector<16xf32>
      %swap3A_844 = arith.index_cast %scan3A_832 : i32 to index
      %swap3A_845 = arith.constant 16 : index
      %swap3A_846 = tpu.vector_load %arg9[%swap3A_844, %swap3A_845] {strides = array<i32>} : memref<128x64xf32, #tpu.memory_space<vmem>>, vector<1x16xf32>,
      %swap3A_847 = vector.shape_cast %swap3A_846 : vector<1x16xf32> to vector<16xf32>
      %swap3A_848 = vector.shape_cast %get3A_843 : vector<16xf32> to vector<1x16xf32>
      tpu.vector_store %arg9[%swap3A_844, %swap3A_845], %swap3A_848 {strides = array<i32>} : memref<128x64xf32, #tpu.memory_space<vmem>>, vector<1x16xf32>,
      %get3A_849 = arith.index_cast %scan3A_832 : i32 to index
      %get3A_850 = arith.constant 32 : index
      %get3A_851 = tpu.vector_load %arg7[%get3A_849, %get3A_850] {strides = array<i32>} : memref<128x128xf32, #tpu.memory_space<vmem>>, vector<1x16xf32>,
      %get3A_852 = vector.shape_cast %get3A_851 : vector<1x16xf32> to vector<16xf32>
      %swap3A_853 = arith.index_cast %scan3A_832 : i32 to index
      %swap3A_854 = arith.constant 32 : index
      %swap3A_855 = tpu.vector_load %arg9[%swap3A_853, %swap3A_854] {strides = array<i32>} : memref<128x64xf32, #tpu.memory_space<vmem>>, vector<1x16xf32>,
      %swap3A_856 = vector.shape_cast %swap3A_855 : vector<1x16xf32> to vector<16xf32>
      %swap3A_857 = vector.shape_cast %get3A_852 : vector<16xf32> to vector<1x16xf32>
      tpu.vector_store %arg9[%swap3A_853, %swap3A_854], %swap3A_857 {strides = array<i32>} : memref<128x64xf32, #tpu.memory_space<vmem>>, vector<1x16xf32>,
      %get3A_858 = arith.index_cast %scan3A_832 : i32 to index
      %get3A_859 = arith.constant 48 : index
      %get3A_860 = tpu.vector_load %arg7[%get3A_858, %get3A_859] {strides = array<i32>} : memref<128x128xf32, #tpu.memory_space<vmem>>, vector<1x16xf32>,
      %get3A_861 = vector.shape_cast %get3A_860 : vector<1x16xf32> to vector<16xf32>
      %swap3A_862 = arith.index_cast %scan3A_832 : i32 to index
      %swap3A_863 = arith.constant 48 : index
      %swap3A_864 = tpu.vector_load %arg9[%swap3A_862, %swap3A_863] {strides = array<i32>} : memref<128x64xf32, #tpu.memory_space<vmem>>, vector<1x16xf32>,
      %swap3A_865 = vector.shape_cast %swap3A_864 : vector<1x16xf32> to vector<16xf32>
      %swap3A_866 = vector.shape_cast %get3A_861 : vector<16xf32> to vector<1x16xf32>
      tpu.vector_store %arg9[%swap3A_862, %swap3A_863], %swap3A_866 {strides = array<i32>} : memref<128x64xf32, #tpu.memory_space<vmem>>, vector<1x16xf32>,
    }
    %scan3A_146 = arith.constant 128 : i32
    %add3A_147 = arith.constant 640 : i32
    %add3A_148 = arith.addi %mul3A_2, %add3A_147 : i32
    %dma_start3A_149 = arith.constant 0 : i32
    %dma_start3A_150 = tpu.memref_slice %arg4[%add3A_148, %dma_start3A_149] : memref<131072x64xf32, #tpu.memory_space<hbm>> -> memref<128x64xf32, #tpu.memory_space<hbm>>
    %dma_start3A_151 = arith.constant 0 : i32
    %dma_start3A_152 = tpu.memref_slice %arg4[%add3A_148, %dma_start3A_151] : memref<131072x64xf32, #tpu.memory_space<hbm>> -> memref<128x64xf32, #tpu.memory_space<hbm>>
    tpu.enqueue_dma source(%arg9 : memref<128x64xf32, #tpu.memory_space<vmem>>) target(%dma_start3A_152 : memref<128x64xf32, #tpu.memory_space<hbm>>) target_semaphore(%arg13 : memref<!tpu.dma_semaphore, #tpu.memory_space<semaphore_mem>>)
    %dma_start3A_153 = arith.constant 896 : i32
    %dma_start3A_154 = tpu.memref_slice %arg5[%dma_start3A_153] : memref<4096xi32, #tpu.memory_space<vmem>> -> memref<128xi32, #tpu.memory_space<vmem>>
    %dma_start3A_155 = arith.constant 0 : i32
    %dma_start3A_156 = arith.constant 0 : i32
    %dma_start3A_157 = tpu.memref_slice %arg2[%dma_start3A_155, %dma_start3A_156] : memref<8192x128xf32, #tpu.memory_space<hbm>> -> memref<8192x128xf32, #tpu.memory_space<hbm>>
    tpu.enqueue_indirect_dma source(%dma_start3A_157 : memref<8192x128xf32, #tpu.memory_space<hbm>>) target(%arg7 : memref<128x128xf32, #tpu.memory_space<vmem>>) offsets(%dma_start3A_154 : memref<128xi32, #tpu.memory_space<vmem>>) semaphore(%arg11 : memref<!tpu.dma_semaphore, #tpu.memory_space<semaphore_mem>>)
    %dma_wait3A_158 = arith.constant 768 : i32
    %dma_wait3A_159 = tpu.memref_slice %arg5[%dma_wait3A_158] : memref<4096xi32, #tpu.memory_space<vmem>> -> memref<128xi32, #tpu.memory_space<vmem>>
    %dma_wait3A_160 = arith.constant 0 : i32
    %dma_wait3A_161 = arith.constant 0 : i32
    %dma_wait3A_162 = tpu.memref_slice %arg2[%dma_wait3A_160, %dma_wait3A_161] : memref<8192x128xf32, #tpu.memory_space<hbm>> -> memref<8192x128xf32, #tpu.memory_space<hbm>>
    tpu.wait_indirect_dma semaphore(%arg10 : memref<!tpu.dma_semaphore, #tpu.memory_space<semaphore_mem>>) src(%dma_wait3A_162 : memref<8192x128xf32, #tpu.memory_space<hbm>>) dst(%arg6 : memref<128x128xf32, #tpu.memory_space<vmem>>)
    %dma_wait3A_163 = arith.constant 0 : i32
    %dma_wait3A_164 = tpu.memref_slice %arg4[%add3A_122, %dma_wait3A_163] : memref<131072x64xf32, #tpu.memory_space<hbm>> -> memref<128x64xf32, #tpu.memory_space<hbm>>
    %dma_wait3A_165 = arith.constant 0 : i32
    %dma_wait3A_166 = tpu.memref_slice %arg4[%add3A_122, %dma_wait3A_165] : memref<131072x64xf32, #tpu.memory_space<hbm>> -> memref<128x64xf32, #tpu.memory_space<hbm>>
    tpu.wait_dma2 semaphore(%arg12 : memref<!tpu.dma_semaphore, #tpu.memory_space<semaphore_mem>>) src(%arg8 : memref<128x64xf32, #tpu.memory_space<vmem>>) dst(%dma_wait3A_166 : memref<128x64xf32, #tpu.memory_space<hbm>>)
    %scan3A_167 = arith.constant 0 : i32
    %scan3A_168 = arith.constant 0 : i32
    %scan3A_169 = arith.constant 128 : i32
    %scan3A_170 = arith.addi %scan3A_168, %scan3A_169 : i32
    %scan3A_171 = arith.constant 1 : i32
    scf.for %scan3A_832 = %scan3A_168 to %scan3A_170 step %scan3A_171  : i32 {
      %get3A = arith.index_cast %scan3A_832 : i32 to index
      %get3A_833 = arith.constant 0 : index
      %get3A_834 = tpu.vector_load %arg6[%get3A, %get3A_833] {strides = array<i32>} : memref<128x128xf32, #tpu.memory_space<vmem>>, vector<1x16xf32>,
      %get3A_835 = vector.shape_cast %get3A_834 : vector<1x16xf32> to vector<16xf32>
      %swap3A = arith.index_cast %scan3A_832 : i32 to index
      %swap3A_836 = arith.constant 0 : index
      %swap3A_837 = tpu.vector_load %arg8[%swap3A, %swap3A_836] {strides = array<i32>} : memref<128x64xf32, #tpu.memory_space<vmem>>, vector<1x16xf32>,
      %swap3A_838 = vector.shape_cast %swap3A_837 : vector<1x16xf32> to vector<16xf32>
      %swap3A_839 = vector.shape_cast %get3A_835 : vector<16xf32> to vector<1x16xf32>
      tpu.vector_store %arg8[%swap3A, %swap3A_836], %swap3A_839 {strides = array<i32>} : memref<128x64xf32, #tpu.memory_space<vmem>>, vector<1x16xf32>,
      %get3A_840 = arith.index_cast %scan3A_832 : i32 to index
      %get3A_841 = arith.constant 16 : index
      %get3A_842 = tpu.vector_load %arg6[%get3A_840, %get3A_841] {strides = array<i32>} : memref<128x128xf32, #tpu.memory_space<vmem>>, vector<1x16xf32>,
      %get3A_843 = vector.shape_cast %get3A_842 : vector<1x16xf32> to vector<16xf32>
      %swap3A_844 = arith.index_cast %scan3A_832 : i32 to index
      %swap3A_845 = arith.constant 16 : index
      %swap3A_846 = tpu.vector_load %arg8[%swap3A_844, %swap3A_845] {strides = array<i32>} : memref<128x64xf32, #tpu.memory_space<vmem>>, vector<1x16xf32>,
      %swap3A_847 = vector.shape_cast %swap3A_846 : vector<1x16xf32> to vector<16xf32>
      %swap3A_848 = vector.shape_cast %get3A_843 : vector<16xf32> to vector<1x16xf32>
      tpu.vector_store %arg8[%swap3A_844, %swap3A_845], %swap3A_848 {strides = array<i32>} : memref<128x64xf32, #tpu.memory_space<vmem>>, vector<1x16xf32>,
      %get3A_849 = arith.index_cast %scan3A_832 : i32 to index
      %get3A_850 = arith.constant 32 : index
      %get3A_851 = tpu.vector_load %arg6[%get3A_849, %get3A_850] {strides = array<i32>} : memref<128x128xf32, #tpu.memory_space<vmem>>, vector<1x16xf32>,
      %get3A_852 = vector.shape_cast %get3A_851 : vector<1x16xf32> to vector<16xf32>
      %swap3A_853 = arith.index_cast %scan3A_832 : i32 to index
      %swap3A_854 = arith.constant 32 : index
      %swap3A_855 = tpu.vector_load %arg8[%swap3A_853, %swap3A_854] {strides = array<i32>} : memref<128x64xf32, #tpu.memory_space<vmem>>, vector<1x16xf32>,
      %swap3A_856 = vector.shape_cast %swap3A_855 : vector<1x16xf32> to vector<16xf32>
      %swap3A_857 = vector.shape_cast %get3A_852 : vector<16xf32> to vector<1x16xf32>
      tpu.vector_store %arg8[%swap3A_853, %swap3A_854], %swap3A_857 {strides = array<i32>} : memref<128x64xf32, #tpu.memory_space<vmem>>, vector<1x16xf32>,
      %get3A_858 = arith.index_cast %scan3A_832 : i32 to index
      %get3A_859 = arith.constant 48 : index
      %get3A_860 = tpu.vector_load %arg6[%get3A_858, %get3A_859] {strides = array<i32>} : memref<128x128xf32, #tpu.memory_space<vmem>>, vector<1x16xf32>,
      %get3A_861 = vector.shape_cast %get3A_860 : vector<1x16xf32> to vector<16xf32>
      %swap3A_862 = arith.index_cast %scan3A_832 : i32 to index
      %swap3A_863 = arith.constant 48 : index
      %swap3A_864 = tpu.vector_load %arg8[%swap3A_862, %swap3A_863] {strides = array<i32>} : memref<128x64xf32, #tpu.memory_space<vmem>>, vector<1x16xf32>,
      %swap3A_865 = vector.shape_cast %swap3A_864 : vector<1x16xf32> to vector<16xf32>
      %swap3A_866 = vector.shape_cast %get3A_861 : vector<16xf32> to vector<1x16xf32>
      tpu.vector_store %arg8[%swap3A_862, %swap3A_863], %swap3A_866 {strides = array<i32>} : memref<128x64xf32, #tpu.memory_space<vmem>>, vector<1x16xf32>,
    }
    %scan3A_172 = arith.constant 128 : i32
    %add3A_173 = arith.constant 768 : i32
    %add3A_174 = arith.addi %mul3A_2, %add3A_173 : i32
    %dma_start3A_175 = arith.constant 0 : i32
    %dma_start3A_176 = tpu.memref_slice %arg4[%add3A_174, %dma_start3A_175] : memref<131072x64xf32, #tpu.memory_space<hbm>> -> memref<128x64xf32, #tpu.memory_space<hbm>>
    %dma_start3A_177 = arith.constant 0 : i32
    %dma_start3A_178 = tpu.memref_slice %arg4[%add3A_174, %dma_start3A_177] : memref<131072x64xf32, #tpu.memory_space<hbm>> -> memref<128x64xf32, #tpu.memory_space<hbm>>
    tpu.enqueue_dma source(%arg8 : memref<128x64xf32, #tpu.memory_space<vmem>>) target(%dma_start3A_178 : memref<128x64xf32, #tpu.memory_space<hbm>>) target_semaphore(%arg12 : memref<!tpu.dma_semaphore, #tpu.memory_space<semaphore_mem>>)
    %dma_start3A_179 = arith.constant 1024 : i32
    %dma_start3A_180 = tpu.memref_slice %arg5[%dma_start3A_179] : memref<4096xi32, #tpu.memory_space<vmem>> -> memref<128xi32, #tpu.memory_space<vmem>>
    %dma_start3A_181 = arith.constant 0 : i32
    %dma_start3A_182 = arith.constant 0 : i32
    %dma_start3A_183 = tpu.memref_slice %arg2[%dma_start3A_181, %dma_start3A_182] : memref<8192x128xf32, #tpu.memory_space<hbm>> -> memref<8192x128xf32, #tpu.memory_space<hbm>>
    tpu.enqueue_indirect_dma source(%dma_start3A_183 : memref<8192x128xf32, #tpu.memory_space<hbm>>) target(%arg6 : memref<128x128xf32, #tpu.memory_space<vmem>>) offsets(%dma_start3A_180 : memref<128xi32, #tpu.memory_space<vmem>>) semaphore(%arg10 : memref<!tpu.dma_semaphore, #tpu.memory_space<semaphore_mem>>)
    %dma_wait3A_184 = arith.constant 896 : i32
    %dma_wait3A_185 = tpu.memref_slice %arg5[%dma_wait3A_184] : memref<4096xi32, #tpu.memory_space<vmem>> -> memref<128xi32, #tpu.memory_space<vmem>>
    %dma_wait3A_186 = arith.constant 0 : i32
    %dma_wait3A_187 = arith.constant 0 : i32
    %dma_wait3A_188 = tpu.memref_slice %arg2[%dma_wait3A_186, %dma_wait3A_187] : memref<8192x128xf32, #tpu.memory_space<hbm>> -> memref<8192x128xf32, #tpu.memory_space<hbm>>
    tpu.wait_indirect_dma semaphore(%arg11 : memref<!tpu.dma_semaphore, #tpu.memory_space<semaphore_mem>>) src(%dma_wait3A_188 : memref<8192x128xf32, #tpu.memory_space<hbm>>) dst(%arg7 : memref<128x128xf32, #tpu.memory_space<vmem>>)
    %dma_wait3A_189 = arith.constant 0 : i32
    %dma_wait3A_190 = tpu.memref_slice %arg4[%add3A_148, %dma_wait3A_189] : memref<131072x64xf32, #tpu.memory_space<hbm>> -> memref<128x64xf32, #tpu.memory_space<hbm>>
    %dma_wait3A_191 = arith.constant 0 : i32
    %dma_wait3A_192 = tpu.memref_slice %arg4[%add3A_148, %dma_wait3A_191] : memref<131072x64xf32, #tpu.memory_space<hbm>> -> memref<128x64xf32, #tpu.memory_space<hbm>>
    tpu.wait_dma2 semaphore(%arg13 : memref<!tpu.dma_semaphore, #tpu.memory_space<semaphore_mem>>) src(%arg9 : memref<128x64xf32, #tpu.memory_space<vmem>>) dst(%dma_wait3A_192 : memref<128x64xf32, #tpu.memory_space<hbm>>)
    %scan3A_193 = arith.constant 0 : i32
    %scan3A_194 = arith.constant 0 : i32
    %scan3A_195 = arith.constant 128 : i32
    %scan3A_196 = arith.addi %scan3A_194, %scan3A_195 : i32
    %scan3A_197 = arith.constant 1 : i32
    scf.for %scan3A_832 = %scan3A_194 to %scan3A_196 step %scan3A_197  : i32 {
      %get3A = arith.index_cast %scan3A_832 : i32 to index
      %get3A_833 = arith.constant 0 : index
      %get3A_834 = tpu.vector_load %arg7[%get3A, %get3A_833] {strides = array<i32>} : memref<128x128xf32, #tpu.memory_space<vmem>>, vector<1x16xf32>,
      %get3A_835 = vector.shape_cast %get3A_834 : vector<1x16xf32> to vector<16xf32>
      %swap3A = arith.index_cast %scan3A_832 : i32 to index
      %swap3A_836 = arith.constant 0 : index
      %swap3A_837 = tpu.vector_load %arg9[%swap3A, %swap3A_836] {strides = array<i32>} : memref<128x64xf32, #tpu.memory_space<vmem>>, vector<1x16xf32>,
      %swap3A_838 = vector.shape_cast %swap3A_837 : vector<1x16xf32> to vector<16xf32>
      %swap3A_839 = vector.shape_cast %get3A_835 : vector<16xf32> to vector<1x16xf32>
      tpu.vector_store %arg9[%swap3A, %swap3A_836], %swap3A_839 {strides = array<i32>} : memref<128x64xf32, #tpu.memory_space<vmem>>, vector<1x16xf32>,
      %get3A_840 = arith.index_cast %scan3A_832 : i32 to index
      %get3A_841 = arith.constant 16 : index
      %get3A_842 = tpu.vector_load %arg7[%get3A_840, %get3A_841] {strides = array<i32>} : memref<128x128xf32, #tpu.memory_space<vmem>>, vector<1x16xf32>,
      %get3A_843 = vector.shape_cast %get3A_842 : vector<1x16xf32> to vector<16xf32>
      %swap3A_844 = arith.index_cast %scan3A_832 : i32 to index
      %swap3A_845 = arith.constant 16 : index
      %swap3A_846 = tpu.vector_load %arg9[%swap3A_844, %swap3A_845] {strides = array<i32>} : memref<128x64xf32, #tpu.memory_space<vmem>>, vector<1x16xf32>,
      %swap3A_847 = vector.shape_cast %swap3A_846 : vector<1x16xf32> to vector<16xf32>
      %swap3A_848 = vector.shape_cast %get3A_843 : vector<16xf32> to vector<1x16xf32>
      tpu.vector_store %arg9[%swap3A_844, %swap3A_845], %swap3A_848 {strides = array<i32>} : memref<128x64xf32, #tpu.memory_space<vmem>>, vector<1x16xf32>,
      %get3A_849 = arith.index_cast %scan3A_832 : i32 to index
      %get3A_850 = arith.constant 32 : index
      %get3A_851 = tpu.vector_load %arg7[%get3A_849, %get3A_850] {strides = array<i32>} : memref<128x128xf32, #tpu.memory_space<vmem>>, vector<1x16xf32>,
      %get3A_852 = vector.shape_cast %get3A_851 : vector<1x16xf32> to vector<16xf32>
      %swap3A_853 = arith.index_cast %scan3A_832 : i32 to index
      %swap3A_854 = arith.constant 32 : index
      %swap3A_855 = tpu.vector_load %arg9[%swap3A_853, %swap3A_854] {strides = array<i32>} : memref<128x64xf32, #tpu.memory_space<vmem>>, vector<1x16xf32>,
      %swap3A_856 = vector.shape_cast %swap3A_855 : vector<1x16xf32> to vector<16xf32>
      %swap3A_857 = vector.shape_cast %get3A_852 : vector<16xf32> to vector<1x16xf32>
      tpu.vector_store %arg9[%swap3A_853, %swap3A_854], %swap3A_857 {strides = array<i32>} : memref<128x64xf32, #tpu.memory_space<vmem>>, vector<1x16xf32>,
      %get3A_858 = arith.index_cast %scan3A_832 : i32 to index
      %get3A_859 = arith.constant 48 : index
      %get3A_860 = tpu.vector_load %arg7[%get3A_858, %get3A_859] {strides = array<i32>} : memref<128x128xf32, #tpu.memory_space<vmem>>, vector<1x16xf32>,
      %get3A_861 = vector.shape_cast %get3A_860 : vector<1x16xf32> to vector<16xf32>
      %swap3A_862 = arith.index_cast %scan3A_832 : i32 to index
      %swap3A_863 = arith.constant 48 : index
      %swap3A_864 = tpu.vector_load %arg9[%swap3A_862, %swap3A_863] {strides = array<i32>} : memref<128x64xf32, #tpu.memory_space<vmem>>, vector<1x16xf32>,
      %swap3A_865 = vector.shape_cast %swap3A_864 : vector<1x16xf32> to vector<16xf32>
      %swap3A_866 = vector.shape_cast %get3A_861 : vector<16xf32> to vector<1x16xf32>
      tpu.vector_store %arg9[%swap3A_862, %swap3A_863], %swap3A_866 {strides = array<i32>} : memref<128x64xf32, #tpu.memory_space<vmem>>, vector<1x16xf32>,
    }
    %scan3A_198 = arith.constant 128 : i32
    %add3A_199 = arith.constant 896 : i32
    %add3A_200 = arith.addi %mul3A_2, %add3A_199 : i32
    %dma_start3A_201 = arith.constant 0 : i32
    %dma_start3A_202 = tpu.memref_slice %arg4[%add3A_200, %dma_start3A_201] : memref<131072x64xf32, #tpu.memory_space<hbm>> -> memref<128x64xf32, #tpu.memory_space<hbm>>
    %dma_start3A_203 = arith.constant 0 : i32
    %dma_start3A_204 = tpu.memref_slice %arg4[%add3A_200, %dma_start3A_203] : memref<131072x64xf32, #tpu.memory_space<hbm>> -> memref<128x64xf32, #tpu.memory_space<hbm>>
    tpu.enqueue_dma source(%arg9 : memref<128x64xf32, #tpu.memory_space<vmem>>) target(%dma_start3A_204 : memref<128x64xf32, #tpu.memory_space<hbm>>) target_semaphore(%arg13 : memref<!tpu.dma_semaphore, #tpu.memory_space<semaphore_mem>>)
    %dma_start3A_205 = arith.constant 1152 : i32
    %dma_start3A_206 = tpu.memref_slice %arg5[%dma_start3A_205] : memref<4096xi32, #tpu.memory_space<vmem>> -> memref<128xi32, #tpu.memory_space<vmem>>
    %dma_start3A_207 = arith.constant 0 : i32
    %dma_start3A_208 = arith.constant 0 : i32
    %dma_start3A_209 = tpu.memref_slice %arg2[%dma_start3A_207, %dma_start3A_208] : memref<8192x128xf32, #tpu.memory_space<hbm>> -> memref<8192x128xf32, #tpu.memory_space<hbm>>
    tpu.enqueue_indirect_dma source(%dma_start3A_209 : memref<8192x128xf32, #tpu.memory_space<hbm>>) target(%arg7 : memref<128x128xf32, #tpu.memory_space<vmem>>) offsets(%dma_start3A_206 : memref<128xi32, #tpu.memory_space<vmem>>) semaphore(%arg11 : memref<!tpu.dma_semaphore, #tpu.memory_space<semaphore_mem>>)
    %dma_wait3A_210 = arith.constant 1024 : i32
    %dma_wait3A_211 = tpu.memref_slice %arg5[%dma_wait3A_210] : memref<4096xi32, #tpu.memory_space<vmem>> -> memref<128xi32, #tpu.memory_space<vmem>>
    %dma_wait3A_212 = arith.constant 0 : i32
    %dma_wait3A_213 = arith.constant 0 : i32
    %dma_wait3A_214 = tpu.memref_slice %arg2[%dma_wait3A_212, %dma_wait3A_213] : memref<8192x128xf32, #tpu.memory_space<hbm>> -> memref<8192x128xf32, #tpu.memory_space<hbm>>
    tpu.wait_indirect_dma semaphore(%arg10 : memref<!tpu.dma_semaphore, #tpu.memory_space<semaphore_mem>>) src(%dma_wait3A_214 : memref<8192x128xf32, #tpu.memory_space<hbm>>) dst(%arg6 : memref<128x128xf32, #tpu.memory_space<vmem>>)
    %dma_wait3A_215 = arith.constant 0 : i32
    %dma_wait3A_216 = tpu.memref_slice %arg4[%add3A_174, %dma_wait3A_215] : memref<131072x64xf32, #tpu.memory_space<hbm>> -> memref<128x64xf32, #tpu.memory_space<hbm>>
    %dma_wait3A_217 = arith.constant 0 : i32
    %dma_wait3A_218 = tpu.memref_slice %arg4[%add3A_174, %dma_wait3A_217] : memref<131072x64xf32, #tpu.memory_space<hbm>> -> memref<128x64xf32, #tpu.memory_space<hbm>>
    tpu.wait_dma2 semaphore(%arg12 : memref<!tpu.dma_semaphore, #tpu.memory_space<semaphore_mem>>) src(%arg8 : memref<128x64xf32, #tpu.memory_space<vmem>>) dst(%dma_wait3A_218 : memref<128x64xf32, #tpu.memory_space<hbm>>)
    %scan3A_219 = arith.constant 0 : i32
    %scan3A_220 = arith.constant 0 : i32
    %scan3A_221 = arith.constant 128 : i32
    %scan3A_222 = arith.addi %scan3A_220, %scan3A_221 : i32
    %scan3A_223 = arith.constant 1 : i32
    scf.for %scan3A_832 = %scan3A_220 to %scan3A_222 step %scan3A_223  : i32 {
      %get3A = arith.index_cast %scan3A_832 : i32 to index
      %get3A_833 = arith.constant 0 : index
      %get3A_834 = tpu.vector_load %arg6[%get3A, %get3A_833] {strides = array<i32>} : memref<128x128xf32, #tpu.memory_space<vmem>>, vector<1x16xf32>,
      %get3A_835 = vector.shape_cast %get3A_834 : vector<1x16xf32> to vector<16xf32>
      %swap3A = arith.index_cast %scan3A_832 : i32 to index
      %swap3A_836 = arith.constant 0 : index
      %swap3A_837 = tpu.vector_load %arg8[%swap3A, %swap3A_836] {strides = array<i32>} : memref<128x64xf32, #tpu.memory_space<vmem>>, vector<1x16xf32>,
      %swap3A_838 = vector.shape_cast %swap3A_837 : vector<1x16xf32> to vector<16xf32>
      %swap3A_839 = vector.shape_cast %get3A_835 : vector<16xf32> to vector<1x16xf32>
      tpu.vector_store %arg8[%swap3A, %swap3A_836], %swap3A_839 {strides = array<i32>} : memref<128x64xf32, #tpu.memory_space<vmem>>, vector<1x16xf32>,
      %get3A_840 = arith.index_cast %scan3A_832 : i32 to index
      %get3A_841 = arith.constant 16 : index
      %get3A_842 = tpu.vector_load %arg6[%get3A_840, %get3A_841] {strides = array<i32>} : memref<128x128xf32, #tpu.memory_space<vmem>>, vector<1x16xf32>,
      %get3A_843 = vector.shape_cast %get3A_842 : vector<1x16xf32> to vector<16xf32>
      %swap3A_844 = arith.index_cast %scan3A_832 : i32 to index
      %swap3A_845 = arith.constant 16 : index
      %swap3A_846 = tpu.vector_load %arg8[%swap3A_844, %swap3A_845] {strides = array<i32>} : memref<128x64xf32, #tpu.memory_space<vmem>>, vector<1x16xf32>,
      %swap3A_847 = vector.shape_cast %swap3A_846 : vector<1x16xf32> to vector<16xf32>
      %swap3A_848 = vector.shape_cast %get3A_843 : vector<16xf32> to vector<1x16xf32>
      tpu.vector_store %arg8[%swap3A_844, %swap3A_845], %swap3A_848 {strides = array<i32>} : memref<128x64xf32, #tpu.memory_space<vmem>>, vector<1x16xf32>,
      %get3A_849 = arith.index_cast %scan3A_832 : i32 to index
      %get3A_850 = arith.constant 32 : index
      %get3A_851 = tpu.vector_load %arg6[%get3A_849, %get3A_850] {strides = array<i32>} : memref<128x128xf32, #tpu.memory_space<vmem>>, vector<1x16xf32>,
      %get3A_852 = vector.shape_cast %get3A_851 : vector<1x16xf32> to vector<16xf32>
      %swap3A_853 = arith.index_cast %scan3A_832 : i32 to index
      %swap3A_854 = arith.constant 32 : index
      %swap3A_855 = tpu.vector_load %arg8[%swap3A_853, %swap3A_854] {strides = array<i32>} : memref<128x64xf32, #tpu.memory_space<vmem>>, vector<1x16xf32>,
      %swap3A_856 = vector.shape_cast %swap3A_855 : vector<1x16xf32> to vector<16xf32>
      %swap3A_857 = vector.shape_cast %get3A_852 : vector<16xf32> to vector<1x16xf32>
      tpu.vector_store %arg8[%swap3A_853, %swap3A_854], %swap3A_857 {strides = array<i32>} : memref<128x64xf32, #tpu.memory_space<vmem>>, vector<1x16xf32>,
      %get3A_858 = arith.index_cast %scan3A_832 : i32 to index
      %get3A_859 = arith.constant 48 : index
      %get3A_860 = tpu.vector_load %arg6[%get3A_858, %get3A_859] {strides = array<i32>} : memref<128x128xf32, #tpu.memory_space<vmem>>, vector<1x16xf32>,
      %get3A_861 = vector.shape_cast %get3A_860 : vector<1x16xf32> to vector<16xf32>
      %swap3A_862 = arith.index_cast %scan3A_832 : i32 to index
      %swap3A_863 = arith.constant 48 : index
      %swap3A_864 = tpu.vector_load %arg8[%swap3A_862, %swap3A_863] {strides = array<i32>} : memref<128x64xf32, #tpu.memory_space<vmem>>, vector<1x16xf32>,
      %swap3A_865 = vector.shape_cast %swap3A_864 : vector<1x16xf32> to vector<16xf32>
      %swap3A_866 = vector.shape_cast %get3A_861 : vector<16xf32> to vector<1x16xf32>
      tpu.vector_store %arg8[%swap3A_862, %swap3A_863], %swap3A_866 {strides = array<i32>} : memref<128x64xf32, #tpu.memory_space<vmem>>, vector<1x16xf32>,
    }
    %scan3A_224 = arith.constant 128 : i32
    %add3A_225 = arith.constant 1024 : i32
    %add3A_226 = arith.addi %mul3A_2, %add3A_225 : i32
    %dma_start3A_227 = arith.constant 0 : i32
    %dma_start3A_228 = tpu.memref_slice %arg4[%add3A_226, %dma_start3A_227] : memref<131072x64xf32, #tpu.memory_space<hbm>> -> memref<128x64xf32, #tpu.memory_space<hbm>>
    %dma_start3A_229 = arith.constant 0 : i32
    %dma_start3A_230 = tpu.memref_slice %arg4[%add3A_226, %dma_start3A_229] : memref<131072x64xf32, #tpu.memory_space<hbm>> -> memref<128x64xf32, #tpu.memory_space<hbm>>
    tpu.enqueue_dma source(%arg8 : memref<128x64xf32, #tpu.memory_space<vmem>>) target(%dma_start3A_230 : memref<128x64xf32, #tpu.memory_space<hbm>>) target_semaphore(%arg12 : memref<!tpu.dma_semaphore, #tpu.memory_space<semaphore_mem>>)
    %dma_start3A_231 = arith.constant 1280 : i32
    %dma_start3A_232 = tpu.memref_slice %arg5[%dma_start3A_231] : memref<4096xi32, #tpu.memory_space<vmem>> -> memref<128xi32, #tpu.memory_space<vmem>>
    %dma_start3A_233 = arith.constant 0 : i32
    %dma_start3A_234 = arith.constant 0 : i32
    %dma_start3A_235 = tpu.memref_slice %arg2[%dma_start3A_233, %dma_start3A_234] : memref<8192x128xf32, #tpu.memory_space<hbm>> -> memref<8192x128xf32, #tpu.memory_space<hbm>>
    tpu.enqueue_indirect_dma source(%dma_start3A_235 : memref<8192x128xf32, #tpu.memory_space<hbm>>) target(%arg6 : memref<128x128xf32, #tpu.memory_space<vmem>>) offsets(%dma_start3A_232 : memref<128xi32, #tpu.memory_space<vmem>>) semaphore(%arg10 : memref<!tpu.dma_semaphore, #tpu.memory_space<semaphore_mem>>)
    %dma_wait3A_236 = arith.constant 1152 : i32
    %dma_wait3A_237 = tpu.memref_slice %arg5[%dma_wait3A_236] : memref<4096xi32, #tpu.memory_space<vmem>> -> memref<128xi32, #tpu.memory_space<vmem>>
    %dma_wait3A_238 = arith.constant 0 : i32
    %dma_wait3A_239 = arith.constant 0 : i32
    %dma_wait3A_240 = tpu.memref_slice %arg2[%dma_wait3A_238, %dma_wait3A_239] : memref<8192x128xf32, #tpu.memory_space<hbm>> -> memref<8192x128xf32, #tpu.memory_space<hbm>>
    tpu.wait_indirect_dma semaphore(%arg11 : memref<!tpu.dma_semaphore, #tpu.memory_space<semaphore_mem>>) src(%dma_wait3A_240 : memref<8192x128xf32, #tpu.memory_space<hbm>>) dst(%arg7 : memref<128x128xf32, #tpu.memory_space<vmem>>)
    %dma_wait3A_241 = arith.constant 0 : i32
    %dma_wait3A_242 = tpu.memref_slice %arg4[%add3A_200, %dma_wait3A_241] : memref<131072x64xf32, #tpu.memory_space<hbm>> -> memref<128x64xf32, #tpu.memory_space<hbm>>
    %dma_wait3A_243 = arith.constant 0 : i32
    %dma_wait3A_244 = tpu.memref_slice %arg4[%add3A_200, %dma_wait3A_243] : memref<131072x64xf32, #tpu.memory_space<hbm>> -> memref<128x64xf32, #tpu.memory_space<hbm>>
    tpu.wait_dma2 semaphore(%arg13 : memref<!tpu.dma_semaphore, #tpu.memory_space<semaphore_mem>>) src(%arg9 : memref<128x64xf32, #tpu.memory_space<vmem>>) dst(%dma_wait3A_244 : memref<128x64xf32, #tpu.memory_space<hbm>>)
    %scan3A_245 = arith.constant 0 : i32
    %scan3A_246 = arith.constant 0 : i32
    %scan3A_247 = arith.constant 128 : i32
    %scan3A_248 = arith.addi %scan3A_246, %scan3A_247 : i32
    %scan3A_249 = arith.constant 1 : i32
    scf.for %scan3A_832 = %scan3A_246 to %scan3A_248 step %scan3A_249  : i32 {
      %get3A = arith.index_cast %scan3A_832 : i32 to index
      %get3A_833 = arith.constant 0 : index
      %get3A_834 = tpu.vector_load %arg7[%get3A, %get3A_833] {strides = array<i32>} : memref<128x128xf32, #tpu.memory_space<vmem>>, vector<1x16xf32>,
      %get3A_835 = vector.shape_cast %get3A_834 : vector<1x16xf32> to vector<16xf32>
      %swap3A = arith.index_cast %scan3A_832 : i32 to index
      %swap3A_836 = arith.constant 0 : index
      %swap3A_837 = tpu.vector_load %arg9[%swap3A, %swap3A_836] {strides = array<i32>} : memref<128x64xf32, #tpu.memory_space<vmem>>, vector<1x16xf32>,
      %swap3A_838 = vector.shape_cast %swap3A_837 : vector<1x16xf32> to vector<16xf32>
      %swap3A_839 = vector.shape_cast %get3A_835 : vector<16xf32> to vector<1x16xf32>
      tpu.vector_store %arg9[%swap3A, %swap3A_836], %swap3A_839 {strides = array<i32>} : memref<128x64xf32, #tpu.memory_space<vmem>>, vector<1x16xf32>,
      %get3A_840 = arith.index_cast %scan3A_832 : i32 to index
      %get3A_841 = arith.constant 16 : index
      %get3A_842 = tpu.vector_load %arg7[%get3A_840, %get3A_841] {strides = array<i32>} : memref<128x128xf32, #tpu.memory_space<vmem>>, vector<1x16xf32>,
      %get3A_843 = vector.shape_cast %get3A_842 : vector<1x16xf32> to vector<16xf32>
      %swap3A_844 = arith.index_cast %scan3A_832 : i32 to index
      %swap3A_845 = arith.constant 16 : index
      %swap3A_846 = tpu.vector_load %arg9[%swap3A_844, %swap3A_845] {strides = array<i32>} : memref<128x64xf32, #tpu.memory_space<vmem>>, vector<1x16xf32>,
      %swap3A_847 = vector.shape_cast %swap3A_846 : vector<1x16xf32> to vector<16xf32>
      %swap3A_848 = vector.shape_cast %get3A_843 : vector<16xf32> to vector<1x16xf32>
      tpu.vector_store %arg9[%swap3A_844, %swap3A_845], %swap3A_848 {strides = array<i32>} : memref<128x64xf32, #tpu.memory_space<vmem>>, vector<1x16xf32>,
      %get3A_849 = arith.index_cast %scan3A_832 : i32 to index
      %get3A_850 = arith.constant 32 : index
      %get3A_851 = tpu.vector_load %arg7[%get3A_849, %get3A_850] {strides = array<i32>} : memref<128x128xf32, #tpu.memory_space<vmem>>, vector<1x16xf32>,
      %get3A_852 = vector.shape_cast %get3A_851 : vector<1x16xf32> to vector<16xf32>
      %swap3A_853 = arith.index_cast %scan3A_832 : i32 to index
      %swap3A_854 = arith.constant 32 : index
      %swap3A_855 = tpu.vector_load %arg9[%swap3A_853, %swap3A_854] {strides = array<i32>} : memref<128x64xf32, #tpu.memory_space<vmem>>, vector<1x16xf32>,
      %swap3A_856 = vector.shape_cast %swap3A_855 : vector<1x16xf32> to vector<16xf32>
      %swap3A_857 = vector.shape_cast %get3A_852 : vector<16xf32> to vector<1x16xf32>
      tpu.vector_store %arg9[%swap3A_853, %swap3A_854], %swap3A_857 {strides = array<i32>} : memref<128x64xf32, #tpu.memory_space<vmem>>, vector<1x16xf32>,
      %get3A_858 = arith.index_cast %scan3A_832 : i32 to index
      %get3A_859 = arith.constant 48 : index
      %get3A_860 = tpu.vector_load %arg7[%get3A_858, %get3A_859] {strides = array<i32>} : memref<128x128xf32, #tpu.memory_space<vmem>>, vector<1x16xf32>,
      %get3A_861 = vector.shape_cast %get3A_860 : vector<1x16xf32> to vector<16xf32>
      %swap3A_862 = arith.index_cast %scan3A_832 : i32 to index
      %swap3A_863 = arith.constant 48 : index
      %swap3A_864 = tpu.vector_load %arg9[%swap3A_862, %swap3A_863] {strides = array<i32>} : memref<128x64xf32, #tpu.memory_space<vmem>>, vector<1x16xf32>,
      %swap3A_865 = vector.shape_cast %swap3A_864 : vector<1x16xf32> to vector<16xf32>
      %swap3A_866 = vector.shape_cast %get3A_861 : vector<16xf32> to vector<1x16xf32>
      tpu.vector_store %arg9[%swap3A_862, %swap3A_863], %swap3A_866 {strides = array<i32>} : memref<128x64xf32, #tpu.memory_space<vmem>>, vector<1x16xf32>,
    }
    %scan3A_250 = arith.constant 128 : i32
    %add3A_251 = arith.constant 1152 : i32
    %add3A_252 = arith.addi %mul3A_2, %add3A_251 : i32
    %dma_start3A_253 = arith.constant 0 : i32
    %dma_start3A_254 = tpu.memref_slice %arg4[%add3A_252, %dma_start3A_253] : memref<131072x64xf32, #tpu.memory_space<hbm>> -> memref<128x64xf32, #tpu.memory_space<hbm>>
    %dma_start3A_255 = arith.constant 0 : i32
    %dma_start3A_256 = tpu.memref_slice %arg4[%add3A_252, %dma_start3A_255] : memref<131072x64xf32, #tpu.memory_space<hbm>> -> memref<128x64xf32, #tpu.memory_space<hbm>>
    tpu.enqueue_dma source(%arg9 : memref<128x64xf32, #tpu.memory_space<vmem>>) target(%dma_start3A_256 : memref<128x64xf32, #tpu.memory_space<hbm>>) target_semaphore(%arg13 : memref<!tpu.dma_semaphore, #tpu.memory_space<semaphore_mem>>)
    %dma_start3A_257 = arith.constant 1408 : i32
    %dma_start3A_258 = tpu.memref_slice %arg5[%dma_start3A_257] : memref<4096xi32, #tpu.memory_space<vmem>> -> memref<128xi32, #tpu.memory_space<vmem>>
    %dma_start3A_259 = arith.constant 0 : i32
    %dma_start3A_260 = arith.constant 0 : i32
    %dma_start3A_261 = tpu.memref_slice %arg2[%dma_start3A_259, %dma_start3A_260] : memref<8192x128xf32, #tpu.memory_space<hbm>> -> memref<8192x128xf32, #tpu.memory_space<hbm>>
    tpu.enqueue_indirect_dma source(%dma_start3A_261 : memref<8192x128xf32, #tpu.memory_space<hbm>>) target(%arg7 : memref<128x128xf32, #tpu.memory_space<vmem>>) offsets(%dma_start3A_258 : memref<128xi32, #tpu.memory_space<vmem>>) semaphore(%arg11 : memref<!tpu.dma_semaphore, #tpu.memory_space<semaphore_mem>>)
    %dma_wait3A_262 = arith.constant 1280 : i32
    %dma_wait3A_263 = tpu.memref_slice %arg5[%dma_wait3A_262] : memref<4096xi32, #tpu.memory_space<vmem>> -> memref<128xi32, #tpu.memory_space<vmem>>
    %dma_wait3A_264 = arith.constant 0 : i32
    %dma_wait3A_265 = arith.constant 0 : i32
    %dma_wait3A_266 = tpu.memref_slice %arg2[%dma_wait3A_264, %dma_wait3A_265] : memref<8192x128xf32, #tpu.memory_space<hbm>> -> memref<8192x128xf32, #tpu.memory_space<hbm>>
    tpu.wait_indirect_dma semaphore(%arg10 : memref<!tpu.dma_semaphore, #tpu.memory_space<semaphore_mem>>) src(%dma_wait3A_266 : memref<8192x128xf32, #tpu.memory_space<hbm>>) dst(%arg6 : memref<128x128xf32, #tpu.memory_space<vmem>>)
    %dma_wait3A_267 = arith.constant 0 : i32
    %dma_wait3A_268 = tpu.memref_slice %arg4[%add3A_226, %dma_wait3A_267] : memref<131072x64xf32, #tpu.memory_space<hbm>> -> memref<128x64xf32, #tpu.memory_space<hbm>>
    %dma_wait3A_269 = arith.constant 0 : i32
    %dma_wait3A_270 = tpu.memref_slice %arg4[%add3A_226, %dma_wait3A_269] : memref<131072x64xf32, #tpu.memory_space<hbm>> -> memref<128x64xf32, #tpu.memory_space<hbm>>
    tpu.wait_dma2 semaphore(%arg12 : memref<!tpu.dma_semaphore, #tpu.memory_space<semaphore_mem>>) src(%arg8 : memref<128x64xf32, #tpu.memory_space<vmem>>) dst(%dma_wait3A_270 : memref<128x64xf32, #tpu.memory_space<hbm>>)
    %scan3A_271 = arith.constant 0 : i32
    %scan3A_272 = arith.constant 0 : i32
    %scan3A_273 = arith.constant 128 : i32
    %scan3A_274 = arith.addi %scan3A_272, %scan3A_273 : i32
    %scan3A_275 = arith.constant 1 : i32
    scf.for %scan3A_832 = %scan3A_272 to %scan3A_274 step %scan3A_275  : i32 {
      %get3A = arith.index_cast %scan3A_832 : i32 to index
      %get3A_833 = arith.constant 0 : index
      %get3A_834 = tpu.vector_load %arg6[%get3A, %get3A_833] {strides = array<i32>} : memref<128x128xf32, #tpu.memory_space<vmem>>, vector<1x16xf32>,
      %get3A_835 = vector.shape_cast %get3A_834 : vector<1x16xf32> to vector<16xf32>
      %swap3A = arith.index_cast %scan3A_832 : i32 to index
      %swap3A_836 = arith.constant 0 : index
      %swap3A_837 = tpu.vector_load %arg8[%swap3A, %swap3A_836] {strides = array<i32>} : memref<128x64xf32, #tpu.memory_space<vmem>>, vector<1x16xf32>,
      %swap3A_838 = vector.shape_cast %swap3A_837 : vector<1x16xf32> to vector<16xf32>
      %swap3A_839 = vector.shape_cast %get3A_835 : vector<16xf32> to vector<1x16xf32>
      tpu.vector_store %arg8[%swap3A, %swap3A_836], %swap3A_839 {strides = array<i32>} : memref<128x64xf32, #tpu.memory_space<vmem>>, vector<1x16xf32>,
      %get3A_840 = arith.index_cast %scan3A_832 : i32 to index
      %get3A_841 = arith.constant 16 : index
      %get3A_842 = tpu.vector_load %arg6[%get3A_840, %get3A_841] {strides = array<i32>} : memref<128x128xf32, #tpu.memory_space<vmem>>, vector<1x16xf32>,
      %get3A_843 = vector.shape_cast %get3A_842 : vector<1x16xf32> to vector<16xf32>
      %swap3A_844 = arith.index_cast %scan3A_832 : i32 to index
      %swap3A_845 = arith.constant 16 : index
      %swap3A_846 = tpu.vector_load %arg8[%swap3A_844, %swap3A_845] {strides = array<i32>} : memref<128x64xf32, #tpu.memory_space<vmem>>, vector<1x16xf32>,
      %swap3A_847 = vector.shape_cast %swap3A_846 : vector<1x16xf32> to vector<16xf32>
      %swap3A_848 = vector.shape_cast %get3A_843 : vector<16xf32> to vector<1x16xf32>
      tpu.vector_store %arg8[%swap3A_844, %swap3A_845], %swap3A_848 {strides = array<i32>} : memref<128x64xf32, #tpu.memory_space<vmem>>, vector<1x16xf32>,
      %get3A_849 = arith.index_cast %scan3A_832 : i32 to index
      %get3A_850 = arith.constant 32 : index
      %get3A_851 = tpu.vector_load %arg6[%get3A_849, %get3A_850] {strides = array<i32>} : memref<128x128xf32, #tpu.memory_space<vmem>>, vector<1x16xf32>,
      %get3A_852 = vector.shape_cast %get3A_851 : vector<1x16xf32> to vector<16xf32>
      %swap3A_853 = arith.index_cast %scan3A_832 : i32 to index
      %swap3A_854 = arith.constant 32 : index
      %swap3A_855 = tpu.vector_load %arg8[%swap3A_853, %swap3A_854] {strides = array<i32>} : memref<128x64xf32, #tpu.memory_space<vmem>>, vector<1x16xf32>,
      %swap3A_856 = vector.shape_cast %swap3A_855 : vector<1x16xf32> to vector<16xf32>
      %swap3A_857 = vector.shape_cast %get3A_852 : vector<16xf32> to vector<1x16xf32>
      tpu.vector_store %arg8[%swap3A_853, %swap3A_854], %swap3A_857 {strides = array<i32>} : memref<128x64xf32, #tpu.memory_space<vmem>>, vector<1x16xf32>,
      %get3A_858 = arith.index_cast %scan3A_832 : i32 to index
      %get3A_859 = arith.constant 48 : index
      %get3A_860 = tpu.vector_load %arg6[%get3A_858, %get3A_859] {strides = array<i32>} : memref<128x128xf32, #tpu.memory_space<vmem>>, vector<1x16xf32>,
      %get3A_861 = vector.shape_cast %get3A_860 : vector<1x16xf32> to vector<16xf32>
      %swap3A_862 = arith.index_cast %scan3A_832 : i32 to index
      %swap3A_863 = arith.constant 48 : index
      %swap3A_864 = tpu.vector_load %arg8[%swap3A_862, %swap3A_863] {strides = array<i32>} : memref<128x64xf32, #tpu.memory_space<vmem>>, vector<1x16xf32>,
      %swap3A_865 = vector.shape_cast %swap3A_864 : vector<1x16xf32> to vector<16xf32>
      %swap3A_866 = vector.shape_cast %get3A_861 : vector<16xf32> to vector<1x16xf32>
      tpu.vector_store %arg8[%swap3A_862, %swap3A_863], %swap3A_866 {strides = array<i32>} : memref<128x64xf32, #tpu.memory_space<vmem>>, vector<1x16xf32>,
    }
    %scan3A_276 = arith.constant 128 : i32
    %add3A_277 = arith.constant 1280 : i32
    %add3A_278 = arith.addi %mul3A_2, %add3A_277 : i32
    %dma_start3A_279 = arith.constant 0 : i32
    %dma_start3A_280 = tpu.memref_slice %arg4[%add3A_278, %dma_start3A_279] : memref<131072x64xf32, #tpu.memory_space<hbm>> -> memref<128x64xf32, #tpu.memory_space<hbm>>
    %dma_start3A_281 = arith.constant 0 : i32
    %dma_start3A_282 = tpu.memref_slice %arg4[%add3A_278, %dma_start3A_281] : memref<131072x64xf32, #tpu.memory_space<hbm>> -> memref<128x64xf32, #tpu.memory_space<hbm>>
    tpu.enqueue_dma source(%arg8 : memref<128x64xf32, #tpu.memory_space<vmem>>) target(%dma_start3A_282 : memref<128x64xf32, #tpu.memory_space<hbm>>) target_semaphore(%arg12 : memref<!tpu.dma_semaphore, #tpu.memory_space<semaphore_mem>>)
    %dma_start3A_283 = arith.constant 1536 : i32
    %dma_start3A_284 = tpu.memref_slice %arg5[%dma_start3A_283] : memref<4096xi32, #tpu.memory_space<vmem>> -> memref<128xi32, #tpu.memory_space<vmem>>
    %dma_start3A_285 = arith.constant 0 : i32
    %dma_start3A_286 = arith.constant 0 : i32
    %dma_start3A_287 = tpu.memref_slice %arg2[%dma_start3A_285, %dma_start3A_286] : memref<8192x128xf32, #tpu.memory_space<hbm>> -> memref<8192x128xf32, #tpu.memory_space<hbm>>
    tpu.enqueue_indirect_dma source(%dma_start3A_287 : memref<8192x128xf32, #tpu.memory_space<hbm>>) target(%arg6 : memref<128x128xf32, #tpu.memory_space<vmem>>) offsets(%dma_start3A_284 : memref<128xi32, #tpu.memory_space<vmem>>) semaphore(%arg10 : memref<!tpu.dma_semaphore, #tpu.memory_space<semaphore_mem>>)
    %dma_wait3A_288 = arith.constant 1408 : i32
    %dma_wait3A_289 = tpu.memref_slice %arg5[%dma_wait3A_288] : memref<4096xi32, #tpu.memory_space<vmem>> -> memref<128xi32, #tpu.memory_space<vmem>>
    %dma_wait3A_290 = arith.constant 0 : i32
    %dma_wait3A_291 = arith.constant 0 : i32
    %dma_wait3A_292 = tpu.memref_slice %arg2[%dma_wait3A_290, %dma_wait3A_291] : memref<8192x128xf32, #tpu.memory_space<hbm>> -> memref<8192x128xf32, #tpu.memory_space<hbm>>
    tpu.wait_indirect_dma semaphore(%arg11 : memref<!tpu.dma_semaphore, #tpu.memory_space<semaphore_mem>>) src(%dma_wait3A_292 : memref<8192x128xf32, #tpu.memory_space<hbm>>) dst(%arg7 : memref<128x128xf32, #tpu.memory_space<vmem>>)
    %dma_wait3A_293 = arith.constant 0 : i32
    %dma_wait3A_294 = tpu.memref_slice %arg4[%add3A_252, %dma_wait3A_293] : memref<131072x64xf32, #tpu.memory_space<hbm>> -> memref<128x64xf32, #tpu.memory_space<hbm>>
    %dma_wait3A_295 = arith.constant 0 : i32
    %dma_wait3A_296 = tpu.memref_slice %arg4[%add3A_252, %dma_wait3A_295] : memref<131072x64xf32, #tpu.memory_space<hbm>> -> memref<128x64xf32, #tpu.memory_space<hbm>>
    tpu.wait_dma2 semaphore(%arg13 : memref<!tpu.dma_semaphore, #tpu.memory_space<semaphore_mem>>) src(%arg9 : memref<128x64xf32, #tpu.memory_space<vmem>>) dst(%dma_wait3A_296 : memref<128x64xf32, #tpu.memory_space<hbm>>)
    %scan3A_297 = arith.constant 0 : i32
    %scan3A_298 = arith.constant 0 : i32
    %scan3A_299 = arith.constant 128 : i32
    %scan3A_300 = arith.addi %scan3A_298, %scan3A_299 : i32
    %scan3A_301 = arith.constant 1 : i32
    scf.for %scan3A_832 = %scan3A_298 to %scan3A_300 step %scan3A_301  : i32 {
      %get3A = arith.index_cast %scan3A_832 : i32 to index
      %get3A_833 = arith.constant 0 : index
      %get3A_834 = tpu.vector_load %arg7[%get3A, %get3A_833] {strides = array<i32>} : memref<128x128xf32, #tpu.memory_space<vmem>>, vector<1x16xf32>,
      %get3A_835 = vector.shape_cast %get3A_834 : vector<1x16xf32> to vector<16xf32>
      %swap3A = arith.index_cast %scan3A_832 : i32 to index
      %swap3A_836 = arith.constant 0 : index
      %swap3A_837 = tpu.vector_load %arg9[%swap3A, %swap3A_836] {strides = array<i32>} : memref<128x64xf32, #tpu.memory_space<vmem>>, vector<1x16xf32>,
      %swap3A_838 = vector.shape_cast %swap3A_837 : vector<1x16xf32> to vector<16xf32>
      %swap3A_839 = vector.shape_cast %get3A_835 : vector<16xf32> to vector<1x16xf32>
      tpu.vector_store %arg9[%swap3A, %swap3A_836], %swap3A_839 {strides = array<i32>} : memref<128x64xf32, #tpu.memory_space<vmem>>, vector<1x16xf32>,
      %get3A_840 = arith.index_cast %scan3A_832 : i32 to index
      %get3A_841 = arith.constant 16 : index
      %get3A_842 = tpu.vector_load %arg7[%get3A_840, %get3A_841] {strides = array<i32>} : memref<128x128xf32, #tpu.memory_space<vmem>>, vector<1x16xf32>,
      %get3A_843 = vector.shape_cast %get3A_842 : vector<1x16xf32> to vector<16xf32>
      %swap3A_844 = arith.index_cast %scan3A_832 : i32 to index
      %swap3A_845 = arith.constant 16 : index
      %swap3A_846 = tpu.vector_load %arg9[%swap3A_844, %swap3A_845] {strides = array<i32>} : memref<128x64xf32, #tpu.memory_space<vmem>>, vector<1x16xf32>,
      %swap3A_847 = vector.shape_cast %swap3A_846 : vector<1x16xf32> to vector<16xf32>
      %swap3A_848 = vector.shape_cast %get3A_843 : vector<16xf32> to vector<1x16xf32>
      tpu.vector_store %arg9[%swap3A_844, %swap3A_845], %swap3A_848 {strides = array<i32>} : memref<128x64xf32, #tpu.memory_space<vmem>>, vector<1x16xf32>,
      %get3A_849 = arith.index_cast %scan3A_832 : i32 to index
      %get3A_850 = arith.constant 32 : index
      %get3A_851 = tpu.vector_load %arg7[%get3A_849, %get3A_850] {strides = array<i32>} : memref<128x128xf32, #tpu.memory_space<vmem>>, vector<1x16xf32>,
      %get3A_852 = vector.shape_cast %get3A_851 : vector<1x16xf32> to vector<16xf32>
      %swap3A_853 = arith.index_cast %scan3A_832 : i32 to index
      %swap3A_854 = arith.constant 32 : index
      %swap3A_855 = tpu.vector_load %arg9[%swap3A_853, %swap3A_854] {strides = array<i32>} : memref<128x64xf32, #tpu.memory_space<vmem>>, vector<1x16xf32>,
      %swap3A_856 = vector.shape_cast %swap3A_855 : vector<1x16xf32> to vector<16xf32>
      %swap3A_857 = vector.shape_cast %get3A_852 : vector<16xf32> to vector<1x16xf32>
      tpu.vector_store %arg9[%swap3A_853, %swap3A_854], %swap3A_857 {strides = array<i32>} : memref<128x64xf32, #tpu.memory_space<vmem>>, vector<1x16xf32>,
      %get3A_858 = arith.index_cast %scan3A_832 : i32 to index
      %get3A_859 = arith.constant 48 : index
      %get3A_860 = tpu.vector_load %arg7[%get3A_858, %get3A_859] {strides = array<i32>} : memref<128x128xf32, #tpu.memory_space<vmem>>, vector<1x16xf32>,
      %get3A_861 = vector.shape_cast %get3A_860 : vector<1x16xf32> to vector<16xf32>
      %swap3A_862 = arith.index_cast %scan3A_832 : i32 to index
      %swap3A_863 = arith.constant 48 : index
      %swap3A_864 = tpu.vector_load %arg9[%swap3A_862, %swap3A_863] {strides = array<i32>} : memref<128x64xf32, #tpu.memory_space<vmem>>, vector<1x16xf32>,
      %swap3A_865 = vector.shape_cast %swap3A_864 : vector<1x16xf32> to vector<16xf32>
      %swap3A_866 = vector.shape_cast %get3A_861 : vector<16xf32> to vector<1x16xf32>
      tpu.vector_store %arg9[%swap3A_862, %swap3A_863], %swap3A_866 {strides = array<i32>} : memref<128x64xf32, #tpu.memory_space<vmem>>, vector<1x16xf32>,
    }
    %scan3A_302 = arith.constant 128 : i32
    %add3A_303 = arith.constant 1408 : i32
    %add3A_304 = arith.addi %mul3A_2, %add3A_303 : i32
    %dma_start3A_305 = arith.constant 0 : i32
    %dma_start3A_306 = tpu.memref_slice %arg4[%add3A_304, %dma_start3A_305] : memref<131072x64xf32, #tpu.memory_space<hbm>> -> memref<128x64xf32, #tpu.memory_space<hbm>>
    %dma_start3A_307 = arith.constant 0 : i32
    %dma_start3A_308 = tpu.memref_slice %arg4[%add3A_304, %dma_start3A_307] : memref<131072x64xf32, #tpu.memory_space<hbm>> -> memref<128x64xf32, #tpu.memory_space<hbm>>
    tpu.enqueue_dma source(%arg9 : memref<128x64xf32, #tpu.memory_space<vmem>>) target(%dma_start3A_308 : memref<128x64xf32, #tpu.memory_space<hbm>>) target_semaphore(%arg13 : memref<!tpu.dma_semaphore, #tpu.memory_space<semaphore_mem>>)
    %dma_start3A_309 = arith.constant 1664 : i32
    %dma_start3A_310 = tpu.memref_slice %arg5[%dma_start3A_309] : memref<4096xi32, #tpu.memory_space<vmem>> -> memref<128xi32, #tpu.memory_space<vmem>>
    %dma_start3A_311 = arith.constant 0 : i32
    %dma_start3A_312 = arith.constant 0 : i32
    %dma_start3A_313 = tpu.memref_slice %arg2[%dma_start3A_311, %dma_start3A_312] : memref<8192x128xf32, #tpu.memory_space<hbm>> -> memref<8192x128xf32, #tpu.memory_space<hbm>>
    tpu.enqueue_indirect_dma source(%dma_start3A_313 : memref<8192x128xf32, #tpu.memory_space<hbm>>) target(%arg7 : memref<128x128xf32, #tpu.memory_space<vmem>>) offsets(%dma_start3A_310 : memref<128xi32, #tpu.memory_space<vmem>>) semaphore(%arg11 : memref<!tpu.dma_semaphore, #tpu.memory_space<semaphore_mem>>)
    %dma_wait3A_314 = arith.constant 1536 : i32
    %dma_wait3A_315 = tpu.memref_slice %arg5[%dma_wait3A_314] : memref<4096xi32, #tpu.memory_space<vmem>> -> memref<128xi32, #tpu.memory_space<vmem>>
    %dma_wait3A_316 = arith.constant 0 : i32
    %dma_wait3A_317 = arith.constant 0 : i32
    %dma_wait3A_318 = tpu.memref_slice %arg2[%dma_wait3A_316, %dma_wait3A_317] : memref<8192x128xf32, #tpu.memory_space<hbm>> -> memref<8192x128xf32, #tpu.memory_space<hbm>>
    tpu.wait_indirect_dma semaphore(%arg10 : memref<!tpu.dma_semaphore, #tpu.memory_space<semaphore_mem>>) src(%dma_wait3A_318 : memref<8192x128xf32, #tpu.memory_space<hbm>>) dst(%arg6 : memref<128x128xf32, #tpu.memory_space<vmem>>)
    %dma_wait3A_319 = arith.constant 0 : i32
    %dma_wait3A_320 = tpu.memref_slice %arg4[%add3A_278, %dma_wait3A_319] : memref<131072x64xf32, #tpu.memory_space<hbm>> -> memref<128x64xf32, #tpu.memory_space<hbm>>
    %dma_wait3A_321 = arith.constant 0 : i32
    %dma_wait3A_322 = tpu.memref_slice %arg4[%add3A_278, %dma_wait3A_321] : memref<131072x64xf32, #tpu.memory_space<hbm>> -> memref<128x64xf32, #tpu.memory_space<hbm>>
    tpu.wait_dma2 semaphore(%arg12 : memref<!tpu.dma_semaphore, #tpu.memory_space<semaphore_mem>>) src(%arg8 : memref<128x64xf32, #tpu.memory_space<vmem>>) dst(%dma_wait3A_322 : memref<128x64xf32, #tpu.memory_space<hbm>>)
    %scan3A_323 = arith.constant 0 : i32
    %scan3A_324 = arith.constant 0 : i32
    %scan3A_325 = arith.constant 128 : i32
    %scan3A_326 = arith.addi %scan3A_324, %scan3A_325 : i32
    %scan3A_327 = arith.constant 1 : i32
    scf.for %scan3A_832 = %scan3A_324 to %scan3A_326 step %scan3A_327  : i32 {
      %get3A = arith.index_cast %scan3A_832 : i32 to index
      %get3A_833 = arith.constant 0 : index
      %get3A_834 = tpu.vector_load %arg6[%get3A, %get3A_833] {strides = array<i32>} : memref<128x128xf32, #tpu.memory_space<vmem>>, vector<1x16xf32>,
      %get3A_835 = vector.shape_cast %get3A_834 : vector<1x16xf32> to vector<16xf32>
      %swap3A = arith.index_cast %scan3A_832 : i32 to index
      %swap3A_836 = arith.constant 0 : index
      %swap3A_837 = tpu.vector_load %arg8[%swap3A, %swap3A_836] {strides = array<i32>} : memref<128x64xf32, #tpu.memory_space<vmem>>, vector<1x16xf32>,
      %swap3A_838 = vector.shape_cast %swap3A_837 : vector<1x16xf32> to vector<16xf32>
      %swap3A_839 = vector.shape_cast %get3A_835 : vector<16xf32> to vector<1x16xf32>
      tpu.vector_store %arg8[%swap3A, %swap3A_836], %swap3A_839 {strides = array<i32>} : memref<128x64xf32, #tpu.memory_space<vmem>>, vector<1x16xf32>,
      %get3A_840 = arith.index_cast %scan3A_832 : i32 to index
      %get3A_841 = arith.constant 16 : index
      %get3A_842 = tpu.vector_load %arg6[%get3A_840, %get3A_841] {strides = array<i32>} : memref<128x128xf32, #tpu.memory_space<vmem>>, vector<1x16xf32>,
      %get3A_843 = vector.shape_cast %get3A_842 : vector<1x16xf32> to vector<16xf32>
      %swap3A_844 = arith.index_cast %scan3A_832 : i32 to index
      %swap3A_845 = arith.constant 16 : index
      %swap3A_846 = tpu.vector_load %arg8[%swap3A_844, %swap3A_845] {strides = array<i32>} : memref<128x64xf32, #tpu.memory_space<vmem>>, vector<1x16xf32>,
      %swap3A_847 = vector.shape_cast %swap3A_846 : vector<1x16xf32> to vector<16xf32>
      %swap3A_848 = vector.shape_cast %get3A_843 : vector<16xf32> to vector<1x16xf32>
      tpu.vector_store %arg8[%swap3A_844, %swap3A_845], %swap3A_848 {strides = array<i32>} : memref<128x64xf32, #tpu.memory_space<vmem>>, vector<1x16xf32>,
      %get3A_849 = arith.index_cast %scan3A_832 : i32 to index
      %get3A_850 = arith.constant 32 : index
      %get3A_851 = tpu.vector_load %arg6[%get3A_849, %get3A_850] {strides = array<i32>} : memref<128x128xf32, #tpu.memory_space<vmem>>, vector<1x16xf32>,
      %get3A_852 = vector.shape_cast %get3A_851 : vector<1x16xf32> to vector<16xf32>
      %swap3A_853 = arith.index_cast %scan3A_832 : i32 to index
      %swap3A_854 = arith.constant 32 : index
      %swap3A_855 = tpu.vector_load %arg8[%swap3A_853, %swap3A_854] {strides = array<i32>} : memref<128x64xf32, #tpu.memory_space<vmem>>, vector<1x16xf32>,
      %swap3A_856 = vector.shape_cast %swap3A_855 : vector<1x16xf32> to vector<16xf32>
      %swap3A_857 = vector.shape_cast %get3A_852 : vector<16xf32> to vector<1x16xf32>
      tpu.vector_store %arg8[%swap3A_853, %swap3A_854], %swap3A_857 {strides = array<i32>} : memref<128x64xf32, #tpu.memory_space<vmem>>, vector<1x16xf32>,
      %get3A_858 = arith.index_cast %scan3A_832 : i32 to index
      %get3A_859 = arith.constant 48 : index
      %get3A_860 = tpu.vector_load %arg6[%get3A_858, %get3A_859] {strides = array<i32>} : memref<128x128xf32, #tpu.memory_space<vmem>>, vector<1x16xf32>,
      %get3A_861 = vector.shape_cast %get3A_860 : vector<1x16xf32> to vector<16xf32>
      %swap3A_862 = arith.index_cast %scan3A_832 : i32 to index
      %swap3A_863 = arith.constant 48 : index
      %swap3A_864 = tpu.vector_load %arg8[%swap3A_862, %swap3A_863] {strides = array<i32>} : memref<128x64xf32, #tpu.memory_space<vmem>>, vector<1x16xf32>,
      %swap3A_865 = vector.shape_cast %swap3A_864 : vector<1x16xf32> to vector<16xf32>
      %swap3A_866 = vector.shape_cast %get3A_861 : vector<16xf32> to vector<1x16xf32>
      tpu.vector_store %arg8[%swap3A_862, %swap3A_863], %swap3A_866 {strides = array<i32>} : memref<128x64xf32, #tpu.memory_space<vmem>>, vector<1x16xf32>,
    }
    %scan3A_328 = arith.constant 128 : i32
    %add3A_329 = arith.constant 1536 : i32
    %add3A_330 = arith.addi %mul3A_2, %add3A_329 : i32
    %dma_start3A_331 = arith.constant 0 : i32
    %dma_start3A_332 = tpu.memref_slice %arg4[%add3A_330, %dma_start3A_331] : memref<131072x64xf32, #tpu.memory_space<hbm>> -> memref<128x64xf32, #tpu.memory_space<hbm>>
    %dma_start3A_333 = arith.constant 0 : i32
    %dma_start3A_334 = tpu.memref_slice %arg4[%add3A_330, %dma_start3A_333] : memref<131072x64xf32, #tpu.memory_space<hbm>> -> memref<128x64xf32, #tpu.memory_space<hbm>>
    tpu.enqueue_dma source(%arg8 : memref<128x64xf32, #tpu.memory_space<vmem>>) target(%dma_start3A_334 : memref<128x64xf32, #tpu.memory_space<hbm>>) target_semaphore(%arg12 : memref<!tpu.dma_semaphore, #tpu.memory_space<semaphore_mem>>)
    %dma_start3A_335 = arith.constant 1792 : i32
    %dma_start3A_336 = tpu.memref_slice %arg5[%dma_start3A_335] : memref<4096xi32, #tpu.memory_space<vmem>> -> memref<128xi32, #tpu.memory_space<vmem>>
    %dma_start3A_337 = arith.constant 0 : i32
    %dma_start3A_338 = arith.constant 0 : i32
    %dma_start3A_339 = tpu.memref_slice %arg2[%dma_start3A_337, %dma_start3A_338] : memref<8192x128xf32, #tpu.memory_space<hbm>> -> memref<8192x128xf32, #tpu.memory_space<hbm>>
    tpu.enqueue_indirect_dma source(%dma_start3A_339 : memref<8192x128xf32, #tpu.memory_space<hbm>>) target(%arg6 : memref<128x128xf32, #tpu.memory_space<vmem>>) offsets(%dma_start3A_336 : memref<128xi32, #tpu.memory_space<vmem>>) semaphore(%arg10 : memref<!tpu.dma_semaphore, #tpu.memory_space<semaphore_mem>>)
    %dma_wait3A_340 = arith.constant 1664 : i32
    %dma_wait3A_341 = tpu.memref_slice %arg5[%dma_wait3A_340] : memref<4096xi32, #tpu.memory_space<vmem>> -> memref<128xi32, #tpu.memory_space<vmem>>
    %dma_wait3A_342 = arith.constant 0 : i32
    %dma_wait3A_343 = arith.constant 0 : i32
    %dma_wait3A_344 = tpu.memref_slice %arg2[%dma_wait3A_342, %dma_wait3A_343] : memref<8192x128xf32, #tpu.memory_space<hbm>> -> memref<8192x128xf32, #tpu.memory_space<hbm>>
    tpu.wait_indirect_dma semaphore(%arg11 : memref<!tpu.dma_semaphore, #tpu.memory_space<semaphore_mem>>) src(%dma_wait3A_344 : memref<8192x128xf32, #tpu.memory_space<hbm>>) dst(%arg7 : memref<128x128xf32, #tpu.memory_space<vmem>>)
    %dma_wait3A_345 = arith.constant 0 : i32
    %dma_wait3A_346 = tpu.memref_slice %arg4[%add3A_304, %dma_wait3A_345] : memref<131072x64xf32, #tpu.memory_space<hbm>> -> memref<128x64xf32, #tpu.memory_space<hbm>>
    %dma_wait3A_347 = arith.constant 0 : i32
    %dma_wait3A_348 = tpu.memref_slice %arg4[%add3A_304, %dma_wait3A_347] : memref<131072x64xf32, #tpu.memory_space<hbm>> -> memref<128x64xf32, #tpu.memory_space<hbm>>
    tpu.wait_dma2 semaphore(%arg13 : memref<!tpu.dma_semaphore, #tpu.memory_space<semaphore_mem>>) src(%arg9 : memref<128x64xf32, #tpu.memory_space<vmem>>) dst(%dma_wait3A_348 : memref<128x64xf32, #tpu.memory_space<hbm>>)
    %scan3A_349 = arith.constant 0 : i32
    %scan3A_350 = arith.constant 0 : i32
    %scan3A_351 = arith.constant 128 : i32
    %scan3A_352 = arith.addi %scan3A_350, %scan3A_351 : i32
    %scan3A_353 = arith.constant 1 : i32
    scf.for %scan3A_832 = %scan3A_350 to %scan3A_352 step %scan3A_353  : i32 {
      %get3A = arith.index_cast %scan3A_832 : i32 to index
      %get3A_833 = arith.constant 0 : index
      %get3A_834 = tpu.vector_load %arg7[%get3A, %get3A_833] {strides = array<i32>} : memref<128x128xf32, #tpu.memory_space<vmem>>, vector<1x16xf32>,
      %get3A_835 = vector.shape_cast %get3A_834 : vector<1x16xf32> to vector<16xf32>
      %swap3A = arith.index_cast %scan3A_832 : i32 to index
      %swap3A_836 = arith.constant 0 : index
      %swap3A_837 = tpu.vector_load %arg9[%swap3A, %swap3A_836] {strides = array<i32>} : memref<128x64xf32, #tpu.memory_space<vmem>>, vector<1x16xf32>,
      %swap3A_838 = vector.shape_cast %swap3A_837 : vector<1x16xf32> to vector<16xf32>
      %swap3A_839 = vector.shape_cast %get3A_835 : vector<16xf32> to vector<1x16xf32>
      tpu.vector_store %arg9[%swap3A, %swap3A_836], %swap3A_839 {strides = array<i32>} : memref<128x64xf32, #tpu.memory_space<vmem>>, vector<1x16xf32>,
      %get3A_840 = arith.index_cast %scan3A_832 : i32 to index
      %get3A_841 = arith.constant 16 : index
      %get3A_842 = tpu.vector_load %arg7[%get3A_840, %get3A_841] {strides = array<i32>} : memref<128x128xf32, #tpu.memory_space<vmem>>, vector<1x16xf32>,
      %get3A_843 = vector.shape_cast %get3A_842 : vector<1x16xf32> to vector<16xf32>
      %swap3A_844 = arith.index_cast %scan3A_832 : i32 to index
      %swap3A_845 = arith.constant 16 : index
      %swap3A_846 = tpu.vector_load %arg9[%swap3A_844, %swap3A_845] {strides = array<i32>} : memref<128x64xf32, #tpu.memory_space<vmem>>, vector<1x16xf32>,
      %swap3A_847 = vector.shape_cast %swap3A_846 : vector<1x16xf32> to vector<16xf32>
      %swap3A_848 = vector.shape_cast %get3A_843 : vector<16xf32> to vector<1x16xf32>
      tpu.vector_store %arg9[%swap3A_844, %swap3A_845], %swap3A_848 {strides = array<i32>} : memref<128x64xf32, #tpu.memory_space<vmem>>, vector<1x16xf32>,
      %get3A_849 = arith.index_cast %scan3A_832 : i32 to index
      %get3A_850 = arith.constant 32 : index
      %get3A_851 = tpu.vector_load %arg7[%get3A_849, %get3A_850] {strides = array<i32>} : memref<128x128xf32, #tpu.memory_space<vmem>>, vector<1x16xf32>,
      %get3A_852 = vector.shape_cast %get3A_851 : vector<1x16xf32> to vector<16xf32>
      %swap3A_853 = arith.index_cast %scan3A_832 : i32 to index
      %swap3A_854 = arith.constant 32 : index
      %swap3A_855 = tpu.vector_load %arg9[%swap3A_853, %swap3A_854] {strides = array<i32>} : memref<128x64xf32, #tpu.memory_space<vmem>>, vector<1x16xf32>,
      %swap3A_856 = vector.shape_cast %swap3A_855 : vector<1x16xf32> to vector<16xf32>
      %swap3A_857 = vector.shape_cast %get3A_852 : vector<16xf32> to vector<1x16xf32>
      tpu.vector_store %arg9[%swap3A_853, %swap3A_854], %swap3A_857 {strides = array<i32>} : memref<128x64xf32, #tpu.memory_space<vmem>>, vector<1x16xf32>,
      %get3A_858 = arith.index_cast %scan3A_832 : i32 to index
      %get3A_859 = arith.constant 48 : index
      %get3A_860 = tpu.vector_load %arg7[%get3A_858, %get3A_859] {strides = array<i32>} : memref<128x128xf32, #tpu.memory_space<vmem>>, vector<1x16xf32>,
      %get3A_861 = vector.shape_cast %get3A_860 : vector<1x16xf32> to vector<16xf32>
      %swap3A_862 = arith.index_cast %scan3A_832 : i32 to index
      %swap3A_863 = arith.constant 48 : index
      %swap3A_864 = tpu.vector_load %arg9[%swap3A_862, %swap3A_863] {strides = array<i32>} : memref<128x64xf32, #tpu.memory_space<vmem>>, vector<1x16xf32>,
      %swap3A_865 = vector.shape_cast %swap3A_864 : vector<1x16xf32> to vector<16xf32>
      %swap3A_866 = vector.shape_cast %get3A_861 : vector<16xf32> to vector<1x16xf32>
      tpu.vector_store %arg9[%swap3A_862, %swap3A_863], %swap3A_866 {strides = array<i32>} : memref<128x64xf32, #tpu.memory_space<vmem>>, vector<1x16xf32>,
    }
    %scan3A_354 = arith.constant 128 : i32
    %add3A_355 = arith.constant 1664 : i32
    %add3A_356 = arith.addi %mul3A_2, %add3A_355 : i32
    %dma_start3A_357 = arith.constant 0 : i32
    %dma_start3A_358 = tpu.memref_slice %arg4[%add3A_356, %dma_start3A_357] : memref<131072x64xf32, #tpu.memory_space<hbm>> -> memref<128x64xf32, #tpu.memory_space<hbm>>
    %dma_start3A_359 = arith.constant 0 : i32
    %dma_start3A_360 = tpu.memref_slice %arg4[%add3A_356, %dma_start3A_359] : memref<131072x64xf32, #tpu.memory_space<hbm>> -> memref<128x64xf32, #tpu.memory_space<hbm>>
    tpu.enqueue_dma source(%arg9 : memref<128x64xf32, #tpu.memory_space<vmem>>) target(%dma_start3A_360 : memref<128x64xf32, #tpu.memory_space<hbm>>) target_semaphore(%arg13 : memref<!tpu.dma_semaphore, #tpu.memory_space<semaphore_mem>>)
    %dma_start3A_361 = arith.constant 1920 : i32
    %dma_start3A_362 = tpu.memref_slice %arg5[%dma_start3A_361] : memref<4096xi32, #tpu.memory_space<vmem>> -> memref<128xi32, #tpu.memory_space<vmem>>
    %dma_start3A_363 = arith.constant 0 : i32
    %dma_start3A_364 = arith.constant 0 : i32
    %dma_start3A_365 = tpu.memref_slice %arg2[%dma_start3A_363, %dma_start3A_364] : memref<8192x128xf32, #tpu.memory_space<hbm>> -> memref<8192x128xf32, #tpu.memory_space<hbm>>
    tpu.enqueue_indirect_dma source(%dma_start3A_365 : memref<8192x128xf32, #tpu.memory_space<hbm>>) target(%arg7 : memref<128x128xf32, #tpu.memory_space<vmem>>) offsets(%dma_start3A_362 : memref<128xi32, #tpu.memory_space<vmem>>) semaphore(%arg11 : memref<!tpu.dma_semaphore, #tpu.memory_space<semaphore_mem>>)
    %dma_wait3A_366 = arith.constant 1792 : i32
    %dma_wait3A_367 = tpu.memref_slice %arg5[%dma_wait3A_366] : memref<4096xi32, #tpu.memory_space<vmem>> -> memref<128xi32, #tpu.memory_space<vmem>>
    %dma_wait3A_368 = arith.constant 0 : i32
    %dma_wait3A_369 = arith.constant 0 : i32
    %dma_wait3A_370 = tpu.memref_slice %arg2[%dma_wait3A_368, %dma_wait3A_369] : memref<8192x128xf32, #tpu.memory_space<hbm>> -> memref<8192x128xf32, #tpu.memory_space<hbm>>
    tpu.wait_indirect_dma semaphore(%arg10 : memref<!tpu.dma_semaphore, #tpu.memory_space<semaphore_mem>>) src(%dma_wait3A_370 : memref<8192x128xf32, #tpu.memory_space<hbm>>) dst(%arg6 : memref<128x128xf32, #tpu.memory_space<vmem>>)
    %dma_wait3A_371 = arith.constant 0 : i32
    %dma_wait3A_372 = tpu.memref_slice %arg4[%add3A_330, %dma_wait3A_371] : memref<131072x64xf32, #tpu.memory_space<hbm>> -> memref<128x64xf32, #tpu.memory_space<hbm>>
    %dma_wait3A_373 = arith.constant 0 : i32
    %dma_wait3A_374 = tpu.memref_slice %arg4[%add3A_330, %dma_wait3A_373] : memref<131072x64xf32, #tpu.memory_space<hbm>> -> memref<128x64xf32, #tpu.memory_space<hbm>>
    tpu.wait_dma2 semaphore(%arg12 : memref<!tpu.dma_semaphore, #tpu.memory_space<semaphore_mem>>) src(%arg8 : memref<128x64xf32, #tpu.memory_space<vmem>>) dst(%dma_wait3A_374 : memref<128x64xf32, #tpu.memory_space<hbm>>)
    %scan3A_375 = arith.constant 0 : i32
    %scan3A_376 = arith.constant 0 : i32
    %scan3A_377 = arith.constant 128 : i32
    %scan3A_378 = arith.addi %scan3A_376, %scan3A_377 : i32
    %scan3A_379 = arith.constant 1 : i32
    scf.for %scan3A_832 = %scan3A_376 to %scan3A_378 step %scan3A_379  : i32 {
      %get3A = arith.index_cast %scan3A_832 : i32 to index
      %get3A_833 = arith.constant 0 : index
      %get3A_834 = tpu.vector_load %arg6[%get3A, %get3A_833] {strides = array<i32>} : memref<128x128xf32, #tpu.memory_space<vmem>>, vector<1x16xf32>,
      %get3A_835 = vector.shape_cast %get3A_834 : vector<1x16xf32> to vector<16xf32>
      %swap3A = arith.index_cast %scan3A_832 : i32 to index
      %swap3A_836 = arith.constant 0 : index
      %swap3A_837 = tpu.vector_load %arg8[%swap3A, %swap3A_836] {strides = array<i32>} : memref<128x64xf32, #tpu.memory_space<vmem>>, vector<1x16xf32>,
      %swap3A_838 = vector.shape_cast %swap3A_837 : vector<1x16xf32> to vector<16xf32>
      %swap3A_839 = vector.shape_cast %get3A_835 : vector<16xf32> to vector<1x16xf32>
      tpu.vector_store %arg8[%swap3A, %swap3A_836], %swap3A_839 {strides = array<i32>} : memref<128x64xf32, #tpu.memory_space<vmem>>, vector<1x16xf32>,
      %get3A_840 = arith.index_cast %scan3A_832 : i32 to index
      %get3A_841 = arith.constant 16 : index
      %get3A_842 = tpu.vector_load %arg6[%get3A_840, %get3A_841] {strides = array<i32>} : memref<128x128xf32, #tpu.memory_space<vmem>>, vector<1x16xf32>,
      %get3A_843 = vector.shape_cast %get3A_842 : vector<1x16xf32> to vector<16xf32>
      %swap3A_844 = arith.index_cast %scan3A_832 : i32 to index
      %swap3A_845 = arith.constant 16 : index
      %swap3A_846 = tpu.vector_load %arg8[%swap3A_844, %swap3A_845] {strides = array<i32>} : memref<128x64xf32, #tpu.memory_space<vmem>>, vector<1x16xf32>,
      %swap3A_847 = vector.shape_cast %swap3A_846 : vector<1x16xf32> to vector<16xf32>
      %swap3A_848 = vector.shape_cast %get3A_843 : vector<16xf32> to vector<1x16xf32>
      tpu.vector_store %arg8[%swap3A_844, %swap3A_845], %swap3A_848 {strides = array<i32>} : memref<128x64xf32, #tpu.memory_space<vmem>>, vector<1x16xf32>,
      %get3A_849 = arith.index_cast %scan3A_832 : i32 to index
      %get3A_850 = arith.constant 32 : index
      %get3A_851 = tpu.vector_load %arg6[%get3A_849, %get3A_850] {strides = array<i32>} : memref<128x128xf32, #tpu.memory_space<vmem>>, vector<1x16xf32>,
      %get3A_852 = vector.shape_cast %get3A_851 : vector<1x16xf32> to vector<16xf32>
      %swap3A_853 = arith.index_cast %scan3A_832 : i32 to index
      %swap3A_854 = arith.constant 32 : index
      %swap3A_855 = tpu.vector_load %arg8[%swap3A_853, %swap3A_854] {strides = array<i32>} : memref<128x64xf32, #tpu.memory_space<vmem>>, vector<1x16xf32>,
      %swap3A_856 = vector.shape_cast %swap3A_855 : vector<1x16xf32> to vector<16xf32>
      %swap3A_857 = vector.shape_cast %get3A_852 : vector<16xf32> to vector<1x16xf32>
      tpu.vector_store %arg8[%swap3A_853, %swap3A_854], %swap3A_857 {strides = array<i32>} : memref<128x64xf32, #tpu.memory_space<vmem>>, vector<1x16xf32>,
      %get3A_858 = arith.index_cast %scan3A_832 : i32 to index
      %get3A_859 = arith.constant 48 : index
      %get3A_860 = tpu.vector_load %arg6[%get3A_858, %get3A_859] {strides = array<i32>} : memref<128x128xf32, #tpu.memory_space<vmem>>, vector<1x16xf32>,
      %get3A_861 = vector.shape_cast %get3A_860 : vector<1x16xf32> to vector<16xf32>
      %swap3A_862 = arith.index_cast %scan3A_832 : i32 to index
      %swap3A_863 = arith.constant 48 : index
      %swap3A_864 = tpu.vector_load %arg8[%swap3A_862, %swap3A_863] {strides = array<i32>} : memref<128x64xf32, #tpu.memory_space<vmem>>, vector<1x16xf32>,
      %swap3A_865 = vector.shape_cast %swap3A_864 : vector<1x16xf32> to vector<16xf32>
      %swap3A_866 = vector.shape_cast %get3A_861 : vector<16xf32> to vector<1x16xf32>
      tpu.vector_store %arg8[%swap3A_862, %swap3A_863], %swap3A_866 {strides = array<i32>} : memref<128x64xf32, #tpu.memory_space<vmem>>, vector<1x16xf32>,
    }
    %scan3A_380 = arith.constant 128 : i32
    %add3A_381 = arith.constant 1792 : i32
    %add3A_382 = arith.addi %mul3A_2, %add3A_381 : i32
    %dma_start3A_383 = arith.constant 0 : i32
    %dma_start3A_384 = tpu.memref_slice %arg4[%add3A_382, %dma_start3A_383] : memref<131072x64xf32, #tpu.memory_space<hbm>> -> memref<128x64xf32, #tpu.memory_space<hbm>>
    %dma_start3A_385 = arith.constant 0 : i32
    %dma_start3A_386 = tpu.memref_slice %arg4[%add3A_382, %dma_start3A_385] : memref<131072x64xf32, #tpu.memory_space<hbm>> -> memref<128x64xf32, #tpu.memory_space<hbm>>
    tpu.enqueue_dma source(%arg8 : memref<128x64xf32, #tpu.memory_space<vmem>>) target(%dma_start3A_386 : memref<128x64xf32, #tpu.memory_space<hbm>>) target_semaphore(%arg12 : memref<!tpu.dma_semaphore, #tpu.memory_space<semaphore_mem>>)
    %dma_start3A_387 = arith.constant 2048 : i32
    %dma_start3A_388 = tpu.memref_slice %arg5[%dma_start3A_387] : memref<4096xi32, #tpu.memory_space<vmem>> -> memref<128xi32, #tpu.memory_space<vmem>>
    %dma_start3A_389 = arith.constant 0 : i32
    %dma_start3A_390 = arith.constant 0 : i32
    %dma_start3A_391 = tpu.memref_slice %arg2[%dma_start3A_389, %dma_start3A_390] : memref<8192x128xf32, #tpu.memory_space<hbm>> -> memref<8192x128xf32, #tpu.memory_space<hbm>>
    tpu.enqueue_indirect_dma source(%dma_start3A_391 : memref<8192x128xf32, #tpu.memory_space<hbm>>) target(%arg6 : memref<128x128xf32, #tpu.memory_space<vmem>>) offsets(%dma_start3A_388 : memref<128xi32, #tpu.memory_space<vmem>>) semaphore(%arg10 : memref<!tpu.dma_semaphore, #tpu.memory_space<semaphore_mem>>)
    %dma_wait3A_392 = arith.constant 1920 : i32
    %dma_wait3A_393 = tpu.memref_slice %arg5[%dma_wait3A_392] : memref<4096xi32, #tpu.memory_space<vmem>> -> memref<128xi32, #tpu.memory_space<vmem>>
    %dma_wait3A_394 = arith.constant 0 : i32
    %dma_wait3A_395 = arith.constant 0 : i32
    %dma_wait3A_396 = tpu.memref_slice %arg2[%dma_wait3A_394, %dma_wait3A_395] : memref<8192x128xf32, #tpu.memory_space<hbm>> -> memref<8192x128xf32, #tpu.memory_space<hbm>>
    tpu.wait_indirect_dma semaphore(%arg11 : memref<!tpu.dma_semaphore, #tpu.memory_space<semaphore_mem>>) src(%dma_wait3A_396 : memref<8192x128xf32, #tpu.memory_space<hbm>>) dst(%arg7 : memref<128x128xf32, #tpu.memory_space<vmem>>)
    %dma_wait3A_397 = arith.constant 0 : i32
    %dma_wait3A_398 = tpu.memref_slice %arg4[%add3A_356, %dma_wait3A_397] : memref<131072x64xf32, #tpu.memory_space<hbm>> -> memref<128x64xf32, #tpu.memory_space<hbm>>
    %dma_wait3A_399 = arith.constant 0 : i32
    %dma_wait3A_400 = tpu.memref_slice %arg4[%add3A_356, %dma_wait3A_399] : memref<131072x64xf32, #tpu.memory_space<hbm>> -> memref<128x64xf32, #tpu.memory_space<hbm>>
    tpu.wait_dma2 semaphore(%arg13 : memref<!tpu.dma_semaphore, #tpu.memory_space<semaphore_mem>>) src(%arg9 : memref<128x64xf32, #tpu.memory_space<vmem>>) dst(%dma_wait3A_400 : memref<128x64xf32, #tpu.memory_space<hbm>>)
    %scan3A_401 = arith.constant 0 : i32
    %scan3A_402 = arith.constant 0 : i32
    %scan3A_403 = arith.constant 128 : i32
    %scan3A_404 = arith.addi %scan3A_402, %scan3A_403 : i32
    %scan3A_405 = arith.constant 1 : i32
    scf.for %scan3A_832 = %scan3A_402 to %scan3A_404 step %scan3A_405  : i32 {
      %get3A = arith.index_cast %scan3A_832 : i32 to index
      %get3A_833 = arith.constant 0 : index
      %get3A_834 = tpu.vector_load %arg7[%get3A, %get3A_833] {strides = array<i32>} : memref<128x128xf32, #tpu.memory_space<vmem>>, vector<1x16xf32>,
      %get3A_835 = vector.shape_cast %get3A_834 : vector<1x16xf32> to vector<16xf32>
      %swap3A = arith.index_cast %scan3A_832 : i32 to index
      %swap3A_836 = arith.constant 0 : index
      %swap3A_837 = tpu.vector_load %arg9[%swap3A, %swap3A_836] {strides = array<i32>} : memref<128x64xf32, #tpu.memory_space<vmem>>, vector<1x16xf32>,
      %swap3A_838 = vector.shape_cast %swap3A_837 : vector<1x16xf32> to vector<16xf32>
      %swap3A_839 = vector.shape_cast %get3A_835 : vector<16xf32> to vector<1x16xf32>
      tpu.vector_store %arg9[%swap3A, %swap3A_836], %swap3A_839 {strides = array<i32>} : memref<128x64xf32, #tpu.memory_space<vmem>>, vector<1x16xf32>,
      %get3A_840 = arith.index_cast %scan3A_832 : i32 to index
      %get3A_841 = arith.constant 16 : index
      %get3A_842 = tpu.vector_load %arg7[%get3A_840, %get3A_841] {strides = array<i32>} : memref<128x128xf32, #tpu.memory_space<vmem>>, vector<1x16xf32>,
      %get3A_843 = vector.shape_cast %get3A_842 : vector<1x16xf32> to vector<16xf32>
      %swap3A_844 = arith.index_cast %scan3A_832 : i32 to index
      %swap3A_845 = arith.constant 16 : index
      %swap3A_846 = tpu.vector_load %arg9[%swap3A_844, %swap3A_845] {strides = array<i32>} : memref<128x64xf32, #tpu.memory_space<vmem>>, vector<1x16xf32>,
      %swap3A_847 = vector.shape_cast %swap3A_846 : vector<1x16xf32> to vector<16xf32>
      %swap3A_848 = vector.shape_cast %get3A_843 : vector<16xf32> to vector<1x16xf32>
      tpu.vector_store %arg9[%swap3A_844, %swap3A_845], %swap3A_848 {strides = array<i32>} : memref<128x64xf32, #tpu.memory_space<vmem>>, vector<1x16xf32>,
      %get3A_849 = arith.index_cast %scan3A_832 : i32 to index
      %get3A_850 = arith.constant 32 : index
      %get3A_851 = tpu.vector_load %arg7[%get3A_849, %get3A_850] {strides = array<i32>} : memref<128x128xf32, #tpu.memory_space<vmem>>, vector<1x16xf32>,
      %get3A_852 = vector.shape_cast %get3A_851 : vector<1x16xf32> to vector<16xf32>
      %swap3A_853 = arith.index_cast %scan3A_832 : i32 to index
      %swap3A_854 = arith.constant 32 : index
      %swap3A_855 = tpu.vector_load %arg9[%swap3A_853, %swap3A_854] {strides = array<i32>} : memref<128x64xf32, #tpu.memory_space<vmem>>, vector<1x16xf32>,
      %swap3A_856 = vector.shape_cast %swap3A_855 : vector<1x16xf32> to vector<16xf32>
      %swap3A_857 = vector.shape_cast %get3A_852 : vector<16xf32> to vector<1x16xf32>
      tpu.vector_store %arg9[%swap3A_853, %swap3A_854], %swap3A_857 {strides = array<i32>} : memref<128x64xf32, #tpu.memory_space<vmem>>, vector<1x16xf32>,
      %get3A_858 = arith.index_cast %scan3A_832 : i32 to index
      %get3A_859 = arith.constant 48 : index
      %get3A_860 = tpu.vector_load %arg7[%get3A_858, %get3A_859] {strides = array<i32>} : memref<128x128xf32, #tpu.memory_space<vmem>>, vector<1x16xf32>,
      %get3A_861 = vector.shape_cast %get3A_860 : vector<1x16xf32> to vector<16xf32>
      %swap3A_862 = arith.index_cast %scan3A_832 : i32 to index
      %swap3A_863 = arith.constant 48 : index
      %swap3A_864 = tpu.vector_load %arg9[%swap3A_862, %swap3A_863] {strides = array<i32>} : memref<128x64xf32, #tpu.memory_space<vmem>>, vector<1x16xf32>,
      %swap3A_865 = vector.shape_cast %swap3A_864 : vector<1x16xf32> to vector<16xf32>
      %swap3A_866 = vector.shape_cast %get3A_861 : vector<16xf32> to vector<1x16xf32>
      tpu.vector_store %arg9[%swap3A_862, %swap3A_863], %swap3A_866 {strides = array<i32>} : memref<128x64xf32, #tpu.memory_space<vmem>>, vector<1x16xf32>,
    }
    %scan3A_406 = arith.constant 128 : i32
    %add3A_407 = arith.constant 1920 : i32
    %add3A_408 = arith.addi %mul3A_2, %add3A_407 : i32
    %dma_start3A_409 = arith.constant 0 : i32
    %dma_start3A_410 = tpu.memref_slice %arg4[%add3A_408, %dma_start3A_409] : memref<131072x64xf32, #tpu.memory_space<hbm>> -> memref<128x64xf32, #tpu.memory_space<hbm>>
    %dma_start3A_411 = arith.constant 0 : i32
    %dma_start3A_412 = tpu.memref_slice %arg4[%add3A_408, %dma_start3A_411] : memref<131072x64xf32, #tpu.memory_space<hbm>> -> memref<128x64xf32, #tpu.memory_space<hbm>>
    tpu.enqueue_dma source(%arg9 : memref<128x64xf32, #tpu.memory_space<vmem>>) target(%dma_start3A_412 : memref<128x64xf32, #tpu.memory_space<hbm>>) target_semaphore(%arg13 : memref<!tpu.dma_semaphore, #tpu.memory_space<semaphore_mem>>)
    %dma_start3A_413 = arith.constant 2176 : i32
    %dma_start3A_414 = tpu.memref_slice %arg5[%dma_start3A_413] : memref<4096xi32, #tpu.memory_space<vmem>> -> memref<128xi32, #tpu.memory_space<vmem>>
    %dma_start3A_415 = arith.constant 0 : i32
    %dma_start3A_416 = arith.constant 0 : i32
    %dma_start3A_417 = tpu.memref_slice %arg2[%dma_start3A_415, %dma_start3A_416] : memref<8192x128xf32, #tpu.memory_space<hbm>> -> memref<8192x128xf32, #tpu.memory_space<hbm>>
    tpu.enqueue_indirect_dma source(%dma_start3A_417 : memref<8192x128xf32, #tpu.memory_space<hbm>>) target(%arg7 : memref<128x128xf32, #tpu.memory_space<vmem>>) offsets(%dma_start3A_414 : memref<128xi32, #tpu.memory_space<vmem>>) semaphore(%arg11 : memref<!tpu.dma_semaphore, #tpu.memory_space<semaphore_mem>>)
    %dma_wait3A_418 = arith.constant 2048 : i32
    %dma_wait3A_419 = tpu.memref_slice %arg5[%dma_wait3A_418] : memref<4096xi32, #tpu.memory_space<vmem>> -> memref<128xi32, #tpu.memory_space<vmem>>
    %dma_wait3A_420 = arith.constant 0 : i32
    %dma_wait3A_421 = arith.constant 0 : i32
    %dma_wait3A_422 = tpu.memref_slice %arg2[%dma_wait3A_420, %dma_wait3A_421] : memref<8192x128xf32, #tpu.memory_space<hbm>> -> memref<8192x128xf32, #tpu.memory_space<hbm>>
    tpu.wait_indirect_dma semaphore(%arg10 : memref<!tpu.dma_semaphore, #tpu.memory_space<semaphore_mem>>) src(%dma_wait3A_422 : memref<8192x128xf32, #tpu.memory_space<hbm>>) dst(%arg6 : memref<128x128xf32, #tpu.memory_space<vmem>>)
    %dma_wait3A_423 = arith.constant 0 : i32
    %dma_wait3A_424 = tpu.memref_slice %arg4[%add3A_382, %dma_wait3A_423] : memref<131072x64xf32, #tpu.memory_space<hbm>> -> memref<128x64xf32, #tpu.memory_space<hbm>>
    %dma_wait3A_425 = arith.constant 0 : i32
    %dma_wait3A_426 = tpu.memref_slice %arg4[%add3A_382, %dma_wait3A_425] : memref<131072x64xf32, #tpu.memory_space<hbm>> -> memref<128x64xf32, #tpu.memory_space<hbm>>
    tpu.wait_dma2 semaphore(%arg12 : memref<!tpu.dma_semaphore, #tpu.memory_space<semaphore_mem>>) src(%arg8 : memref<128x64xf32, #tpu.memory_space<vmem>>) dst(%dma_wait3A_426 : memref<128x64xf32, #tpu.memory_space<hbm>>)
    %scan3A_427 = arith.constant 0 : i32
    %scan3A_428 = arith.constant 0 : i32
    %scan3A_429 = arith.constant 128 : i32
    %scan3A_430 = arith.addi %scan3A_428, %scan3A_429 : i32
    %scan3A_431 = arith.constant 1 : i32
    scf.for %scan3A_832 = %scan3A_428 to %scan3A_430 step %scan3A_431  : i32 {
      %get3A = arith.index_cast %scan3A_832 : i32 to index
      %get3A_833 = arith.constant 0 : index
      %get3A_834 = tpu.vector_load %arg6[%get3A, %get3A_833] {strides = array<i32>} : memref<128x128xf32, #tpu.memory_space<vmem>>, vector<1x16xf32>,
      %get3A_835 = vector.shape_cast %get3A_834 : vector<1x16xf32> to vector<16xf32>
      %swap3A = arith.index_cast %scan3A_832 : i32 to index
      %swap3A_836 = arith.constant 0 : index
      %swap3A_837 = tpu.vector_load %arg8[%swap3A, %swap3A_836] {strides = array<i32>} : memref<128x64xf32, #tpu.memory_space<vmem>>, vector<1x16xf32>,
      %swap3A_838 = vector.shape_cast %swap3A_837 : vector<1x16xf32> to vector<16xf32>
      %swap3A_839 = vector.shape_cast %get3A_835 : vector<16xf32> to vector<1x16xf32>
      tpu.vector_store %arg8[%swap3A, %swap3A_836], %swap3A_839 {strides = array<i32>} : memref<128x64xf32, #tpu.memory_space<vmem>>, vector<1x16xf32>,
      %get3A_840 = arith.index_cast %scan3A_832 : i32 to index
      %get3A_841 = arith.constant 16 : index
      %get3A_842 = tpu.vector_load %arg6[%get3A_840, %get3A_841] {strides = array<i32>} : memref<128x128xf32, #tpu.memory_space<vmem>>, vector<1x16xf32>,
      %get3A_843 = vector.shape_cast %get3A_842 : vector<1x16xf32> to vector<16xf32>
      %swap3A_844 = arith.index_cast %scan3A_832 : i32 to index
      %swap3A_845 = arith.constant 16 : index
      %swap3A_846 = tpu.vector_load %arg8[%swap3A_844, %swap3A_845] {strides = array<i32>} : memref<128x64xf32, #tpu.memory_space<vmem>>, vector<1x16xf32>,
      %swap3A_847 = vector.shape_cast %swap3A_846 : vector<1x16xf32> to vector<16xf32>
      %swap3A_848 = vector.shape_cast %get3A_843 : vector<16xf32> to vector<1x16xf32>
      tpu.vector_store %arg8[%swap3A_844, %swap3A_845], %swap3A_848 {strides = array<i32>} : memref<128x64xf32, #tpu.memory_space<vmem>>, vector<1x16xf32>,
      %get3A_849 = arith.index_cast %scan3A_832 : i32 to index
      %get3A_850 = arith.constant 32 : index
      %get3A_851 = tpu.vector_load %arg6[%get3A_849, %get3A_850] {strides = array<i32>} : memref<128x128xf32, #tpu.memory_space<vmem>>, vector<1x16xf32>,
      %get3A_852 = vector.shape_cast %get3A_851 : vector<1x16xf32> to vector<16xf32>
      %swap3A_853 = arith.index_cast %scan3A_832 : i32 to index
      %swap3A_854 = arith.constant 32 : index
      %swap3A_855 = tpu.vector_load %arg8[%swap3A_853, %swap3A_854] {strides = array<i32>} : memref<128x64xf32, #tpu.memory_space<vmem>>, vector<1x16xf32>,
      %swap3A_856 = vector.shape_cast %swap3A_855 : vector<1x16xf32> to vector<16xf32>
      %swap3A_857 = vector.shape_cast %get3A_852 : vector<16xf32> to vector<1x16xf32>
      tpu.vector_store %arg8[%swap3A_853, %swap3A_854], %swap3A_857 {strides = array<i32>} : memref<128x64xf32, #tpu.memory_space<vmem>>, vector<1x16xf32>,
      %get3A_858 = arith.index_cast %scan3A_832 : i32 to index
      %get3A_859 = arith.constant 48 : index
      %get3A_860 = tpu.vector_load %arg6[%get3A_858, %get3A_859] {strides = array<i32>} : memref<128x128xf32, #tpu.memory_space<vmem>>, vector<1x16xf32>,
      %get3A_861 = vector.shape_cast %get3A_860 : vector<1x16xf32> to vector<16xf32>
      %swap3A_862 = arith.index_cast %scan3A_832 : i32 to index
      %swap3A_863 = arith.constant 48 : index
      %swap3A_864 = tpu.vector_load %arg8[%swap3A_862, %swap3A_863] {strides = array<i32>} : memref<128x64xf32, #tpu.memory_space<vmem>>, vector<1x16xf32>,
      %swap3A_865 = vector.shape_cast %swap3A_864 : vector<1x16xf32> to vector<16xf32>
      %swap3A_866 = vector.shape_cast %get3A_861 : vector<16xf32> to vector<1x16xf32>
      tpu.vector_store %arg8[%swap3A_862, %swap3A_863], %swap3A_866 {strides = array<i32>} : memref<128x64xf32, #tpu.memory_space<vmem>>, vector<1x16xf32>,
    }
    %scan3A_432 = arith.constant 128 : i32
    %add3A_433 = arith.constant 2048 : i32
    %add3A_434 = arith.addi %mul3A_2, %add3A_433 : i32
    %dma_start3A_435 = arith.constant 0 : i32
    %dma_start3A_436 = tpu.memref_slice %arg4[%add3A_434, %dma_start3A_435] : memref<131072x64xf32, #tpu.memory_space<hbm>> -> memref<128x64xf32, #tpu.memory_space<hbm>>
    %dma_start3A_437 = arith.constant 0 : i32
    %dma_start3A_438 = tpu.memref_slice %arg4[%add3A_434, %dma_start3A_437] : memref<131072x64xf32, #tpu.memory_space<hbm>> -> memref<128x64xf32, #tpu.memory_space<hbm>>
    tpu.enqueue_dma source(%arg8 : memref<128x64xf32, #tpu.memory_space<vmem>>) target(%dma_start3A_438 : memref<128x64xf32, #tpu.memory_space<hbm>>) target_semaphore(%arg12 : memref<!tpu.dma_semaphore, #tpu.memory_space<semaphore_mem>>)
    %dma_start3A_439 = arith.constant 2304 : i32
    %dma_start3A_440 = tpu.memref_slice %arg5[%dma_start3A_439] : memref<4096xi32, #tpu.memory_space<vmem>> -> memref<128xi32, #tpu.memory_space<vmem>>
    %dma_start3A_441 = arith.constant 0 : i32
    %dma_start3A_442 = arith.constant 0 : i32
    %dma_start3A_443 = tpu.memref_slice %arg2[%dma_start3A_441, %dma_start3A_442] : memref<8192x128xf32, #tpu.memory_space<hbm>> -> memref<8192x128xf32, #tpu.memory_space<hbm>>
    tpu.enqueue_indirect_dma source(%dma_start3A_443 : memref<8192x128xf32, #tpu.memory_space<hbm>>) target(%arg6 : memref<128x128xf32, #tpu.memory_space<vmem>>) offsets(%dma_start3A_440 : memref<128xi32, #tpu.memory_space<vmem>>) semaphore(%arg10 : memref<!tpu.dma_semaphore, #tpu.memory_space<semaphore_mem>>)
    %dma_wait3A_444 = arith.constant 2176 : i32
    %dma_wait3A_445 = tpu.memref_slice %arg5[%dma_wait3A_444] : memref<4096xi32, #tpu.memory_space<vmem>> -> memref<128xi32, #tpu.memory_space<vmem>>
    %dma_wait3A_446 = arith.constant 0 : i32
    %dma_wait3A_447 = arith.constant 0 : i32
    %dma_wait3A_448 = tpu.memref_slice %arg2[%dma_wait3A_446, %dma_wait3A_447] : memref<8192x128xf32, #tpu.memory_space<hbm>> -> memref<8192x128xf32, #tpu.memory_space<hbm>>
    tpu.wait_indirect_dma semaphore(%arg11 : memref<!tpu.dma_semaphore, #tpu.memory_space<semaphore_mem>>) src(%dma_wait3A_448 : memref<8192x128xf32, #tpu.memory_space<hbm>>) dst(%arg7 : memref<128x128xf32, #tpu.memory_space<vmem>>)
    %dma_wait3A_449 = arith.constant 0 : i32
    %dma_wait3A_450 = tpu.memref_slice %arg4[%add3A_408, %dma_wait3A_449] : memref<131072x64xf32, #tpu.memory_space<hbm>> -> memref<128x64xf32, #tpu.memory_space<hbm>>
    %dma_wait3A_451 = arith.constant 0 : i32
    %dma_wait3A_452 = tpu.memref_slice %arg4[%add3A_408, %dma_wait3A_451] : memref<131072x64xf32, #tpu.memory_space<hbm>> -> memref<128x64xf32, #tpu.memory_space<hbm>>
    tpu.wait_dma2 semaphore(%arg13 : memref<!tpu.dma_semaphore, #tpu.memory_space<semaphore_mem>>) src(%arg9 : memref<128x64xf32, #tpu.memory_space<vmem>>) dst(%dma_wait3A_452 : memref<128x64xf32, #tpu.memory_space<hbm>>)
    %scan3A_453 = arith.constant 0 : i32
    %scan3A_454 = arith.constant 0 : i32
    %scan3A_455 = arith.constant 128 : i32
    %scan3A_456 = arith.addi %scan3A_454, %scan3A_455 : i32
    %scan3A_457 = arith.constant 1 : i32
    scf.for %scan3A_832 = %scan3A_454 to %scan3A_456 step %scan3A_457  : i32 {
      %get3A = arith.index_cast %scan3A_832 : i32 to index
      %get3A_833 = arith.constant 0 : index
      %get3A_834 = tpu.vector_load %arg7[%get3A, %get3A_833] {strides = array<i32>} : memref<128x128xf32, #tpu.memory_space<vmem>>, vector<1x16xf32>,
      %get3A_835 = vector.shape_cast %get3A_834 : vector<1x16xf32> to vector<16xf32>
      %swap3A = arith.index_cast %scan3A_832 : i32 to index
      %swap3A_836 = arith.constant 0 : index
      %swap3A_837 = tpu.vector_load %arg9[%swap3A, %swap3A_836] {strides = array<i32>} : memref<128x64xf32, #tpu.memory_space<vmem>>, vector<1x16xf32>,
      %swap3A_838 = vector.shape_cast %swap3A_837 : vector<1x16xf32> to vector<16xf32>
      %swap3A_839 = vector.shape_cast %get3A_835 : vector<16xf32> to vector<1x16xf32>
      tpu.vector_store %arg9[%swap3A, %swap3A_836], %swap3A_839 {strides = array<i32>} : memref<128x64xf32, #tpu.memory_space<vmem>>, vector<1x16xf32>,
      %get3A_840 = arith.index_cast %scan3A_832 : i32 to index
      %get3A_841 = arith.constant 16 : index
      %get3A_842 = tpu.vector_load %arg7[%get3A_840, %get3A_841] {strides = array<i32>} : memref<128x128xf32, #tpu.memory_space<vmem>>, vector<1x16xf32>,
      %get3A_843 = vector.shape_cast %get3A_842 : vector<1x16xf32> to vector<16xf32>
      %swap3A_844 = arith.index_cast %scan3A_832 : i32 to index
      %swap3A_845 = arith.constant 16 : index
      %swap3A_846 = tpu.vector_load %arg9[%swap3A_844, %swap3A_845] {strides = array<i32>} : memref<128x64xf32, #tpu.memory_space<vmem>>, vector<1x16xf32>,
      %swap3A_847 = vector.shape_cast %swap3A_846 : vector<1x16xf32> to vector<16xf32>
      %swap3A_848 = vector.shape_cast %get3A_843 : vector<16xf32> to vector<1x16xf32>
      tpu.vector_store %arg9[%swap3A_844, %swap3A_845], %swap3A_848 {strides = array<i32>} : memref<128x64xf32, #tpu.memory_space<vmem>>, vector<1x16xf32>,
      %get3A_849 = arith.index_cast %scan3A_832 : i32 to index
      %get3A_850 = arith.constant 32 : index
      %get3A_851 = tpu.vector_load %arg7[%get3A_849, %get3A_850] {strides = array<i32>} : memref<128x128xf32, #tpu.memory_space<vmem>>, vector<1x16xf32>,
      %get3A_852 = vector.shape_cast %get3A_851 : vector<1x16xf32> to vector<16xf32>
      %swap3A_853 = arith.index_cast %scan3A_832 : i32 to index
      %swap3A_854 = arith.constant 32 : index
      %swap3A_855 = tpu.vector_load %arg9[%swap3A_853, %swap3A_854] {strides = array<i32>} : memref<128x64xf32, #tpu.memory_space<vmem>>, vector<1x16xf32>,
      %swap3A_856 = vector.shape_cast %swap3A_855 : vector<1x16xf32> to vector<16xf32>
      %swap3A_857 = vector.shape_cast %get3A_852 : vector<16xf32> to vector<1x16xf32>
      tpu.vector_store %arg9[%swap3A_853, %swap3A_854], %swap3A_857 {strides = array<i32>} : memref<128x64xf32, #tpu.memory_space<vmem>>, vector<1x16xf32>,
      %get3A_858 = arith.index_cast %scan3A_832 : i32 to index
      %get3A_859 = arith.constant 48 : index
      %get3A_860 = tpu.vector_load %arg7[%get3A_858, %get3A_859] {strides = array<i32>} : memref<128x128xf32, #tpu.memory_space<vmem>>, vector<1x16xf32>,
      %get3A_861 = vector.shape_cast %get3A_860 : vector<1x16xf32> to vector<16xf32>
      %swap3A_862 = arith.index_cast %scan3A_832 : i32 to index
      %swap3A_863 = arith.constant 48 : index
      %swap3A_864 = tpu.vector_load %arg9[%swap3A_862, %swap3A_863] {strides = array<i32>} : memref<128x64xf32, #tpu.memory_space<vmem>>, vector<1x16xf32>,
      %swap3A_865 = vector.shape_cast %swap3A_864 : vector<1x16xf32> to vector<16xf32>
      %swap3A_866 = vector.shape_cast %get3A_861 : vector<16xf32> to vector<1x16xf32>
      tpu.vector_store %arg9[%swap3A_862, %swap3A_863], %swap3A_866 {strides = array<i32>} : memref<128x64xf32, #tpu.memory_space<vmem>>, vector<1x16xf32>,
    }
    %scan3A_458 = arith.constant 128 : i32
    %add3A_459 = arith.constant 2176 : i32
    %add3A_460 = arith.addi %mul3A_2, %add3A_459 : i32
    %dma_start3A_461 = arith.constant 0 : i32
    %dma_start3A_462 = tpu.memref_slice %arg4[%add3A_460, %dma_start3A_461] : memref<131072x64xf32, #tpu.memory_space<hbm>> -> memref<128x64xf32, #tpu.memory_space<hbm>>
    %dma_start3A_463 = arith.constant 0 : i32
    %dma_start3A_464 = tpu.memref_slice %arg4[%add3A_460, %dma_start3A_463] : memref<131072x64xf32, #tpu.memory_space<hbm>> -> memref<128x64xf32, #tpu.memory_space<hbm>>
    tpu.enqueue_dma source(%arg9 : memref<128x64xf32, #tpu.memory_space<vmem>>) target(%dma_start3A_464 : memref<128x64xf32, #tpu.memory_space<hbm>>) target_semaphore(%arg13 : memref<!tpu.dma_semaphore, #tpu.memory_space<semaphore_mem>>)
    %dma_start3A_465 = arith.constant 2432 : i32
    %dma_start3A_466 = tpu.memref_slice %arg5[%dma_start3A_465] : memref<4096xi32, #tpu.memory_space<vmem>> -> memref<128xi32, #tpu.memory_space<vmem>>
    %dma_start3A_467 = arith.constant 0 : i32
    %dma_start3A_468 = arith.constant 0 : i32
    %dma_start3A_469 = tpu.memref_slice %arg2[%dma_start3A_467, %dma_start3A_468] : memref<8192x128xf32, #tpu.memory_space<hbm>> -> memref<8192x128xf32, #tpu.memory_space<hbm>>
    tpu.enqueue_indirect_dma source(%dma_start3A_469 : memref<8192x128xf32, #tpu.memory_space<hbm>>) target(%arg7 : memref<128x128xf32, #tpu.memory_space<vmem>>) offsets(%dma_start3A_466 : memref<128xi32, #tpu.memory_space<vmem>>) semaphore(%arg11 : memref<!tpu.dma_semaphore, #tpu.memory_space<semaphore_mem>>)
    %dma_wait3A_470 = arith.constant 2304 : i32
    %dma_wait3A_471 = tpu.memref_slice %arg5[%dma_wait3A_470] : memref<4096xi32, #tpu.memory_space<vmem>> -> memref<128xi32, #tpu.memory_space<vmem>>
    %dma_wait3A_472 = arith.constant 0 : i32
    %dma_wait3A_473 = arith.constant 0 : i32
    %dma_wait3A_474 = tpu.memref_slice %arg2[%dma_wait3A_472, %dma_wait3A_473] : memref<8192x128xf32, #tpu.memory_space<hbm>> -> memref<8192x128xf32, #tpu.memory_space<hbm>>
    tpu.wait_indirect_dma semaphore(%arg10 : memref<!tpu.dma_semaphore, #tpu.memory_space<semaphore_mem>>) src(%dma_wait3A_474 : memref<8192x128xf32, #tpu.memory_space<hbm>>) dst(%arg6 : memref<128x128xf32, #tpu.memory_space<vmem>>)
    %dma_wait3A_475 = arith.constant 0 : i32
    %dma_wait3A_476 = tpu.memref_slice %arg4[%add3A_434, %dma_wait3A_475] : memref<131072x64xf32, #tpu.memory_space<hbm>> -> memref<128x64xf32, #tpu.memory_space<hbm>>
    %dma_wait3A_477 = arith.constant 0 : i32
    %dma_wait3A_478 = tpu.memref_slice %arg4[%add3A_434, %dma_wait3A_477] : memref<131072x64xf32, #tpu.memory_space<hbm>> -> memref<128x64xf32, #tpu.memory_space<hbm>>
    tpu.wait_dma2 semaphore(%arg12 : memref<!tpu.dma_semaphore, #tpu.memory_space<semaphore_mem>>) src(%arg8 : memref<128x64xf32, #tpu.memory_space<vmem>>) dst(%dma_wait3A_478 : memref<128x64xf32, #tpu.memory_space<hbm>>)
    %scan3A_479 = arith.constant 0 : i32
    %scan3A_480 = arith.constant 0 : i32
    %scan3A_481 = arith.constant 128 : i32
    %scan3A_482 = arith.addi %scan3A_480, %scan3A_481 : i32
    %scan3A_483 = arith.constant 1 : i32
    scf.for %scan3A_832 = %scan3A_480 to %scan3A_482 step %scan3A_483  : i32 {
      %get3A = arith.index_cast %scan3A_832 : i32 to index
      %get3A_833 = arith.constant 0 : index
      %get3A_834 = tpu.vector_load %arg6[%get3A, %get3A_833] {strides = array<i32>} : memref<128x128xf32, #tpu.memory_space<vmem>>, vector<1x16xf32>,
      %get3A_835 = vector.shape_cast %get3A_834 : vector<1x16xf32> to vector<16xf32>
      %swap3A = arith.index_cast %scan3A_832 : i32 to index
      %swap3A_836 = arith.constant 0 : index
      %swap3A_837 = tpu.vector_load %arg8[%swap3A, %swap3A_836] {strides = array<i32>} : memref<128x64xf32, #tpu.memory_space<vmem>>, vector<1x16xf32>,
      %swap3A_838 = vector.shape_cast %swap3A_837 : vector<1x16xf32> to vector<16xf32>
      %swap3A_839 = vector.shape_cast %get3A_835 : vector<16xf32> to vector<1x16xf32>
      tpu.vector_store %arg8[%swap3A, %swap3A_836], %swap3A_839 {strides = array<i32>} : memref<128x64xf32, #tpu.memory_space<vmem>>, vector<1x16xf32>,
      %get3A_840 = arith.index_cast %scan3A_832 : i32 to index
      %get3A_841 = arith.constant 16 : index
      %get3A_842 = tpu.vector_load %arg6[%get3A_840, %get3A_841] {strides = array<i32>} : memref<128x128xf32, #tpu.memory_space<vmem>>, vector<1x16xf32>,
      %get3A_843 = vector.shape_cast %get3A_842 : vector<1x16xf32> to vector<16xf32>
      %swap3A_844 = arith.index_cast %scan3A_832 : i32 to index
      %swap3A_845 = arith.constant 16 : index
      %swap3A_846 = tpu.vector_load %arg8[%swap3A_844, %swap3A_845] {strides = array<i32>} : memref<128x64xf32, #tpu.memory_space<vmem>>, vector<1x16xf32>,
      %swap3A_847 = vector.shape_cast %swap3A_846 : vector<1x16xf32> to vector<16xf32>
      %swap3A_848 = vector.shape_cast %get3A_843 : vector<16xf32> to vector<1x16xf32>
      tpu.vector_store %arg8[%swap3A_844, %swap3A_845], %swap3A_848 {strides = array<i32>} : memref<128x64xf32, #tpu.memory_space<vmem>>, vector<1x16xf32>,
      %get3A_849 = arith.index_cast %scan3A_832 : i32 to index
      %get3A_850 = arith.constant 32 : index
      %get3A_851 = tpu.vector_load %arg6[%get3A_849, %get3A_850] {strides = array<i32>} : memref<128x128xf32, #tpu.memory_space<vmem>>, vector<1x16xf32>,
      %get3A_852 = vector.shape_cast %get3A_851 : vector<1x16xf32> to vector<16xf32>
      %swap3A_853 = arith.index_cast %scan3A_832 : i32 to index
      %swap3A_854 = arith.constant 32 : index
      %swap3A_855 = tpu.vector_load %arg8[%swap3A_853, %swap3A_854] {strides = array<i32>} : memref<128x64xf32, #tpu.memory_space<vmem>>, vector<1x16xf32>,
      %swap3A_856 = vector.shape_cast %swap3A_855 : vector<1x16xf32> to vector<16xf32>
      %swap3A_857 = vector.shape_cast %get3A_852 : vector<16xf32> to vector<1x16xf32>
      tpu.vector_store %arg8[%swap3A_853, %swap3A_854], %swap3A_857 {strides = array<i32>} : memref<128x64xf32, #tpu.memory_space<vmem>>, vector<1x16xf32>,
      %get3A_858 = arith.index_cast %scan3A_832 : i32 to index
      %get3A_859 = arith.constant 48 : index
      %get3A_860 = tpu.vector_load %arg6[%get3A_858, %get3A_859] {strides = array<i32>} : memref<128x128xf32, #tpu.memory_space<vmem>>, vector<1x16xf32>,
      %get3A_861 = vector.shape_cast %get3A_860 : vector<1x16xf32> to vector<16xf32>
      %swap3A_862 = arith.index_cast %scan3A_832 : i32 to index
      %swap3A_863 = arith.constant 48 : index
      %swap3A_864 = tpu.vector_load %arg8[%swap3A_862, %swap3A_863] {strides = array<i32>} : memref<128x64xf32, #tpu.memory_space<vmem>>, vector<1x16xf32>,
      %swap3A_865 = vector.shape_cast %swap3A_864 : vector<1x16xf32> to vector<16xf32>
      %swap3A_866 = vector.shape_cast %get3A_861 : vector<16xf32> to vector<1x16xf32>
      tpu.vector_store %arg8[%swap3A_862, %swap3A_863], %swap3A_866 {strides = array<i32>} : memref<128x64xf32, #tpu.memory_space<vmem>>, vector<1x16xf32>,
    }
    %scan3A_484 = arith.constant 128 : i32
    %add3A_485 = arith.constant 2304 : i32
    %add3A_486 = arith.addi %mul3A_2, %add3A_485 : i32
    %dma_start3A_487 = arith.constant 0 : i32
    %dma_start3A_488 = tpu.memref_slice %arg4[%add3A_486, %dma_start3A_487] : memref<131072x64xf32, #tpu.memory_space<hbm>> -> memref<128x64xf32, #tpu.memory_space<hbm>>
    %dma_start3A_489 = arith.constant 0 : i32
    %dma_start3A_490 = tpu.memref_slice %arg4[%add3A_486, %dma_start3A_489] : memref<131072x64xf32, #tpu.memory_space<hbm>> -> memref<128x64xf32, #tpu.memory_space<hbm>>
    tpu.enqueue_dma source(%arg8 : memref<128x64xf32, #tpu.memory_space<vmem>>) target(%dma_start3A_490 : memref<128x64xf32, #tpu.memory_space<hbm>>) target_semaphore(%arg12 : memref<!tpu.dma_semaphore, #tpu.memory_space<semaphore_mem>>)
    %dma_start3A_491 = arith.constant 2560 : i32
    %dma_start3A_492 = tpu.memref_slice %arg5[%dma_start3A_491] : memref<4096xi32, #tpu.memory_space<vmem>> -> memref<128xi32, #tpu.memory_space<vmem>>
    %dma_start3A_493 = arith.constant 0 : i32
    %dma_start3A_494 = arith.constant 0 : i32
    %dma_start3A_495 = tpu.memref_slice %arg2[%dma_start3A_493, %dma_start3A_494] : memref<8192x128xf32, #tpu.memory_space<hbm>> -> memref<8192x128xf32, #tpu.memory_space<hbm>>
    tpu.enqueue_indirect_dma source(%dma_start3A_495 : memref<8192x128xf32, #tpu.memory_space<hbm>>) target(%arg6 : memref<128x128xf32, #tpu.memory_space<vmem>>) offsets(%dma_start3A_492 : memref<128xi32, #tpu.memory_space<vmem>>) semaphore(%arg10 : memref<!tpu.dma_semaphore, #tpu.memory_space<semaphore_mem>>)
    %dma_wait3A_496 = arith.constant 2432 : i32
    %dma_wait3A_497 = tpu.memref_slice %arg5[%dma_wait3A_496] : memref<4096xi32, #tpu.memory_space<vmem>> -> memref<128xi32, #tpu.memory_space<vmem>>
    %dma_wait3A_498 = arith.constant 0 : i32
    %dma_wait3A_499 = arith.constant 0 : i32
    %dma_wait3A_500 = tpu.memref_slice %arg2[%dma_wait3A_498, %dma_wait3A_499] : memref<8192x128xf32, #tpu.memory_space<hbm>> -> memref<8192x128xf32, #tpu.memory_space<hbm>>
    tpu.wait_indirect_dma semaphore(%arg11 : memref<!tpu.dma_semaphore, #tpu.memory_space<semaphore_mem>>) src(%dma_wait3A_500 : memref<8192x128xf32, #tpu.memory_space<hbm>>) dst(%arg7 : memref<128x128xf32, #tpu.memory_space<vmem>>)
    %dma_wait3A_501 = arith.constant 0 : i32
    %dma_wait3A_502 = tpu.memref_slice %arg4[%add3A_460, %dma_wait3A_501] : memref<131072x64xf32, #tpu.memory_space<hbm>> -> memref<128x64xf32, #tpu.memory_space<hbm>>
    %dma_wait3A_503 = arith.constant 0 : i32
    %dma_wait3A_504 = tpu.memref_slice %arg4[%add3A_460, %dma_wait3A_503] : memref<131072x64xf32, #tpu.memory_space<hbm>> -> memref<128x64xf32, #tpu.memory_space<hbm>>
    tpu.wait_dma2 semaphore(%arg13 : memref<!tpu.dma_semaphore, #tpu.memory_space<semaphore_mem>>) src(%arg9 : memref<128x64xf32, #tpu.memory_space<vmem>>) dst(%dma_wait3A_504 : memref<128x64xf32, #tpu.memory_space<hbm>>)
    %scan3A_505 = arith.constant 0 : i32
    %scan3A_506 = arith.constant 0 : i32
    %scan3A_507 = arith.constant 128 : i32
    %scan3A_508 = arith.addi %scan3A_506, %scan3A_507 : i32
    %scan3A_509 = arith.constant 1 : i32
    scf.for %scan3A_832 = %scan3A_506 to %scan3A_508 step %scan3A_509  : i32 {
      %get3A = arith.index_cast %scan3A_832 : i32 to index
      %get3A_833 = arith.constant 0 : index
      %get3A_834 = tpu.vector_load %arg7[%get3A, %get3A_833] {strides = array<i32>} : memref<128x128xf32, #tpu.memory_space<vmem>>, vector<1x16xf32>,
      %get3A_835 = vector.shape_cast %get3A_834 : vector<1x16xf32> to vector<16xf32>
      %swap3A = arith.index_cast %scan3A_832 : i32 to index
      %swap3A_836 = arith.constant 0 : index
      %swap3A_837 = tpu.vector_load %arg9[%swap3A, %swap3A_836] {strides = array<i32>} : memref<128x64xf32, #tpu.memory_space<vmem>>, vector<1x16xf32>,
      %swap3A_838 = vector.shape_cast %swap3A_837 : vector<1x16xf32> to vector<16xf32>
      %swap3A_839 = vector.shape_cast %get3A_835 : vector<16xf32> to vector<1x16xf32>
      tpu.vector_store %arg9[%swap3A, %swap3A_836], %swap3A_839 {strides = array<i32>} : memref<128x64xf32, #tpu.memory_space<vmem>>, vector<1x16xf32>,
      %get3A_840 = arith.index_cast %scan3A_832 : i32 to index
      %get3A_841 = arith.constant 16 : index
      %get3A_842 = tpu.vector_load %arg7[%get3A_840, %get3A_841] {strides = array<i32>} : memref<128x128xf32, #tpu.memory_space<vmem>>, vector<1x16xf32>,
      %get3A_843 = vector.shape_cast %get3A_842 : vector<1x16xf32> to vector<16xf32>
      %swap3A_844 = arith.index_cast %scan3A_832 : i32 to index
      %swap3A_845 = arith.constant 16 : index
      %swap3A_846 = tpu.vector_load %arg9[%swap3A_844, %swap3A_845] {strides = array<i32>} : memref<128x64xf32, #tpu.memory_space<vmem>>, vector<1x16xf32>,
      %swap3A_847 = vector.shape_cast %swap3A_846 : vector<1x16xf32> to vector<16xf32>
      %swap3A_848 = vector.shape_cast %get3A_843 : vector<16xf32> to vector<1x16xf32>
      tpu.vector_store %arg9[%swap3A_844, %swap3A_845], %swap3A_848 {strides = array<i32>} : memref<128x64xf32, #tpu.memory_space<vmem>>, vector<1x16xf32>,
      %get3A_849 = arith.index_cast %scan3A_832 : i32 to index
      %get3A_850 = arith.constant 32 : index
      %get3A_851 = tpu.vector_load %arg7[%get3A_849, %get3A_850] {strides = array<i32>} : memref<128x128xf32, #tpu.memory_space<vmem>>, vector<1x16xf32>,
      %get3A_852 = vector.shape_cast %get3A_851 : vector<1x16xf32> to vector<16xf32>
      %swap3A_853 = arith.index_cast %scan3A_832 : i32 to index
      %swap3A_854 = arith.constant 32 : index
      %swap3A_855 = tpu.vector_load %arg9[%swap3A_853, %swap3A_854] {strides = array<i32>} : memref<128x64xf32, #tpu.memory_space<vmem>>, vector<1x16xf32>,
      %swap3A_856 = vector.shape_cast %swap3A_855 : vector<1x16xf32> to vector<16xf32>
      %swap3A_857 = vector.shape_cast %get3A_852 : vector<16xf32> to vector<1x16xf32>
      tpu.vector_store %arg9[%swap3A_853, %swap3A_854], %swap3A_857 {strides = array<i32>} : memref<128x64xf32, #tpu.memory_space<vmem>>, vector<1x16xf32>,
      %get3A_858 = arith.index_cast %scan3A_832 : i32 to index
      %get3A_859 = arith.constant 48 : index
      %get3A_860 = tpu.vector_load %arg7[%get3A_858, %get3A_859] {strides = array<i32>} : memref<128x128xf32, #tpu.memory_space<vmem>>, vector<1x16xf32>,
      %get3A_861 = vector.shape_cast %get3A_860 : vector<1x16xf32> to vector<16xf32>
      %swap3A_862 = arith.index_cast %scan3A_832 : i32 to index
      %swap3A_863 = arith.constant 48 : index
      %swap3A_864 = tpu.vector_load %arg9[%swap3A_862, %swap3A_863] {strides = array<i32>} : memref<128x64xf32, #tpu.memory_space<vmem>>, vector<1x16xf32>,
      %swap3A_865 = vector.shape_cast %swap3A_864 : vector<1x16xf32> to vector<16xf32>
      %swap3A_866 = vector.shape_cast %get3A_861 : vector<16xf32> to vector<1x16xf32>
      tpu.vector_store %arg9[%swap3A_862, %swap3A_863], %swap3A_866 {strides = array<i32>} : memref<128x64xf32, #tpu.memory_space<vmem>>, vector<1x16xf32>,
    }
    %scan3A_510 = arith.constant 128 : i32
    %add3A_511 = arith.constant 2432 : i32
    %add3A_512 = arith.addi %mul3A_2, %add3A_511 : i32
    %dma_start3A_513 = arith.constant 0 : i32
    %dma_start3A_514 = tpu.memref_slice %arg4[%add3A_512, %dma_start3A_513] : memref<131072x64xf32, #tpu.memory_space<hbm>> -> memref<128x64xf32, #tpu.memory_space<hbm>>
    %dma_start3A_515 = arith.constant 0 : i32
    %dma_start3A_516 = tpu.memref_slice %arg4[%add3A_512, %dma_start3A_515] : memref<131072x64xf32, #tpu.memory_space<hbm>> -> memref<128x64xf32, #tpu.memory_space<hbm>>
    tpu.enqueue_dma source(%arg9 : memref<128x64xf32, #tpu.memory_space<vmem>>) target(%dma_start3A_516 : memref<128x64xf32, #tpu.memory_space<hbm>>) target_semaphore(%arg13 : memref<!tpu.dma_semaphore, #tpu.memory_space<semaphore_mem>>)
    %dma_start3A_517 = arith.constant 2688 : i32
    %dma_start3A_518 = tpu.memref_slice %arg5[%dma_start3A_517] : memref<4096xi32, #tpu.memory_space<vmem>> -> memref<128xi32, #tpu.memory_space<vmem>>
    %dma_start3A_519 = arith.constant 0 : i32
    %dma_start3A_520 = arith.constant 0 : i32
    %dma_start3A_521 = tpu.memref_slice %arg2[%dma_start3A_519, %dma_start3A_520] : memref<8192x128xf32, #tpu.memory_space<hbm>> -> memref<8192x128xf32, #tpu.memory_space<hbm>>
    tpu.enqueue_indirect_dma source(%dma_start3A_521 : memref<8192x128xf32, #tpu.memory_space<hbm>>) target(%arg7 : memref<128x128xf32, #tpu.memory_space<vmem>>) offsets(%dma_start3A_518 : memref<128xi32, #tpu.memory_space<vmem>>) semaphore(%arg11 : memref<!tpu.dma_semaphore, #tpu.memory_space<semaphore_mem>>)
    %dma_wait3A_522 = arith.constant 2560 : i32
    %dma_wait3A_523 = tpu.memref_slice %arg5[%dma_wait3A_522] : memref<4096xi32, #tpu.memory_space<vmem>> -> memref<128xi32, #tpu.memory_space<vmem>>
    %dma_wait3A_524 = arith.constant 0 : i32
    %dma_wait3A_525 = arith.constant 0 : i32
    %dma_wait3A_526 = tpu.memref_slice %arg2[%dma_wait3A_524, %dma_wait3A_525] : memref<8192x128xf32, #tpu.memory_space<hbm>> -> memref<8192x128xf32, #tpu.memory_space<hbm>>
    tpu.wait_indirect_dma semaphore(%arg10 : memref<!tpu.dma_semaphore, #tpu.memory_space<semaphore_mem>>) src(%dma_wait3A_526 : memref<8192x128xf32, #tpu.memory_space<hbm>>) dst(%arg6 : memref<128x128xf32, #tpu.memory_space<vmem>>)
    %dma_wait3A_527 = arith.constant 0 : i32
    %dma_wait3A_528 = tpu.memref_slice %arg4[%add3A_486, %dma_wait3A_527] : memref<131072x64xf32, #tpu.memory_space<hbm>> -> memref<128x64xf32, #tpu.memory_space<hbm>>
    %dma_wait3A_529 = arith.constant 0 : i32
    %dma_wait3A_530 = tpu.memref_slice %arg4[%add3A_486, %dma_wait3A_529] : memref<131072x64xf32, #tpu.memory_space<hbm>> -> memref<128x64xf32, #tpu.memory_space<hbm>>
    tpu.wait_dma2 semaphore(%arg12 : memref<!tpu.dma_semaphore, #tpu.memory_space<semaphore_mem>>) src(%arg8 : memref<128x64xf32, #tpu.memory_space<vmem>>) dst(%dma_wait3A_530 : memref<128x64xf32, #tpu.memory_space<hbm>>)
    %scan3A_531 = arith.constant 0 : i32
    %scan3A_532 = arith.constant 0 : i32
    %scan3A_533 = arith.constant 128 : i32
    %scan3A_534 = arith.addi %scan3A_532, %scan3A_533 : i32
    %scan3A_535 = arith.constant 1 : i32
    scf.for %scan3A_832 = %scan3A_532 to %scan3A_534 step %scan3A_535  : i32 {
      %get3A = arith.index_cast %scan3A_832 : i32 to index
      %get3A_833 = arith.constant 0 : index
      %get3A_834 = tpu.vector_load %arg6[%get3A, %get3A_833] {strides = array<i32>} : memref<128x128xf32, #tpu.memory_space<vmem>>, vector<1x16xf32>,
      %get3A_835 = vector.shape_cast %get3A_834 : vector<1x16xf32> to vector<16xf32>
      %swap3A = arith.index_cast %scan3A_832 : i32 to index
      %swap3A_836 = arith.constant 0 : index
      %swap3A_837 = tpu.vector_load %arg8[%swap3A, %swap3A_836] {strides = array<i32>} : memref<128x64xf32, #tpu.memory_space<vmem>>, vector<1x16xf32>,
      %swap3A_838 = vector.shape_cast %swap3A_837 : vector<1x16xf32> to vector<16xf32>
      %swap3A_839 = vector.shape_cast %get3A_835 : vector<16xf32> to vector<1x16xf32>
      tpu.vector_store %arg8[%swap3A, %swap3A_836], %swap3A_839 {strides = array<i32>} : memref<128x64xf32, #tpu.memory_space<vmem>>, vector<1x16xf32>,
      %get3A_840 = arith.index_cast %scan3A_832 : i32 to index
      %get3A_841 = arith.constant 16 : index
      %get3A_842 = tpu.vector_load %arg6[%get3A_840, %get3A_841] {strides = array<i32>} : memref<128x128xf32, #tpu.memory_space<vmem>>, vector<1x16xf32>,
      %get3A_843 = vector.shape_cast %get3A_842 : vector<1x16xf32> to vector<16xf32>
      %swap3A_844 = arith.index_cast %scan3A_832 : i32 to index
      %swap3A_845 = arith.constant 16 : index
      %swap3A_846 = tpu.vector_load %arg8[%swap3A_844, %swap3A_845] {strides = array<i32>} : memref<128x64xf32, #tpu.memory_space<vmem>>, vector<1x16xf32>,
      %swap3A_847 = vector.shape_cast %swap3A_846 : vector<1x16xf32> to vector<16xf32>
      %swap3A_848 = vector.shape_cast %get3A_843 : vector<16xf32> to vector<1x16xf32>
      tpu.vector_store %arg8[%swap3A_844, %swap3A_845], %swap3A_848 {strides = array<i32>} : memref<128x64xf32, #tpu.memory_space<vmem>>, vector<1x16xf32>,
      %get3A_849 = arith.index_cast %scan3A_832 : i32 to index
      %get3A_850 = arith.constant 32 : index
      %get3A_851 = tpu.vector_load %arg6[%get3A_849, %get3A_850] {strides = array<i32>} : memref<128x128xf32, #tpu.memory_space<vmem>>, vector<1x16xf32>,
      %get3A_852 = vector.shape_cast %get3A_851 : vector<1x16xf32> to vector<16xf32>
      %swap3A_853 = arith.index_cast %scan3A_832 : i32 to index
      %swap3A_854 = arith.constant 32 : index
      %swap3A_855 = tpu.vector_load %arg8[%swap3A_853, %swap3A_854] {strides = array<i32>} : memref<128x64xf32, #tpu.memory_space<vmem>>, vector<1x16xf32>,
      %swap3A_856 = vector.shape_cast %swap3A_855 : vector<1x16xf32> to vector<16xf32>
      %swap3A_857 = vector.shape_cast %get3A_852 : vector<16xf32> to vector<1x16xf32>
      tpu.vector_store %arg8[%swap3A_853, %swap3A_854], %swap3A_857 {strides = array<i32>} : memref<128x64xf32, #tpu.memory_space<vmem>>, vector<1x16xf32>,
      %get3A_858 = arith.index_cast %scan3A_832 : i32 to index
      %get3A_859 = arith.constant 48 : index
      %get3A_860 = tpu.vector_load %arg6[%get3A_858, %get3A_859] {strides = array<i32>} : memref<128x128xf32, #tpu.memory_space<vmem>>, vector<1x16xf32>,
      %get3A_861 = vector.shape_cast %get3A_860 : vector<1x16xf32> to vector<16xf32>
      %swap3A_862 = arith.index_cast %scan3A_832 : i32 to index
      %swap3A_863 = arith.constant 48 : index
      %swap3A_864 = tpu.vector_load %arg8[%swap3A_862, %swap3A_863] {strides = array<i32>} : memref<128x64xf32, #tpu.memory_space<vmem>>, vector<1x16xf32>,
      %swap3A_865 = vector.shape_cast %swap3A_864 : vector<1x16xf32> to vector<16xf32>
      %swap3A_866 = vector.shape_cast %get3A_861 : vector<16xf32> to vector<1x16xf32>
      tpu.vector_store %arg8[%swap3A_862, %swap3A_863], %swap3A_866 {strides = array<i32>} : memref<128x64xf32, #tpu.memory_space<vmem>>, vector<1x16xf32>,
    }
    %scan3A_536 = arith.constant 128 : i32
    %add3A_537 = arith.constant 2560 : i32
    %add3A_538 = arith.addi %mul3A_2, %add3A_537 : i32
    %dma_start3A_539 = arith.constant 0 : i32
    %dma_start3A_540 = tpu.memref_slice %arg4[%add3A_538, %dma_start3A_539] : memref<131072x64xf32, #tpu.memory_space<hbm>> -> memref<128x64xf32, #tpu.memory_space<hbm>>
    %dma_start3A_541 = arith.constant 0 : i32
    %dma_start3A_542 = tpu.memref_slice %arg4[%add3A_538, %dma_start3A_541] : memref<131072x64xf32, #tpu.memory_space<hbm>> -> memref<128x64xf32, #tpu.memory_space<hbm>>
    tpu.enqueue_dma source(%arg8 : memref<128x64xf32, #tpu.memory_space<vmem>>) target(%dma_start3A_542 : memref<128x64xf32, #tpu.memory_space<hbm>>) target_semaphore(%arg12 : memref<!tpu.dma_semaphore, #tpu.memory_space<semaphore_mem>>)
    %dma_start3A_543 = arith.constant 2816 : i32
    %dma_start3A_544 = tpu.memref_slice %arg5[%dma_start3A_543] : memref<4096xi32, #tpu.memory_space<vmem>> -> memref<128xi32, #tpu.memory_space<vmem>>
    %dma_start3A_545 = arith.constant 0 : i32
    %dma_start3A_546 = arith.constant 0 : i32
    %dma_start3A_547 = tpu.memref_slice %arg2[%dma_start3A_545, %dma_start3A_546] : memref<8192x128xf32, #tpu.memory_space<hbm>> -> memref<8192x128xf32, #tpu.memory_space<hbm>>
    tpu.enqueue_indirect_dma source(%dma_start3A_547 : memref<8192x128xf32, #tpu.memory_space<hbm>>) target(%arg6 : memref<128x128xf32, #tpu.memory_space<vmem>>) offsets(%dma_start3A_544 : memref<128xi32, #tpu.memory_space<vmem>>) semaphore(%arg10 : memref<!tpu.dma_semaphore, #tpu.memory_space<semaphore_mem>>)
    %dma_wait3A_548 = arith.constant 2688 : i32
    %dma_wait3A_549 = tpu.memref_slice %arg5[%dma_wait3A_548] : memref<4096xi32, #tpu.memory_space<vmem>> -> memref<128xi32, #tpu.memory_space<vmem>>
    %dma_wait3A_550 = arith.constant 0 : i32
    %dma_wait3A_551 = arith.constant 0 : i32
    %dma_wait3A_552 = tpu.memref_slice %arg2[%dma_wait3A_550, %dma_wait3A_551] : memref<8192x128xf32, #tpu.memory_space<hbm>> -> memref<8192x128xf32, #tpu.memory_space<hbm>>
    tpu.wait_indirect_dma semaphore(%arg11 : memref<!tpu.dma_semaphore, #tpu.memory_space<semaphore_mem>>) src(%dma_wait3A_552 : memref<8192x128xf32, #tpu.memory_space<hbm>>) dst(%arg7 : memref<128x128xf32, #tpu.memory_space<vmem>>)
    %dma_wait3A_553 = arith.constant 0 : i32
    %dma_wait3A_554 = tpu.memref_slice %arg4[%add3A_512, %dma_wait3A_553] : memref<131072x64xf32, #tpu.memory_space<hbm>> -> memref<128x64xf32, #tpu.memory_space<hbm>>
    %dma_wait3A_555 = arith.constant 0 : i32
    %dma_wait3A_556 = tpu.memref_slice %arg4[%add3A_512, %dma_wait3A_555] : memref<131072x64xf32, #tpu.memory_space<hbm>> -> memref<128x64xf32, #tpu.memory_space<hbm>>
    tpu.wait_dma2 semaphore(%arg13 : memref<!tpu.dma_semaphore, #tpu.memory_space<semaphore_mem>>) src(%arg9 : memref<128x64xf32, #tpu.memory_space<vmem>>) dst(%dma_wait3A_556 : memref<128x64xf32, #tpu.memory_space<hbm>>)
    %scan3A_557 = arith.constant 0 : i32
    %scan3A_558 = arith.constant 0 : i32
    %scan3A_559 = arith.constant 128 : i32
    %scan3A_560 = arith.addi %scan3A_558, %scan3A_559 : i32
    %scan3A_561 = arith.constant 1 : i32
    scf.for %scan3A_832 = %scan3A_558 to %scan3A_560 step %scan3A_561  : i32 {
      %get3A = arith.index_cast %scan3A_832 : i32 to index
      %get3A_833 = arith.constant 0 : index
      %get3A_834 = tpu.vector_load %arg7[%get3A, %get3A_833] {strides = array<i32>} : memref<128x128xf32, #tpu.memory_space<vmem>>, vector<1x16xf32>,
      %get3A_835 = vector.shape_cast %get3A_834 : vector<1x16xf32> to vector<16xf32>
      %swap3A = arith.index_cast %scan3A_832 : i32 to index
      %swap3A_836 = arith.constant 0 : index
      %swap3A_837 = tpu.vector_load %arg9[%swap3A, %swap3A_836] {strides = array<i32>} : memref<128x64xf32, #tpu.memory_space<vmem>>, vector<1x16xf32>,
      %swap3A_838 = vector.shape_cast %swap3A_837 : vector<1x16xf32> to vector<16xf32>
      %swap3A_839 = vector.shape_cast %get3A_835 : vector<16xf32> to vector<1x16xf32>
      tpu.vector_store %arg9[%swap3A, %swap3A_836], %swap3A_839 {strides = array<i32>} : memref<128x64xf32, #tpu.memory_space<vmem>>, vector<1x16xf32>,
      %get3A_840 = arith.index_cast %scan3A_832 : i32 to index
      %get3A_841 = arith.constant 16 : index
      %get3A_842 = tpu.vector_load %arg7[%get3A_840, %get3A_841] {strides = array<i32>} : memref<128x128xf32, #tpu.memory_space<vmem>>, vector<1x16xf32>,
      %get3A_843 = vector.shape_cast %get3A_842 : vector<1x16xf32> to vector<16xf32>
      %swap3A_844 = arith.index_cast %scan3A_832 : i32 to index
      %swap3A_845 = arith.constant 16 : index
      %swap3A_846 = tpu.vector_load %arg9[%swap3A_844, %swap3A_845] {strides = array<i32>} : memref<128x64xf32, #tpu.memory_space<vmem>>, vector<1x16xf32>,
      %swap3A_847 = vector.shape_cast %swap3A_846 : vector<1x16xf32> to vector<16xf32>
      %swap3A_848 = vector.shape_cast %get3A_843 : vector<16xf32> to vector<1x16xf32>
      tpu.vector_store %arg9[%swap3A_844, %swap3A_845], %swap3A_848 {strides = array<i32>} : memref<128x64xf32, #tpu.memory_space<vmem>>, vector<1x16xf32>,
      %get3A_849 = arith.index_cast %scan3A_832 : i32 to index
      %get3A_850 = arith.constant 32 : index
      %get3A_851 = tpu.vector_load %arg7[%get3A_849, %get3A_850] {strides = array<i32>} : memref<128x128xf32, #tpu.memory_space<vmem>>, vector<1x16xf32>,
      %get3A_852 = vector.shape_cast %get3A_851 : vector<1x16xf32> to vector<16xf32>
      %swap3A_853 = arith.index_cast %scan3A_832 : i32 to index
      %swap3A_854 = arith.constant 32 : index
      %swap3A_855 = tpu.vector_load %arg9[%swap3A_853, %swap3A_854] {strides = array<i32>} : memref<128x64xf32, #tpu.memory_space<vmem>>, vector<1x16xf32>,
      %swap3A_856 = vector.shape_cast %swap3A_855 : vector<1x16xf32> to vector<16xf32>
      %swap3A_857 = vector.shape_cast %get3A_852 : vector<16xf32> to vector<1x16xf32>
      tpu.vector_store %arg9[%swap3A_853, %swap3A_854], %swap3A_857 {strides = array<i32>} : memref<128x64xf32, #tpu.memory_space<vmem>>, vector<1x16xf32>,
      %get3A_858 = arith.index_cast %scan3A_832 : i32 to index
      %get3A_859 = arith.constant 48 : index
      %get3A_860 = tpu.vector_load %arg7[%get3A_858, %get3A_859] {strides = array<i32>} : memref<128x128xf32, #tpu.memory_space<vmem>>, vector<1x16xf32>,
      %get3A_861 = vector.shape_cast %get3A_860 : vector<1x16xf32> to vector<16xf32>
      %swap3A_862 = arith.index_cast %scan3A_832 : i32 to index
      %swap3A_863 = arith.constant 48 : index
      %swap3A_864 = tpu.vector_load %arg9[%swap3A_862, %swap3A_863] {strides = array<i32>} : memref<128x64xf32, #tpu.memory_space<vmem>>, vector<1x16xf32>,
      %swap3A_865 = vector.shape_cast %swap3A_864 : vector<1x16xf32> to vector<16xf32>
      %swap3A_866 = vector.shape_cast %get3A_861 : vector<16xf32> to vector<1x16xf32>
      tpu.vector_store %arg9[%swap3A_862, %swap3A_863], %swap3A_866 {strides = array<i32>} : memref<128x64xf32, #tpu.memory_space<vmem>>, vector<1x16xf32>,
    }
    %scan3A_562 = arith.constant 128 : i32
    %add3A_563 = arith.constant 2688 : i32
    %add3A_564 = arith.addi %mul3A_2, %add3A_563 : i32
    %dma_start3A_565 = arith.constant 0 : i32
    %dma_start3A_566 = tpu.memref_slice %arg4[%add3A_564, %dma_start3A_565] : memref<131072x64xf32, #tpu.memory_space<hbm>> -> memref<128x64xf32, #tpu.memory_space<hbm>>
    %dma_start3A_567 = arith.constant 0 : i32
    %dma_start3A_568 = tpu.memref_slice %arg4[%add3A_564, %dma_start3A_567] : memref<131072x64xf32, #tpu.memory_space<hbm>> -> memref<128x64xf32, #tpu.memory_space<hbm>>
    tpu.enqueue_dma source(%arg9 : memref<128x64xf32, #tpu.memory_space<vmem>>) target(%dma_start3A_568 : memref<128x64xf32, #tpu.memory_space<hbm>>) target_semaphore(%arg13 : memref<!tpu.dma_semaphore, #tpu.memory_space<semaphore_mem>>)
    %dma_start3A_569 = arith.constant 2944 : i32
    %dma_start3A_570 = tpu.memref_slice %arg5[%dma_start3A_569] : memref<4096xi32, #tpu.memory_space<vmem>> -> memref<128xi32, #tpu.memory_space<vmem>>
    %dma_start3A_571 = arith.constant 0 : i32
    %dma_start3A_572 = arith.constant 0 : i32
    %dma_start3A_573 = tpu.memref_slice %arg2[%dma_start3A_571, %dma_start3A_572] : memref<8192x128xf32, #tpu.memory_space<hbm>> -> memref<8192x128xf32, #tpu.memory_space<hbm>>
    tpu.enqueue_indirect_dma source(%dma_start3A_573 : memref<8192x128xf32, #tpu.memory_space<hbm>>) target(%arg7 : memref<128x128xf32, #tpu.memory_space<vmem>>) offsets(%dma_start3A_570 : memref<128xi32, #tpu.memory_space<vmem>>) semaphore(%arg11 : memref<!tpu.dma_semaphore, #tpu.memory_space<semaphore_mem>>)
    %dma_wait3A_574 = arith.constant 2816 : i32
    %dma_wait3A_575 = tpu.memref_slice %arg5[%dma_wait3A_574] : memref<4096xi32, #tpu.memory_space<vmem>> -> memref<128xi32, #tpu.memory_space<vmem>>
    %dma_wait3A_576 = arith.constant 0 : i32
    %dma_wait3A_577 = arith.constant 0 : i32
    %dma_wait3A_578 = tpu.memref_slice %arg2[%dma_wait3A_576, %dma_wait3A_577] : memref<8192x128xf32, #tpu.memory_space<hbm>> -> memref<8192x128xf32, #tpu.memory_space<hbm>>
    tpu.wait_indirect_dma semaphore(%arg10 : memref<!tpu.dma_semaphore, #tpu.memory_space<semaphore_mem>>) src(%dma_wait3A_578 : memref<8192x128xf32, #tpu.memory_space<hbm>>) dst(%arg6 : memref<128x128xf32, #tpu.memory_space<vmem>>)
    %dma_wait3A_579 = arith.constant 0 : i32
    %dma_wait3A_580 = tpu.memref_slice %arg4[%add3A_538, %dma_wait3A_579] : memref<131072x64xf32, #tpu.memory_space<hbm>> -> memref<128x64xf32, #tpu.memory_space<hbm>>
    %dma_wait3A_581 = arith.constant 0 : i32
    %dma_wait3A_582 = tpu.memref_slice %arg4[%add3A_538, %dma_wait3A_581] : memref<131072x64xf32, #tpu.memory_space<hbm>> -> memref<128x64xf32, #tpu.memory_space<hbm>>
    tpu.wait_dma2 semaphore(%arg12 : memref<!tpu.dma_semaphore, #tpu.memory_space<semaphore_mem>>) src(%arg8 : memref<128x64xf32, #tpu.memory_space<vmem>>) dst(%dma_wait3A_582 : memref<128x64xf32, #tpu.memory_space<hbm>>)
    %scan3A_583 = arith.constant 0 : i32
    %scan3A_584 = arith.constant 0 : i32
    %scan3A_585 = arith.constant 128 : i32
    %scan3A_586 = arith.addi %scan3A_584, %scan3A_585 : i32
    %scan3A_587 = arith.constant 1 : i32
    scf.for %scan3A_832 = %scan3A_584 to %scan3A_586 step %scan3A_587  : i32 {
      %get3A = arith.index_cast %scan3A_832 : i32 to index
      %get3A_833 = arith.constant 0 : index
      %get3A_834 = tpu.vector_load %arg6[%get3A, %get3A_833] {strides = array<i32>} : memref<128x128xf32, #tpu.memory_space<vmem>>, vector<1x16xf32>,
      %get3A_835 = vector.shape_cast %get3A_834 : vector<1x16xf32> to vector<16xf32>
      %swap3A = arith.index_cast %scan3A_832 : i32 to index
      %swap3A_836 = arith.constant 0 : index
      %swap3A_837 = tpu.vector_load %arg8[%swap3A, %swap3A_836] {strides = array<i32>} : memref<128x64xf32, #tpu.memory_space<vmem>>, vector<1x16xf32>,
      %swap3A_838 = vector.shape_cast %swap3A_837 : vector<1x16xf32> to vector<16xf32>
      %swap3A_839 = vector.shape_cast %get3A_835 : vector<16xf32> to vector<1x16xf32>
      tpu.vector_store %arg8[%swap3A, %swap3A_836], %swap3A_839 {strides = array<i32>} : memref<128x64xf32, #tpu.memory_space<vmem>>, vector<1x16xf32>,
      %get3A_840 = arith.index_cast %scan3A_832 : i32 to index
      %get3A_841 = arith.constant 16 : index
      %get3A_842 = tpu.vector_load %arg6[%get3A_840, %get3A_841] {strides = array<i32>} : memref<128x128xf32, #tpu.memory_space<vmem>>, vector<1x16xf32>,
      %get3A_843 = vector.shape_cast %get3A_842 : vector<1x16xf32> to vector<16xf32>
      %swap3A_844 = arith.index_cast %scan3A_832 : i32 to index
      %swap3A_845 = arith.constant 16 : index
      %swap3A_846 = tpu.vector_load %arg8[%swap3A_844, %swap3A_845] {strides = array<i32>} : memref<128x64xf32, #tpu.memory_space<vmem>>, vector<1x16xf32>,
      %swap3A_847 = vector.shape_cast %swap3A_846 : vector<1x16xf32> to vector<16xf32>
      %swap3A_848 = vector.shape_cast %get3A_843 : vector<16xf32> to vector<1x16xf32>
      tpu.vector_store %arg8[%swap3A_844, %swap3A_845], %swap3A_848 {strides = array<i32>} : memref<128x64xf32, #tpu.memory_space<vmem>>, vector<1x16xf32>,
      %get3A_849 = arith.index_cast %scan3A_832 : i32 to index
      %get3A_850 = arith.constant 32 : index
      %get3A_851 = tpu.vector_load %arg6[%get3A_849, %get3A_850] {strides = array<i32>} : memref<128x128xf32, #tpu.memory_space<vmem>>, vector<1x16xf32>,
      %get3A_852 = vector.shape_cast %get3A_851 : vector<1x16xf32> to vector<16xf32>
      %swap3A_853 = arith.index_cast %scan3A_832 : i32 to index
      %swap3A_854 = arith.constant 32 : index
      %swap3A_855 = tpu.vector_load %arg8[%swap3A_853, %swap3A_854] {strides = array<i32>} : memref<128x64xf32, #tpu.memory_space<vmem>>, vector<1x16xf32>,
      %swap3A_856 = vector.shape_cast %swap3A_855 : vector<1x16xf32> to vector<16xf32>
      %swap3A_857 = vector.shape_cast %get3A_852 : vector<16xf32> to vector<1x16xf32>
      tpu.vector_store %arg8[%swap3A_853, %swap3A_854], %swap3A_857 {strides = array<i32>} : memref<128x64xf32, #tpu.memory_space<vmem>>, vector<1x16xf32>,
      %get3A_858 = arith.index_cast %scan3A_832 : i32 to index
      %get3A_859 = arith.constant 48 : index
      %get3A_860 = tpu.vector_load %arg6[%get3A_858, %get3A_859] {strides = array<i32>} : memref<128x128xf32, #tpu.memory_space<vmem>>, vector<1x16xf32>,
      %get3A_861 = vector.shape_cast %get3A_860 : vector<1x16xf32> to vector<16xf32>
      %swap3A_862 = arith.index_cast %scan3A_832 : i32 to index
      %swap3A_863 = arith.constant 48 : index
      %swap3A_864 = tpu.vector_load %arg8[%swap3A_862, %swap3A_863] {strides = array<i32>} : memref<128x64xf32, #tpu.memory_space<vmem>>, vector<1x16xf32>,
      %swap3A_865 = vector.shape_cast %swap3A_864 : vector<1x16xf32> to vector<16xf32>
      %swap3A_866 = vector.shape_cast %get3A_861 : vector<16xf32> to vector<1x16xf32>
      tpu.vector_store %arg8[%swap3A_862, %swap3A_863], %swap3A_866 {strides = array<i32>} : memref<128x64xf32, #tpu.memory_space<vmem>>, vector<1x16xf32>,
    }
    %scan3A_588 = arith.constant 128 : i32
    %add3A_589 = arith.constant 2816 : i32
    %add3A_590 = arith.addi %mul3A_2, %add3A_589 : i32
    %dma_start3A_591 = arith.constant 0 : i32
    %dma_start3A_592 = tpu.memref_slice %arg4[%add3A_590, %dma_start3A_591] : memref<131072x64xf32, #tpu.memory_space<hbm>> -> memref<128x64xf32, #tpu.memory_space<hbm>>
    %dma_start3A_593 = arith.constant 0 : i32
    %dma_start3A_594 = tpu.memref_slice %arg4[%add3A_590, %dma_start3A_593] : memref<131072x64xf32, #tpu.memory_space<hbm>> -> memref<128x64xf32, #tpu.memory_space<hbm>>
    tpu.enqueue_dma source(%arg8 : memref<128x64xf32, #tpu.memory_space<vmem>>) target(%dma_start3A_594 : memref<128x64xf32, #tpu.memory_space<hbm>>) target_semaphore(%arg12 : memref<!tpu.dma_semaphore, #tpu.memory_space<semaphore_mem>>)
    %dma_start3A_595 = arith.constant 3072 : i32
    %dma_start3A_596 = tpu.memref_slice %arg5[%dma_start3A_595] : memref<4096xi32, #tpu.memory_space<vmem>> -> memref<128xi32, #tpu.memory_space<vmem>>
    %dma_start3A_597 = arith.constant 0 : i32
    %dma_start3A_598 = arith.constant 0 : i32
    %dma_start3A_599 = tpu.memref_slice %arg2[%dma_start3A_597, %dma_start3A_598] : memref<8192x128xf32, #tpu.memory_space<hbm>> -> memref<8192x128xf32, #tpu.memory_space<hbm>>
    tpu.enqueue_indirect_dma source(%dma_start3A_599 : memref<8192x128xf32, #tpu.memory_space<hbm>>) target(%arg6 : memref<128x128xf32, #tpu.memory_space<vmem>>) offsets(%dma_start3A_596 : memref<128xi32, #tpu.memory_space<vmem>>) semaphore(%arg10 : memref<!tpu.dma_semaphore, #tpu.memory_space<semaphore_mem>>)
    %dma_wait3A_600 = arith.constant 2944 : i32
    %dma_wait3A_601 = tpu.memref_slice %arg5[%dma_wait3A_600] : memref<4096xi32, #tpu.memory_space<vmem>> -> memref<128xi32, #tpu.memory_space<vmem>>
    %dma_wait3A_602 = arith.constant 0 : i32
    %dma_wait3A_603 = arith.constant 0 : i32
    %dma_wait3A_604 = tpu.memref_slice %arg2[%dma_wait3A_602, %dma_wait3A_603] : memref<8192x128xf32, #tpu.memory_space<hbm>> -> memref<8192x128xf32, #tpu.memory_space<hbm>>
    tpu.wait_indirect_dma semaphore(%arg11 : memref<!tpu.dma_semaphore, #tpu.memory_space<semaphore_mem>>) src(%dma_wait3A_604 : memref<8192x128xf32, #tpu.memory_space<hbm>>) dst(%arg7 : memref<128x128xf32, #tpu.memory_space<vmem>>)
    %dma_wait3A_605 = arith.constant 0 : i32
    %dma_wait3A_606 = tpu.memref_slice %arg4[%add3A_564, %dma_wait3A_605] : memref<131072x64xf32, #tpu.memory_space<hbm>> -> memref<128x64xf32, #tpu.memory_space<hbm>>
    %dma_wait3A_607 = arith.constant 0 : i32
    %dma_wait3A_608 = tpu.memref_slice %arg4[%add3A_564, %dma_wait3A_607] : memref<131072x64xf32, #tpu.memory_space<hbm>> -> memref<128x64xf32, #tpu.memory_space<hbm>>
    tpu.wait_dma2 semaphore(%arg13 : memref<!tpu.dma_semaphore, #tpu.memory_space<semaphore_mem>>) src(%arg9 : memref<128x64xf32, #tpu.memory_space<vmem>>) dst(%dma_wait3A_608 : memref<128x64xf32, #tpu.memory_space<hbm>>)
    %scan3A_609 = arith.constant 0 : i32
    %scan3A_610 = arith.constant 0 : i32
    %scan3A_611 = arith.constant 128 : i32
    %scan3A_612 = arith.addi %scan3A_610, %scan3A_611 : i32
    %scan3A_613 = arith.constant 1 : i32
    scf.for %scan3A_832 = %scan3A_610 to %scan3A_612 step %scan3A_613  : i32 {
      %get3A = arith.index_cast %scan3A_832 : i32 to index
      %get3A_833 = arith.constant 0 : index
      %get3A_834 = tpu.vector_load %arg7[%get3A, %get3A_833] {strides = array<i32>} : memref<128x128xf32, #tpu.memory_space<vmem>>, vector<1x16xf32>,
      %get3A_835 = vector.shape_cast %get3A_834 : vector<1x16xf32> to vector<16xf32>
      %swap3A = arith.index_cast %scan3A_832 : i32 to index
      %swap3A_836 = arith.constant 0 : index
      %swap3A_837 = tpu.vector_load %arg9[%swap3A, %swap3A_836] {strides = array<i32>} : memref<128x64xf32, #tpu.memory_space<vmem>>, vector<1x16xf32>,
      %swap3A_838 = vector.shape_cast %swap3A_837 : vector<1x16xf32> to vector<16xf32>
      %swap3A_839 = vector.shape_cast %get3A_835 : vector<16xf32> to vector<1x16xf32>
      tpu.vector_store %arg9[%swap3A, %swap3A_836], %swap3A_839 {strides = array<i32>} : memref<128x64xf32, #tpu.memory_space<vmem>>, vector<1x16xf32>,
      %get3A_840 = arith.index_cast %scan3A_832 : i32 to index
      %get3A_841 = arith.constant 16 : index
      %get3A_842 = tpu.vector_load %arg7[%get3A_840, %get3A_841] {strides = array<i32>} : memref<128x128xf32, #tpu.memory_space<vmem>>, vector<1x16xf32>,
      %get3A_843 = vector.shape_cast %get3A_842 : vector<1x16xf32> to vector<16xf32>
      %swap3A_844 = arith.index_cast %scan3A_832 : i32 to index
      %swap3A_845 = arith.constant 16 : index
      %swap3A_846 = tpu.vector_load %arg9[%swap3A_844, %swap3A_845] {strides = array<i32>} : memref<128x64xf32, #tpu.memory_space<vmem>>, vector<1x16xf32>,
      %swap3A_847 = vector.shape_cast %swap3A_846 : vector<1x16xf32> to vector<16xf32>
      %swap3A_848 = vector.shape_cast %get3A_843 : vector<16xf32> to vector<1x16xf32>
      tpu.vector_store %arg9[%swap3A_844, %swap3A_845], %swap3A_848 {strides = array<i32>} : memref<128x64xf32, #tpu.memory_space<vmem>>, vector<1x16xf32>,
      %get3A_849 = arith.index_cast %scan3A_832 : i32 to index
      %get3A_850 = arith.constant 32 : index
      %get3A_851 = tpu.vector_load %arg7[%get3A_849, %get3A_850] {strides = array<i32>} : memref<128x128xf32, #tpu.memory_space<vmem>>, vector<1x16xf32>,
      %get3A_852 = vector.shape_cast %get3A_851 : vector<1x16xf32> to vector<16xf32>
      %swap3A_853 = arith.index_cast %scan3A_832 : i32 to index
      %swap3A_854 = arith.constant 32 : index
      %swap3A_855 = tpu.vector_load %arg9[%swap3A_853, %swap3A_854] {strides = array<i32>} : memref<128x64xf32, #tpu.memory_space<vmem>>, vector<1x16xf32>,
      %swap3A_856 = vector.shape_cast %swap3A_855 : vector<1x16xf32> to vector<16xf32>
      %swap3A_857 = vector.shape_cast %get3A_852 : vector<16xf32> to vector<1x16xf32>
      tpu.vector_store %arg9[%swap3A_853, %swap3A_854], %swap3A_857 {strides = array<i32>} : memref<128x64xf32, #tpu.memory_space<vmem>>, vector<1x16xf32>,
      %get3A_858 = arith.index_cast %scan3A_832 : i32 to index
      %get3A_859 = arith.constant 48 : index
      %get3A_860 = tpu.vector_load %arg7[%get3A_858, %get3A_859] {strides = array<i32>} : memref<128x128xf32, #tpu.memory_space<vmem>>, vector<1x16xf32>,
      %get3A_861 = vector.shape_cast %get3A_860 : vector<1x16xf32> to vector<16xf32>
      %swap3A_862 = arith.index_cast %scan3A_832 : i32 to index
      %swap3A_863 = arith.constant 48 : index
      %swap3A_864 = tpu.vector_load %arg9[%swap3A_862, %swap3A_863] {strides = array<i32>} : memref<128x64xf32, #tpu.memory_space<vmem>>, vector<1x16xf32>,
      %swap3A_865 = vector.shape_cast %swap3A_864 : vector<1x16xf32> to vector<16xf32>
      %swap3A_866 = vector.shape_cast %get3A_861 : vector<16xf32> to vector<1x16xf32>
      tpu.vector_store %arg9[%swap3A_862, %swap3A_863], %swap3A_866 {strides = array<i32>} : memref<128x64xf32, #tpu.memory_space<vmem>>, vector<1x16xf32>,
    }
    %scan3A_614 = arith.constant 128 : i32
    %add3A_615 = arith.constant 2944 : i32
    %add3A_616 = arith.addi %mul3A_2, %add3A_615 : i32
    %dma_start3A_617 = arith.constant 0 : i32
    %dma_start3A_618 = tpu.memref_slice %arg4[%add3A_616, %dma_start3A_617] : memref<131072x64xf32, #tpu.memory_space<hbm>> -> memref<128x64xf32, #tpu.memory_space<hbm>>
    %dma_start3A_619 = arith.constant 0 : i32
    %dma_start3A_620 = tpu.memref_slice %arg4[%add3A_616, %dma_start3A_619] : memref<131072x64xf32, #tpu.memory_space<hbm>> -> memref<128x64xf32, #tpu.memory_space<hbm>>
    tpu.enqueue_dma source(%arg9 : memref<128x64xf32, #tpu.memory_space<vmem>>) target(%dma_start3A_620 : memref<128x64xf32, #tpu.memory_space<hbm>>) target_semaphore(%arg13 : memref<!tpu.dma_semaphore, #tpu.memory_space<semaphore_mem>>)
    %dma_start3A_621 = arith.constant 3200 : i32
    %dma_start3A_622 = tpu.memref_slice %arg5[%dma_start3A_621] : memref<4096xi32, #tpu.memory_space<vmem>> -> memref<128xi32, #tpu.memory_space<vmem>>
    %dma_start3A_623 = arith.constant 0 : i32
    %dma_start3A_624 = arith.constant 0 : i32
    %dma_start3A_625 = tpu.memref_slice %arg2[%dma_start3A_623, %dma_start3A_624] : memref<8192x128xf32, #tpu.memory_space<hbm>> -> memref<8192x128xf32, #tpu.memory_space<hbm>>
    tpu.enqueue_indirect_dma source(%dma_start3A_625 : memref<8192x128xf32, #tpu.memory_space<hbm>>) target(%arg7 : memref<128x128xf32, #tpu.memory_space<vmem>>) offsets(%dma_start3A_622 : memref<128xi32, #tpu.memory_space<vmem>>) semaphore(%arg11 : memref<!tpu.dma_semaphore, #tpu.memory_space<semaphore_mem>>)
    %dma_wait3A_626 = arith.constant 3072 : i32
    %dma_wait3A_627 = tpu.memref_slice %arg5[%dma_wait3A_626] : memref<4096xi32, #tpu.memory_space<vmem>> -> memref<128xi32, #tpu.memory_space<vmem>>
    %dma_wait3A_628 = arith.constant 0 : i32
    %dma_wait3A_629 = arith.constant 0 : i32
    %dma_wait3A_630 = tpu.memref_slice %arg2[%dma_wait3A_628, %dma_wait3A_629] : memref<8192x128xf32, #tpu.memory_space<hbm>> -> memref<8192x128xf32, #tpu.memory_space<hbm>>
    tpu.wait_indirect_dma semaphore(%arg10 : memref<!tpu.dma_semaphore, #tpu.memory_space<semaphore_mem>>) src(%dma_wait3A_630 : memref<8192x128xf32, #tpu.memory_space<hbm>>) dst(%arg6 : memref<128x128xf32, #tpu.memory_space<vmem>>)
    %dma_wait3A_631 = arith.constant 0 : i32
    %dma_wait3A_632 = tpu.memref_slice %arg4[%add3A_590, %dma_wait3A_631] : memref<131072x64xf32, #tpu.memory_space<hbm>> -> memref<128x64xf32, #tpu.memory_space<hbm>>
    %dma_wait3A_633 = arith.constant 0 : i32
    %dma_wait3A_634 = tpu.memref_slice %arg4[%add3A_590, %dma_wait3A_633] : memref<131072x64xf32, #tpu.memory_space<hbm>> -> memref<128x64xf32, #tpu.memory_space<hbm>>
    tpu.wait_dma2 semaphore(%arg12 : memref<!tpu.dma_semaphore, #tpu.memory_space<semaphore_mem>>) src(%arg8 : memref<128x64xf32, #tpu.memory_space<vmem>>) dst(%dma_wait3A_634 : memref<128x64xf32, #tpu.memory_space<hbm>>)
    %scan3A_635 = arith.constant 0 : i32
    %scan3A_636 = arith.constant 0 : i32
    %scan3A_637 = arith.constant 128 : i32
    %scan3A_638 = arith.addi %scan3A_636, %scan3A_637 : i32
    %scan3A_639 = arith.constant 1 : i32
    scf.for %scan3A_832 = %scan3A_636 to %scan3A_638 step %scan3A_639  : i32 {
      %get3A = arith.index_cast %scan3A_832 : i32 to index
      %get3A_833 = arith.constant 0 : index
      %get3A_834 = tpu.vector_load %arg6[%get3A, %get3A_833] {strides = array<i32>} : memref<128x128xf32, #tpu.memory_space<vmem>>, vector<1x16xf32>,
      %get3A_835 = vector.shape_cast %get3A_834 : vector<1x16xf32> to vector<16xf32>
      %swap3A = arith.index_cast %scan3A_832 : i32 to index
      %swap3A_836 = arith.constant 0 : index
      %swap3A_837 = tpu.vector_load %arg8[%swap3A, %swap3A_836] {strides = array<i32>} : memref<128x64xf32, #tpu.memory_space<vmem>>, vector<1x16xf32>,
      %swap3A_838 = vector.shape_cast %swap3A_837 : vector<1x16xf32> to vector<16xf32>
      %swap3A_839 = vector.shape_cast %get3A_835 : vector<16xf32> to vector<1x16xf32>
      tpu.vector_store %arg8[%swap3A, %swap3A_836], %swap3A_839 {strides = array<i32>} : memref<128x64xf32, #tpu.memory_space<vmem>>, vector<1x16xf32>,
      %get3A_840 = arith.index_cast %scan3A_832 : i32 to index
      %get3A_841 = arith.constant 16 : index
      %get3A_842 = tpu.vector_load %arg6[%get3A_840, %get3A_841] {strides = array<i32>} : memref<128x128xf32, #tpu.memory_space<vmem>>, vector<1x16xf32>,
      %get3A_843 = vector.shape_cast %get3A_842 : vector<1x16xf32> to vector<16xf32>
      %swap3A_844 = arith.index_cast %scan3A_832 : i32 to index
      %swap3A_845 = arith.constant 16 : index
      %swap3A_846 = tpu.vector_load %arg8[%swap3A_844, %swap3A_845] {strides = array<i32>} : memref<128x64xf32, #tpu.memory_space<vmem>>, vector<1x16xf32>,
      %swap3A_847 = vector.shape_cast %swap3A_846 : vector<1x16xf32> to vector<16xf32>
      %swap3A_848 = vector.shape_cast %get3A_843 : vector<16xf32> to vector<1x16xf32>
      tpu.vector_store %arg8[%swap3A_844, %swap3A_845], %swap3A_848 {strides = array<i32>} : memref<128x64xf32, #tpu.memory_space<vmem>>, vector<1x16xf32>,
      %get3A_849 = arith.index_cast %scan3A_832 : i32 to index
      %get3A_850 = arith.constant 32 : index
      %get3A_851 = tpu.vector_load %arg6[%get3A_849, %get3A_850] {strides = array<i32>} : memref<128x128xf32, #tpu.memory_space<vmem>>, vector<1x16xf32>,
      %get3A_852 = vector.shape_cast %get3A_851 : vector<1x16xf32> to vector<16xf32>
      %swap3A_853 = arith.index_cast %scan3A_832 : i32 to index
      %swap3A_854 = arith.constant 32 : index
      %swap3A_855 = tpu.vector_load %arg8[%swap3A_853, %swap3A_854] {strides = array<i32>} : memref<128x64xf32, #tpu.memory_space<vmem>>, vector<1x16xf32>,
      %swap3A_856 = vector.shape_cast %swap3A_855 : vector<1x16xf32> to vector<16xf32>
      %swap3A_857 = vector.shape_cast %get3A_852 : vector<16xf32> to vector<1x16xf32>
      tpu.vector_store %arg8[%swap3A_853, %swap3A_854], %swap3A_857 {strides = array<i32>} : memref<128x64xf32, #tpu.memory_space<vmem>>, vector<1x16xf32>,
      %get3A_858 = arith.index_cast %scan3A_832 : i32 to index
      %get3A_859 = arith.constant 48 : index
      %get3A_860 = tpu.vector_load %arg6[%get3A_858, %get3A_859] {strides = array<i32>} : memref<128x128xf32, #tpu.memory_space<vmem>>, vector<1x16xf32>,
      %get3A_861 = vector.shape_cast %get3A_860 : vector<1x16xf32> to vector<16xf32>
      %swap3A_862 = arith.index_cast %scan3A_832 : i32 to index
      %swap3A_863 = arith.constant 48 : index
      %swap3A_864 = tpu.vector_load %arg8[%swap3A_862, %swap3A_863] {strides = array<i32>} : memref<128x64xf32, #tpu.memory_space<vmem>>, vector<1x16xf32>,
      %swap3A_865 = vector.shape_cast %swap3A_864 : vector<1x16xf32> to vector<16xf32>
      %swap3A_866 = vector.shape_cast %get3A_861 : vector<16xf32> to vector<1x16xf32>
      tpu.vector_store %arg8[%swap3A_862, %swap3A_863], %swap3A_866 {strides = array<i32>} : memref<128x64xf32, #tpu.memory_space<vmem>>, vector<1x16xf32>,
    }
    %scan3A_640 = arith.constant 128 : i32
    %add3A_641 = arith.constant 3072 : i32
    %add3A_642 = arith.addi %mul3A_2, %add3A_641 : i32
    %dma_start3A_643 = arith.constant 0 : i32
    %dma_start3A_644 = tpu.memref_slice %arg4[%add3A_642, %dma_start3A_643] : memref<131072x64xf32, #tpu.memory_space<hbm>> -> memref<128x64xf32, #tpu.memory_space<hbm>>
    %dma_start3A_645 = arith.constant 0 : i32
    %dma_start3A_646 = tpu.memref_slice %arg4[%add3A_642, %dma_start3A_645] : memref<131072x64xf32, #tpu.memory_space<hbm>> -> memref<128x64xf32, #tpu.memory_space<hbm>>
    tpu.enqueue_dma source(%arg8 : memref<128x64xf32, #tpu.memory_space<vmem>>) target(%dma_start3A_646 : memref<128x64xf32, #tpu.memory_space<hbm>>) target_semaphore(%arg12 : memref<!tpu.dma_semaphore, #tpu.memory_space<semaphore_mem>>)
    %dma_start3A_647 = arith.constant 3328 : i32
    %dma_start3A_648 = tpu.memref_slice %arg5[%dma_start3A_647] : memref<4096xi32, #tpu.memory_space<vmem>> -> memref<128xi32, #tpu.memory_space<vmem>>
    %dma_start3A_649 = arith.constant 0 : i32
    %dma_start3A_650 = arith.constant 0 : i32
    %dma_start3A_651 = tpu.memref_slice %arg2[%dma_start3A_649, %dma_start3A_650] : memref<8192x128xf32, #tpu.memory_space<hbm>> -> memref<8192x128xf32, #tpu.memory_space<hbm>>
    tpu.enqueue_indirect_dma source(%dma_start3A_651 : memref<8192x128xf32, #tpu.memory_space<hbm>>) target(%arg6 : memref<128x128xf32, #tpu.memory_space<vmem>>) offsets(%dma_start3A_648 : memref<128xi32, #tpu.memory_space<vmem>>) semaphore(%arg10 : memref<!tpu.dma_semaphore, #tpu.memory_space<semaphore_mem>>)
    %dma_wait3A_652 = arith.constant 3200 : i32
    %dma_wait3A_653 = tpu.memref_slice %arg5[%dma_wait3A_652] : memref<4096xi32, #tpu.memory_space<vmem>> -> memref<128xi32, #tpu.memory_space<vmem>>
    %dma_wait3A_654 = arith.constant 0 : i32
    %dma_wait3A_655 = arith.constant 0 : i32
    %dma_wait3A_656 = tpu.memref_slice %arg2[%dma_wait3A_654, %dma_wait3A_655] : memref<8192x128xf32, #tpu.memory_space<hbm>> -> memref<8192x128xf32, #tpu.memory_space<hbm>>
    tpu.wait_indirect_dma semaphore(%arg11 : memref<!tpu.dma_semaphore, #tpu.memory_space<semaphore_mem>>) src(%dma_wait3A_656 : memref<8192x128xf32, #tpu.memory_space<hbm>>) dst(%arg7 : memref<128x128xf32, #tpu.memory_space<vmem>>)
    %dma_wait3A_657 = arith.constant 0 : i32
    %dma_wait3A_658 = tpu.memref_slice %arg4[%add3A_616, %dma_wait3A_657] : memref<131072x64xf32, #tpu.memory_space<hbm>> -> memref<128x64xf32, #tpu.memory_space<hbm>>
    %dma_wait3A_659 = arith.constant 0 : i32
    %dma_wait3A_660 = tpu.memref_slice %arg4[%add3A_616, %dma_wait3A_659] : memref<131072x64xf32, #tpu.memory_space<hbm>> -> memref<128x64xf32, #tpu.memory_space<hbm>>
    tpu.wait_dma2 semaphore(%arg13 : memref<!tpu.dma_semaphore, #tpu.memory_space<semaphore_mem>>) src(%arg9 : memref<128x64xf32, #tpu.memory_space<vmem>>) dst(%dma_wait3A_660 : memref<128x64xf32, #tpu.memory_space<hbm>>)
    %scan3A_661 = arith.constant 0 : i32
    %scan3A_662 = arith.constant 0 : i32
    %scan3A_663 = arith.constant 128 : i32
    %scan3A_664 = arith.addi %scan3A_662, %scan3A_663 : i32
    %scan3A_665 = arith.constant 1 : i32
    scf.for %scan3A_832 = %scan3A_662 to %scan3A_664 step %scan3A_665  : i32 {
      %get3A = arith.index_cast %scan3A_832 : i32 to index
      %get3A_833 = arith.constant 0 : index
      %get3A_834 = tpu.vector_load %arg7[%get3A, %get3A_833] {strides = array<i32>} : memref<128x128xf32, #tpu.memory_space<vmem>>, vector<1x16xf32>,
      %get3A_835 = vector.shape_cast %get3A_834 : vector<1x16xf32> to vector<16xf32>
      %swap3A = arith.index_cast %scan3A_832 : i32 to index
      %swap3A_836 = arith.constant 0 : index
      %swap3A_837 = tpu.vector_load %arg9[%swap3A, %swap3A_836] {strides = array<i32>} : memref<128x64xf32, #tpu.memory_space<vmem>>, vector<1x16xf32>,
      %swap3A_838 = vector.shape_cast %swap3A_837 : vector<1x16xf32> to vector<16xf32>
      %swap3A_839 = vector.shape_cast %get3A_835 : vector<16xf32> to vector<1x16xf32>
      tpu.vector_store %arg9[%swap3A, %swap3A_836], %swap3A_839 {strides = array<i32>} : memref<128x64xf32, #tpu.memory_space<vmem>>, vector<1x16xf32>,
      %get3A_840 = arith.index_cast %scan3A_832 : i32 to index
      %get3A_841 = arith.constant 16 : index
      %get3A_842 = tpu.vector_load %arg7[%get3A_840, %get3A_841] {strides = array<i32>} : memref<128x128xf32, #tpu.memory_space<vmem>>, vector<1x16xf32>,
      %get3A_843 = vector.shape_cast %get3A_842 : vector<1x16xf32> to vector<16xf32>
      %swap3A_844 = arith.index_cast %scan3A_832 : i32 to index
      %swap3A_845 = arith.constant 16 : index
      %swap3A_846 = tpu.vector_load %arg9[%swap3A_844, %swap3A_845] {strides = array<i32>} : memref<128x64xf32, #tpu.memory_space<vmem>>, vector<1x16xf32>,
      %swap3A_847 = vector.shape_cast %swap3A_846 : vector<1x16xf32> to vector<16xf32>
      %swap3A_848 = vector.shape_cast %get3A_843 : vector<16xf32> to vector<1x16xf32>
      tpu.vector_store %arg9[%swap3A_844, %swap3A_845], %swap3A_848 {strides = array<i32>} : memref<128x64xf32, #tpu.memory_space<vmem>>, vector<1x16xf32>,
      %get3A_849 = arith.index_cast %scan3A_832 : i32 to index
      %get3A_850 = arith.constant 32 : index
      %get3A_851 = tpu.vector_load %arg7[%get3A_849, %get3A_850] {strides = array<i32>} : memref<128x128xf32, #tpu.memory_space<vmem>>, vector<1x16xf32>,
      %get3A_852 = vector.shape_cast %get3A_851 : vector<1x16xf32> to vector<16xf32>
      %swap3A_853 = arith.index_cast %scan3A_832 : i32 to index
      %swap3A_854 = arith.constant 32 : index
      %swap3A_855 = tpu.vector_load %arg9[%swap3A_853, %swap3A_854] {strides = array<i32>} : memref<128x64xf32, #tpu.memory_space<vmem>>, vector<1x16xf32>,
      %swap3A_856 = vector.shape_cast %swap3A_855 : vector<1x16xf32> to vector<16xf32>
      %swap3A_857 = vector.shape_cast %get3A_852 : vector<16xf32> to vector<1x16xf32>
      tpu.vector_store %arg9[%swap3A_853, %swap3A_854], %swap3A_857 {strides = array<i32>} : memref<128x64xf32, #tpu.memory_space<vmem>>, vector<1x16xf32>,
      %get3A_858 = arith.index_cast %scan3A_832 : i32 to index
      %get3A_859 = arith.constant 48 : index
      %get3A_860 = tpu.vector_load %arg7[%get3A_858, %get3A_859] {strides = array<i32>} : memref<128x128xf32, #tpu.memory_space<vmem>>, vector<1x16xf32>,
      %get3A_861 = vector.shape_cast %get3A_860 : vector<1x16xf32> to vector<16xf32>
      %swap3A_862 = arith.index_cast %scan3A_832 : i32 to index
      %swap3A_863 = arith.constant 48 : index
      %swap3A_864 = tpu.vector_load %arg9[%swap3A_862, %swap3A_863] {strides = array<i32>} : memref<128x64xf32, #tpu.memory_space<vmem>>, vector<1x16xf32>,
      %swap3A_865 = vector.shape_cast %swap3A_864 : vector<1x16xf32> to vector<16xf32>
      %swap3A_866 = vector.shape_cast %get3A_861 : vector<16xf32> to vector<1x16xf32>
      tpu.vector_store %arg9[%swap3A_862, %swap3A_863], %swap3A_866 {strides = array<i32>} : memref<128x64xf32, #tpu.memory_space<vmem>>, vector<1x16xf32>,
    }
    %scan3A_666 = arith.constant 128 : i32
    %add3A_667 = arith.constant 3200 : i32
    %add3A_668 = arith.addi %mul3A_2, %add3A_667 : i32
    %dma_start3A_669 = arith.constant 0 : i32
    %dma_start3A_670 = tpu.memref_slice %arg4[%add3A_668, %dma_start3A_669] : memref<131072x64xf32, #tpu.memory_space<hbm>> -> memref<128x64xf32, #tpu.memory_space<hbm>>
    %dma_start3A_671 = arith.constant 0 : i32
    %dma_start3A_672 = tpu.memref_slice %arg4[%add3A_668, %dma_start3A_671] : memref<131072x64xf32, #tpu.memory_space<hbm>> -> memref<128x64xf32, #tpu.memory_space<hbm>>
    tpu.enqueue_dma source(%arg9 : memref<128x64xf32, #tpu.memory_space<vmem>>) target(%dma_start3A_672 : memref<128x64xf32, #tpu.memory_space<hbm>>) target_semaphore(%arg13 : memref<!tpu.dma_semaphore, #tpu.memory_space<semaphore_mem>>)
    %dma_start3A_673 = arith.constant 3456 : i32
    %dma_start3A_674 = tpu.memref_slice %arg5[%dma_start3A_673] : memref<4096xi32, #tpu.memory_space<vmem>> -> memref<128xi32, #tpu.memory_space<vmem>>
    %dma_start3A_675 = arith.constant 0 : i32
    %dma_start3A_676 = arith.constant 0 : i32
    %dma_start3A_677 = tpu.memref_slice %arg2[%dma_start3A_675, %dma_start3A_676] : memref<8192x128xf32, #tpu.memory_space<hbm>> -> memref<8192x128xf32, #tpu.memory_space<hbm>>
    tpu.enqueue_indirect_dma source(%dma_start3A_677 : memref<8192x128xf32, #tpu.memory_space<hbm>>) target(%arg7 : memref<128x128xf32, #tpu.memory_space<vmem>>) offsets(%dma_start3A_674 : memref<128xi32, #tpu.memory_space<vmem>>) semaphore(%arg11 : memref<!tpu.dma_semaphore, #tpu.memory_space<semaphore_mem>>)
    %dma_wait3A_678 = arith.constant 3328 : i32
    %dma_wait3A_679 = tpu.memref_slice %arg5[%dma_wait3A_678] : memref<4096xi32, #tpu.memory_space<vmem>> -> memref<128xi32, #tpu.memory_space<vmem>>
    %dma_wait3A_680 = arith.constant 0 : i32
    %dma_wait3A_681 = arith.constant 0 : i32
    %dma_wait3A_682 = tpu.memref_slice %arg2[%dma_wait3A_680, %dma_wait3A_681] : memref<8192x128xf32, #tpu.memory_space<hbm>> -> memref<8192x128xf32, #tpu.memory_space<hbm>>
    tpu.wait_indirect_dma semaphore(%arg10 : memref<!tpu.dma_semaphore, #tpu.memory_space<semaphore_mem>>) src(%dma_wait3A_682 : memref<8192x128xf32, #tpu.memory_space<hbm>>) dst(%arg6 : memref<128x128xf32, #tpu.memory_space<vmem>>)
    %dma_wait3A_683 = arith.constant 0 : i32
    %dma_wait3A_684 = tpu.memref_slice %arg4[%add3A_642, %dma_wait3A_683] : memref<131072x64xf32, #tpu.memory_space<hbm>> -> memref<128x64xf32, #tpu.memory_space<hbm>>
    %dma_wait3A_685 = arith.constant 0 : i32
    %dma_wait3A_686 = tpu.memref_slice %arg4[%add3A_642, %dma_wait3A_685] : memref<131072x64xf32, #tpu.memory_space<hbm>> -> memref<128x64xf32, #tpu.memory_space<hbm>>
    tpu.wait_dma2 semaphore(%arg12 : memref<!tpu.dma_semaphore, #tpu.memory_space<semaphore_mem>>) src(%arg8 : memref<128x64xf32, #tpu.memory_space<vmem>>) dst(%dma_wait3A_686 : memref<128x64xf32, #tpu.memory_space<hbm>>)
    %scan3A_687 = arith.constant 0 : i32
    %scan3A_688 = arith.constant 0 : i32
    %scan3A_689 = arith.constant 128 : i32
    %scan3A_690 = arith.addi %scan3A_688, %scan3A_689 : i32
    %scan3A_691 = arith.constant 1 : i32
    scf.for %scan3A_832 = %scan3A_688 to %scan3A_690 step %scan3A_691  : i32 {
      %get3A = arith.index_cast %scan3A_832 : i32 to index
      %get3A_833 = arith.constant 0 : index
      %get3A_834 = tpu.vector_load %arg6[%get3A, %get3A_833] {strides = array<i32>} : memref<128x128xf32, #tpu.memory_space<vmem>>, vector<1x16xf32>,
      %get3A_835 = vector.shape_cast %get3A_834 : vector<1x16xf32> to vector<16xf32>
      %swap3A = arith.index_cast %scan3A_832 : i32 to index
      %swap3A_836 = arith.constant 0 : index
      %swap3A_837 = tpu.vector_load %arg8[%swap3A, %swap3A_836] {strides = array<i32>} : memref<128x64xf32, #tpu.memory_space<vmem>>, vector<1x16xf32>,
      %swap3A_838 = vector.shape_cast %swap3A_837 : vector<1x16xf32> to vector<16xf32>
      %swap3A_839 = vector.shape_cast %get3A_835 : vector<16xf32> to vector<1x16xf32>
      tpu.vector_store %arg8[%swap3A, %swap3A_836], %swap3A_839 {strides = array<i32>} : memref<128x64xf32, #tpu.memory_space<vmem>>, vector<1x16xf32>,
      %get3A_840 = arith.index_cast %scan3A_832 : i32 to index
      %get3A_841 = arith.constant 16 : index
      %get3A_842 = tpu.vector_load %arg6[%get3A_840, %get3A_841] {strides = array<i32>} : memref<128x128xf32, #tpu.memory_space<vmem>>, vector<1x16xf32>,
      %get3A_843 = vector.shape_cast %get3A_842 : vector<1x16xf32> to vector<16xf32>
      %swap3A_844 = arith.index_cast %scan3A_832 : i32 to index
      %swap3A_845 = arith.constant 16 : index
      %swap3A_846 = tpu.vector_load %arg8[%swap3A_844, %swap3A_845] {strides = array<i32>} : memref<128x64xf32, #tpu.memory_space<vmem>>, vector<1x16xf32>,
      %swap3A_847 = vector.shape_cast %swap3A_846 : vector<1x16xf32> to vector<16xf32>
      %swap3A_848 = vector.shape_cast %get3A_843 : vector<16xf32> to vector<1x16xf32>
      tpu.vector_store %arg8[%swap3A_844, %swap3A_845], %swap3A_848 {strides = array<i32>} : memref<128x64xf32, #tpu.memory_space<vmem>>, vector<1x16xf32>,
      %get3A_849 = arith.index_cast %scan3A_832 : i32 to index
      %get3A_850 = arith.constant 32 : index
      %get3A_851 = tpu.vector_load %arg6[%get3A_849, %get3A_850] {strides = array<i32>} : memref<128x128xf32, #tpu.memory_space<vmem>>, vector<1x16xf32>,
      %get3A_852 = vector.shape_cast %get3A_851 : vector<1x16xf32> to vector<16xf32>
      %swap3A_853 = arith.index_cast %scan3A_832 : i32 to index
      %swap3A_854 = arith.constant 32 : index
      %swap3A_855 = tpu.vector_load %arg8[%swap3A_853, %swap3A_854] {strides = array<i32>} : memref<128x64xf32, #tpu.memory_space<vmem>>, vector<1x16xf32>,
      %swap3A_856 = vector.shape_cast %swap3A_855 : vector<1x16xf32> to vector<16xf32>
      %swap3A_857 = vector.shape_cast %get3A_852 : vector<16xf32> to vector<1x16xf32>
      tpu.vector_store %arg8[%swap3A_853, %swap3A_854], %swap3A_857 {strides = array<i32>} : memref<128x64xf32, #tpu.memory_space<vmem>>, vector<1x16xf32>,
      %get3A_858 = arith.index_cast %scan3A_832 : i32 to index
      %get3A_859 = arith.constant 48 : index
      %get3A_860 = tpu.vector_load %arg6[%get3A_858, %get3A_859] {strides = array<i32>} : memref<128x128xf32, #tpu.memory_space<vmem>>, vector<1x16xf32>,
      %get3A_861 = vector.shape_cast %get3A_860 : vector<1x16xf32> to vector<16xf32>
      %swap3A_862 = arith.index_cast %scan3A_832 : i32 to index
      %swap3A_863 = arith.constant 48 : index
      %swap3A_864 = tpu.vector_load %arg8[%swap3A_862, %swap3A_863] {strides = array<i32>} : memref<128x64xf32, #tpu.memory_space<vmem>>, vector<1x16xf32>,
      %swap3A_865 = vector.shape_cast %swap3A_864 : vector<1x16xf32> to vector<16xf32>
      %swap3A_866 = vector.shape_cast %get3A_861 : vector<16xf32> to vector<1x16xf32>
      tpu.vector_store %arg8[%swap3A_862, %swap3A_863], %swap3A_866 {strides = array<i32>} : memref<128x64xf32, #tpu.memory_space<vmem>>, vector<1x16xf32>,
    }
    %scan3A_692 = arith.constant 128 : i32
    %add3A_693 = arith.constant 3328 : i32
    %add3A_694 = arith.addi %mul3A_2, %add3A_693 : i32
    %dma_start3A_695 = arith.constant 0 : i32
    %dma_start3A_696 = tpu.memref_slice %arg4[%add3A_694, %dma_start3A_695] : memref<131072x64xf32, #tpu.memory_space<hbm>> -> memref<128x64xf32, #tpu.memory_space<hbm>>
    %dma_start3A_697 = arith.constant 0 : i32
    %dma_start3A_698 = tpu.memref_slice %arg4[%add3A_694, %dma_start3A_697] : memref<131072x64xf32, #tpu.memory_space<hbm>> -> memref<128x64xf32, #tpu.memory_space<hbm>>
    tpu.enqueue_dma source(%arg8 : memref<128x64xf32, #tpu.memory_space<vmem>>) target(%dma_start3A_698 : memref<128x64xf32, #tpu.memory_space<hbm>>) target_semaphore(%arg12 : memref<!tpu.dma_semaphore, #tpu.memory_space<semaphore_mem>>)
    %dma_start3A_699 = arith.constant 3584 : i32
    %dma_start3A_700 = tpu.memref_slice %arg5[%dma_start3A_699] : memref<4096xi32, #tpu.memory_space<vmem>> -> memref<128xi32, #tpu.memory_space<vmem>>
    %dma_start3A_701 = arith.constant 0 : i32
    %dma_start3A_702 = arith.constant 0 : i32
    %dma_start3A_703 = tpu.memref_slice %arg2[%dma_start3A_701, %dma_start3A_702] : memref<8192x128xf32, #tpu.memory_space<hbm>> -> memref<8192x128xf32, #tpu.memory_space<hbm>>
    tpu.enqueue_indirect_dma source(%dma_start3A_703 : memref<8192x128xf32, #tpu.memory_space<hbm>>) target(%arg6 : memref<128x128xf32, #tpu.memory_space<vmem>>) offsets(%dma_start3A_700 : memref<128xi32, #tpu.memory_space<vmem>>) semaphore(%arg10 : memref<!tpu.dma_semaphore, #tpu.memory_space<semaphore_mem>>)
    %dma_wait3A_704 = arith.constant 3456 : i32
    %dma_wait3A_705 = tpu.memref_slice %arg5[%dma_wait3A_704] : memref<4096xi32, #tpu.memory_space<vmem>> -> memref<128xi32, #tpu.memory_space<vmem>>
    %dma_wait3A_706 = arith.constant 0 : i32
    %dma_wait3A_707 = arith.constant 0 : i32
    %dma_wait3A_708 = tpu.memref_slice %arg2[%dma_wait3A_706, %dma_wait3A_707] : memref<8192x128xf32, #tpu.memory_space<hbm>> -> memref<8192x128xf32, #tpu.memory_space<hbm>>
    tpu.wait_indirect_dma semaphore(%arg11 : memref<!tpu.dma_semaphore, #tpu.memory_space<semaphore_mem>>) src(%dma_wait3A_708 : memref<8192x128xf32, #tpu.memory_space<hbm>>) dst(%arg7 : memref<128x128xf32, #tpu.memory_space<vmem>>)
    %dma_wait3A_709 = arith.constant 0 : i32
    %dma_wait3A_710 = tpu.memref_slice %arg4[%add3A_668, %dma_wait3A_709] : memref<131072x64xf32, #tpu.memory_space<hbm>> -> memref<128x64xf32, #tpu.memory_space<hbm>>
    %dma_wait3A_711 = arith.constant 0 : i32
    %dma_wait3A_712 = tpu.memref_slice %arg4[%add3A_668, %dma_wait3A_711] : memref<131072x64xf32, #tpu.memory_space<hbm>> -> memref<128x64xf32, #tpu.memory_space<hbm>>
    tpu.wait_dma2 semaphore(%arg13 : memref<!tpu.dma_semaphore, #tpu.memory_space<semaphore_mem>>) src(%arg9 : memref<128x64xf32, #tpu.memory_space<vmem>>) dst(%dma_wait3A_712 : memref<128x64xf32, #tpu.memory_space<hbm>>)
    %scan3A_713 = arith.constant 0 : i32
    %scan3A_714 = arith.constant 0 : i32
    %scan3A_715 = arith.constant 128 : i32
    %scan3A_716 = arith.addi %scan3A_714, %scan3A_715 : i32
    %scan3A_717 = arith.constant 1 : i32
    scf.for %scan3A_832 = %scan3A_714 to %scan3A_716 step %scan3A_717  : i32 {
      %get3A = arith.index_cast %scan3A_832 : i32 to index
      %get3A_833 = arith.constant 0 : index
      %get3A_834 = tpu.vector_load %arg7[%get3A, %get3A_833] {strides = array<i32>} : memref<128x128xf32, #tpu.memory_space<vmem>>, vector<1x16xf32>,
      %get3A_835 = vector.shape_cast %get3A_834 : vector<1x16xf32> to vector<16xf32>
      %swap3A = arith.index_cast %scan3A_832 : i32 to index
      %swap3A_836 = arith.constant 0 : index
      %swap3A_837 = tpu.vector_load %arg9[%swap3A, %swap3A_836] {strides = array<i32>} : memref<128x64xf32, #tpu.memory_space<vmem>>, vector<1x16xf32>,
      %swap3A_838 = vector.shape_cast %swap3A_837 : vector<1x16xf32> to vector<16xf32>
      %swap3A_839 = vector.shape_cast %get3A_835 : vector<16xf32> to vector<1x16xf32>
      tpu.vector_store %arg9[%swap3A, %swap3A_836], %swap3A_839 {strides = array<i32>} : memref<128x64xf32, #tpu.memory_space<vmem>>, vector<1x16xf32>,
      %get3A_840 = arith.index_cast %scan3A_832 : i32 to index
      %get3A_841 = arith.constant 16 : index
      %get3A_842 = tpu.vector_load %arg7[%get3A_840, %get3A_841] {strides = array<i32>} : memref<128x128xf32, #tpu.memory_space<vmem>>, vector<1x16xf32>,
      %get3A_843 = vector.shape_cast %get3A_842 : vector<1x16xf32> to vector<16xf32>
      %swap3A_844 = arith.index_cast %scan3A_832 : i32 to index
      %swap3A_845 = arith.constant 16 : index
      %swap3A_846 = tpu.vector_load %arg9[%swap3A_844, %swap3A_845] {strides = array<i32>} : memref<128x64xf32, #tpu.memory_space<vmem>>, vector<1x16xf32>,
      %swap3A_847 = vector.shape_cast %swap3A_846 : vector<1x16xf32> to vector<16xf32>
      %swap3A_848 = vector.shape_cast %get3A_843 : vector<16xf32> to vector<1x16xf32>
      tpu.vector_store %arg9[%swap3A_844, %swap3A_845], %swap3A_848 {strides = array<i32>} : memref<128x64xf32, #tpu.memory_space<vmem>>, vector<1x16xf32>,
      %get3A_849 = arith.index_cast %scan3A_832 : i32 to index
      %get3A_850 = arith.constant 32 : index
      %get3A_851 = tpu.vector_load %arg7[%get3A_849, %get3A_850] {strides = array<i32>} : memref<128x128xf32, #tpu.memory_space<vmem>>, vector<1x16xf32>,
      %get3A_852 = vector.shape_cast %get3A_851 : vector<1x16xf32> to vector<16xf32>
      %swap3A_853 = arith.index_cast %scan3A_832 : i32 to index
      %swap3A_854 = arith.constant 32 : index
      %swap3A_855 = tpu.vector_load %arg9[%swap3A_853, %swap3A_854] {strides = array<i32>} : memref<128x64xf32, #tpu.memory_space<vmem>>, vector<1x16xf32>,
      %swap3A_856 = vector.shape_cast %swap3A_855 : vector<1x16xf32> to vector<16xf32>
      %swap3A_857 = vector.shape_cast %get3A_852 : vector<16xf32> to vector<1x16xf32>
      tpu.vector_store %arg9[%swap3A_853, %swap3A_854], %swap3A_857 {strides = array<i32>} : memref<128x64xf32, #tpu.memory_space<vmem>>, vector<1x16xf32>,
      %get3A_858 = arith.index_cast %scan3A_832 : i32 to index
      %get3A_859 = arith.constant 48 : index
      %get3A_860 = tpu.vector_load %arg7[%get3A_858, %get3A_859] {strides = array<i32>} : memref<128x128xf32, #tpu.memory_space<vmem>>, vector<1x16xf32>,
      %get3A_861 = vector.shape_cast %get3A_860 : vector<1x16xf32> to vector<16xf32>
      %swap3A_862 = arith.index_cast %scan3A_832 : i32 to index
      %swap3A_863 = arith.constant 48 : index
      %swap3A_864 = tpu.vector_load %arg9[%swap3A_862, %swap3A_863] {strides = array<i32>} : memref<128x64xf32, #tpu.memory_space<vmem>>, vector<1x16xf32>,
      %swap3A_865 = vector.shape_cast %swap3A_864 : vector<1x16xf32> to vector<16xf32>
      %swap3A_866 = vector.shape_cast %get3A_861 : vector<16xf32> to vector<1x16xf32>
      tpu.vector_store %arg9[%swap3A_862, %swap3A_863], %swap3A_866 {strides = array<i32>} : memref<128x64xf32, #tpu.memory_space<vmem>>, vector<1x16xf32>,
    }
    %scan3A_718 = arith.constant 128 : i32
    %add3A_719 = arith.constant 3456 : i32
    %add3A_720 = arith.addi %mul3A_2, %add3A_719 : i32
    %dma_start3A_721 = arith.constant 0 : i32
    %dma_start3A_722 = tpu.memref_slice %arg4[%add3A_720, %dma_start3A_721] : memref<131072x64xf32, #tpu.memory_space<hbm>> -> memref<128x64xf32, #tpu.memory_space<hbm>>
    %dma_start3A_723 = arith.constant 0 : i32
    %dma_start3A_724 = tpu.memref_slice %arg4[%add3A_720, %dma_start3A_723] : memref<131072x64xf32, #tpu.memory_space<hbm>> -> memref<128x64xf32, #tpu.memory_space<hbm>>
    tpu.enqueue_dma source(%arg9 : memref<128x64xf32, #tpu.memory_space<vmem>>) target(%dma_start3A_724 : memref<128x64xf32, #tpu.memory_space<hbm>>) target_semaphore(%arg13 : memref<!tpu.dma_semaphore, #tpu.memory_space<semaphore_mem>>)
    %dma_start3A_725 = arith.constant 3712 : i32
    %dma_start3A_726 = tpu.memref_slice %arg5[%dma_start3A_725] : memref<4096xi32, #tpu.memory_space<vmem>> -> memref<128xi32, #tpu.memory_space<vmem>>
    %dma_start3A_727 = arith.constant 0 : i32
    %dma_start3A_728 = arith.constant 0 : i32
    %dma_start3A_729 = tpu.memref_slice %arg2[%dma_start3A_727, %dma_start3A_728] : memref<8192x128xf32, #tpu.memory_space<hbm>> -> memref<8192x128xf32, #tpu.memory_space<hbm>>
    tpu.enqueue_indirect_dma source(%dma_start3A_729 : memref<8192x128xf32, #tpu.memory_space<hbm>>) target(%arg7 : memref<128x128xf32, #tpu.memory_space<vmem>>) offsets(%dma_start3A_726 : memref<128xi32, #tpu.memory_space<vmem>>) semaphore(%arg11 : memref<!tpu.dma_semaphore, #tpu.memory_space<semaphore_mem>>)
    %dma_wait3A_730 = arith.constant 3584 : i32
    %dma_wait3A_731 = tpu.memref_slice %arg5[%dma_wait3A_730] : memref<4096xi32, #tpu.memory_space<vmem>> -> memref<128xi32, #tpu.memory_space<vmem>>
    %dma_wait3A_732 = arith.constant 0 : i32
    %dma_wait3A_733 = arith.constant 0 : i32
    %dma_wait3A_734 = tpu.memref_slice %arg2[%dma_wait3A_732, %dma_wait3A_733] : memref<8192x128xf32, #tpu.memory_space<hbm>> -> memref<8192x128xf32, #tpu.memory_space<hbm>>
    tpu.wait_indirect_dma semaphore(%arg10 : memref<!tpu.dma_semaphore, #tpu.memory_space<semaphore_mem>>) src(%dma_wait3A_734 : memref<8192x128xf32, #tpu.memory_space<hbm>>) dst(%arg6 : memref<128x128xf32, #tpu.memory_space<vmem>>)
    %dma_wait3A_735 = arith.constant 0 : i32
    %dma_wait3A_736 = tpu.memref_slice %arg4[%add3A_694, %dma_wait3A_735] : memref<131072x64xf32, #tpu.memory_space<hbm>> -> memref<128x64xf32, #tpu.memory_space<hbm>>
    %dma_wait3A_737 = arith.constant 0 : i32
    %dma_wait3A_738 = tpu.memref_slice %arg4[%add3A_694, %dma_wait3A_737] : memref<131072x64xf32, #tpu.memory_space<hbm>> -> memref<128x64xf32, #tpu.memory_space<hbm>>
    tpu.wait_dma2 semaphore(%arg12 : memref<!tpu.dma_semaphore, #tpu.memory_space<semaphore_mem>>) src(%arg8 : memref<128x64xf32, #tpu.memory_space<vmem>>) dst(%dma_wait3A_738 : memref<128x64xf32, #tpu.memory_space<hbm>>)
    %scan3A_739 = arith.constant 0 : i32
    %scan3A_740 = arith.constant 0 : i32
    %scan3A_741 = arith.constant 128 : i32
    %scan3A_742 = arith.addi %scan3A_740, %scan3A_741 : i32
    %scan3A_743 = arith.constant 1 : i32
    scf.for %scan3A_832 = %scan3A_740 to %scan3A_742 step %scan3A_743  : i32 {
      %get3A = arith.index_cast %scan3A_832 : i32 to index
      %get3A_833 = arith.constant 0 : index
      %get3A_834 = tpu.vector_load %arg6[%get3A, %get3A_833] {strides = array<i32>} : memref<128x128xf32, #tpu.memory_space<vmem>>, vector<1x16xf32>,
      %get3A_835 = vector.shape_cast %get3A_834 : vector<1x16xf32> to vector<16xf32>
      %swap3A = arith.index_cast %scan3A_832 : i32 to index
      %swap3A_836 = arith.constant 0 : index
      %swap3A_837 = tpu.vector_load %arg8[%swap3A, %swap3A_836] {strides = array<i32>} : memref<128x64xf32, #tpu.memory_space<vmem>>, vector<1x16xf32>,
      %swap3A_838 = vector.shape_cast %swap3A_837 : vector<1x16xf32> to vector<16xf32>
      %swap3A_839 = vector.shape_cast %get3A_835 : vector<16xf32> to vector<1x16xf32>
      tpu.vector_store %arg8[%swap3A, %swap3A_836], %swap3A_839 {strides = array<i32>} : memref<128x64xf32, #tpu.memory_space<vmem>>, vector<1x16xf32>,
      %get3A_840 = arith.index_cast %scan3A_832 : i32 to index
      %get3A_841 = arith.constant 16 : index
      %get3A_842 = tpu.vector_load %arg6[%get3A_840, %get3A_841] {strides = array<i32>} : memref<128x128xf32, #tpu.memory_space<vmem>>, vector<1x16xf32>,
      %get3A_843 = vector.shape_cast %get3A_842 : vector<1x16xf32> to vector<16xf32>
      %swap3A_844 = arith.index_cast %scan3A_832 : i32 to index
      %swap3A_845 = arith.constant 16 : index
      %swap3A_846 = tpu.vector_load %arg8[%swap3A_844, %swap3A_845] {strides = array<i32>} : memref<128x64xf32, #tpu.memory_space<vmem>>, vector<1x16xf32>,
      %swap3A_847 = vector.shape_cast %swap3A_846 : vector<1x16xf32> to vector<16xf32>
      %swap3A_848 = vector.shape_cast %get3A_843 : vector<16xf32> to vector<1x16xf32>
      tpu.vector_store %arg8[%swap3A_844, %swap3A_845], %swap3A_848 {strides = array<i32>} : memref<128x64xf32, #tpu.memory_space<vmem>>, vector<1x16xf32>,
      %get3A_849 = arith.index_cast %scan3A_832 : i32 to index
      %get3A_850 = arith.constant 32 : index
      %get3A_851 = tpu.vector_load %arg6[%get3A_849, %get3A_850] {strides = array<i32>} : memref<128x128xf32, #tpu.memory_space<vmem>>, vector<1x16xf32>,
      %get3A_852 = vector.shape_cast %get3A_851 : vector<1x16xf32> to vector<16xf32>
      %swap3A_853 = arith.index_cast %scan3A_832 : i32 to index
      %swap3A_854 = arith.constant 32 : index
      %swap3A_855 = tpu.vector_load %arg8[%swap3A_853, %swap3A_854] {strides = array<i32>} : memref<128x64xf32, #tpu.memory_space<vmem>>, vector<1x16xf32>,
      %swap3A_856 = vector.shape_cast %swap3A_855 : vector<1x16xf32> to vector<16xf32>
      %swap3A_857 = vector.shape_cast %get3A_852 : vector<16xf32> to vector<1x16xf32>
      tpu.vector_store %arg8[%swap3A_853, %swap3A_854], %swap3A_857 {strides = array<i32>} : memref<128x64xf32, #tpu.memory_space<vmem>>, vector<1x16xf32>,
      %get3A_858 = arith.index_cast %scan3A_832 : i32 to index
      %get3A_859 = arith.constant 48 : index
      %get3A_860 = tpu.vector_load %arg6[%get3A_858, %get3A_859] {strides = array<i32>} : memref<128x128xf32, #tpu.memory_space<vmem>>, vector<1x16xf32>,
      %get3A_861 = vector.shape_cast %get3A_860 : vector<1x16xf32> to vector<16xf32>
      %swap3A_862 = arith.index_cast %scan3A_832 : i32 to index
      %swap3A_863 = arith.constant 48 : index
      %swap3A_864 = tpu.vector_load %arg8[%swap3A_862, %swap3A_863] {strides = array<i32>} : memref<128x64xf32, #tpu.memory_space<vmem>>, vector<1x16xf32>,
      %swap3A_865 = vector.shape_cast %swap3A_864 : vector<1x16xf32> to vector<16xf32>
      %swap3A_866 = vector.shape_cast %get3A_861 : vector<16xf32> to vector<1x16xf32>
      tpu.vector_store %arg8[%swap3A_862, %swap3A_863], %swap3A_866 {strides = array<i32>} : memref<128x64xf32, #tpu.memory_space<vmem>>, vector<1x16xf32>,
    }
    %scan3A_744 = arith.constant 128 : i32
    %add3A_745 = arith.constant 3584 : i32
    %add3A_746 = arith.addi %mul3A_2, %add3A_745 : i32
    %dma_start3A_747 = arith.constant 0 : i32
    %dma_start3A_748 = tpu.memref_slice %arg4[%add3A_746, %dma_start3A_747] : memref<131072x64xf32, #tpu.memory_space<hbm>> -> memref<128x64xf32, #tpu.memory_space<hbm>>
    %dma_start3A_749 = arith.constant 0 : i32
    %dma_start3A_750 = tpu.memref_slice %arg4[%add3A_746, %dma_start3A_749] : memref<131072x64xf32, #tpu.memory_space<hbm>> -> memref<128x64xf32, #tpu.memory_space<hbm>>
    tpu.enqueue_dma source(%arg8 : memref<128x64xf32, #tpu.memory_space<vmem>>) target(%dma_start3A_750 : memref<128x64xf32, #tpu.memory_space<hbm>>) target_semaphore(%arg12 : memref<!tpu.dma_semaphore, #tpu.memory_space<semaphore_mem>>)
    %dma_start3A_751 = arith.constant 3840 : i32
    %dma_start3A_752 = tpu.memref_slice %arg5[%dma_start3A_751] : memref<4096xi32, #tpu.memory_space<vmem>> -> memref<128xi32, #tpu.memory_space<vmem>>
    %dma_start3A_753 = arith.constant 0 : i32
    %dma_start3A_754 = arith.constant 0 : i32
    %dma_start3A_755 = tpu.memref_slice %arg2[%dma_start3A_753, %dma_start3A_754] : memref<8192x128xf32, #tpu.memory_space<hbm>> -> memref<8192x128xf32, #tpu.memory_space<hbm>>
    tpu.enqueue_indirect_dma source(%dma_start3A_755 : memref<8192x128xf32, #tpu.memory_space<hbm>>) target(%arg6 : memref<128x128xf32, #tpu.memory_space<vmem>>) offsets(%dma_start3A_752 : memref<128xi32, #tpu.memory_space<vmem>>) semaphore(%arg10 : memref<!tpu.dma_semaphore, #tpu.memory_space<semaphore_mem>>)
    %dma_wait3A_756 = arith.constant 3712 : i32
    %dma_wait3A_757 = tpu.memref_slice %arg5[%dma_wait3A_756] : memref<4096xi32, #tpu.memory_space<vmem>> -> memref<128xi32, #tpu.memory_space<vmem>>
    %dma_wait3A_758 = arith.constant 0 : i32
    %dma_wait3A_759 = arith.constant 0 : i32
    %dma_wait3A_760 = tpu.memref_slice %arg2[%dma_wait3A_758, %dma_wait3A_759] : memref<8192x128xf32, #tpu.memory_space<hbm>> -> memref<8192x128xf32, #tpu.memory_space<hbm>>
    tpu.wait_indirect_dma semaphore(%arg11 : memref<!tpu.dma_semaphore, #tpu.memory_space<semaphore_mem>>) src(%dma_wait3A_760 : memref<8192x128xf32, #tpu.memory_space<hbm>>) dst(%arg7 : memref<128x128xf32, #tpu.memory_space<vmem>>)
    %dma_wait3A_761 = arith.constant 0 : i32
    %dma_wait3A_762 = tpu.memref_slice %arg4[%add3A_720, %dma_wait3A_761] : memref<131072x64xf32, #tpu.memory_space<hbm>> -> memref<128x64xf32, #tpu.memory_space<hbm>>
    %dma_wait3A_763 = arith.constant 0 : i32
    %dma_wait3A_764 = tpu.memref_slice %arg4[%add3A_720, %dma_wait3A_763] : memref<131072x64xf32, #tpu.memory_space<hbm>> -> memref<128x64xf32, #tpu.memory_space<hbm>>
    tpu.wait_dma2 semaphore(%arg13 : memref<!tpu.dma_semaphore, #tpu.memory_space<semaphore_mem>>) src(%arg9 : memref<128x64xf32, #tpu.memory_space<vmem>>) dst(%dma_wait3A_764 : memref<128x64xf32, #tpu.memory_space<hbm>>)
    %scan3A_765 = arith.constant 0 : i32
    %scan3A_766 = arith.constant 0 : i32
    %scan3A_767 = arith.constant 128 : i32
    %scan3A_768 = arith.addi %scan3A_766, %scan3A_767 : i32
    %scan3A_769 = arith.constant 1 : i32
    scf.for %scan3A_832 = %scan3A_766 to %scan3A_768 step %scan3A_769  : i32 {
      %get3A = arith.index_cast %scan3A_832 : i32 to index
      %get3A_833 = arith.constant 0 : index
      %get3A_834 = tpu.vector_load %arg7[%get3A, %get3A_833] {strides = array<i32>} : memref<128x128xf32, #tpu.memory_space<vmem>>, vector<1x16xf32>,
      %get3A_835 = vector.shape_cast %get3A_834 : vector<1x16xf32> to vector<16xf32>
      %swap3A = arith.index_cast %scan3A_832 : i32 to index
      %swap3A_836 = arith.constant 0 : index
      %swap3A_837 = tpu.vector_load %arg9[%swap3A, %swap3A_836] {strides = array<i32>} : memref<128x64xf32, #tpu.memory_space<vmem>>, vector<1x16xf32>,
      %swap3A_838 = vector.shape_cast %swap3A_837 : vector<1x16xf32> to vector<16xf32>
      %swap3A_839 = vector.shape_cast %get3A_835 : vector<16xf32> to vector<1x16xf32>
      tpu.vector_store %arg9[%swap3A, %swap3A_836], %swap3A_839 {strides = array<i32>} : memref<128x64xf32, #tpu.memory_space<vmem>>, vector<1x16xf32>,
      %get3A_840 = arith.index_cast %scan3A_832 : i32 to index
      %get3A_841 = arith.constant 16 : index
      %get3A_842 = tpu.vector_load %arg7[%get3A_840, %get3A_841] {strides = array<i32>} : memref<128x128xf32, #tpu.memory_space<vmem>>, vector<1x16xf32>,
      %get3A_843 = vector.shape_cast %get3A_842 : vector<1x16xf32> to vector<16xf32>
      %swap3A_844 = arith.index_cast %scan3A_832 : i32 to index
      %swap3A_845 = arith.constant 16 : index
      %swap3A_846 = tpu.vector_load %arg9[%swap3A_844, %swap3A_845] {strides = array<i32>} : memref<128x64xf32, #tpu.memory_space<vmem>>, vector<1x16xf32>,
      %swap3A_847 = vector.shape_cast %swap3A_846 : vector<1x16xf32> to vector<16xf32>
      %swap3A_848 = vector.shape_cast %get3A_843 : vector<16xf32> to vector<1x16xf32>
      tpu.vector_store %arg9[%swap3A_844, %swap3A_845], %swap3A_848 {strides = array<i32>} : memref<128x64xf32, #tpu.memory_space<vmem>>, vector<1x16xf32>,
      %get3A_849 = arith.index_cast %scan3A_832 : i32 to index
      %get3A_850 = arith.constant 32 : index
      %get3A_851 = tpu.vector_load %arg7[%get3A_849, %get3A_850] {strides = array<i32>} : memref<128x128xf32, #tpu.memory_space<vmem>>, vector<1x16xf32>,
      %get3A_852 = vector.shape_cast %get3A_851 : vector<1x16xf32> to vector<16xf32>
      %swap3A_853 = arith.index_cast %scan3A_832 : i32 to index
      %swap3A_854 = arith.constant 32 : index
      %swap3A_855 = tpu.vector_load %arg9[%swap3A_853, %swap3A_854] {strides = array<i32>} : memref<128x64xf32, #tpu.memory_space<vmem>>, vector<1x16xf32>,
      %swap3A_856 = vector.shape_cast %swap3A_855 : vector<1x16xf32> to vector<16xf32>
      %swap3A_857 = vector.shape_cast %get3A_852 : vector<16xf32> to vector<1x16xf32>
      tpu.vector_store %arg9[%swap3A_853, %swap3A_854], %swap3A_857 {strides = array<i32>} : memref<128x64xf32, #tpu.memory_space<vmem>>, vector<1x16xf32>,
      %get3A_858 = arith.index_cast %scan3A_832 : i32 to index
      %get3A_859 = arith.constant 48 : index
      %get3A_860 = tpu.vector_load %arg7[%get3A_858, %get3A_859] {strides = array<i32>} : memref<128x128xf32, #tpu.memory_space<vmem>>, vector<1x16xf32>,
      %get3A_861 = vector.shape_cast %get3A_860 : vector<1x16xf32> to vector<16xf32>
      %swap3A_862 = arith.index_cast %scan3A_832 : i32 to index
      %swap3A_863 = arith.constant 48 : index
      %swap3A_864 = tpu.vector_load %arg9[%swap3A_862, %swap3A_863] {strides = array<i32>} : memref<128x64xf32, #tpu.memory_space<vmem>>, vector<1x16xf32>,
      %swap3A_865 = vector.shape_cast %swap3A_864 : vector<1x16xf32> to vector<16xf32>
      %swap3A_866 = vector.shape_cast %get3A_861 : vector<16xf32> to vector<1x16xf32>
      tpu.vector_store %arg9[%swap3A_862, %swap3A_863], %swap3A_866 {strides = array<i32>} : memref<128x64xf32, #tpu.memory_space<vmem>>, vector<1x16xf32>,
    }
    %scan3A_770 = arith.constant 128 : i32
    %add3A_771 = arith.constant 3712 : i32
    %add3A_772 = arith.addi %mul3A_2, %add3A_771 : i32
    %dma_start3A_773 = arith.constant 0 : i32
    %dma_start3A_774 = tpu.memref_slice %arg4[%add3A_772, %dma_start3A_773] : memref<131072x64xf32, #tpu.memory_space<hbm>> -> memref<128x64xf32, #tpu.memory_space<hbm>>
    %dma_start3A_775 = arith.constant 0 : i32
    %dma_start3A_776 = tpu.memref_slice %arg4[%add3A_772, %dma_start3A_775] : memref<131072x64xf32, #tpu.memory_space<hbm>> -> memref<128x64xf32, #tpu.memory_space<hbm>>
    tpu.enqueue_dma source(%arg9 : memref<128x64xf32, #tpu.memory_space<vmem>>) target(%dma_start3A_776 : memref<128x64xf32, #tpu.memory_space<hbm>>) target_semaphore(%arg13 : memref<!tpu.dma_semaphore, #tpu.memory_space<semaphore_mem>>)
    %dma_start3A_777 = arith.constant 3968 : i32
    %dma_start3A_778 = tpu.memref_slice %arg5[%dma_start3A_777] : memref<4096xi32, #tpu.memory_space<vmem>> -> memref<128xi32, #tpu.memory_space<vmem>>
    %dma_start3A_779 = arith.constant 0 : i32
    %dma_start3A_780 = arith.constant 0 : i32
    %dma_start3A_781 = tpu.memref_slice %arg2[%dma_start3A_779, %dma_start3A_780] : memref<8192x128xf32, #tpu.memory_space<hbm>> -> memref<8192x128xf32, #tpu.memory_space<hbm>>
    tpu.enqueue_indirect_dma source(%dma_start3A_781 : memref<8192x128xf32, #tpu.memory_space<hbm>>) target(%arg7 : memref<128x128xf32, #tpu.memory_space<vmem>>) offsets(%dma_start3A_778 : memref<128xi32, #tpu.memory_space<vmem>>) semaphore(%arg11 : memref<!tpu.dma_semaphore, #tpu.memory_space<semaphore_mem>>)
    %dma_wait3A_782 = arith.constant 3840 : i32
    %dma_wait3A_783 = tpu.memref_slice %arg5[%dma_wait3A_782] : memref<4096xi32, #tpu.memory_space<vmem>> -> memref<128xi32, #tpu.memory_space<vmem>>
    %dma_wait3A_784 = arith.constant 0 : i32
    %dma_wait3A_785 = arith.constant 0 : i32
    %dma_wait3A_786 = tpu.memref_slice %arg2[%dma_wait3A_784, %dma_wait3A_785] : memref<8192x128xf32, #tpu.memory_space<hbm>> -> memref<8192x128xf32, #tpu.memory_space<hbm>>
    tpu.wait_indirect_dma semaphore(%arg10 : memref<!tpu.dma_semaphore, #tpu.memory_space<semaphore_mem>>) src(%dma_wait3A_786 : memref<8192x128xf32, #tpu.memory_space<hbm>>) dst(%arg6 : memref<128x128xf32, #tpu.memory_space<vmem>>)
    %dma_wait3A_787 = arith.constant 0 : i32
    %dma_wait3A_788 = tpu.memref_slice %arg4[%add3A_746, %dma_wait3A_787] : memref<131072x64xf32, #tpu.memory_space<hbm>> -> memref<128x64xf32, #tpu.memory_space<hbm>>
    %dma_wait3A_789 = arith.constant 0 : i32
    %dma_wait3A_790 = tpu.memref_slice %arg4[%add3A_746, %dma_wait3A_789] : memref<131072x64xf32, #tpu.memory_space<hbm>> -> memref<128x64xf32, #tpu.memory_space<hbm>>
    tpu.wait_dma2 semaphore(%arg12 : memref<!tpu.dma_semaphore, #tpu.memory_space<semaphore_mem>>) src(%arg8 : memref<128x64xf32, #tpu.memory_space<vmem>>) dst(%dma_wait3A_790 : memref<128x64xf32, #tpu.memory_space<hbm>>)
    %scan3A_791 = arith.constant 0 : i32
    %scan3A_792 = arith.constant 0 : i32
    %scan3A_793 = arith.constant 128 : i32
    %scan3A_794 = arith.addi %scan3A_792, %scan3A_793 : i32
    %scan3A_795 = arith.constant 1 : i32
    scf.for %scan3A_832 = %scan3A_792 to %scan3A_794 step %scan3A_795  : i32 {
      %get3A = arith.index_cast %scan3A_832 : i32 to index
      %get3A_833 = arith.constant 0 : index
      %get3A_834 = tpu.vector_load %arg6[%get3A, %get3A_833] {strides = array<i32>} : memref<128x128xf32, #tpu.memory_space<vmem>>, vector<1x16xf32>,
      %get3A_835 = vector.shape_cast %get3A_834 : vector<1x16xf32> to vector<16xf32>
      %swap3A = arith.index_cast %scan3A_832 : i32 to index
      %swap3A_836 = arith.constant 0 : index
      %swap3A_837 = tpu.vector_load %arg8[%swap3A, %swap3A_836] {strides = array<i32>} : memref<128x64xf32, #tpu.memory_space<vmem>>, vector<1x16xf32>,
      %swap3A_838 = vector.shape_cast %swap3A_837 : vector<1x16xf32> to vector<16xf32>
      %swap3A_839 = vector.shape_cast %get3A_835 : vector<16xf32> to vector<1x16xf32>
      tpu.vector_store %arg8[%swap3A, %swap3A_836], %swap3A_839 {strides = array<i32>} : memref<128x64xf32, #tpu.memory_space<vmem>>, vector<1x16xf32>,
      %get3A_840 = arith.index_cast %scan3A_832 : i32 to index
      %get3A_841 = arith.constant 16 : index
      %get3A_842 = tpu.vector_load %arg6[%get3A_840, %get3A_841] {strides = array<i32>} : memref<128x128xf32, #tpu.memory_space<vmem>>, vector<1x16xf32>,
      %get3A_843 = vector.shape_cast %get3A_842 : vector<1x16xf32> to vector<16xf32>
      %swap3A_844 = arith.index_cast %scan3A_832 : i32 to index
      %swap3A_845 = arith.constant 16 : index
      %swap3A_846 = tpu.vector_load %arg8[%swap3A_844, %swap3A_845] {strides = array<i32>} : memref<128x64xf32, #tpu.memory_space<vmem>>, vector<1x16xf32>,
      %swap3A_847 = vector.shape_cast %swap3A_846 : vector<1x16xf32> to vector<16xf32>
      %swap3A_848 = vector.shape_cast %get3A_843 : vector<16xf32> to vector<1x16xf32>
      tpu.vector_store %arg8[%swap3A_844, %swap3A_845], %swap3A_848 {strides = array<i32>} : memref<128x64xf32, #tpu.memory_space<vmem>>, vector<1x16xf32>,
      %get3A_849 = arith.index_cast %scan3A_832 : i32 to index
      %get3A_850 = arith.constant 32 : index
      %get3A_851 = tpu.vector_load %arg6[%get3A_849, %get3A_850] {strides = array<i32>} : memref<128x128xf32, #tpu.memory_space<vmem>>, vector<1x16xf32>,
      %get3A_852 = vector.shape_cast %get3A_851 : vector<1x16xf32> to vector<16xf32>
      %swap3A_853 = arith.index_cast %scan3A_832 : i32 to index
      %swap3A_854 = arith.constant 32 : index
      %swap3A_855 = tpu.vector_load %arg8[%swap3A_853, %swap3A_854] {strides = array<i32>} : memref<128x64xf32, #tpu.memory_space<vmem>>, vector<1x16xf32>,
      %swap3A_856 = vector.shape_cast %swap3A_855 : vector<1x16xf32> to vector<16xf32>
      %swap3A_857 = vector.shape_cast %get3A_852 : vector<16xf32> to vector<1x16xf32>
      tpu.vector_store %arg8[%swap3A_853, %swap3A_854], %swap3A_857 {strides = array<i32>} : memref<128x64xf32, #tpu.memory_space<vmem>>, vector<1x16xf32>,
      %get3A_858 = arith.index_cast %scan3A_832 : i32 to index
      %get3A_859 = arith.constant 48 : index
      %get3A_860 = tpu.vector_load %arg6[%get3A_858, %get3A_859] {strides = array<i32>} : memref<128x128xf32, #tpu.memory_space<vmem>>, vector<1x16xf32>,
      %get3A_861 = vector.shape_cast %get3A_860 : vector<1x16xf32> to vector<16xf32>
      %swap3A_862 = arith.index_cast %scan3A_832 : i32 to index
      %swap3A_863 = arith.constant 48 : index
      %swap3A_864 = tpu.vector_load %arg8[%swap3A_862, %swap3A_863] {strides = array<i32>} : memref<128x64xf32, #tpu.memory_space<vmem>>, vector<1x16xf32>,
      %swap3A_865 = vector.shape_cast %swap3A_864 : vector<1x16xf32> to vector<16xf32>
      %swap3A_866 = vector.shape_cast %get3A_861 : vector<16xf32> to vector<1x16xf32>
      tpu.vector_store %arg8[%swap3A_862, %swap3A_863], %swap3A_866 {strides = array<i32>} : memref<128x64xf32, #tpu.memory_space<vmem>>, vector<1x16xf32>,
    }
    %scan3A_796 = arith.constant 128 : i32
    %add3A_797 = arith.constant 3840 : i32
    %add3A_798 = arith.addi %mul3A_2, %add3A_797 : i32
    %dma_start3A_799 = arith.constant 0 : i32
    %dma_start3A_800 = tpu.memref_slice %arg4[%add3A_798, %dma_start3A_799] : memref<131072x64xf32, #tpu.memory_space<hbm>> -> memref<128x64xf32, #tpu.memory_space<hbm>>
    %dma_start3A_801 = arith.constant 0 : i32
    %dma_start3A_802 = tpu.memref_slice %arg4[%add3A_798, %dma_start3A_801] : memref<131072x64xf32, #tpu.memory_space<hbm>> -> memref<128x64xf32, #tpu.memory_space<hbm>>
    tpu.enqueue_dma source(%arg8 : memref<128x64xf32, #tpu.memory_space<vmem>>) target(%dma_start3A_802 : memref<128x64xf32, #tpu.memory_space<hbm>>) target_semaphore(%arg12 : memref<!tpu.dma_semaphore, #tpu.memory_space<semaphore_mem>>)
    %dma_wait3A_803 = arith.constant 3968 : i32
    %dma_wait3A_804 = tpu.memref_slice %arg5[%dma_wait3A_803] : memref<4096xi32, #tpu.memory_space<vmem>> -> memref<128xi32, #tpu.memory_space<vmem>>
    %dma_wait3A_805 = arith.constant 0 : i32
    %dma_wait3A_806 = arith.constant 0 : i32
    %dma_wait3A_807 = tpu.memref_slice %arg2[%dma_wait3A_805, %dma_wait3A_806] : memref<8192x128xf32, #tpu.memory_space<hbm>> -> memref<8192x128xf32, #tpu.memory_space<hbm>>
    tpu.wait_indirect_dma semaphore(%arg11 : memref<!tpu.dma_semaphore, #tpu.memory_space<semaphore_mem>>) src(%dma_wait3A_807 : memref<8192x128xf32, #tpu.memory_space<hbm>>) dst(%arg7 : memref<128x128xf32, #tpu.memory_space<vmem>>)
    %dma_wait3A_808 = arith.constant 0 : i32
    %dma_wait3A_809 = tpu.memref_slice %arg4[%add3A_772, %dma_wait3A_808] : memref<131072x64xf32, #tpu.memory_space<hbm>> -> memref<128x64xf32, #tpu.memory_space<hbm>>
    %dma_wait3A_810 = arith.constant 0 : i32
    %dma_wait3A_811 = tpu.memref_slice %arg4[%add3A_772, %dma_wait3A_810] : memref<131072x64xf32, #tpu.memory_space<hbm>> -> memref<128x64xf32, #tpu.memory_space<hbm>>
    tpu.wait_dma2 semaphore(%arg13 : memref<!tpu.dma_semaphore, #tpu.memory_space<semaphore_mem>>) src(%arg9 : memref<128x64xf32, #tpu.memory_space<vmem>>) dst(%dma_wait3A_811 : memref<128x64xf32, #tpu.memory_space<hbm>>)
    %scan3A_812 = arith.constant 0 : i32
    %scan3A_813 = arith.constant 0 : i32
    %scan3A_814 = arith.constant 128 : i32
    %scan3A_815 = arith.addi %scan3A_813, %scan3A_814 : i32
    %scan3A_816 = arith.constant 1 : i32
    scf.for %scan3A_832 = %scan3A_813 to %scan3A_815 step %scan3A_816  : i32 {
      %get3A = arith.index_cast %scan3A_832 : i32 to index
      %get3A_833 = arith.constant 0 : index
      %get3A_834 = tpu.vector_load %arg7[%get3A, %get3A_833] {strides = array<i32>} : memref<128x128xf32, #tpu.memory_space<vmem>>, vector<1x16xf32>,
      %get3A_835 = vector.shape_cast %get3A_834 : vector<1x16xf32> to vector<16xf32>
      %swap3A = arith.index_cast %scan3A_832 : i32 to index
      %swap3A_836 = arith.constant 0 : index
      %swap3A_837 = tpu.vector_load %arg9[%swap3A, %swap3A_836] {strides = array<i32>} : memref<128x64xf32, #tpu.memory_space<vmem>>, vector<1x16xf32>,
      %swap3A_838 = vector.shape_cast %swap3A_837 : vector<1x16xf32> to vector<16xf32>
      %swap3A_839 = vector.shape_cast %get3A_835 : vector<16xf32> to vector<1x16xf32>
      tpu.vector_store %arg9[%swap3A, %swap3A_836], %swap3A_839 {strides = array<i32>} : memref<128x64xf32, #tpu.memory_space<vmem>>, vector<1x16xf32>,
      %get3A_840 = arith.index_cast %scan3A_832 : i32 to index
      %get3A_841 = arith.constant 16 : index
      %get3A_842 = tpu.vector_load %arg7[%get3A_840, %get3A_841] {strides = array<i32>} : memref<128x128xf32, #tpu.memory_space<vmem>>, vector<1x16xf32>,
      %get3A_843 = vector.shape_cast %get3A_842 : vector<1x16xf32> to vector<16xf32>
      %swap3A_844 = arith.index_cast %scan3A_832 : i32 to index
      %swap3A_845 = arith.constant 16 : index
      %swap3A_846 = tpu.vector_load %arg9[%swap3A_844, %swap3A_845] {strides = array<i32>} : memref<128x64xf32, #tpu.memory_space<vmem>>, vector<1x16xf32>,
      %swap3A_847 = vector.shape_cast %swap3A_846 : vector<1x16xf32> to vector<16xf32>
      %swap3A_848 = vector.shape_cast %get3A_843 : vector<16xf32> to vector<1x16xf32>
      tpu.vector_store %arg9[%swap3A_844, %swap3A_845], %swap3A_848 {strides = array<i32>} : memref<128x64xf32, #tpu.memory_space<vmem>>, vector<1x16xf32>,
      %get3A_849 = arith.index_cast %scan3A_832 : i32 to index
      %get3A_850 = arith.constant 32 : index
      %get3A_851 = tpu.vector_load %arg7[%get3A_849, %get3A_850] {strides = array<i32>} : memref<128x128xf32, #tpu.memory_space<vmem>>, vector<1x16xf32>,
      %get3A_852 = vector.shape_cast %get3A_851 : vector<1x16xf32> to vector<16xf32>
      %swap3A_853 = arith.index_cast %scan3A_832 : i32 to index
      %swap3A_854 = arith.constant 32 : index
      %swap3A_855 = tpu.vector_load %arg9[%swap3A_853, %swap3A_854] {strides = array<i32>} : memref<128x64xf32, #tpu.memory_space<vmem>>, vector<1x16xf32>,
      %swap3A_856 = vector.shape_cast %swap3A_855 : vector<1x16xf32> to vector<16xf32>
      %swap3A_857 = vector.shape_cast %get3A_852 : vector<16xf32> to vector<1x16xf32>
      tpu.vector_store %arg9[%swap3A_853, %swap3A_854], %swap3A_857 {strides = array<i32>} : memref<128x64xf32, #tpu.memory_space<vmem>>, vector<1x16xf32>,
      %get3A_858 = arith.index_cast %scan3A_832 : i32 to index
      %get3A_859 = arith.constant 48 : index
      %get3A_860 = tpu.vector_load %arg7[%get3A_858, %get3A_859] {strides = array<i32>} : memref<128x128xf32, #tpu.memory_space<vmem>>, vector<1x16xf32>,
      %get3A_861 = vector.shape_cast %get3A_860 : vector<1x16xf32> to vector<16xf32>
      %swap3A_862 = arith.index_cast %scan3A_832 : i32 to index
      %swap3A_863 = arith.constant 48 : index
      %swap3A_864 = tpu.vector_load %arg9[%swap3A_862, %swap3A_863] {strides = array<i32>} : memref<128x64xf32, #tpu.memory_space<vmem>>, vector<1x16xf32>,
      %swap3A_865 = vector.shape_cast %swap3A_864 : vector<1x16xf32> to vector<16xf32>
      %swap3A_866 = vector.shape_cast %get3A_861 : vector<16xf32> to vector<1x16xf32>
      tpu.vector_store %arg9[%swap3A_862, %swap3A_863], %swap3A_866 {strides = array<i32>} : memref<128x64xf32, #tpu.memory_space<vmem>>, vector<1x16xf32>,
    }
    %scan3A_817 = arith.constant 128 : i32
    %add3A_818 = arith.constant 3968 : i32
    %add3A_819 = arith.addi %mul3A_2, %add3A_818 : i32
    %dma_start3A_820 = arith.constant 0 : i32
    %dma_start3A_821 = tpu.memref_slice %arg4[%add3A_819, %dma_start3A_820] : memref<131072x64xf32, #tpu.memory_space<hbm>> -> memref<128x64xf32, #tpu.memory_space<hbm>>
    %dma_start3A_822 = arith.constant 0 : i32
    %dma_start3A_823 = tpu.memref_slice %arg4[%add3A_819, %dma_start3A_822] : memref<131072x64xf32, #tpu.memory_space<hbm>> -> memref<128x64xf32, #tpu.memory_space<hbm>>
    tpu.enqueue_dma source(%arg9 : memref<128x64xf32, #tpu.memory_space<vmem>>) target(%dma_start3A_823 : memref<128x64xf32, #tpu.memory_space<hbm>>) target_semaphore(%arg13 : memref<!tpu.dma_semaphore, #tpu.memory_space<semaphore_mem>>)
    %dma_wait3A_824 = arith.constant 0 : i32
    %dma_wait3A_825 = tpu.memref_slice %arg4[%add3A_798, %dma_wait3A_824] : memref<131072x64xf32, #tpu.memory_space<hbm>> -> memref<128x64xf32, #tpu.memory_space<hbm>>
    %dma_wait3A_826 = arith.constant 0 : i32
    %dma_wait3A_827 = tpu.memref_slice %arg4[%add3A_798, %dma_wait3A_826] : memref<131072x64xf32, #tpu.memory_space<hbm>> -> memref<128x64xf32, #tpu.memory_space<hbm>>
    tpu.wait_dma2 semaphore(%arg12 : memref<!tpu.dma_semaphore, #tpu.memory_space<semaphore_mem>>) src(%arg8 : memref<128x64xf32, #tpu.memory_space<vmem>>) dst(%dma_wait3A_827 : memref<128x64xf32, #tpu.memory_space<hbm>>)
    %dma_wait3A_828 = arith.constant 0 : i32
    %dma_wait3A_829 = tpu.memref_slice %arg4[%add3A_819, %dma_wait3A_828] : memref<131072x64xf32, #tpu.memory_space<hbm>> -> memref<128x64xf32, #tpu.memory_space<hbm>>
    %dma_wait3A_830 = arith.constant 0 : i32
    %dma_wait3A_831 = tpu.memref_slice %arg4[%add3A_819, %dma_wait3A_830] : memref<131072x64xf32, #tpu.memory_space<hbm>> -> memref<128x64xf32, #tpu.memory_space<hbm>>
    tpu.wait_dma2 semaphore(%arg13 : memref<!tpu.dma_semaphore, #tpu.memory_space<semaphore_mem>>) src(%arg9 : memref<128x64xf32, #tpu.memory_space<vmem>>) dst(%dma_wait3A_831 : memref<128x64xf32, #tpu.memory_space<hbm>>)
    return
  }
}

module attributes {stable_mosaic.version = 14 : i64} {
  func.func @_idx_body(%arg0: i32, %arg1: i32, %arg2: memref<1x64x8192xf32, #tpu.memory_space<vmem>>, %arg3: memref<1x1024x64xf32, #tpu.memory_space<vmem>>, %arg4: memref<1x1x8192xi32, #tpu.memory_space<vmem>>) attributes {dimension_semantics = [#tpu.dimension_semantics<arbitrary>, #tpu.dimension_semantics<arbitrary>], iteration_bounds = array<i64: 8, 2>, scalar_prefetch = 0 : i64, scratch_operands = 0 : i64, tpu.core_type = #tpu.core_type<tc>, window_params = [{transform_indices = @transform_0, window_bounds = array<i64: 1, 64, 8192>}, {transform_indices = @transform_1, window_bounds = array<i64: 1, 1024, 64>}, {transform_indices = @transform_2, window_bounds = array<i64: 1, 1, 8192>}]} {
    %add3A = arith.constant 0 : i32
    %add3A_0 = arith.addi %arg0, %add3A : i32
    %get3A = arith.constant 0 : index
    %get3A_1 = arith.constant 0 : index
    %get3A_2 = arith.constant 0 : index
    %get3A_3 = vector.load %arg2[%get3A, %get3A_1, %get3A_2] : memref<1x64x8192xf32, #tpu.memory_space<vmem>>, vector<1x64x8192xf32>
    %get3A_4 = vector.shape_cast %get3A_3 : vector<1x64x8192xf32> to vector<64x8192xf32>
    %get3A_5 = arith.constant 0 : index
    %get3A_6 = arith.constant 0 : index
    %get3A_7 = arith.constant 0 : index
    %get3A_8 = vector.load %arg3[%get3A_5, %get3A_6, %get3A_7] : memref<1x1024x64xf32, #tpu.memory_space<vmem>>, vector<1x1024x64xf32>
    %get3A_9 = vector.shape_cast %get3A_8 : vector<1x1024x64xf32> to vector<1024x64xf32>
    %mul3A = arith.constant -2.000000e+00 : f32
    %mul3A_10 = vector.broadcast %mul3A : f32 to vector<1024x64xf32>
    %mul3A_11 = arith.mulf %mul3A_10, %get3A_9 : vector<1024x64xf32>
    %dot_general3A = arith.constant dense<0.000000e+00> : vector<1024x8192xf32>
    %dot_general3A_12 = tpu.matmul %mul3A_11, %get3A_4, %dot_general3A {dimension_numbers = #tpu.dot_dimension_numbers<[1], [0], [0], [1], [0, 0, 1, 1], [], []>, transpose_lhs_hint = false} : vector<1024x64xf32>, vector<64x8192xf32>, vector<1024x8192xf32> -> vector<1024x8192xf32>
    %mul3A_13 = arith.mulf %get3A_4, %get3A_4 : vector<64x8192xf32>
    %reduce_sum3A = arith.constant dense<0.000000e+00> : vector<8192xf32>
    %reduce_sum3A_14 = vector.multi_reduction <add>, %mul3A_13, %reduce_sum3A [0] : vector<64x8192xf32> to vector<8192xf32>
    %broadcast_in_dim3A = vector.shape_cast %reduce_sum3A_14 : vector<8192xf32> to vector<1x8192xf32>
    %mul3A_15 = arith.mulf %get3A_9, %get3A_9 : vector<1024x64xf32>
    %reduce_sum3A_16 = arith.constant dense<0.000000e+00> : vector<1024xf32>
    %reduce_sum3A_17 = vector.multi_reduction <add>, %mul3A_15, %reduce_sum3A_16 [1] : vector<1024x64xf32> to vector<1024xf32>
    %broadcast_in_dim3A_18 = vector.shape_cast %reduce_sum3A_17 : vector<1024xf32> to vector<1024x1xf32>
    %add3A_19 = vector.broadcast %broadcast_in_dim3A : vector<1x8192xf32> to vector<1024x8192xf32>
    %add3A_20 = arith.addf %add3A_19, %dot_general3A_12 : vector<1024x8192xf32>
    %add3A_21 = vector.broadcast %broadcast_in_dim3A_18 : vector<1024x1xf32> to vector<1024x8192xf32>
    %add3A_22 = arith.addf %add3A_20, %add3A_21 : vector<1024x8192xf32>
    %reduce_min3A = arith.constant dense<0x7F800000> : vector<8192xf32>
    %reduce_min3A_23 = vector.multi_reduction <minimumf>, %add3A_22, %reduce_min3A [0] : vector<1024x8192xf32> to vector<8192xf32>
    %broadcast_in_dim3A_24 = vector.shape_cast %reduce_min3A_23 : vector<8192xf32> to vector<1x8192xf32>
    %iota3A = tpu.iota {dimensions = array<i32: 0>} : vector<1024x8192xi32>
    %convert_element_type3A = arith.sitofp %iota3A : vector<1024x8192xi32> to vector<1024x8192xf32>
    %eq3A = vector.broadcast %broadcast_in_dim3A_24 : vector<1x8192xf32> to vector<1024x8192xf32>
    %eq3A_25 = arith.cmpf oeq, %add3A_22, %eq3A : vector<1024x8192xf32>
    %jit3A = arith.constant 1.024000e+03 : f32
    %broadcast_in_dim3A_26 = vector.broadcast %jit3A : f32 to vector<1024x8192xf32>
    %select_n3A = arith.select %eq3A_25, %convert_element_type3A, %broadcast_in_dim3A_26 : vector<1024x8192xi1>, vector<1024x8192xf32>
    %reduce_min3A_27 = arith.constant dense<0x7F800000> : vector<8192xf32>
    %reduce_min3A_28 = vector.multi_reduction <minimumf>, %select_n3A, %reduce_min3A_27 [0] : vector<1024x8192xf32> to vector<8192xf32>
    %convert_element_type3A_29 = arith.fptosi %reduce_min3A_28 : vector<8192xf32> to vector<8192xi32>
    %mul3A_30 = arith.constant 1024 : i32
    %mul3A_31 = arith.muli %add3A_0, %mul3A_30 : i32
    %add3A_32 = vector.broadcast %mul3A_31 : i32 to vector<8192xi32>
    %add3A_33 = arith.addi %convert_element_type3A_29, %add3A_32 : vector<8192xi32>
    %swap3A = arith.constant 0 : index
    %swap3A_34 = arith.constant 0 : index
    %swap3A_35 = arith.constant 0 : index
    %swap3A_36 = vector.load %arg4[%swap3A, %swap3A_34, %swap3A_35] : memref<1x1x8192xi32, #tpu.memory_space<vmem>>, vector<1x1x8192xi32>
    %swap3A_37 = vector.shape_cast %swap3A_36 : vector<1x1x8192xi32> to vector<8192xi32>
    %swap3A_38 = vector.shape_cast %add3A_33 : vector<8192xi32> to vector<1x1x8192xi32>
    tpu.vector_store %arg4[%swap3A, %swap3A_34, %swap3A_35], %swap3A_38 {strides = array<i32>} : memref<1x1x8192xi32, #tpu.memory_space<vmem>>, vector<1x1x8192xi32>,
    return
  }
  func.func @transform_0(%arg0: i32, %arg1: i32) -> (i32, i32, i32) {
    %c0_i32 = arith.constant 0 : i32
    %c0_i32_0 = arith.constant 0 : i32
    return %arg0, %c0_i32, %arg1 : i32, i32, i32
  }
  func.func @transform_1(%arg0: i32, %arg1: i32) -> (i32, i32, i32) {
    %c0_i32 = arith.constant 0 : i32
    %c0_i32_0 = arith.constant 0 : i32
    %c0_i32_1 = arith.constant 0 : i32
    return %arg0, %c0_i32, %c0_i32_0 : i32, i32, i32
  }
  func.func @transform_2(%arg0: i32, %arg1: i32) -> (i32, i32, i32) {
    %mul3A = arith.constant 2 : i32
    %mul3A_0 = arith.muli %arg0, %mul3A : i32
    %add3A = arith.addi %mul3A_0, %arg1 : i32
    %c0_i32 = arith.constant 0 : i32
    %c0_i32_1 = arith.constant 0 : i32
    %c0_i32_2 = arith.constant 0 : i32
    return %add3A, %c0_i32, %c0_i32_1 : i32, i32, i32
  }
}

</mosaic_0001>

<sc_bundles>
// kernel: kernel.4.cloned.1.call-start
scs
__scs_entry_jumppad:
0x0: {  	(pc) =	sbr.rel $0x88, $3  }
0x1: {  	(tag) =	ssettag $0x0;
	lr =	simm.s32 $0x1  }
0x2: {  	[smem:$0x3F9F] =	sst lr;
	_ =	strace $0xD0000000  }
0x3: {  	_ = 	snop  }
0x4: {  	_ = 	snop  }
0x5: {  	_ = 	snop  }
0x6: {  	_ = 	snop  }
0x7: {  	_ = 	snop  }
__scs_overlays_trampoline_lowered:
0x8: {  	[smem:$0x3FAE] =	sst s0  }
0x9: {  	[smem:$0x3FAF] =	sst s1  }
0xa: {  	[smem:$0x3FB0] =	sst s2  }
0xb: {  	[smem:$0x3FB1] =	sst s3  }
0xc: {  	[smem:$0x3FB2] =	sst s4  }
0xd: {  	[smem:$0x3FB3] =	sst s5  }
0xe: {  	[smem:$0x3FB4] =	sst s6  }
0xf: {  	[smem:$0x3FB5] =	sst s7  }
0x10: {  	[smem:$0x3FB6] =	sst s8  }
0x11: {  	[smem:$0x3FB7] =	sst s9;
	s0 =	simm.s32 @!p0 $0x0  }
0x12: {  	s1 =	sld [smem:$0x3F9D];
	s0 =	simm.s32 @p0 $0x1  }
0x13: {  	[smem:$0x3FB8] =	sst s0;
	s0 =	simm.s32 @!p1 $0x0  }
0x14: {  	s2 =	sld [smem:$0x3F9C];
	s0 =	simm.s32 @p1 $0x1  }
0x15: {  	[smem:$0x3FB9] =	sst s0;
	s0 =	simm.s32 @!p2 $0x0  }
0x16: {  	s3 =	sld [smem:$0x3FDB];
	s0 =	simm.s32 @p2 $0x1  }
0x17: {  	s4 =	simm.s32 $0x1BF5;
	[smem:$0x3FBB] =	sst s0  }
0x18: {  	s0 =	sld [smem:$0x3F9E];
	_ =	swait.ge [sflag:s4], $0x0  }
0x19: {  	s7 =	sld [smem:$0x3F9F]  }
0x1a: {  	s8 =	sadd.s32 $0xFFFFE003, lr  }
0x1b: {  	s9 =	sadd.s32 $0xFFFFFEF7, lr;
	s5 =	simm.s32 $0xFFFFFFFF;
	p2 =	slt.u32 s8, $0xFFFFF086  }
0x1c: {  	p1 =	slt.u32 s9, $0xF7A;
	s5 =	simm.s32 @!p2 $0x0  }
0x1d: {  	s5 =	simm.s32 @p1 $0x1;
	p0 =	seq.s32 s7, s2  }
0x1e: {  	s7 =	smul.u32 @!p0 $0xF7A, s2;
	p2 =	seq.s32 @!p0 s5, $0x0  }
0x1f: {  	s9 =	smul.u32 $0xF7A, s1;
	s8 =	simm.s32 @!p0 $0x1BF5;
	p2 =	por !p2, p0  }
0x20: {  	[sflag:s8] =	ssyncset.s32 @!p0 $0xFFFFF086;
	s6 =	sadd.s32 @!p0 s3, s7;
	s7 =	simm.s32 @!p0 $0x108  }
0x21: {  	s3 =	sadd.s32 s3, s9;
	s6 =	sadd.s32 @!p0 $0x88, s6;
	s7 =	simm.s32 @p2 $0x1082  }
0x22: {  	[simem:s7], [sflag:s8] =	dma.local @!p0 [hbm:s6], $0xF7A  }
0x23: {  	s9 =	sor.u32 $0xD0000000, s2;
	s6 =	simm.s32 $0x108;
	_ =	swait.ge @!p0 [sflag:s8], $0x0  }
0x24: {  	s3 =	sadd.s32 $0x88, s3;
	s6 =	simm.s32 @!p1 $0x1082;
	[sflag:s4] =	ssyncset.s32 $0xFFFFF086  }
0x25: {  	[simem:s6], [sflag:s4] =	dma.local [hbm:s3], $0xF7A  }
0x26: {  	[smem:$0x3F9F] =	sst s1;
	(tag) =	ssettag s2;
	_ =	strace s9  }
0x27: {  	s1 =	sld [smem:$0x3FAF]  }
0x28: {  	s2 =	sld [smem:$0x3FB0]  }
0x29: {  	s4 =	sld [smem:$0x3FB2]  }
0x2a: {  	p0 =	seq.s32 s5, $0x0;
	s5 =	sld [smem:$0x3FB3]  }
0x2b: {  	s6 =	sld [smem:$0x3FB4]  }
0x2c: {  	s7 =	sld [smem:$0x3FB5]  }
0x2d: {  	s3 =	simm.s32 $0x108;
	s8 =	sld [smem:$0x3FB6]  }
0x2e: {  	s3 =	simm.s32 @!p0 $0x1082;
	s9 =	sld [smem:$0x3FB7]  }
0x2f: {  	lr =	sadd.s32 s0, s3;
	s0 =	sld [smem:$0x3FAE]  }
0x30: {  	s3 =	sld [smem:$0x3FB1]  }
0x31: {  	[smem:$0x3FBA] =	sst s10  }
0x32: {  	s10 =	sld [smem:$0x3FB8];
	_ =	sdelay $0x3  }
0x33: {  	p0 =	seq.s32 s10, $0x1;
	s10 =	sld [smem:$0x3FBA];
	_ =	sdelay $0x3  }
0x34: {  	[smem:$0x3FBA] =	sst s10  }
0x35: {  	s10 =	sld [smem:$0x3FB9];
	_ =	sdelay $0x3  }
0x36: {  	p1 =	seq.s32 s10, $0x1;
	s10 =	sld [smem:$0x3FBA];
	_ =	sdelay $0x3  }
0x37: {  	[smem:$0x3FBA] =	sst s10  }
0x38: {  	s10 =	sld [smem:$0x3FBB]  }
0x39: {  	_ = 	snop;
	(pc) =	sbr.ind lr, $3  }
0x3a: {  	_ = 	snop  }
0x3b: {  	_ = 	snop  }
0x3c: {  	p2 =	seq.s32 s10, $0x1;
	s10 =	sld [smem:$0x3FBA]  }
0x3d: {  	_ =	shalt  }
0x3e: {  	_ =	shalt  }
0x3f: {  	_ =	shalt  }
0x40: {  	_ =	shalt  }
0x41: {  	_ =	shalt  }
0x42: {  	_ =	shalt  }
0x43: {  	_ =	shalt  }
0x44: {  	_ =	shalt  }
0x45: {  	_ =	shalt  }
0x46: {  	_ =	shalt  }
0x47: {  	_ =	shalt  }
0x48: {  	_ =	shalt  }
0x49: {  	_ =	shalt  }
0x4a: {  	_ =	shalt  }
0x4b: {  	_ =	shalt  }
0x4c: {  	_ =	shalt  }
0x4d: {  	_ =	shalt  }
0x4e: {  	_ =	shalt  }
0x4f: {  	_ =	shalt  }
0x50: {  	_ =	shalt  }
0x51: {  	_ =	shalt  }
0x52: {  	_ =	shalt  }
0x53: {  	_ =	shalt  }
0x54: {  	_ =	shalt  }
0x55: {  	_ =	shalt  }
0x56: {  	_ =	shalt  }
0x57: {  	_ =	shalt  }
0x58: {  	_ =	shalt  }
0x59: {  	_ =	shalt  }
0x5a: {  	_ =	shalt  }
0x5b: {  	_ =	shalt  }
0x5c: {  	_ =	shalt  }
0x5d: {  	_ =	shalt  }
0x5e: {  	_ =	shalt  }
0x5f: {  	_ =	shalt  }
0x60: {  	_ =	shalt  }
0x61: {  	_ =	shalt  }
0x62: {  	_ =	shalt  }
0x63: {  	_ =	shalt  }
0x64: {  	_ =	shalt  }
0x65: {  	_ =	shalt  }
0x66: {  	_ =	shalt  }
0x67: {  	_ =	shalt  }
0x68: {  	_ =	shalt  }
0x69: {  	_ =	shalt  }
0x6a: {  	_ =	shalt  }
0x6b: {  	_ =	shalt  }
0x6c: {  	_ =	shalt  }
0x6d: {  	_ =	shalt  }
0x6e: {  	_ =	shalt  }
0x6f: {  	_ =	shalt  }
0x70: {  	_ =	shalt  }
0x71: {  	_ =	shalt  }
0x72: {  	_ =	shalt  }
0x73: {  	_ =	shalt  }
0x74: {  	_ =	shalt  }
0x75: {  	_ =	shalt  }
0x76: {  	_ =	shalt  }
0x77: {  	_ =	shalt  }
0x78: {  	_ =	shalt  }
0x79: {  	_ =	shalt  }
0x7a: {  	_ =	shalt  }
0x7b: {  	_ =	shalt  }
0x7c: {  	_ =	shalt  }
0x7d: {  	_ =	shalt  }
0x7e: {  	_ =	shalt  }
0x7f: {  	_ =	shalt  }
0x80: {  	_ =	shalt  }
0x81: {  	_ =	shalt  }
0x82: {  	_ =	shalt  }
0x83: {  	_ =	shalt  }
0x84: {  	_ =	shalt  }
0x85: {  	_ =	shalt  }
0x86: {  	_ =	shalt  }
0x87: {  	_ =	shalt  }
.Lfunc_end0:
.L_simem_size_0:
called_computation.1_lowered:
.L_overlay_start_0:
0x88: {  	s2 =	sld [smem:$0x3FD9]  }
0x89: {  	s3 =	sld [smem:$0x3FFE];
	_ =	sdelay $0x1  }
0x8a: {  	s1 =	srdreg.scid  }
0x8b: {  	s0 =	sand.u32 $0x1, s1  }
0x8c: {  	s17 =	sshll.u32 s0, $0xA;
	s2 =	sadd.s32 s3, s2  }
0x8d: {  	s2 =	sadd.s32 s2, s17  }
0x8e: {  	[smem:$0x3FC6] =	sst s2  }
0x8f: {  	_ = 	snop  }
0x90: {  	s2 =	sld [smem:$0x3FD0];
	(tm) =	ssettm $0x1  }
0x91: {  	s18 =	sld [smem:$0x3FFB];
	_ =	sdelay $0x3  }
0x92: {  	_ =	strace s18  }
0x93: {  	s3 =	sld [smem:$0x3FFC];
	_ =	sdelay $0x3  }
0x94: {  	_ =	strace s3  }
0x95: {  	s3 =	sld [smem:$0x3FFD];
	_ =	sdelay $0x3  }
0x96: {  	_ =	strace s3  }
0x97: {  	_ =	strace $0x8FFFFFFF  }
0x98: {  	s19 =	sld [smem:$0x3FDB];
	_ =	sdelay $0x1  }
0x99: {  	s4 =	simm.s32 $_scs_section_size  }
0x9a: {  	s5 =	simm.s32 $_size__tile_overlayer_lowered;
	s6 =	simm.s32 $_tile_overlayer_lowered  }
0x9b: {  	s22 =	simm.s32 $0x1BFF;
	s21 =	sshll.u32 s6, $0x1;
	s3 =	sadd.s32 s4, s19  }
0x9c: {  	s7 =	simm.s32 $0x0;
	s20 =	sshll.u32 s5, $0x1;
	s5 =	sadd.s32 s21, s3  }
0x9d: {  	[timem:s7], [sflag:s22] =	dma.local [hbm:s5], s20  }
0x9e: {  	_ =	swait.ge [sflag:s22], s20  }
0x9f: {  	s4 =	ssub.s32 $0x0, s20;
	[sflag:s22] =	ssyncset.done $0x0  }
0xa0: {  	[sflag:s22] =	ssyncadd.s32 s4;
	_ =	sdelay $0x1  }
0xa1: {  	s23 =	simm.s32 $0x1B8B  }
0xa2: {  	_ =	swait.ge [sflag:s23], $0x1  }
0xa3: {  	[sflag:s23] =	ssyncset.done $0x0  }
0xa4: {  	s25 =	simm.s32 $0x1B8E;
	s24 =	sld [smem:$0x3FFE];
	[sflag:s23] =	ssyncadd.s32 $0xFFFFFFFF  }
0xa5: {  	s26 =	simm.s32 $execute0_lowered;
	[smem:$0x3FD2] =	sst s25  }
0xa6: {  	s5 =	sshll.u32 s26, $0x1;
	_ =	strace $0x80000046;
	[dreg:$0x1] =	wrdreg $0xFFFFFFFF  }
0xa7: {  	s28 =	simm.s32 $_size_execute0_lowered;
	s3 =	sadd.s32 s3, s5;
	[dreg:$0x0] =	wrdreg $0x0  }
0xa8: {  	s5 =	sshll.u32 s28, $0x1;
	[dreg:$0x2] =	wrdreg s3  }
0xa9: {  	[dreg:$0x3] =	wrdreg s5  }
0xaa: {  	[dreg:$0x4] =	wrdreg $0xC0  }
0xab: {  	_ =	task [dreg:s7], $0x5FFFF  }
0xac: {  	[dreg:$0x1] =	wrdreg $0xFFFFFFFF  }
0xad: {  	[dreg:$0x0] =	wrdreg $0x60  }
0xae: {  	[dreg:$0x2] =	wrdreg s2  }
0xaf: {  	[dreg:$0x3] =	wrdreg s24  }
0xb0: {  	[dreg:$0x4] =	wrdreg $0x9  }
0xb1: {  	_ =	task.clear_ibuf [dreg:s7], $0x5FFFF;
	_ =	strace $0x90000046  }
0xb2: {  	s29 =	simm.s32 $0x9;
	_ =	strace $0x80000048  }
0xb3: {  	_ =	swait.ge [sflag:s29], $0x1  }
0xb4: {  	[sflag:s29] =	ssyncadd.s32 $0xFFFFFFFF  }
0xb5: {  	_ =	strace $0x90000048  }
0xb6: {  	_ =	sfence  }
0xb7: {  	s30 =	sld [smem:$0x0];
	_ =	sdelay $0x2  }
0xb8: {  	s31 =	sshll.u32 s1, $0xD;
	s1 =	sshrl.u32 s1, $0x2  }
0xb9: {  	s3 =	sand.u32 $0x4000, s31;
	s1 =	sadd.s32 s1, s30  }
0xba: {  	s0 =	sor.u32 s3, s0;
	s1 =	sshll.u32 s1, $0x11  }
0xbb: {  	s0 =	sor.u32 s1, s0  }
0xbc: {  	s0 =	sadd.s32 $0x8F2B, s0  }
0xbd: {  	[sflag:s0] =	ssyncadd.remote.s32 $0x1  }
0xbe: {  	_ =	sfence.sel $0xFFFF  }
0xbf: {  	[dreg:$0x0] =	wrdreg $0xFFFFFFFF;
	(pc) =	sbr.abs _section_cstart, $3  }
0xc0: {  	[dreg:$0x1] =	wrdreg $0xFFFFFFFF  }
0xc1: {  	_ =	task.clear_ibuf [dreg:s7], $0x2FFFF;
	_ =	strace $0x9FFFFFFF  }
0xc2: {  	(tm) =	ssettm $0x7FFFFFFF  }
0xc3: {  	_ =	shalt  }
tec
execute0_lowered:
.L_overlay_start_1:
0x0: {  	(tag) =	ssettag $0x1  }
0x1: {  	s2 =	srdreg.scid  }
0x2: {  	s4 =	stileid.u32;
	s2 =	sand.u32 $0x1, s2  }
0x3: {  	s1 =	rddreg [dreg:$0x0];
	s4 =	sshll.u32 s4, $0xD;
	s5 =	sshll.u32 s2, $0xC  }
0x4: {  	s0 =	rddreg [dreg:$0x1];
	s3 =	simm.s32 $0x0;
	s4 =	sor.u32 s5, s4  }
0x5: {  	[smem:$0x7FF] =	sst s3;
	s2 =	ssub.s32 $0x2, s2;
	s5 =	sshrl.u32 s4, $0x3  }
0x6: {  	s6 =	sshrl.u32 s2, $0x1;
	s4 =	sshll.u32 s4, $0x4;
	s5 =	sadd.s32 s5, s0  }
0x7: {  	s8 =	ssub.s32 s2, s6;
	s7 =	sadd.s32 s4, s0;
	s6 =	sadd.s32 $0xA00, s5  }
0x8: {  	_ =	strace $0x80000047;
	s9 =	sadd.s32 $0x4A00, s7;
	[dreg:$0x3] =	wrdreg s6  }
0x9: {  	s10 =	sadd.s32 $0x5200, s7;
	[dreg:$0x4] =	wrdreg s9  }
0xa: {  	s11 =	sadd.s32 $0x5A00, s7;
	[dreg:$0x5] =	wrdreg s10  }
0xb: {  	s12 =	sadd.s32 $0x6200, s7;
	[dreg:$0x6] =	wrdreg s11  }
0xc: {  	s13 =	sadd.s32 $0x6A00, s7;
	[dreg:$0x7] =	wrdreg s12  }
0xd: {  	s14 =	sadd.s32 $0x7200, s7;
	[dreg:$0x8] =	wrdreg s13  }
0xe: {  	s15 =	sadd.s32 $0x7A00, s7;
	[dreg:$0x9] =	wrdreg s14  }
0xf: {  	s16 =	sadd.s32 $0x8200, s7;
	[dreg:$0xa] =	wrdreg s15  }
0x10: {  	s17 =	sadd.s32 $0x8A00, s7;
	[dreg:$0xb] =	wrdreg s16  }
0x11: {  	s8 =	smax.u32 s8, $0x1;
	s18 =	sadd.s32 $0x9200, s7;
	[dreg:$0xc] =	wrdreg s17  }
0x12: {  	s19 =	sadd.s32 $0x9A00, s7;
	s20 =	sadd.s32 $0xA200, s7;
	[dreg:$0xd] =	wrdreg s18  }
0x13: {  	s21 =	sadd.s32 $0xAA00, s7;
	s22 =	sadd.s32 $0xB200, s7;
	[dreg:$0xe] =	wrdreg s19  }
0x14: {  	s23 =	sadd.s32 $0xBA00, s7;
	s24 =	sadd.s32 $0xC200, s7;
	[dreg:$0xf] =	wrdreg s20  }
0x15: {  	s25 =	sadd.s32 $0xCA00, s7;
	s26 =	sadd.s32 $0xD200, s7;
	[dreg:$0x10] =	wrdreg s21  }
0x16: {  	s28 =	sadd.s32 $0xFA00, s7;
	s29 =	sadd.s32 $0x10200, s7;
	[dreg:$0x11] =	wrdreg s22  }
0x17: {  	s30 =	sadd.s32 $0x10A00, s7;
	s31 =	sadd.s32 $0x11200, s7;
	[dreg:$0x12] =	wrdreg s23  }
0x18: {  	s0 =	sadd.s32 $0x11A00, s7;
	s2 =	sadd.s32 $0x12200, s7;
	[dreg:$0x13] =	wrdreg s24  }
0x19: {  	s4 =	sadd.s32 $0x12A00, s7;
	s5 =	sadd.s32 $0x13200, s7;
	[dreg:$0x14] =	wrdreg s25  }
0x1a: {  	[dreg:$0x15] =	wrdreg s26;
	s23 =	sadd.s32 $0xDA00, s7;
	s24 =	sadd.s32 $0xE200, s7  }
0x1b: {  	s25 =	sadd.s32 $0xEA00, s7;
	s26 =	sadd.s32 $0xF200, s7;
	s6 =	sadd.s32 $0x13A00, s7  }
0x1c: {  	s7 =	sadd.s32 $0x14200, s7;
	s9 =	simm.s32 $0x5;
	s10 =	simm.s32 $0x80  }
0x1d: {  	s11 =	simm.s32 $0x1000;
	s12 =	simm.s32 $0x5000;
	s13 =	simm.s32 $0x1  }
0x1e: {  	s14 =	simm.s32 $0x9000;
	s15 =	simm.s32 $0x2;
	s16 =	simm.s32 $0xD000  }
0x1f: {  	s17 =	simm.s32 $0x3;
	s18 =	simm.s32 $0x4;
	s19 =	simm.s32 $0x0  }
.LBB2_1:
0x20: {  	s20 =	rddreg [dreg:$0x3]  }
0x21: {  	[tilespmem:s3], [sflag:$0x5] =	stream.linear.gather [hbm4b:s20+s3], $0x1000, $0x38;
	[tilespmem:$0x11000] =	vst v63  }
0x22: {  	_ =	swait.ge [sflag:s9], $0x1000  }
0x23: {  	[sflag:s9] =	ssyncset.done $0x0  }
0x24: {  	[sflag:s9] =	ssyncadd.s32 $0xFFFFF000  }
0x25: {  	[tilespmem:s11], [sflag:$0x1] =	stream.indirect.gather [hbm4b:s1+s10], $0x80, s3, s10, $0xb8;
	[tilespmem:$0x11000] =	vst v63  }
0x26: {  	_ = 	snop  }
0x27: {  	[tilespmem:s12], [sflag:$0x2] =	stream.indirect.gather [hbm4b:s1+s10], $0x80, s10, s10, $0xb8;
	[tilespmem:$0x11000] =	vst v63  }
0x28: {  	_ =	swait.ge [sflag:s13], $0x4000  }
0x29: {  	[sflag:s13] =	ssyncset.done $0x0  }
0x2a: {  	s20 =	simm.s32 $0x0;
	[sflag:s13] =	ssyncadd.s32 $0xFFFFC000  }
0x2b: {  	v0 =	vld [tilespmem:s20+$0x1030]  }
0x2c: {  	v1 =	vld [tilespmem:s20+$0x1000]  }
0x2d: {  	v2 =	vld [tilespmem:s20+$0x1010]  }
0x2e: {  	s21 =	simm.s32 $0x200;
	v3 =	vld [tilespmem:s20+$0x1020]  }
.LBB2_2:
0x2f: {  	p0 =	sne.s32 s21, $0xFE00  }
.Ltmp0:
0x30: {  	s22 =	sshra.s32 s21, $0x2;
	s21 =	sadd.s32 $0x200, s21;
	[tilespmem:s20+$0x9030] =	vst v0;
	(pc) =	sbr.rel @p0 .LBB2_2-.Ltmp0, $4  }
0x31: {  	v0 =	vld [tilespmem:s22+$0x1030];
	[tilespmem:s20+$0x9000] =	vst v1  }
0x32: {  	v1 =	vld [tilespmem:s22+$0x1000];
	[tilespmem:s20+$0x9010] =	vst v2  }
0x33: {  	v2 =	vld [tilespmem:s22+$0x1010];
	[tilespmem:s20+$0x9020] =	vst v3;
	s20 =	smov.u32 s22  }
0x34: {  	v3 =	vld [tilespmem:s20+$0x1020]  }
0x35: {  	_ = 	snop  }
0x36: {  	[tilespmem:s20+$0x9030] =	vst v0  }
0x37: {  	[tilespmem:s20+$0x9000] =	vst v1  }
0x38: {  	[tilespmem:s20+$0x9010] =	vst v2  }
0x39: {  	s22 =	simm.s32 $0x0;
	s21 =	rddreg [dreg:$0x4];
	[tilespmem:s20+$0x9020] =	vst v3  }
0x3a: {  	[hbm4b:s21+s22] =	stream.linear.scatter [tilespmem:s14], [sflag:$0x3], $0x4000, $0x38;
	[tilespmem:$0x11000] =	vst v63  }
0x3b: {  	s22 =	simm.s32 $0x100  }
0x3c: {  	[tilespmem:s11], [sflag:$0x1] =	stream.indirect.gather [hbm4b:s1+s10], $0x80, s22, s10, $0xb8;
	[tilespmem:$0x11000] =	vst v63  }
0x3d: {  	_ =	swait.ge [sflag:s15], $0x4000  }
0x3e: {  	[sflag:s15] =	ssyncset.done $0x0  }
0x3f: {  	s20 =	simm.s32 $0x0;
	[sflag:s15] =	ssyncadd.s32 $0xFFFFC000  }
0x40: {  	v0 =	vld [tilespmem:s20+$0x5030]  }
0x41: {  	v1 =	vld [tilespmem:s20+$0x5000]  }
0x42: {  	v2 =	vld [tilespmem:s20+$0x5010]  }
0x43: {  	s21 =	simm.s32 $0x200;
	v3 =	vld [tilespmem:s20+$0x5020]  }
.LBB2_4:
0x44: {  	p0 =	sne.s32 s21, $0xFE00  }
.Ltmp1:
0x45: {  	s22 =	sshra.s32 s21, $0x2;
	s21 =	sadd.s32 $0x200, s21;
	[tilespmem:s20+$0xD030] =	vst v0;
	(pc) =	sbr.rel @p0 .LBB2_4-.Ltmp1, $4  }
0x46: {  	v0 =	vld [tilespmem:s22+$0x5030];
	[tilespmem:s20+$0xD000] =	vst v1  }
0x47: {  	v1 =	vld [tilespmem:s22+$0x5000];
	[tilespmem:s20+$0xD010] =	vst v2  }
0x48: {  	v2 =	vld [tilespmem:s22+$0x5010];
	[tilespmem:s20+$0xD020] =	vst v3;
	s20 =	smov.u32 s22  }
0x49: {  	v3 =	vld [tilespmem:s20+$0x5020]  }
0x4a: {  	_ = 	snop  }
0x4b: {  	[tilespmem:s20+$0xD030] =	vst v0  }
0x4c: {  	[tilespmem:s20+$0xD000] =	vst v1  }
0x4d: {  	[tilespmem:s20+$0xD010] =	vst v2  }
0x4e: {  	s22 =	simm.s32 $0x0;
	s21 =	rddreg [dreg:$0x5];
	[tilespmem:s20+$0xD020] =	vst v3  }
0x4f: {  	[hbm4b:s21+s22] =	stream.linear.scatter [tilespmem:s16], [sflag:$0x4], $0x4000, $0x38;
	[tilespmem:$0x11000] =	vst v63  }
0x50: {  	s22 =	simm.s32 $0x180  }
0x51: {  	[tilespmem:s12], [sflag:$0x2] =	stream.indirect.gather [hbm4b:s1+s10], $0x80, s22, s10, $0xb8;
	[tilespmem:$0x11000] =	vst v63  }
0x52: {  	_ =	swait.ge [sflag:s13], $0x4000  }
0x53: {  	[sflag:s13] =	ssyncset.done $0x0  }
0x54: {  	[sflag:s13] =	ssyncadd.s32 $0xFFFFC000  }
0x55: {  	_ =	swait.ge [sflag:s17], $0x4000  }
0x56: {  	[sflag:s17] =	ssyncset.done $0x0  }
0x57: {  	s20 =	simm.s32 $0x0;
	[sflag:s17] =	ssyncadd.s32 $0xFFFFC000  }
0x58: {  	v0 =	vld [tilespmem:s20+$0x1030]  }
0x59: {  	v1 =	vld [tilespmem:s20+$0x1000]  }
0x5a: {  	v2 =	vld [tilespmem:s20+$0x1010]  }
0x5b: {  	s21 =	simm.s32 $0x200;
	v3 =	vld [tilespmem:s20+$0x1020]  }
.LBB2_6:
0x5c: {  	p0 =	sne.s32 s21, $0xFE00  }
.Ltmp2:
0x5d: {  	s22 =	sshra.s32 s21, $0x2;
	s21 =	sadd.s32 $0x200, s21;
	[tilespmem:s20+$0x9030] =	vst v0;
	(pc) =	sbr.rel @p0 .LBB2_6-.Ltmp2, $4  }
0x5e: {  	v0 =	vld [tilespmem:s22+$0x1030];
	[tilespmem:s20+$0x9000] =	vst v1  }
0x5f: {  	v1 =	vld [tilespmem:s22+$0x1000];
	[tilespmem:s20+$0x9010] =	vst v2  }
0x60: {  	v2 =	vld [tilespmem:s22+$0x1010];
	[tilespmem:s20+$0x9020] =	vst v3;
	s20 =	smov.u32 s22  }
0x61: {  	v3 =	vld [tilespmem:s20+$0x1020]  }
0x62: {  	_ = 	snop  }
0x63: {  	[tilespmem:s20+$0x9030] =	vst v0  }
0x64: {  	[tilespmem:s20+$0x9000] =	vst v1  }
0x65: {  	[tilespmem:s20+$0x9010] =	vst v2  }
0x66: {  	s22 =	simm.s32 $0x0;
	s21 =	rddreg [dreg:$0x6];
	[tilespmem:s20+$0x9020] =	vst v3  }
0x67: {  	[hbm4b:s21+s22] =	stream.linear.scatter [tilespmem:s14], [sflag:$0x3], $0x4000, $0x38;
	[tilespmem:$0x11000] =	vst v63  }
0x68: {  	s22 =	simm.s32 $0x200  }
0x69: {  	[tilespmem:s11], [sflag:$0x1] =	stream.indirect.gather [hbm4b:s1+s10], $0x80, s22, s10, $0xb8;
	[tilespmem:$0x11000] =	vst v63  }
0x6a: {  	_ =	swait.ge [sflag:s15], $0x4000  }
0x6b: {  	[sflag:s15] =	ssyncset.done $0x0  }
0x6c: {  	[sflag:s15] =	ssyncadd.s32 $0xFFFFC000  }
0x6d: {  	_ =	swait.ge [sflag:s18], $0x4000  }
0x6e: {  	[sflag:s18] =	ssyncset.done $0x0  }
0x6f: {  	s20 =	simm.s32 $0x0;
	[sflag:s18] =	ssyncadd.s32 $0xFFFFC000  }
0x70: {  	v0 =	vld [tilespmem:s20+$0x5030]  }
0x71: {  	v1 =	vld [tilespmem:s20+$0x5000]  }
0x72: {  	v2 =	vld [tilespmem:s20+$0x5010]  }
0x73: {  	s21 =	simm.s32 $0x200;
	v3 =	vld [tilespmem:s20+$0x5020]  }
.LBB2_8:
0x74: {  	p0 =	sne.s32 s21, $0xFE00  }
.Ltmp3:
0x75: {  	s22 =	sshra.s32 s21, $0x2;
	s21 =	sadd.s32 $0x200, s21;
	[tilespmem:s20+$0xD030] =	vst v0;
	(pc) =	sbr.rel @p0 .LBB2_8-.Ltmp3, $4  }
0x76: {  	v0 =	vld [tilespmem:s22+$0x5030];
	[tilespmem:s20+$0xD000] =	vst v1  }
0x77: {  	v1 =	vld [tilespmem:s22+$0x5000];
	[tilespmem:s20+$0xD010] =	vst v2  }
0x78: {  	v2 =	vld [tilespmem:s22+$0x5010];
	[tilespmem:s20+$0xD020] =	vst v3;
	s20 =	smov.u32 s22  }
0x79: {  	v3 =	vld [tilespmem:s20+$0x5020]  }
0x7a: {  	_ = 	snop  }
0x7b: {  	[tilespmem:s20+$0xD030] =	vst v0  }
0x7c: {  	[tilespmem:s20+$0xD000] =	vst v1  }
0x7d: {  	[tilespmem:s20+$0xD010] =	vst v2  }
0x7e: {  	s22 =	simm.s32 $0x0;
	s21 =	rddreg [dreg:$0x7];
	[tilespmem:s20+$0xD020] =	vst v3  }
0x7f: {  	[hbm4b:s21+s22] =	stream.linear.scatter [tilespmem:s16], [sflag:$0x4], $0x4000, $0x38;
	[tilespmem:$0x11000] =	vst v63  }
0x80: {  	s22 =	simm.s32 $0x280  }
0x81: {  	[tilespmem:s12], [sflag:$0x2] =	stream.indirect.gather [hbm4b:s1+s10], $0x80, s22, s10, $0xb8;
	[tilespmem:$0x11000] =	vst v63  }
0x82: {  	_ =	swait.ge [sflag:s13], $0x4000  }
0x83: {  	[sflag:s13] =	ssyncset.done $0x0  }
0x84: {  	[sflag:s13] =	ssyncadd.s32 $0xFFFFC000  }
0x85: {  	_ =	swait.ge [sflag:s17], $0x4000  }
0x86: {  	[sflag:s17] =	ssyncset.done $0x0  }
0x87: {  	s20 =	simm.s32 $0x0;
	[sflag:s17] =	ssyncadd.s32 $0xFFFFC000  }
0x88: {  	v0 =	vld [tilespmem:s20+$0x1030]  }
0x89: {  	v1 =	vld [tilespmem:s20+$0x1000]  }
0x8a: {  	v2 =	vld [tilespmem:s20+$0x1010]  }
0x8b: {  	s21 =	simm.s32 $0x200;
	v3 =	vld [tilespmem:s20+$0x1020]  }
.LBB2_10:
0x8c: {  	p0 =	sne.s32 s21, $0xFE00  }
.Ltmp4:
0x8d: {  	s22 =	sshra.s32 s21, $0x2;
	s21 =	sadd.s32 $0x200, s21;
	[tilespmem:s20+$0x9030] =	vst v0;
	(pc) =	sbr.rel @p0 .LBB2_10-.Ltmp4, $4  }
0x8e: {  	v0 =	vld [tilespmem:s22+$0x1030];
	[tilespmem:s20+$0x9000] =	vst v1  }
0x8f: {  	v1 =	vld [tilespmem:s22+$0x1000];
	[tilespmem:s20+$0x9010] =	vst v2  }
0x90: {  	v2 =	vld [tilespmem:s22+$0x1010];
	[tilespmem:s20+$0x9020] =	vst v3;
	s20 =	smov.u32 s22  }
0x91: {  	v3 =	vld [tilespmem:s20+$0x1020]  }
0x92: {  	_ = 	snop  }
0x93: {  	[tilespmem:s20+$0x9030] =	vst v0  }
0x94: {  	[tilespmem:s20+$0x9000] =	vst v1  }
0x95: {  	[tilespmem:s20+$0x9010] =	vst v2  }
0x96: {  	s22 =	simm.s32 $0x0;
	s21 =	rddreg [dreg:$0x8];
	[tilespmem:s20+$0x9020] =	vst v3  }
0x97: {  	[hbm4b:s21+s22] =	stream.linear.scatter [tilespmem:s14], [sflag:$0x3], $0x4000, $0x38;
	[tilespmem:$0x11000] =	vst v63  }
0x98: {  	s22 =	simm.s32 $0x300  }
0x99: {  	[tilespmem:s11], [sflag:$0x1] =	stream.indirect.gather [hbm4b:s1+s10], $0x80, s22, s10, $0xb8;
	[tilespmem:$0x11000] =	vst v63  }
0x9a: {  	_ =	swait.ge [sflag:s15], $0x4000  }
0x9b: {  	[sflag:s15] =	ssyncset.done $0x0  }
0x9c: {  	[sflag:s15] =	ssyncadd.s32 $0xFFFFC000  }
0x9d: {  	_ =	swait.ge [sflag:s18], $0x4000  }
0x9e: {  	[sflag:s18] =	ssyncset.done $0x0  }
0x9f: {  	s20 =	simm.s32 $0x0;
	[sflag:s18] =	ssyncadd.s32 $0xFFFFC000  }
0xa0: {  	v0 =	vld [tilespmem:s20+$0x5030]  }
0xa1: {  	v1 =	vld [tilespmem:s20+$0x5000]  }
0xa2: {  	v2 =	vld [tilespmem:s20+$0x5010]  }
0xa3: {  	s21 =	simm.s32 $0x200;
	v3 =	vld [tilespmem:s20+$0x5020]  }
.LBB2_12:
0xa4: {  	p0 =	sne.s32 s21, $0xFE00  }
.Ltmp5:
0xa5: {  	s22 =	sshra.s32 s21, $0x2;
	s21 =	sadd.s32 $0x200, s21;
	[tilespmem:s20+$0xD030] =	vst v0;
	(pc) =	sbr.rel @p0 .LBB2_12-.Ltmp5, $4  }
0xa6: {  	v0 =	vld [tilespmem:s22+$0x5030];
	[tilespmem:s20+$0xD000] =	vst v1  }
0xa7: {  	v1 =	vld [tilespmem:s22+$0x5000];
	[tilespmem:s20+$0xD010] =	vst v2  }
0xa8: {  	v2 =	vld [tilespmem:s22+$0x5010];
	[tilespmem:s20+$0xD020] =	vst v3;
	s20 =	smov.u32 s22  }
0xa9: {  	v3 =	vld [tilespmem:s20+$0x5020]  }
0xaa: {  	_ = 	snop  }
0xab: {  	[tilespmem:s20+$0xD030] =	vst v0  }
0xac: {  	[tilespmem:s20+$0xD000] =	vst v1  }
0xad: {  	[tilespmem:s20+$0xD010] =	vst v2  }
0xae: {  	s22 =	simm.s32 $0x0;
	s21 =	rddreg [dreg:$0x9];
	[tilespmem:s20+$0xD020] =	vst v3  }
0xaf: {  	[hbm4b:s21+s22] =	stream.linear.scatter [tilespmem:s16], [sflag:$0x4], $0x4000, $0x38;
	[tilespmem:$0x11000] =	vst v63  }
0xb0: {  	s22 =	simm.s32 $0x380  }
0xb1: {  	[tilespmem:s12], [sflag:$0x2] =	stream.indirect.gather [hbm4b:s1+s10], $0x80, s22, s10, $0xb8;
	[tilespmem:$0x11000] =	vst v63  }
0xb2: {  	_ =	swait.ge [sflag:s13], $0x4000  }
0xb3: {  	[sflag:s13] =	ssyncset.done $0x0  }
0xb4: {  	[sflag:s13] =	ssyncadd.s32 $0xFFFFC000  }
0xb5: {  	_ =	swait.ge [sflag:s17], $0x4000  }
0xb6: {  	[sflag:s17] =	ssyncset.done $0x0  }
0xb7: {  	s20 =	simm.s32 $0x0;
	[sflag:s17] =	ssyncadd.s32 $0xFFFFC000  }
0xb8: {  	v0 =	vld [tilespmem:s20+$0x1030]  }
0xb9: {  	v1 =	vld [tilespmem:s20+$0x1000]  }
0xba: {  	v2 =	vld [tilespmem:s20+$0x1010]  }
0xbb: {  	s21 =	simm.s32 $0x200;
	v3 =	vld [tilespmem:s20+$0x1020]  }
.LBB2_14:
0xbc: {  	p0 =	sne.s32 s21, $0xFE00  }
.Ltmp6:
0xbd: {  	s22 =	sshra.s32 s21, $0x2;
	s21 =	sadd.s32 $0x200, s21;
	[tilespmem:s20+$0x9030] =	vst v0;
	(pc) =	sbr.rel @p0 .LBB2_14-.Ltmp6, $4  }
0xbe: {  	v0 =	vld [tilespmem:s22+$0x1030];
	[tilespmem:s20+$0x9000] =	vst v1  }
0xbf: {  	v1 =	vld [tilespmem:s22+$0x1000];
	[tilespmem:s20+$0x9010] =	vst v2  }
0xc0: {  	v2 =	vld [tilespmem:s22+$0x1010];
	[tilespmem:s20+$0x9020] =	vst v3;
	s20 =	smov.u32 s22  }
0xc1: {  	v3 =	vld [tilespmem:s20+$0x1020]  }
0xc2: {  	_ = 	snop  }
0xc3: {  	[tilespmem:s20+$0x9030] =	vst v0  }
0xc4: {  	[tilespmem:s20+$0x9000] =	vst v1  }
0xc5: {  	[tilespmem:s20+$0x9010] =	vst v2  }
0xc6: {  	s22 =	simm.s32 $0x0;
	s21 =	rddreg [dreg:$0xa];
	[tilespmem:s20+$0x9020] =	vst v3  }
0xc7: {  	[hbm4b:s21+s22] =	stream.linear.scatter [tilespmem:s14], [sflag:$0x3], $0x4000, $0x38;
	[tilespmem:$0x11000] =	vst v63  }
0xc8: {  	s22 =	simm.s32 $0x400  }
0xc9: {  	[tilespmem:s11], [sflag:$0x1] =	stream.indirect.gather [hbm4b:s1+s10], $0x80, s22, s10, $0xb8;
	[tilespmem:$0x11000] =	vst v63  }
0xca: {  	_ =	swait.ge [sflag:s15], $0x4000  }
0xcb: {  	[sflag:s15] =	ssyncset.done $0x0  }
0xcc: {  	[sflag:s15] =	ssyncadd.s32 $0xFFFFC000  }
0xcd: {  	_ =	swait.ge [sflag:s18], $0x4000  }
0xce: {  	[sflag:s18] =	ssyncset.done $0x0  }
0xcf: {  	s20 =	simm.s32 $0x0;
	[sflag:s18] =	ssyncadd.s32 $0xFFFFC000  }
0xd0: {  	v0 =	vld [tilespmem:s20+$0x5030]  }
0xd1: {  	v1 =	vld [tilespmem:s20+$0x5000]  }
0xd2: {  	v2 =	vld [tilespmem:s20+$0x5010]  }
0xd3: {  	s21 =	simm.s32 $0x200;
	v3 =	vld [tilespmem:s20+$0x5020]  }
.LBB2_16:
0xd4: {  	p0 =	sne.s32 s21, $0xFE00  }
.Ltmp7:
0xd5: {  	s22 =	sshra.s32 s21, $0x2;
	s21 =	sadd.s32 $0x200, s21;
	[tilespmem:s20+$0xD030] =	vst v0;
	(pc) =	sbr.rel @p0 .LBB2_16-.Ltmp7, $4  }
0xd6: {  	v0 =	vld [tilespmem:s22+$0x5030];
	[tilespmem:s20+$0xD000] =	vst v1  }
0xd7: {  	v1 =	vld [tilespmem:s22+$0x5000];
	[tilespmem:s20+$0xD010] =	vst v2  }
0xd8: {  	v2 =	vld [tilespmem:s22+$0x5010];
	[tilespmem:s20+$0xD020] =	vst v3;
	s20 =	smov.u32 s22  }
0xd9: {  	v3 =	vld [tilespmem:s20+$0x5020]  }
0xda: {  	_ = 	snop  }
0xdb: {  	[tilespmem:s20+$0xD030] =	vst v0  }
0xdc: {  	[tilespmem:s20+$0xD000] =	vst v1  }
0xdd: {  	[tilespmem:s20+$0xD010] =	vst v2  }
0xde: {  	s22 =	simm.s32 $0x0;
	s21 =	rddreg [dreg:$0xb];
	[tilespmem:s20+$0xD020] =	vst v3  }
0xdf: {  	[hbm4b:s21+s22] =	stream.linear.scatter [tilespmem:s16], [sflag:$0x4], $0x4000, $0x38;
	[tilespmem:$0x11000] =	vst v63  }
0xe0: {  	s22 =	simm.s32 $0x480  }
0xe1: {  	[tilespmem:s12], [sflag:$0x2] =	stream.indirect.gather [hbm4b:s1+s10], $0x80, s22, s10, $0xb8;
	[tilespmem:$0x11000] =	vst v63  }
0xe2: {  	_ =	swait.ge [sflag:s13], $0x4000  }
0xe3: {  	[sflag:s13] =	ssyncset.done $0x0  }
0xe4: {  	[sflag:s13] =	ssyncadd.s32 $0xFFFFC000  }
0xe5: {  	_ =	swait.ge [sflag:s17], $0x4000  }
0xe6: {  	[sflag:s17] =	ssyncset.done $0x0  }
0xe7: {  	s20 =	simm.s32 $0x0;
	[sflag:s17] =	ssyncadd.s32 $0xFFFFC000  }
0xe8: {  	v0 =	vld [tilespmem:s20+$0x1030]  }
0xe9: {  	v1 =	vld [tilespmem:s20+$0x1000]  }
0xea: {  	v2 =	vld [tilespmem:s20+$0x1010]  }
0xeb: {  	s21 =	simm.s32 $0x200;
	v3 =	vld [tilespmem:s20+$0x1020]  }
.LBB2_18:
0xec: {  	p0 =	sne.s32 s21, $0xFE00  }
.Ltmp8:
0xed: {  	s22 =	sshra.s32 s21, $0x2;
	s21 =	sadd.s32 $0x200, s21;
	[tilespmem:s20+$0x9030] =	vst v0;
	(pc) =	sbr.rel @p0 .LBB2_18-.Ltmp8, $4  }
0xee: {  	v0 =	vld [tilespmem:s22+$0x1030];
	[tilespmem:s20+$0x9000] =	vst v1  }
0xef: {  	v1 =	vld [tilespmem:s22+$0x1000];
	[tilespmem:s20+$0x9010] =	vst v2  }
0xf0: {  	v2 =	vld [tilespmem:s22+$0x1010];
	[tilespmem:s20+$0x9020] =	vst v3;
	s20 =	smov.u32 s22  }
0xf1: {  	v3 =	vld [tilespmem:s20+$0x1020]  }
0xf2: {  	_ = 	snop  }
0xf3: {  	[tilespmem:s20+$0x9030] =	vst v0  }
0xf4: {  	[tilespmem:s20+$0x9000] =	vst v1  }
0xf5: {  	[tilespmem:s20+$0x9010] =	vst v2  }
0xf6: {  	s22 =	simm.s32 $0x0;
	s21 =	rddreg [dreg:$0xc];
	[tilespmem:s20+$0x9020] =	vst v3  }
0xf7: {  	[hbm4b:s21+s22] =	stream.linear.scatter [tilespmem:s14], [sflag:$0x3], $0x4000, $0x38;
	[tilespmem:$0x11000] =	vst v63  }
0xf8: {  	s22 =	simm.s32 $0x500  }
0xf9: {  	[tilespmem:s11], [sflag:$0x1] =	stream.indirect.gather [hbm4b:s1+s10], $0x80, s22, s10, $0xb8;
	[tilespmem:$0x11000] =	vst v63  }
0xfa: {  	_ =	swait.ge [sflag:s15], $0x4000  }
0xfb: {  	[sflag:s15] =	ssyncset.done $0x0  }
0xfc: {  	[sflag:s15] =	ssyncadd.s32 $0xFFFFC000  }
0xfd: {  	_ =	swait.ge [sflag:s18], $0x4000  }
0xfe: {  	[sflag:s18] =	ssyncset.done $0x0  }
0xff: {  	s20 =	simm.s32 $0x0;
	[sflag:s18] =	ssyncadd.s32 $0xFFFFC000  }
0x100: {  	v0 =	vld [tilespmem:s20+$0x5030]  }
0x101: {  	v1 =	vld [tilespmem:s20+$0x5000]  }
0x102: {  	v2 =	vld [tilespmem:s20+$0x5010]  }
0x103: {  	s21 =	simm.s32 $0x200;
	v3 =	vld [tilespmem:s20+$0x5020]  }
.LBB2_20:
0x104: {  	p0 =	sne.s32 s21, $0xFE00  }
.Ltmp9:
0x105: {  	s22 =	sshra.s32 s21, $0x2;
	s21 =	sadd.s32 $0x200, s21;
	[tilespmem:s20+$0xD030] =	vst v0;
	(pc) =	sbr.rel @p0 .LBB2_20-.Ltmp9, $4  }
0x106: {  	v0 =	vld [tilespmem:s22+$0x5030];
	[tilespmem:s20+$0xD000] =	vst v1  }
0x107: {  	v1 =	vld [tilespmem:s22+$0x5000];
	[tilespmem:s20+$0xD010] =	vst v2  }
0x108: {  	v2 =	vld [tilespmem:s22+$0x5010];
	[tilespmem:s20+$0xD020] =	vst v3;
	s20 =	smov.u32 s22  }
0x109: {  	v3 =	vld [tilespmem:s20+$0x5020]  }
0x10a: {  	_ = 	snop  }
0x10b: {  	[tilespmem:s20+$0xD030] =	vst v0  }
0x10c: {  	[tilespmem:s20+$0xD000] =	vst v1  }
0x10d: {  	[tilespmem:s20+$0xD010] =	vst v2  }
0x10e: {  	s22 =	simm.s32 $0x0;
	s21 =	rddreg [dreg:$0xd];
	[tilespmem:s20+$0xD020] =	vst v3  }
0x10f: {  	[hbm4b:s21+s22] =	stream.linear.scatter [tilespmem:s16], [sflag:$0x4], $0x4000, $0x38;
	[tilespmem:$0x11000] =	vst v63  }
0x110: {  	s22 =	simm.s32 $0x580  }
0x111: {  	[tilespmem:s12], [sflag:$0x2] =	stream.indirect.gather [hbm4b:s1+s10], $0x80, s22, s10, $0xb8;
	[tilespmem:$0x11000] =	vst v63  }
0x112: {  	_ =	swait.ge [sflag:s13], $0x4000  }
0x113: {  	[sflag:s13] =	ssyncset.done $0x0  }
0x114: {  	[sflag:s13] =	ssyncadd.s32 $0xFFFFC000  }
0x115: {  	_ =	swait.ge [sflag:s17], $0x4000  }
0x116: {  	[sflag:s17] =	ssyncset.done $0x0  }
0x117: {  	s20 =	simm.s32 $0x0;
	[sflag:s17] =	ssyncadd.s32 $0xFFFFC000  }
0x118: {  	v0 =	vld [tilespmem:s20+$0x1030]  }
0x119: {  	v1 =	vld [tilespmem:s20+$0x1000]  }
0x11a: {  	v2 =	vld [tilespmem:s20+$0x1010]  }
0x11b: {  	s21 =	simm.s32 $0x200;
	v3 =	vld [tilespmem:s20+$0x1020]  }
.LBB2_22:
0x11c: {  	p0 =	sne.s32 s21, $0xFE00  }
.Ltmp10:
0x11d: {  	s22 =	sshra.s32 s21, $0x2;
	s21 =	sadd.s32 $0x200, s21;
	[tilespmem:s20+$0x9030] =	vst v0;
	(pc) =	sbr.rel @p0 .LBB2_22-.Ltmp10, $4  }
0x11e: {  	v0 =	vld [tilespmem:s22+$0x1030];
	[tilespmem:s20+$0x9000] =	vst v1  }
0x11f: {  	v1 =	vld [tilespmem:s22+$0x1000];
	[tilespmem:s20+$0x9010] =	vst v2  }
0x120: {  	v2 =	vld [tilespmem:s22+$0x1010];
	[tilespmem:s20+$0x9020] =	vst v3;
	s20 =	smov.u32 s22  }
0x121: {  	v3 =	vld [tilespmem:s20+$0x1020]  }
0x122: {  	_ = 	snop  }
0x123: {  	[tilespmem:s20+$0x9030] =	vst v0  }
0x124: {  	[tilespmem:s20+$0x9000] =	vst v1  }
0x125: {  	[tilespmem:s20+$0x9010] =	vst v2  }
0x126: {  	s22 =	simm.s32 $0x0;
	s21 =	rddreg [dreg:$0xe];
	[tilespmem:s20+$0x9020] =	vst v3  }
0x127: {  	[hbm4b:s21+s22] =	stream.linear.scatter [tilespmem:s14], [sflag:$0x3], $0x4000, $0x38;
	[tilespmem:$0x11000] =	vst v63  }
0x128: {  	s22 =	simm.s32 $0x600  }
0x129: {  	[tilespmem:s11], [sflag:$0x1] =	stream.indirect.gather [hbm4b:s1+s10], $0x80, s22, s10, $0xb8;
	[tilespmem:$0x11000] =	vst v63  }
0x12a: {  	_ =	swait.ge [sflag:s15], $0x4000  }
0x12b: {  	[sflag:s15] =	ssyncset.done $0x0  }
0x12c: {  	[sflag:s15] =	ssyncadd.s32 $0xFFFFC000  }
0x12d: {  	_ =	swait.ge [sflag:s18], $0x4000  }
0x12e: {  	[sflag:s18] =	ssyncset.done $0x0  }
0x12f: {  	s20 =	simm.s32 $0x0;
	[sflag:s18] =	ssyncadd.s32 $0xFFFFC000  }
0x130: {  	v0 =	vld [tilespmem:s20+$0x5030]  }
0x131: {  	v1 =	vld [tilespmem:s20+$0x5000]  }
0x132: {  	v2 =	vld [tilespmem:s20+$0x5010]  }
0x133: {  	s21 =	simm.s32 $0x200;
	v3 =	vld [tilespmem:s20+$0x5020]  }
.LBB2_24:
0x134: {  	p0 =	sne.s32 s21, $0xFE00  }
.Ltmp11:
0x135: {  	s22 =	sshra.s32 s21, $0x2;
	s21 =	sadd.s32 $0x200, s21;
	[tilespmem:s20+$0xD030] =	vst v0;
	(pc) =	sbr.rel @p0 .LBB2_24-.Ltmp11, $4  }
0x136: {  	v0 =	vld [tilespmem:s22+$0x5030];
	[tilespmem:s20+$0xD000] =	vst v1  }
0x137: {  	v1 =	vld [tilespmem:s22+$0x5000];
	[tilespmem:s20+$0xD010] =	vst v2  }
0x138: {  	v2 =	vld [tilespmem:s22+$0x5010];
	[tilespmem:s20+$0xD020] =	vst v3;
	s20 =	smov.u32 s22  }
0x139: {  	v3 =	vld [tilespmem:s20+$0x5020]  }
0x13a: {  	_ = 	snop  }
0x13b: {  	[tilespmem:s20+$0xD030] =	vst v0  }
0x13c: {  	[tilespmem:s20+$0xD000] =	vst v1  }
0x13d: {  	[tilespmem:s20+$0xD010] =	vst v2  }
0x13e: {  	s22 =	simm.s32 $0x0;
	s21 =	rddreg [dreg:$0xf];
	[tilespmem:s20+$0xD020] =	vst v3  }
0x13f: {  	[hbm4b:s21+s22] =	stream.linear.scatter [tilespmem:s16], [sflag:$0x4], $0x4000, $0x38;
	[tilespmem:$0x11000] =	vst v63  }
0x140: {  	s22 =	simm.s32 $0x680  }
0x141: {  	[tilespmem:s12], [sflag:$0x2] =	stream.indirect.gather [hbm4b:s1+s10], $0x80, s22, s10, $0xb8;
	[tilespmem:$0x11000] =	vst v63  }
0x142: {  	_ =	swait.ge [sflag:s13], $0x4000  }
0x143: {  	[sflag:s13] =	ssyncset.done $0x0  }
0x144: {  	[sflag:s13] =	ssyncadd.s32 $0xFFFFC000  }
0x145: {  	_ =	swait.ge [sflag:s17], $0x4000  }
0x146: {  	[sflag:s17] =	ssyncset.done $0x0  }
0x147: {  	s20 =	simm.s32 $0x0;
	[sflag:s17] =	ssyncadd.s32 $0xFFFFC000  }
0x148: {  	v0 =	vld [tilespmem:s20+$0x1030]  }
0x149: {  	v1 =	vld [tilespmem:s20+$0x1000]  }
0x14a: {  	v2 =	vld [tilespmem:s20+$0x1010]  }
0x14b: {  	s21 =	simm.s32 $0x200;
	v3 =	vld [tilespmem:s20+$0x1020]  }
.LBB2_26:
0x14c: {  	p0 =	sne.s32 s21, $0xFE00  }
.Ltmp12:
0x14d: {  	s22 =	sshra.s32 s21, $0x2;
	s21 =	sadd.s32 $0x200, s21;
	[tilespmem:s20+$0x9030] =	vst v0;
	(pc) =	sbr.rel @p0 .LBB2_26-.Ltmp12, $4  }
0x14e: {  	v0 =	vld [tilespmem:s22+$0x1030];
	[tilespmem:s20+$0x9000] =	vst v1  }
0x14f: {  	v1 =	vld [tilespmem:s22+$0x1000];
	[tilespmem:s20+$0x9010] =	vst v2  }
0x150: {  	v2 =	vld [tilespmem:s22+$0x1010];
	[tilespmem:s20+$0x9020] =	vst v3;
	s20 =	smov.u32 s22  }
0x151: {  	v3 =	vld [tilespmem:s20+$0x1020]  }
0x152: {  	_ = 	snop  }
0x153: {  	[tilespmem:s20+$0x9030] =	vst v0  }
0x154: {  	[tilespmem:s20+$0x9000] =	vst v1  }
0x155: {  	[tilespmem:s20+$0x9010] =	vst v2  }
0x156: {  	s22 =	simm.s32 $0x0;
	s21 =	rddreg [dreg:$0x10];
	[tilespmem:s20+$0x9020] =	vst v3  }
0x157: {  	[hbm4b:s21+s22] =	stream.linear.scatter [tilespmem:s14], [sflag:$0x3], $0x4000, $0x38;
	[tilespmem:$0x11000] =	vst v63  }
0x158: {  	s22 =	simm.s32 $0x700  }
0x159: {  	[tilespmem:s11], [sflag:$0x1] =	stream.indirect.gather [hbm4b:s1+s10], $0x80, s22, s10, $0xb8;
	[tilespmem:$0x11000] =	vst v63  }
0x15a: {  	_ =	swait.ge [sflag:s15], $0x4000  }
0x15b: {  	[sflag:s15] =	ssyncset.done $0x0  }
0x15c: {  	[sflag:s15] =	ssyncadd.s32 $0xFFFFC000  }
0x15d: {  	_ =	swait.ge [sflag:s18], $0x4000  }
0x15e: {  	[sflag:s18] =	ssyncset.done $0x0  }
0x15f: {  	s20 =	simm.s32 $0x0;
	[sflag:s18] =	ssyncadd.s32 $0xFFFFC000  }
0x160: {  	v0 =	vld [tilespmem:s20+$0x5030]  }
0x161: {  	v1 =	vld [tilespmem:s20+$0x5000]  }
0x162: {  	v2 =	vld [tilespmem:s20+$0x5010]  }
0x163: {  	s21 =	simm.s32 $0x200;
	v3 =	vld [tilespmem:s20+$0x5020]  }
.LBB2_28:
0x164: {  	p0 =	sne.s32 s21, $0xFE00  }
.Ltmp13:
0x165: {  	s22 =	sshra.s32 s21, $0x2;
	s21 =	sadd.s32 $0x200, s21;
	[tilespmem:s20+$0xD030] =	vst v0;
	(pc) =	sbr.rel @p0 .LBB2_28-.Ltmp13, $4  }
0x166: {  	v0 =	vld [tilespmem:s22+$0x5030];
	[tilespmem:s20+$0xD000] =	vst v1  }
0x167: {  	v1 =	vld [tilespmem:s22+$0x5000];
	[tilespmem:s20+$0xD010] =	vst v2  }
0x168: {  	v2 =	vld [tilespmem:s22+$0x5010];
	[tilespmem:s20+$0xD020] =	vst v3;
	s20 =	smov.u32 s22  }
0x169: {  	v3 =	vld [tilespmem:s20+$0x5020]  }
0x16a: {  	_ = 	snop  }
0x16b: {  	[tilespmem:s20+$0xD030] =	vst v0  }
0x16c: {  	[tilespmem:s20+$0xD000] =	vst v1  }
0x16d: {  	[tilespmem:s20+$0xD010] =	vst v2  }
0x16e: {  	s22 =	simm.s32 $0x0;
	s21 =	rddreg [dreg:$0x11];
	[tilespmem:s20+$0xD020] =	vst v3  }
0x16f: {  	[hbm4b:s21+s22] =	stream.linear.scatter [tilespmem:s16], [sflag:$0x4], $0x4000, $0x38;
	[tilespmem:$0x11000] =	vst v63  }
0x170: {  	s22 =	simm.s32 $0x780  }
0x171: {  	[tilespmem:s12], [sflag:$0x2] =	stream.indirect.gather [hbm4b:s1+s10], $0x80, s22, s10, $0xb8;
	[tilespmem:$0x11000] =	vst v63  }
0x172: {  	_ =	swait.ge [sflag:s13], $0x4000  }
0x173: {  	[sflag:s13] =	ssyncset.done $0x0  }
0x174: {  	[sflag:s13] =	ssyncadd.s32 $0xFFFFC000  }
0x175: {  	_ =	swait.ge [sflag:s17], $0x4000  }
0x176: {  	[sflag:s17] =	ssyncset.done $0x0  }
0x177: {  	s20 =	simm.s32 $0x0;
	[sflag:s17] =	ssyncadd.s32 $0xFFFFC000  }
0x178: {  	v0 =	vld [tilespmem:s20+$0x1030]  }
0x179: {  	v1 =	vld [tilespmem:s20+$0x1000]  }
0x17a: {  	v2 =	vld [tilespmem:s20+$0x1010]  }
0x17b: {  	s21 =	simm.s32 $0x200;
	v3 =	vld [tilespmem:s20+$0x1020]  }
.LBB2_30:
0x17c: {  	p0 =	sne.s32 s21, $0xFE00  }
.Ltmp14:
0x17d: {  	s22 =	sshra.s32 s21, $0x2;
	s21 =	sadd.s32 $0x200, s21;
	[tilespmem:s20+$0x9030] =	vst v0;
	(pc) =	sbr.rel @p0 .LBB2_30-.Ltmp14, $4  }
0x17e: {  	v0 =	vld [tilespmem:s22+$0x1030];
	[tilespmem:s20+$0x9000] =	vst v1  }
0x17f: {  	v1 =	vld [tilespmem:s22+$0x1000];
	[tilespmem:s20+$0x9010] =	vst v2  }
0x180: {  	v2 =	vld [tilespmem:s22+$0x1010];
	[tilespmem:s20+$0x9020] =	vst v3;
	s20 =	smov.u32 s22  }
0x181: {  	v3 =	vld [tilespmem:s20+$0x1020]  }
0x182: {  	_ = 	snop  }
0x183: {  	[tilespmem:s20+$0x9030] =	vst v0  }
0x184: {  	[tilespmem:s20+$0x9000] =	vst v1  }
0x185: {  	[tilespmem:s20+$0x9010] =	vst v2  }
0x186: {  	s22 =	simm.s32 $0x0;
	s21 =	rddreg [dreg:$0x12];
	[tilespmem:s20+$0x9020] =	vst v3  }
0x187: {  	[hbm4b:s21+s22] =	stream.linear.scatter [tilespmem:s14], [sflag:$0x3], $0x4000, $0x38;
	[tilespmem:$0x11000] =	vst v63  }
0x188: {  	s22 =	simm.s32 $0x800  }
0x189: {  	[tilespmem:s11], [sflag:$0x1] =	stream.indirect.gather [hbm4b:s1+s10], $0x80, s22, s10, $0xb8;
	[tilespmem:$0x11000] =	vst v63  }
0x18a: {  	_ =	swait.ge [sflag:s15], $0x4000  }
0x18b: {  	[sflag:s15] =	ssyncset.done $0x0  }
0x18c: {  	[sflag:s15] =	ssyncadd.s32 $0xFFFFC000  }
0x18d: {  	_ =	swait.ge [sflag:s18], $0x4000  }
0x18e: {  	[sflag:s18] =	ssyncset.done $0x0  }
0x18f: {  	s20 =	simm.s32 $0x0;
	[sflag:s18] =	ssyncadd.s32 $0xFFFFC000  }
0x190: {  	v0 =	vld [tilespmem:s20+$0x5030]  }
0x191: {  	v1 =	vld [tilespmem:s20+$0x5000]  }
0x192: {  	v2 =	vld [tilespmem:s20+$0x5010]  }
0x193: {  	s21 =	simm.s32 $0x200;
	v3 =	vld [tilespmem:s20+$0x5020]  }
.LBB2_32:
0x194: {  	p0 =	sne.s32 s21, $0xFE00  }
.Ltmp15:
0x195: {  	s22 =	sshra.s32 s21, $0x2;
	s21 =	sadd.s32 $0x200, s21;
	[tilespmem:s20+$0xD030] =	vst v0;
	(pc) =	sbr.rel @p0 .LBB2_32-.Ltmp15, $4  }
0x196: {  	v0 =	vld [tilespmem:s22+$0x5030];
	[tilespmem:s20+$0xD000] =	vst v1  }
0x197: {  	v1 =	vld [tilespmem:s22+$0x5000];
	[tilespmem:s20+$0xD010] =	vst v2  }
0x198: {  	v2 =	vld [tilespmem:s22+$0x5010];
	[tilespmem:s20+$0xD020] =	vst v3;
	s20 =	smov.u32 s22  }
0x199: {  	v3 =	vld [tilespmem:s20+$0x5020]  }
0x19a: {  	_ = 	snop  }
0x19b: {  	[tilespmem:s20+$0xD030] =	vst v0  }
0x19c: {  	[tilespmem:s20+$0xD000] =	vst v1  }
0x19d: {  	[tilespmem:s20+$0xD010] =	vst v2  }
0x19e: {  	s22 =	simm.s32 $0x0;
	s21 =	rddreg [dreg:$0x13];
	[tilespmem:s20+$0xD020] =	vst v3  }
0x19f: {  	[hbm4b:s21+s22] =	stream.linear.scatter [tilespmem:s16], [sflag:$0x4], $0x4000, $0x38;
	[tilespmem:$0x11000] =	vst v63  }
0x1a0: {  	s22 =	simm.s32 $0x880  }
0x1a1: {  	[tilespmem:s12], [sflag:$0x2] =	stream.indirect.gather [hbm4b:s1+s10], $0x80, s22, s10, $0xb8;
	[tilespmem:$0x11000] =	vst v63  }
0x1a2: {  	_ =	swait.ge [sflag:s13], $0x4000  }
0x1a3: {  	[sflag:s13] =	ssyncset.done $0x0  }
0x1a4: {  	[sflag:s13] =	ssyncadd.s32 $0xFFFFC000  }
0x1a5: {  	_ =	swait.ge [sflag:s17], $0x4000  }
0x1a6: {  	[sflag:s17] =	ssyncset.done $0x0  }
0x1a7: {  	s20 =	simm.s32 $0x0;
	[sflag:s17] =	ssyncadd.s32 $0xFFFFC000  }
0x1a8: {  	v0 =	vld [tilespmem:s20+$0x1030]  }
0x1a9: {  	v1 =	vld [tilespmem:s20+$0x1000]  }
0x1aa: {  	v2 =	vld [tilespmem:s20+$0x1010]  }
0x1ab: {  	s21 =	simm.s32 $0x200;
	v3 =	vld [tilespmem:s20+$0x1020]  }
.LBB2_34:
0x1ac: {  	p0 =	sne.s32 s21, $0xFE00  }
.Ltmp16:
0x1ad: {  	s22 =	sshra.s32 s21, $0x2;
	s21 =	sadd.s32 $0x200, s21;
	[tilespmem:s20+$0x9030] =	vst v0;
	(pc) =	sbr.rel @p0 .LBB2_34-.Ltmp16, $4  }
0x1ae: {  	v0 =	vld [tilespmem:s22+$0x1030];
	[tilespmem:s20+$0x9000] =	vst v1  }
0x1af: {  	v1 =	vld [tilespmem:s22+$0x1000];
	[tilespmem:s20+$0x9010] =	vst v2  }
0x1b0: {  	v2 =	vld [tilespmem:s22+$0x1010];
	[tilespmem:s20+$0x9020] =	vst v3;
	s20 =	smov.u32 s22  }
0x1b1: {  	v3 =	vld [tilespmem:s20+$0x1020]  }
0x1b2: {  	_ = 	snop  }
0x1b3: {  	[tilespmem:s20+$0x9030] =	vst v0  }
0x1b4: {  	[tilespmem:s20+$0x9000] =	vst v1  }
0x1b5: {  	[tilespmem:s20+$0x9010] =	vst v2  }
0x1b6: {  	s22 =	simm.s32 $0x0;
	s21 =	rddreg [dreg:$0x14];
	[tilespmem:s20+$0x9020] =	vst v3  }
0x1b7: {  	[hbm4b:s21+s22] =	stream.linear.scatter [tilespmem:s14], [sflag:$0x3], $0x4000, $0x38;
	[tilespmem:$0x11000] =	vst v63  }
0x1b8: {  	s22 =	simm.s32 $0x900  }
0x1b9: {  	[tilespmem:s11], [sflag:$0x1] =	stream.indirect.gather [hbm4b:s1+s10], $0x80, s22, s10, $0xb8;
	[tilespmem:$0x11000] =	vst v63  }
0x1ba: {  	_ =	swait.ge [sflag:s15], $0x4000  }
0x1bb: {  	[sflag:s15] =	ssyncset.done $0x0  }
0x1bc: {  	[sflag:s15] =	ssyncadd.s32 $0xFFFFC000  }
0x1bd: {  	_ =	swait.ge [sflag:s18], $0x4000  }
0x1be: {  	[sflag:s18] =	ssyncset.done $0x0  }
0x1bf: {  	s20 =	simm.s32 $0x0;
	[sflag:s18] =	ssyncadd.s32 $0xFFFFC000  }
0x1c0: {  	v0 =	vld [tilespmem:s20+$0x5030]  }
0x1c1: {  	v1 =	vld [tilespmem:s20+$0x5000]  }
0x1c2: {  	v2 =	vld [tilespmem:s20+$0x5010]  }
0x1c3: {  	s21 =	simm.s32 $0x200;
	v3 =	vld [tilespmem:s20+$0x5020]  }
.LBB2_36:
0x1c4: {  	p0 =	sne.s32 s21, $0xFE00  }
.Ltmp17:
0x1c5: {  	s22 =	sshra.s32 s21, $0x2;
	s21 =	sadd.s32 $0x200, s21;
	[tilespmem:s20+$0xD030] =	vst v0;
	(pc) =	sbr.rel @p0 .LBB2_36-.Ltmp17, $4  }
0x1c6: {  	v0 =	vld [tilespmem:s22+$0x5030];
	[tilespmem:s20+$0xD000] =	vst v1  }
0x1c7: {  	v1 =	vld [tilespmem:s22+$0x5000];
	[tilespmem:s20+$0xD010] =	vst v2  }
0x1c8: {  	v2 =	vld [tilespmem:s22+$0x5010];
	[tilespmem:s20+$0xD020] =	vst v3;
	s20 =	smov.u32 s22  }
0x1c9: {  	v3 =	vld [tilespmem:s20+$0x5020]  }
0x1ca: {  	_ = 	snop  }
0x1cb: {  	[tilespmem:s20+$0xD030] =	vst v0  }
0x1cc: {  	[tilespmem:s20+$0xD000] =	vst v1  }
0x1cd: {  	[tilespmem:s20+$0xD010] =	vst v2  }
0x1ce: {  	s22 =	simm.s32 $0x0;
	s21 =	rddreg [dreg:$0x15];
	[tilespmem:s20+$0xD020] =	vst v3  }
0x1cf: {  	[hbm4b:s21+s22] =	stream.linear.scatter [tilespmem:s16], [sflag:$0x4], $0x4000, $0x38;
	[tilespmem:$0x11000] =	vst v63  }
0x1d0: {  	s22 =	simm.s32 $0x980  }
0x1d1: {  	[tilespmem:s12], [sflag:$0x2] =	stream.indirect.gather [hbm4b:s1+s10], $0x80, s22, s10, $0xb8;
	[tilespmem:$0x11000] =	vst v63  }
0x1d2: {  	_ =	swait.ge [sflag:s13], $0x4000  }
0x1d3: {  	[sflag:s13] =	ssyncset.done $0x0  }
0x1d4: {  	[sflag:s13] =	ssyncadd.s32 $0xFFFFC000  }
0x1d5: {  	_ =	swait.ge [sflag:s17], $0x4000  }
0x1d6: {  	[sflag:s17] =	ssyncset.done $0x0  }
0x1d7: {  	s20 =	simm.s32 $0x0;
	[sflag:s17] =	ssyncadd.s32 $0xFFFFC000  }
0x1d8: {  	v0 =	vld [tilespmem:s20+$0x1030]  }
0x1d9: {  	v1 =	vld [tilespmem:s20+$0x1000]  }
0x1da: {  	v2 =	vld [tilespmem:s20+$0x1010]  }
0x1db: {  	s21 =	simm.s32 $0x200;
	v3 =	vld [tilespmem:s20+$0x1020]  }
.LBB2_38:
0x1dc: {  	p0 =	sne.s32 s21, $0xFE00  }
.Ltmp18:
0x1dd: {  	s22 =	sshra.s32 s21, $0x2;
	s21 =	sadd.s32 $0x200, s21;
	[tilespmem:s20+$0x9030] =	vst v0;
	(pc) =	sbr.rel @p0 .LBB2_38-.Ltmp18, $4  }
0x1de: {  	v0 =	vld [tilespmem:s22+$0x1030];
	[tilespmem:s20+$0x9000] =	vst v1  }
0x1df: {  	v1 =	vld [tilespmem:s22+$0x1000];
	[tilespmem:s20+$0x9010] =	vst v2  }
0x1e0: {  	v2 =	vld [tilespmem:s22+$0x1010];
	[tilespmem:s20+$0x9020] =	vst v3;
	s20 =	smov.u32 s22  }
0x1e1: {  	v3 =	vld [tilespmem:s20+$0x1020]  }
0x1e2: {  	_ = 	snop  }
0x1e3: {  	[tilespmem:s20+$0x9030] =	vst v0  }
0x1e4: {  	[tilespmem:s20+$0x9000] =	vst v1  }
0x1e5: {  	[tilespmem:s20+$0x9010] =	vst v2  }
0x1e6: {  	s21 =	simm.s32 $0x0;
	[tilespmem:s20+$0x9020] =	vst v3  }
0x1e7: {  	[hbm4b:s23+s21] =	stream.linear.scatter [tilespmem:s14], [sflag:$0x3], $0x4000, $0x38;
	[tilespmem:$0x11000] =	vst v63  }
0x1e8: {  	s22 =	simm.s32 $0xA00  }
0x1e9: {  	[tilespmem:s11], [sflag:$0x1] =	stream.indirect.gather [hbm4b:s1+s10], $0x80, s22, s10, $0xb8;
	[tilespmem:$0x11000] =	vst v63  }
0x1ea: {  	_ =	swait.ge [sflag:s15], $0x4000  }
0x1eb: {  	[sflag:s15] =	ssyncset.done $0x0  }
0x1ec: {  	[sflag:s15] =	ssyncadd.s32 $0xFFFFC000  }
0x1ed: {  	_ =	swait.ge [sflag:s18], $0x4000  }
0x1ee: {  	[sflag:s18] =	ssyncset.done $0x0  }
0x1ef: {  	s20 =	simm.s32 $0x0;
	[sflag:s18] =	ssyncadd.s32 $0xFFFFC000  }
0x1f0: {  	v0 =	vld [tilespmem:s20+$0x5030]  }
0x1f1: {  	v1 =	vld [tilespmem:s20+$0x5000]  }
0x1f2: {  	v2 =	vld [tilespmem:s20+$0x5010]  }
0x1f3: {  	s21 =	simm.s32 $0x200;
	v3 =	vld [tilespmem:s20+$0x5020]  }
.LBB2_40:
0x1f4: {  	p0 =	sne.s32 s21, $0xFE00  }
.Ltmp19:
0x1f5: {  	s22 =	sshra.s32 s21, $0x2;
	s21 =	sadd.s32 $0x200, s21;
	[tilespmem:s20+$0xD030] =	vst v0;
	(pc) =	sbr.rel @p0 .LBB2_40-.Ltmp19, $4  }
0x1f6: {  	v0 =	vld [tilespmem:s22+$0x5030];
	[tilespmem:s20+$0xD000] =	vst v1  }
0x1f7: {  	v1 =	vld [tilespmem:s22+$0x5000];
	[tilespmem:s20+$0xD010] =	vst v2  }
0x1f8: {  	v2 =	vld [tilespmem:s22+$0x5010];
	[tilespmem:s20+$0xD020] =	vst v3;
	s20 =	smov.u32 s22  }
0x1f9: {  	v3 =	vld [tilespmem:s20+$0x5020]  }
0x1fa: {  	_ = 	snop  }
0x1fb: {  	[tilespmem:s20+$0xD030] =	vst v0  }
0x1fc: {  	[tilespmem:s20+$0xD000] =	vst v1  }
0x1fd: {  	[tilespmem:s20+$0xD010] =	vst v2  }
0x1fe: {  	s21 =	simm.s32 $0x0;
	[tilespmem:s20+$0xD020] =	vst v3  }
0x1ff: {  	[hbm4b:s24+s21] =	stream.linear.scatter [tilespmem:s16], [sflag:$0x4], $0x4000, $0x38;
	[tilespmem:$0x11000] =	vst v63  }
0x200: {  	s22 =	simm.s32 $0xA80  }
0x201: {  	[tilespmem:s12], [sflag:$0x2] =	stream.indirect.gather [hbm4b:s1+s10], $0x80, s22, s10, $0xb8;
	[tilespmem:$0x11000] =	vst v63  }
0x202: {  	_ =	swait.ge [sflag:s13], $0x4000  }
0x203: {  	[sflag:s13] =	ssyncset.done $0x0  }
0x204: {  	[sflag:s13] =	ssyncadd.s32 $0xFFFFC000  }
0x205: {  	_ =	swait.ge [sflag:s17], $0x4000  }
0x206: {  	[sflag:s17] =	ssyncset.done $0x0  }
0x207: {  	s20 =	simm.s32 $0x0;
	[sflag:s17] =	ssyncadd.s32 $0xFFFFC000  }
0x208: {  	v0 =	vld [tilespmem:s20+$0x1030]  }
0x209: {  	v1 =	vld [tilespmem:s20+$0x1000]  }
0x20a: {  	v2 =	vld [tilespmem:s20+$0x1010]  }
0x20b: {  	s21 =	simm.s32 $0x200;
	v3 =	vld [tilespmem:s20+$0x1020]  }
.LBB2_42:
0x20c: {  	p0 =	sne.s32 s21, $0xFE00  }
.Ltmp20:
0x20d: {  	s22 =	sshra.s32 s21, $0x2;
	s21 =	sadd.s32 $0x200, s21;
	[tilespmem:s20+$0x9030] =	vst v0;
	(pc) =	sbr.rel @p0 .LBB2_42-.Ltmp20, $4  }
0x20e: {  	v0 =	vld [tilespmem:s22+$0x1030];
	[tilespmem:s20+$0x9000] =	vst v1  }
0x20f: {  	v1 =	vld [tilespmem:s22+$0x1000];
	[tilespmem:s20+$0x9010] =	vst v2  }
0x210: {  	v2 =	vld [tilespmem:s22+$0x1010];
	[tilespmem:s20+$0x9020] =	vst v3;
	s20 =	smov.u32 s22  }
0x211: {  	v3 =	vld [tilespmem:s20+$0x1020]  }
0x212: {  	_ = 	snop  }
0x213: {  	[tilespmem:s20+$0x9030] =	vst v0  }
0x214: {  	[tilespmem:s20+$0x9000] =	vst v1  }
0x215: {  	[tilespmem:s20+$0x9010] =	vst v2  }
0x216: {  	s21 =	simm.s32 $0x0;
	[tilespmem:s20+$0x9020] =	vst v3  }
0x217: {  	[hbm4b:s25+s21] =	stream.linear.scatter [tilespmem:s14], [sflag:$0x3], $0x4000, $0x38;
	[tilespmem:$0x11000] =	vst v63  }
0x218: {  	s22 =	simm.s32 $0xB00  }
0x219: {  	[tilespmem:s11], [sflag:$0x1] =	stream.indirect.gather [hbm4b:s1+s10], $0x80, s22, s10, $0xb8;
	[tilespmem:$0x11000] =	vst v63  }
0x21a: {  	_ =	swait.ge [sflag:s15], $0x4000  }
0x21b: {  	[sflag:s15] =	ssyncset.done $0x0  }
0x21c: {  	[sflag:s15] =	ssyncadd.s32 $0xFFFFC000  }
0x21d: {  	_ =	swait.ge [sflag:s18], $0x4000  }
0x21e: {  	[sflag:s18] =	ssyncset.done $0x0  }
0x21f: {  	s20 =	simm.s32 $0x0;
	[sflag:s18] =	ssyncadd.s32 $0xFFFFC000  }
0x220: {  	v0 =	vld [tilespmem:s20+$0x5030]  }
0x221: {  	v1 =	vld [tilespmem:s20+$0x5000]  }
0x222: {  	v2 =	vld [tilespmem:s20+$0x5010]  }
0x223: {  	s21 =	simm.s32 $0x200;
	v3 =	vld [tilespmem:s20+$0x5020]  }
.LBB2_44:
0x224: {  	p0 =	sne.s32 s21, $0xFE00  }
.Ltmp21:
0x225: {  	s22 =	sshra.s32 s21, $0x2;
	s21 =	sadd.s32 $0x200, s21;
	[tilespmem:s20+$0xD030] =	vst v0;
	(pc) =	sbr.rel @p0 .LBB2_44-.Ltmp21, $4  }
0x226: {  	v0 =	vld [tilespmem:s22+$0x5030];
	[tilespmem:s20+$0xD000] =	vst v1  }
0x227: {  	v1 =	vld [tilespmem:s22+$0x5000];
	[tilespmem:s20+$0xD010] =	vst v2  }
0x228: {  	v2 =	vld [tilespmem:s22+$0x5010];
	[tilespmem:s20+$0xD020] =	vst v3;
	s20 =	smov.u32 s22  }
0x229: {  	v3 =	vld [tilespmem:s20+$0x5020]  }
0x22a: {  	_ = 	snop  }
0x22b: {  	[tilespmem:s20+$0xD030] =	vst v0  }
0x22c: {  	[tilespmem:s20+$0xD000] =	vst v1  }
0x22d: {  	[tilespmem:s20+$0xD010] =	vst v2  }
0x22e: {  	s21 =	simm.s32 $0x0;
	[tilespmem:s20+$0xD020] =	vst v3  }
0x22f: {  	[hbm4b:s26+s21] =	stream.linear.scatter [tilespmem:s16], [sflag:$0x4], $0x4000, $0x38;
	[tilespmem:$0x11000] =	vst v63  }
0x230: {  	s22 =	simm.s32 $0xB80  }
0x231: {  	[tilespmem:s12], [sflag:$0x2] =	stream.indirect.gather [hbm4b:s1+s10], $0x80, s22, s10, $0xb8;
	[tilespmem:$0x11000] =	vst v63  }
0x232: {  	_ =	swait.ge [sflag:s13], $0x4000  }
0x233: {  	[sflag:s13] =	ssyncset.done $0x0  }
0x234: {  	[sflag:s13] =	ssyncadd.s32 $0xFFFFC000  }
0x235: {  	_ =	swait.ge [sflag:s17], $0x4000  }
0x236: {  	[sflag:s17] =	ssyncset.done $0x0  }
0x237: {  	s20 =	simm.s32 $0x0;
	[sflag:s17] =	ssyncadd.s32 $0xFFFFC000  }
0x238: {  	v0 =	vld [tilespmem:s20+$0x1030]  }
0x239: {  	v1 =	vld [tilespmem:s20+$0x1000]  }
0x23a: {  	v2 =	vld [tilespmem:s20+$0x1010]  }
0x23b: {  	s21 =	simm.s32 $0x200;
	v3 =	vld [tilespmem:s20+$0x1020]  }
.LBB2_46:
0x23c: {  	p0 =	sne.s32 s21, $0xFE00  }
.Ltmp22:
0x23d: {  	s22 =	sshra.s32 s21, $0x2;
	s21 =	sadd.s32 $0x200, s21;
	[tilespmem:s20+$0x9030] =	vst v0;
	(pc) =	sbr.rel @p0 .LBB2_46-.Ltmp22, $4  }
0x23e: {  	v0 =	vld [tilespmem:s22+$0x1030];
	[tilespmem:s20+$0x9000] =	vst v1  }
0x23f: {  	v1 =	vld [tilespmem:s22+$0x1000];
	[tilespmem:s20+$0x9010] =	vst v2  }
0x240: {  	v2 =	vld [tilespmem:s22+$0x1010];
	[tilespmem:s20+$0x9020] =	vst v3;
	s20 =	smov.u32 s22  }
0x241: {  	v3 =	vld [tilespmem:s20+$0x1020]  }
0x242: {  	_ = 	snop  }
0x243: {  	[tilespmem:s20+$0x9030] =	vst v0  }
0x244: {  	[tilespmem:s20+$0x9000] =	vst v1  }
0x245: {  	[tilespmem:s20+$0x9010] =	vst v2  }
0x246: {  	s21 =	simm.s32 $0x0;
	[tilespmem:s20+$0x9020] =	vst v3  }
0x247: {  	[hbm4b:s28+s21] =	stream.linear.scatter [tilespmem:s14], [sflag:$0x3], $0x4000, $0x38;
	[tilespmem:$0x11000] =	vst v63  }
0x248: {  	s22 =	simm.s32 $0xC00  }
0x249: {  	[tilespmem:s11], [sflag:$0x1] =	stream.indirect.gather [hbm4b:s1+s10], $0x80, s22, s10, $0xb8;
	[tilespmem:$0x11000] =	vst v63  }
0x24a: {  	_ =	swait.ge [sflag:s15], $0x4000  }
0x24b: {  	[sflag:s15] =	ssyncset.done $0x0  }
0x24c: {  	[sflag:s15] =	ssyncadd.s32 $0xFFFFC000  }
0x24d: {  	_ =	swait.ge [sflag:s18], $0x4000  }
0x24e: {  	[sflag:s18] =	ssyncset.done $0x0  }
0x24f: {  	s20 =	simm.s32 $0x0;
	[sflag:s18] =	ssyncadd.s32 $0xFFFFC000  }
0x250: {  	v0 =	vld [tilespmem:s20+$0x5030]  }
0x251: {  	v1 =	vld [tilespmem:s20+$0x5000]  }
0x252: {  	v2 =	vld [tilespmem:s20+$0x5010]  }
0x253: {  	s21 =	simm.s32 $0x200;
	v3 =	vld [tilespmem:s20+$0x5020]  }
.LBB2_48:
0x254: {  	p0 =	sne.s32 s21, $0xFE00  }
.Ltmp23:
0x255: {  	s22 =	sshra.s32 s21, $0x2;
	s21 =	sadd.s32 $0x200, s21;
	[tilespmem:s20+$0xD030] =	vst v0;
	(pc) =	sbr.rel @p0 .LBB2_48-.Ltmp23, $4  }
0x256: {  	v0 =	vld [tilespmem:s22+$0x5030];
	[tilespmem:s20+$0xD000] =	vst v1  }
0x257: {  	v1 =	vld [tilespmem:s22+$0x5000];
	[tilespmem:s20+$0xD010] =	vst v2  }
0x258: {  	v2 =	vld [tilespmem:s22+$0x5010];
	[tilespmem:s20+$0xD020] =	vst v3;
	s20 =	smov.u32 s22  }
0x259: {  	v3 =	vld [tilespmem:s20+$0x5020]  }
0x25a: {  	_ = 	snop  }
0x25b: {  	[tilespmem:s20+$0xD030] =	vst v0  }
0x25c: {  	[tilespmem:s20+$0xD000] =	vst v1  }
0x25d: {  	[tilespmem:s20+$0xD010] =	vst v2  }
0x25e: {  	s21 =	simm.s32 $0x0;
	[tilespmem:s20+$0xD020] =	vst v3  }
0x25f: {  	[hbm4b:s29+s21] =	stream.linear.scatter [tilespmem:s16], [sflag:$0x4], $0x4000, $0x38;
	[tilespmem:$0x11000] =	vst v63  }
0x260: {  	s22 =	simm.s32 $0xC80  }
0x261: {  	[tilespmem:s12], [sflag:$0x2] =	stream.indirect.gather [hbm4b:s1+s10], $0x80, s22, s10, $0xb8;
	[tilespmem:$0x11000] =	vst v63  }
0x262: {  	_ =	swait.ge [sflag:s13], $0x4000  }
0x263: {  	[sflag:s13] =	ssyncset.done $0x0  }
0x264: {  	[sflag:s13] =	ssyncadd.s32 $0xFFFFC000  }
0x265: {  	_ =	swait.ge [sflag:s17], $0x4000  }
0x266: {  	[sflag:s17] =	ssyncset.done $0x0  }
0x267: {  	s20 =	simm.s32 $0x0;
	[sflag:s17] =	ssyncadd.s32 $0xFFFFC000  }
0x268: {  	v0 =	vld [tilespmem:s20+$0x1030]  }
0x269: {  	v1 =	vld [tilespmem:s20+$0x1000]  }
0x26a: {  	v2 =	vld [tilespmem:s20+$0x1010]  }
0x26b: {  	s21 =	simm.s32 $0x200;
	v3 =	vld [tilespmem:s20+$0x1020]  }
.LBB2_50:
0x26c: {  	p0 =	sne.s32 s21, $0xFE00  }
.Ltmp24:
0x26d: {  	s22 =	sshra.s32 s21, $0x2;
	s21 =	sadd.s32 $0x200, s21;
	[tilespmem:s20+$0x9030] =	vst v0;
	(pc) =	sbr.rel @p0 .LBB2_50-.Ltmp24, $4  }
0x26e: {  	v0 =	vld [tilespmem:s22+$0x1030];
	[tilespmem:s20+$0x9000] =	vst v1  }
0x26f: {  	v1 =	vld [tilespmem:s22+$0x1000];
	[tilespmem:s20+$0x9010] =	vst v2  }
0x270: {  	v2 =	vld [tilespmem:s22+$0x1010];
	[tilespmem:s20+$0x9020] =	vst v3;
	s20 =	smov.u32 s22  }
0x271: {  	v3 =	vld [tilespmem:s20+$0x1020]  }
0x272: {  	_ = 	snop  }
0x273: {  	[tilespmem:s20+$0x9030] =	vst v0  }
0x274: {  	[tilespmem:s20+$0x9000] =	vst v1  }
0x275: {  	[tilespmem:s20+$0x9010] =	vst v2  }
0x276: {  	s21 =	simm.s32 $0x0;
	[tilespmem:s20+$0x9020] =	vst v3  }
0x277: {  	[hbm4b:s30+s21] =	stream.linear.scatter [tilespmem:s14], [sflag:$0x3], $0x4000, $0x38;
	[tilespmem:$0x11000] =	vst v63  }
0x278: {  	s22 =	simm.s32 $0xD00  }
0x279: {  	[tilespmem:s11], [sflag:$0x1] =	stream.indirect.gather [hbm4b:s1+s10], $0x80, s22, s10, $0xb8;
	[tilespmem:$0x11000] =	vst v63  }
0x27a: {  	_ =	swait.ge [sflag:s15], $0x4000  }
0x27b: {  	[sflag:s15] =	ssyncset.done $0x0  }
0x27c: {  	[sflag:s15] =	ssyncadd.s32 $0xFFFFC000  }
0x27d: {  	_ =	swait.ge [sflag:s18], $0x4000  }
0x27e: {  	[sflag:s18] =	ssyncset.done $0x0  }
0x27f: {  	s20 =	simm.s32 $0x0;
	[sflag:s18] =	ssyncadd.s32 $0xFFFFC000  }
0x280: {  	v0 =	vld [tilespmem:s20+$0x5030]  }
0x281: {  	v1 =	vld [tilespmem:s20+$0x5000]  }
0x282: {  	v2 =	vld [tilespmem:s20+$0x5010]  }
0x283: {  	s21 =	simm.s32 $0x200;
	v3 =	vld [tilespmem:s20+$0x5020]  }
.LBB2_52:
0x284: {  	p0 =	sne.s32 s21, $0xFE00  }
.Ltmp25:
0x285: {  	s22 =	sshra.s32 s21, $0x2;
	s21 =	sadd.s32 $0x200, s21;
	[tilespmem:s20+$0xD030] =	vst v0;
	(pc) =	sbr.rel @p0 .LBB2_52-.Ltmp25, $4  }
0x286: {  	v0 =	vld [tilespmem:s22+$0x5030];
	[tilespmem:s20+$0xD000] =	vst v1  }
0x287: {  	v1 =	vld [tilespmem:s22+$0x5000];
	[tilespmem:s20+$0xD010] =	vst v2  }
0x288: {  	v2 =	vld [tilespmem:s22+$0x5010];
	[tilespmem:s20+$0xD020] =	vst v3;
	s20 =	smov.u32 s22  }
0x289: {  	v3 =	vld [tilespmem:s20+$0x5020]  }
0x28a: {  	_ = 	snop  }
0x28b: {  	[tilespmem:s20+$0xD030] =	vst v0  }
0x28c: {  	[tilespmem:s20+$0xD000] =	vst v1  }
0x28d: {  	[tilespmem:s20+$0xD010] =	vst v2  }
0x28e: {  	s21 =	simm.s32 $0x0;
	[tilespmem:s20+$0xD020] =	vst v3  }
0x28f: {  	[hbm4b:s31+s21] =	stream.linear.scatter [tilespmem:s16], [sflag:$0x4], $0x4000, $0x38;
	[tilespmem:$0x11000] =	vst v63  }
0x290: {  	s22 =	simm.s32 $0xD80  }
0x291: {  	[tilespmem:s12], [sflag:$0x2] =	stream.indirect.gather [hbm4b:s1+s10], $0x80, s22, s10, $0xb8;
	[tilespmem:$0x11000] =	vst v63  }
0x292: {  	_ =	swait.ge [sflag:s13], $0x4000  }
0x293: {  	[sflag:s13] =	ssyncset.done $0x0  }
0x294: {  	[sflag:s13] =	ssyncadd.s32 $0xFFFFC000  }
0x295: {  	_ =	swait.ge [sflag:s17], $0x4000  }
0x296: {  	[sflag:s17] =	ssyncset.done $0x0  }
0x297: {  	s20 =	simm.s32 $0x0;
	[sflag:s17] =	ssyncadd.s32 $0xFFFFC000  }
0x298: {  	v0 =	vld [tilespmem:s20+$0x1030]  }
0x299: {  	v1 =	vld [tilespmem:s20+$0x1000]  }
0x29a: {  	v2 =	vld [tilespmem:s20+$0x1010]  }
0x29b: {  	s21 =	simm.s32 $0x200;
	v3 =	vld [tilespmem:s20+$0x1020]  }
.LBB2_54:
0x29c: {  	p0 =	sne.s32 s21, $0xFE00  }
.Ltmp26:
0x29d: {  	s22 =	sshra.s32 s21, $0x2;
	s21 =	sadd.s32 $0x200, s21;
	[tilespmem:s20+$0x9030] =	vst v0;
	(pc) =	sbr.rel @p0 .LBB2_54-.Ltmp26, $4  }
0x29e: {  	v0 =	vld [tilespmem:s22+$0x1030];
	[tilespmem:s20+$0x9000] =	vst v1  }
0x29f: {  	v1 =	vld [tilespmem:s22+$0x1000];
	[tilespmem:s20+$0x9010] =	vst v2  }
0x2a0: {  	v2 =	vld [tilespmem:s22+$0x1010];
	[tilespmem:s20+$0x9020] =	vst v3;
	s20 =	smov.u32 s22  }
0x2a1: {  	v3 =	vld [tilespmem:s20+$0x1020]  }
0x2a2: {  	_ = 	snop  }
0x2a3: {  	[tilespmem:s20+$0x9030] =	vst v0  }
0x2a4: {  	[tilespmem:s20+$0x9000] =	vst v1  }
0x2a5: {  	[tilespmem:s20+$0x9010] =	vst v2  }
0x2a6: {  	s21 =	simm.s32 $0x0;
	[tilespmem:s20+$0x9020] =	vst v3  }
0x2a7: {  	[hbm4b:s0+s21] =	stream.linear.scatter [tilespmem:s14], [sflag:$0x3], $0x4000, $0x38;
	[tilespmem:$0x11000] =	vst v63  }
0x2a8: {  	s22 =	simm.s32 $0xE00  }
0x2a9: {  	[tilespmem:s11], [sflag:$0x1] =	stream.indirect.gather [hbm4b:s1+s10], $0x80, s22, s10, $0xb8;
	[tilespmem:$0x11000] =	vst v63  }
0x2aa: {  	_ =	swait.ge [sflag:s15], $0x4000  }
0x2ab: {  	[sflag:s15] =	ssyncset.done $0x0  }
0x2ac: {  	[sflag:s15] =	ssyncadd.s32 $0xFFFFC000  }
0x2ad: {  	_ =	swait.ge [sflag:s18], $0x4000  }
0x2ae: {  	[sflag:s18] =	ssyncset.done $0x0  }
0x2af: {  	s20 =	simm.s32 $0x0;
	[sflag:s18] =	ssyncadd.s32 $0xFFFFC000  }
0x2b0: {  	v0 =	vld [tilespmem:s20+$0x5030]  }
0x2b1: {  	v1 =	vld [tilespmem:s20+$0x5000]  }
0x2b2: {  	v2 =	vld [tilespmem:s20+$0x5010]  }
0x2b3: {  	s21 =	simm.s32 $0x200;
	v3 =	vld [tilespmem:s20+$0x5020]  }
.LBB2_56:
0x2b4: {  	p0 =	sne.s32 s21, $0xFE00  }
.Ltmp27:
0x2b5: {  	s22 =	sshra.s32 s21, $0x2;
	s21 =	sadd.s32 $0x200, s21;
	[tilespmem:s20+$0xD030] =	vst v0;
	(pc) =	sbr.rel @p0 .LBB2_56-.Ltmp27, $4  }
0x2b6: {  	v0 =	vld [tilespmem:s22+$0x5030];
	[tilespmem:s20+$0xD000] =	vst v1  }
0x2b7: {  	v1 =	vld [tilespmem:s22+$0x5000];
	[tilespmem:s20+$0xD010] =	vst v2  }
0x2b8: {  	v2 =	vld [tilespmem:s22+$0x5010];
	[tilespmem:s20+$0xD020] =	vst v3;
	s20 =	smov.u32 s22  }
0x2b9: {  	v3 =	vld [tilespmem:s20+$0x5020]  }
0x2ba: {  	_ = 	snop  }
0x2bb: {  	[tilespmem:s20+$0xD030] =	vst v0  }
0x2bc: {  	[tilespmem:s20+$0xD000] =	vst v1  }
0x2bd: {  	[tilespmem:s20+$0xD010] =	vst v2  }
0x2be: {  	s21 =	simm.s32 $0x0;
	[tilespmem:s20+$0xD020] =	vst v3  }
0x2bf: {  	[hbm4b:s2+s21] =	stream.linear.scatter [tilespmem:s16], [sflag:$0x4], $0x4000, $0x38;
	[tilespmem:$0x11000] =	vst v63  }
0x2c0: {  	s22 =	simm.s32 $0xE80  }
0x2c1: {  	[tilespmem:s12], [sflag:$0x2] =	stream.indirect.gather [hbm4b:s1+s10], $0x80, s22, s10, $0xb8;
	[tilespmem:$0x11000] =	vst v63  }
0x2c2: {  	_ =	swait.ge [sflag:s13], $0x4000  }
0x2c3: {  	[sflag:s13] =	ssyncset.done $0x0  }
0x2c4: {  	[sflag:s13] =	ssyncadd.s32 $0xFFFFC000  }
0x2c5: {  	_ =	swait.ge [sflag:s17], $0x4000  }
0x2c6: {  	[sflag:s17] =	ssyncset.done $0x0  }
0x2c7: {  	s20 =	simm.s32 $0x0;
	[sflag:s17] =	ssyncadd.s32 $0xFFFFC000  }
0x2c8: {  	v0 =	vld [tilespmem:s20+$0x1030]  }
0x2c9: {  	v1 =	vld [tilespmem:s20+$0x1000]  }
0x2ca: {  	v2 =	vld [tilespmem:s20+$0x1010]  }
0x2cb: {  	s21 =	simm.s32 $0x200;
	v3 =	vld [tilespmem:s20+$0x1020]  }
.LBB2_58:
0x2cc: {  	p0 =	sne.s32 s21, $0xFE00  }
.Ltmp28:
0x2cd: {  	s22 =	sshra.s32 s21, $0x2;
	s21 =	sadd.s32 $0x200, s21;
	[tilespmem:s20+$0x9030] =	vst v0;
	(pc) =	sbr.rel @p0 .LBB2_58-.Ltmp28, $4  }
0x2ce: {  	v0 =	vld [tilespmem:s22+$0x1030];
	[tilespmem:s20+$0x9000] =	vst v1  }
0x2cf: {  	v1 =	vld [tilespmem:s22+$0x1000];
	[tilespmem:s20+$0x9010] =	vst v2  }
0x2d0: {  	v2 =	vld [tilespmem:s22+$0x1010];
	[tilespmem:s20+$0x9020] =	vst v3;
	s20 =	smov.u32 s22  }
0x2d1: {  	v3 =	vld [tilespmem:s20+$0x1020]  }
0x2d2: {  	_ = 	snop  }
0x2d3: {  	[tilespmem:s20+$0x9030] =	vst v0  }
0x2d4: {  	[tilespmem:s20+$0x9000] =	vst v1  }
0x2d5: {  	[tilespmem:s20+$0x9010] =	vst v2  }
0x2d6: {  	s21 =	simm.s32 $0x0;
	[tilespmem:s20+$0x9020] =	vst v3  }
0x2d7: {  	[hbm4b:s4+s21] =	stream.linear.scatter [tilespmem:s14], [sflag:$0x3], $0x4000, $0x38;
	[tilespmem:$0x11000] =	vst v63  }
0x2d8: {  	s22 =	simm.s32 $0xF00  }
0x2d9: {  	[tilespmem:s11], [sflag:$0x1] =	stream.indirect.gather [hbm4b:s1+s10], $0x80, s22, s10, $0xb8;
	[tilespmem:$0x11000] =	vst v63  }
0x2da: {  	_ =	swait.ge [sflag:s15], $0x4000  }
0x2db: {  	[sflag:s15] =	ssyncset.done $0x0  }
0x2dc: {  	[sflag:s15] =	ssyncadd.s32 $0xFFFFC000  }
0x2dd: {  	_ =	swait.ge [sflag:s18], $0x4000  }
0x2de: {  	[sflag:s18] =	ssyncset.done $0x0  }
0x2df: {  	s20 =	simm.s32 $0x0;
	[sflag:s18] =	ssyncadd.s32 $0xFFFFC000  }
0x2e0: {  	v0 =	vld [tilespmem:s20+$0x5030]  }
0x2e1: {  	v1 =	vld [tilespmem:s20+$0x5000]  }
0x2e2: {  	v2 =	vld [tilespmem:s20+$0x5010]  }
0x2e3: {  	s21 =	simm.s32 $0x200;
	v3 =	vld [tilespmem:s20+$0x5020]  }
.LBB2_60:
0x2e4: {  	p0 =	sne.s32 s21, $0xFE00  }
.Ltmp29:
0x2e5: {  	s22 =	sshra.s32 s21, $0x2;
	s21 =	sadd.s32 $0x200, s21;
	[tilespmem:s20+$0xD030] =	vst v0;
	(pc) =	sbr.rel @p0 .LBB2_60-.Ltmp29, $4  }
0x2e6: {  	v0 =	vld [tilespmem:s22+$0x5030];
	[tilespmem:s20+$0xD000] =	vst v1  }
0x2e7: {  	v1 =	vld [tilespmem:s22+$0x5000];
	[tilespmem:s20+$0xD010] =	vst v2  }
0x2e8: {  	v2 =	vld [tilespmem:s22+$0x5010];
	[tilespmem:s20+$0xD020] =	vst v3;
	s20 =	smov.u32 s22  }
0x2e9: {  	v3 =	vld [tilespmem:s20+$0x5020]  }
0x2ea: {  	_ = 	snop  }
0x2eb: {  	[tilespmem:s20+$0xD030] =	vst v0  }
0x2ec: {  	[tilespmem:s20+$0xD000] =	vst v1  }
0x2ed: {  	[tilespmem:s20+$0xD010] =	vst v2  }
0x2ee: {  	s21 =	simm.s32 $0x0;
	[tilespmem:s20+$0xD020] =	vst v3  }
0x2ef: {  	[hbm4b:s5+s21] =	stream.linear.scatter [tilespmem:s16], [sflag:$0x4], $0x4000, $0x38;
	[tilespmem:$0x11000] =	vst v63  }
0x2f0: {  	s22 =	simm.s32 $0xF80  }
0x2f1: {  	[tilespmem:s12], [sflag:$0x2] =	stream.indirect.gather [hbm4b:s1+s10], $0x80, s22, s10, $0xb8;
	[tilespmem:$0x11000] =	vst v63  }
0x2f2: {  	_ =	swait.ge [sflag:s13], $0x4000  }
0x2f3: {  	[sflag:s13] =	ssyncset.done $0x0  }
0x2f4: {  	[sflag:s13] =	ssyncadd.s32 $0xFFFFC000  }
0x2f5: {  	_ =	swait.ge [sflag:s17], $0x4000  }
0x2f6: {  	[sflag:s17] =	ssyncset.done $0x0  }
0x2f7: {  	s20 =	simm.s32 $0x0;
	[sflag:s17] =	ssyncadd.s32 $0xFFFFC000  }
0x2f8: {  	v0 =	vld [tilespmem:s20+$0x1030]  }
0x2f9: {  	v1 =	vld [tilespmem:s20+$0x1000]  }
0x2fa: {  	v2 =	vld [tilespmem:s20+$0x1010]  }
0x2fb: {  	s21 =	simm.s32 $0x200;
	v3 =	vld [tilespmem:s20+$0x1020]  }
.LBB2_62:
0x2fc: {  	p0 =	sne.s32 s21, $0xFE00  }
.Ltmp30:
0x2fd: {  	s22 =	sshra.s32 s21, $0x2;
	s21 =	sadd.s32 $0x200, s21;
	[tilespmem:s20+$0x9030] =	vst v0;
	(pc) =	sbr.rel @p0 .LBB2_62-.Ltmp30, $4  }
0x2fe: {  	v0 =	vld [tilespmem:s22+$0x1030];
	[tilespmem:s20+$0x9000] =	vst v1  }
0x2ff: {  	v1 =	vld [tilespmem:s22+$0x1000];
	[tilespmem:s20+$0x9010] =	vst v2  }
0x300: {  	v2 =	vld [tilespmem:s22+$0x1010];
	[tilespmem:s20+$0x9020] =	vst v3;
	s20 =	smov.u32 s22  }
0x301: {  	v3 =	vld [tilespmem:s20+$0x1020]  }
0x302: {  	_ = 	snop  }
0x303: {  	[tilespmem:s20+$0x9030] =	vst v0  }
0x304: {  	[tilespmem:s20+$0x9000] =	vst v1  }
0x305: {  	[tilespmem:s20+$0x9010] =	vst v2  }
0x306: {  	s22 =	simm.s32 $0x0;
	[tilespmem:s20+$0x9020] =	vst v3  }
0x307: {  	[hbm4b:s6+s22] =	stream.linear.scatter [tilespmem:s14], [sflag:$0x3], $0x4000, $0x38;
	[tilespmem:$0x11000] =	vst v63  }
0x308: {  	_ =	swait.ge [sflag:s15], $0x4000  }
0x309: {  	[sflag:s15] =	ssyncset.done $0x0  }
0x30a: {  	[sflag:s15] =	ssyncadd.s32 $0xFFFFC000  }
0x30b: {  	_ =	swait.ge [sflag:s18], $0x4000  }
0x30c: {  	[sflag:s18] =	ssyncset.done $0x0  }
0x30d: {  	s20 =	simm.s32 $0x0;
	[sflag:s18] =	ssyncadd.s32 $0xFFFFC000  }
0x30e: {  	v0 =	vld [tilespmem:s20+$0x5030]  }
0x30f: {  	v1 =	vld [tilespmem:s20+$0x5000]  }
0x310: {  	v2 =	vld [tilespmem:s20+$0x5010]  }
0x311: {  	s21 =	simm.s32 $0x200;
	v3 =	vld [tilespmem:s20+$0x5020]  }
.LBB2_64:
0x312: {  	p0 =	sne.s32 s21, $0xFE00  }
.Ltmp31:
0x313: {  	s22 =	sshra.s32 s21, $0x2;
	s21 =	sadd.s32 $0x200, s21;
	[tilespmem:s20+$0xD030] =	vst v0;
	(pc) =	sbr.rel @p0 .LBB2_64-.Ltmp31, $4  }
0x314: {  	v0 =	vld [tilespmem:s22+$0x5030];
	[tilespmem:s20+$0xD000] =	vst v1  }
0x315: {  	v1 =	vld [tilespmem:s22+$0x5000];
	[tilespmem:s20+$0xD010] =	vst v2  }
0x316: {  	v2 =	vld [tilespmem:s22+$0x5010];
	[tilespmem:s20+$0xD020] =	vst v3;
	s20 =	smov.u32 s22  }
0x317: {  	v3 =	vld [tilespmem:s20+$0x5020]  }
0x318: {  	_ = 	snop  }
0x319: {  	[tilespmem:s20+$0xD030] =	vst v0  }
0x31a: {  	[tilespmem:s20+$0xD000] =	vst v1  }
0x31b: {  	[tilespmem:s20+$0xD010] =	vst v2  }
0x31c: {  	s19 =	sadd.s32 $0x1, s19;
	[tilespmem:s20+$0xD020] =	vst v3  }
0x31d: {  	[hbm4b:s7+s3] =	stream.linear.scatter [tilespmem:s16], [sflag:$0x4], $0x4000, $0x38;
	[tilespmem:$0x11000] =	vst v63  }
0x31e: {  	p0 =	sne.s32 s19, s8;
	_ =	swait.ge [sflag:s17], $0x4000  }
.Ltmp32:
0x31f: {  	[sflag:s17] =	ssyncset.done $0x0;
	(pc) =	sbr.rel @p0 .LBB2_1-.Ltmp32, $4  }
0x320: {  	[sflag:s17] =	ssyncadd.s32 $0xFFFFC000  }
0x321: {  	_ =	swait.ge [sflag:s18], $0x4000  }
0x322: {  	[sflag:s18] =	ssyncset.done $0x0  }
0x323: {  	[sflag:s18] =	ssyncadd.s32 $0xFFFFC000  }
0x324: {  	_ =	sfence.sel $0x180000  }
0x325: {  	[bflag:$0x0] =	sbarrier.arrive $0xFFFF  }
0x326: {  	_ =	strace $0x90000047  }
0x327: {  	s0 =	stileid.u32;
	[bflag:$0x2] =	sbarrier.arrive $0xFFFF  }
0x328: {  	p0 =	sne.s32 s0, $0x0;
	s0 =	rddreg [dreg:$0x2]  }
0x329: {  	s0 =	sadd.s32 @!p0 $0x100000, s0  }
0x32a: {  	[sflag:s0] =	ssyncadd.tile.s32 @!p0 $0x1;
	_ =	shalt  }
.Lfunc_end2:
_tile_overlayer_lowered:
.L_overlay_start_2:
0x32b: {  	(tag) =	ssettag $0x2  }
0x32c: {  	s0 =	rddreg [dreg:$0x0];
	s2 =	stileid.u32  }
0x32d: {  	s1 =	rddreg [dreg:$0x1];
	p0 =	sne.s32 s2, $0x0  }
0x32e: {  	s3 =	rddreg [dreg:$0x2];
	[bflag:$0x3] =	sbarrier.arrive $0xFFFF;
	s2 =	simm.s32 @!p0 $0x1C05  }
0x32f: {  	[timem:s3], [sflag:s2] =	dma.local @!p0 [hbm:s0], s1  }
0x330: {  	s0 =	simm.s32 @!p0 $0x5  }
0x331: {  	_ =	swait.ge @!p0 [sflag:s0], s1  }
0x332: {  	s1 =	ssub.s32 @!p0 $0x0, s1;
	[sflag:s0] =	ssyncset.done @!p0 $0x0  }
0x333: {  	[sflag:s0] =	ssyncadd.s32 @!p0 s1  }
0x334: {  	[bflag:$0x3] =	sbarrier.arrive $0xFFFF  }
0x335: {  	_ =	shalt  }

// kernel: sparse-core-data-format-call.cloned.1.call-start
scs
called_computation_lowered:
.L_overlay_start_0:
0x0: {  	s2 =	sld [smem:$0x3FD9]  }
0x1: {  	s3 =	sld [smem:$0x3FFE];
	_ =	sdelay $0x1  }
0x2: {  	s1 =	srdreg.scid  }
0x3: {  	s0 =	sand.u32 $0x1, s1  }
0x4: {  	s18 =	sshll.u32 s0, $0xA;
	s2 =	sadd.s32 s3, s2  }
0x5: {  	s2 =	sadd.s32 s2, s18  }
0x6: {  	[smem:$0x3FC6] =	sst s2  }
0x7: {  	_ = 	snop  }
0x8: {  	s2 =	sld [smem:$0x3FD0];
	(tm) =	ssettm $0x1  }
0x9: {  	s19 =	sld [smem:$0x3FFB];
	_ =	sdelay $0x3  }
0xa: {  	_ =	strace s19  }
0xb: {  	s3 =	sld [smem:$0x3FFC];
	_ =	sdelay $0x3  }
0xc: {  	_ =	strace s3  }
0xd: {  	s3 =	sld [smem:$0x3FFD];
	_ =	sdelay $0x3  }
0xe: {  	_ =	strace s3  }
0xf: {  	_ =	strace $0x8FFFFFFF  }
0x10: {  	s20 =	sld [smem:$0x3FDB];
	_ =	sdelay $0x1  }
0x11: {  	s4 =	simm.s32 $_scs_section_size  }
0x12: {  	s5 =	simm.s32 $_size__tile_overlayer_lowered;
	s6 =	simm.s32 $_tile_overlayer_lowered  }
0x13: {  	s23 =	simm.s32 $0x1BFF;
	s22 =	sshll.u32 s6, $0x1;
	s3 =	sadd.s32 s4, s20  }
0x14: {  	s7 =	simm.s32 $0x0;
	s21 =	sshll.u32 s5, $0x1;
	s5 =	sadd.s32 s22, s3  }
0x15: {  	[timem:s7], [sflag:s23] =	dma.local [hbm:s5], s21  }
0x16: {  	_ =	swait.ge [sflag:s23], s21  }
0x17: {  	s4 =	ssub.s32 $0x0, s21;
	[sflag:s23] =	ssyncset.done $0x0  }
0x18: {  	[sflag:s23] =	ssyncadd.s32 s4;
	_ =	sdelay $0x1  }
0x19: {  	s24 =	simm.s32 $0x1B8B  }
0x1a: {  	_ =	swait.ge [sflag:s24], $0x1  }
0x1b: {  	[sflag:s24] =	ssyncset.done $0x0  }
0x1c: {  	s26 =	simm.s32 $0x1B8E;
	s25 =	sld [smem:$0x3FFE];
	[sflag:s24] =	ssyncadd.s32 $0xFFFFFFFF  }
0x1d: {  	s27 =	simm.s32 $execute0_lowered;
	[smem:$0x3FD2] =	sst s26  }
0x1e: {  	s5 =	sshll.u32 s27, $0x1;
	_ =	strace $0x80000049;
	[dreg:$0x1] =	wrdreg $0xFFFFFFFF  }
0x1f: {  	s28 =	simm.s32 $_size_execute0_lowered;
	s3 =	sadd.s32 s3, s5;
	[dreg:$0x0] =	wrdreg $0x0  }
0x20: {  	s5 =	sshll.u32 s28, $0x1;
	[dreg:$0x2] =	wrdreg s3  }
0x21: {  	[dreg:$0x3] =	wrdreg s5  }
0x22: {  	[dreg:$0x4] =	wrdreg $0xC0  }
0x23: {  	_ =	task [dreg:s7], $0x5FFFF  }
0x24: {  	[dreg:$0x1] =	wrdreg $0xFFFFFFFF  }
0x25: {  	[dreg:$0x0] =	wrdreg $0x60  }
0x26: {  	[dreg:$0x2] =	wrdreg s25  }
0x27: {  	[dreg:$0x3] =	wrdreg s2  }
0x28: {  	[dreg:$0x4] =	wrdreg $0x9  }
0x29: {  	_ =	task.clear_ibuf [dreg:s7], $0x5FFFF;
	_ =	strace $0x90000049  }
0x2a: {  	s29 =	simm.s32 $0x9;
	_ =	strace $0x8000004B  }
0x2b: {  	_ =	swait.ge [sflag:s29], $0x1  }
0x2c: {  	[sflag:s29] =	ssyncadd.s32 $0xFFFFFFFF  }
0x2d: {  	_ =	strace $0x9000004B  }
0x2e: {  	_ =	sfence  }
0x2f: {  	s30 =	sld [smem:$0x0];
	_ =	sdelay $0x2  }
0x30: {  	s31 =	sshll.u32 s1, $0xD;
	s1 =	sshrl.u32 s1, $0x2  }
0x31: {  	s3 =	sand.u32 $0x4000, s31;
	s1 =	sadd.s32 s1, s30  }
0x32: {  	s0 =	sor.u32 s3, s0;
	s1 =	sshll.u32 s1, $0x11  }
0x33: {  	s0 =	sor.u32 s1, s0  }
0x34: {  	s0 =	sadd.s32 $0x8F2B, s0  }
0x35: {  	[sflag:s0] =	ssyncadd.remote.s32 $0x1  }
0x36: {  	_ =	sfence.sel $0xFFFF  }
0x37: {  	[dreg:$0x0] =	wrdreg $0xFFFFFFFF;
	(pc) =	sbr.abs _section_cstart, $3  }
0x38: {  	[dreg:$0x1] =	wrdreg $0xFFFFFFFF  }
0x39: {  	_ =	task.clear_ibuf [dreg:s7], $0x2FFFF;
	_ =	strace $0x9FFFFFFF  }
0x3a: {  	(tm) =	ssettm $0x7FFFFFFF  }
0x3b: {  	_ =	shalt  }
tec
execute0_lowered:
.L_overlay_start_1:
0x0: {  	(tag) =	ssettag $0x1  }
0x1: {  	s8 =	rddreg [dreg:$0x0]  }
0x2: {  	s0 =	stileid.u32;
	s1 =	srdreg.scid  }
0x3: {  	s2 =	rddreg [dreg:$0x1];
	s31 =	simm.s32 $0x2;
	s14 =	simm.s32 $0x0  }
0x4: {  	s15 =	simm.s32 $0x0;
	s13 =	simm.s32 $0x0;
	s3 =	sshll.u32 s0, $0x1  }
0x5: {  	s4 =	sshll.u32 s0, $0x5;
	s1 =	sshll.u32 s1, $0x9;
	s3 =	sand.u32 $0x6, s3  }
0x6: {  	s4 =	sor.u32 s4, s1;
	s1 =	rddreg [dreg:$0x2];
	_ =	strace $0x8000004A  }
0x7: {  	s4 =	sand.u32 $0x380, s4;
	s5 =	ssub.s32 $0x8, s3;
	s12 =	smov.u32 s3  }
0x8: {  	s6 =	sand.u32 $0x6, s5;
	s7 =	ssub.s32 $0x4000, s4;
	s10 =	sshrl.u32 s5, $0x3  }
0x9: {  	p0 =	sne.s32 s6, $0x0;
	s6 =	simm.s32 $0x1;
	s9 =	sand.u32 $0x380, s7  }
0xa: {  	s6 =	simm.s32 @!p0 $0x0;
	p0 =	sne.s32 s9, $0x0;
	s9 =	simm.s32 $0x1  }
.Ltmp0:
0xb: {  	s7 =	sshrl.u32 s7, $0xA;
	s9 =	simm.s32 @!p0 $0x0;
	(pc) =	sbr.rel .LBB1_1-.Ltmp0, $4  }
0xc: {  	s5 =	simm.s32 $0x1;
	s6 =	sadd.s32 s6, s10;
	s7 =	sadd.s32 s9, s7  }
0xd: {  	s11 =	smov.u32 s4;
	[sflag:s5] =	ssyncpa.u1 $0x0;
	s6 =	smul.u32 s6, s7  }
0xe: {  	[sflag:s31] =	ssyncpa.u1 $0x0;
	p0 =	por $0x0, $0x0;
	s10 =	simm.s32 $0x20000  }
0xf: {  	s7 =	sadd.s32 $0x4A00, s8;
	s8 =	sadd.s32 $0x44A00, s8;
	s9 =	sadd.s32 $0x1, s6  }
.LBB1_7:
0x10: {  	s16 =	sadd.s32 $0x400, s11  }
0x11: {  	s14 =	sadd.s32 $0x8, s12;
	s18 =	smov.u32 s12;
	p2 =	sgt.s32 s16, $0x3FFF  }
0x12: {  	s18 =	smov.u32 @p2 s14  }
0x13: {  	s16 =	smov.u32 @p2 s4;
	p2 =	sgt.s32 s18, $0x7  }
0x14: {  	s18 =	smov.u32 @p2 s3;
	p2 =	sne.s32 s13, s9  }
.Ltmp1:
0x15: {  	p1 =	slt.u32 s13, $0x2;
	(pc) =	sbr.rel @!p2 .LBB1_8-.Ltmp1, $4  }
0x16: {  	s17 =	simm.s32 @!p1 $0x2  }
0x17: {  	s15 =	smov.u32 s12;
	p0 =	por !p0, !p0;
	_ =	swait.ge @!p1 [sflag:s17], $0x4000  }
0x18: {  	s14 =	smov.u32 s11;
	[sflag:s17] =	ssyncset.done @!p1 $0x0;
	s11 =	smov.u32 s16  }
0x19: {  	s13 =	sadd.s32 $0x1, s13;
	[sflag:s17] =	ssyncadd.s32 @!p1 $0xFFFFC000;
	s12 =	smov.u32 s18  }
.LBB1_1:
0x1a: {  	p1 =	sge.u32 s13, s6  }
0x1b: {  	s16 =	sxor.u32 @!p1 $0xFFFFFFFF, s13;
	s17 =	sshll.u32 @!p1 s12, $0x12  }
0x1c: {  	s18 =	sshll.u32 @!p1 s11, $0x4;
	s20 =	simm.s32 @!p1 $0x40;
	s21 =	simm.s32 @!p1 $0x80  }
0x1d: {  	s16 =	sshll.u32 @!p1 s16, $0xE;
	s18 =	sand.u32 @!p1 $0x3FFF0, s18;
	s19 =	sadd.s32 @!p1 s7, s17  }
0x1e: {  	s17 =	sadd.s32 @!p1 s17, s8;
	s16 =	sand.u32 @!p1 $0x4000, s16;
	s19 =	sadd.s32 @!p1 s18, s19  }
0x1f: {  	[tilespmem:s16], [sflag:$0x1] =	stream.strided.gather @!p1 [hbm4b:s19+s20], $0x2000, s21, s20, $0x38;
	[tilespmem:$0x10100] =	vst v63  }
0x20: {  	s31 =	sadd.s32 $0xFFFFFFFF, s13;
	s17 =	sadd.s32 @!p1 s18, s17;
	s16 =	sor.u32 @!p1 $0x2000, s16  }
0x21: {  	[tilespmem:s16], [sflag:$0x1] =	stream.strided.gather @!p1 [hbm4b:s17+s20], $0x2000, s21, s20, $0x38;
	[tilespmem:$0x10100] =	vst v63  }
0x22: {  	p1 =	sge.u32 s31, s6  }
.Ltmp2:
0x23: {  	_ = 	snop;
	(pc) =	sbr.rel @p1 .LBB1_7-.Ltmp2, $1  }
0x24: {  	_ =	sdelay $0x3  }
0x25: {  	s16 =	simm.s32 $0x1;
	s18 =	sand.u32 $0x1, s13  }
0x26: {  	_ =	swait.ge [sflag:s5], $0x4000;
	s16 =	simm.s32 @!p0 $0x0;
	s18 =	smul.u32 $0x10200, s18  }
0x27: {  	p2 =	por $0x1, $0x1;
	[sflag:s5] =	ssyncset.done $0x0;
	s17 =	smul.u32 $0x10200, s16  }
0x28: {  	s19 =	sshll.u32 s16, $0x10;
	[sflag:s5] =	ssyncadd.s32 $0xFFFFC000;
	s30 =	sshrl.u32 s18, $0x2  }
0x29: {  	s31 =	sshrl.u32 s19, $0x2;
	s19 =	simm.s32 $0x0;
	s17 =	sshrl.u32 s17, $0x2  }
0x2a: {  	s16 =	sor.u32 $0x8000, s30;
	s18 =	sadd.s32 $0x20, s31;
	s17 =	sor.u32 $0x8000, s17  }
.LBB1_3:
0x2b: {  	s20 =	sshll.u32 s19, $0xD  }
0x2c: {  	s20 =	sand.u32 $0x3FFFE000, s20  }
0x2d: {  	s22 =	sadd.s32 s20, s18  }
0x2e: {  	s31 =	smul.u32 $0x8100, s19;
	v3 =	vld [tilespmem:s22+$0x10]  }
0x2f: {  	v1 =	vld [tilespmem:s22+$0xFFFFFFF0]  }
0x30: {  	s19 =	sshra.s32 s31, $0x2;
	v0 =	vld [tilespmem:s22+$0x0]  }
0x31: {  	s19 =	sadd.s32 s19, s17;
	v2 =	vld [tilespmem:s22+$0xFFFFFFE0]  }
0x32: {  	s20 =	sadd.s32 $0x0, s19  }
0x33: {  	p1 =	por p2, p2;
	s21 =	simm.s32 $0x4;
	s22 =	sadd.s32 $0x40, s22;
	[tilespmem:s20+$0x1830 ss:$0x81] =	vst.msk $0xffff, v3  }
.LBB1_4:
0x34: {  	v3 =	vld [tilespmem:s22+$0x10];
	p2 =	sne.s32 s21, $0x1FC;
	[tilespmem:s20+$0x810 ss:$0x81] =	vst.msk $0xffff, v1;
	s23 =	smov.u32 s21;
	s21 =	sadd.s32 $0x4, s21  }
.Ltmp3:
0x35: {  	v1 =	vld [tilespmem:s22+$0xFFFFFFF0];
	[tilespmem:s20+$0x1020 ss:$0x81] =	vst.msk $0xffff, v0;
	(pc) =	sbr.rel @p2 .LBB1_4-.Ltmp3, $4  }
0x36: {  	v0 =	vld [tilespmem:s22+$0x0];
	[tilespmem:s20+$0x0 ss:$0x81] =	vst.msk $0xffff, v2  }
0x37: {  	s20 =	sshra.s32 s23, $0x2;
	v2 =	vld [tilespmem:s22+$0xFFFFFFE0]  }
0x38: {  	s20 =	sadd.s32 s20, s19  }
0x39: {  	s22 =	sadd.s32 $0x40, s22;
	[tilespmem:s20+$0x1830 ss:$0x81] =	vst.msk $0xffff, v3  }
.Ltmp4:
0x3a: {  	(pc) =	sbr.rel @p1 .LBB1_3-.Ltmp4, $4  }
0x3b: {  	_ = 	snop  }
0x3c: {  	[tilespmem:s20+$0x810 ss:$0x81] =	vst.msk $0xffff, v1  }
0x3d: {  	[tilespmem:s20+$0x1020 ss:$0x81] =	vst.msk $0xffff, v0  }
0x3e: {  	s19 =	simm.s32 $0x1;
	p2 =	por $0x0, $0x0;
	[tilespmem:s20+$0x0 ss:$0x81] =	vst.msk $0xffff, v2  }
0x3f: {  	s17 =	sshll.u32 s14, $0x3;
	s18 =	sand.u32 $0x78, s14;
	s15 =	sshll.u32 s15, $0x11  }
.Ltmp5:
0x40: {  	s30 =	sand.u32 $0x1F800, s14;
	s17 =	sand.u32 $0x3C00, s17;
	(pc) =	sbr.rel .LBB1_7-.Ltmp5, $4  }
0x41: {  	s31 =	sand.u32 $0x7, s14;
	s15 =	sadd.s32 s2, s15;
	s17 =	sor.u32 s18, s17  }
0x42: {  	s14 =	sshll.u32 s31, $0x12;
	s15 =	sadd.s32 s30, s15;
	s17 =	sshrl.u32 s17, $0x3  }
0x43: {  	s14 =	sor.u32 $0x400, s14;
	s15 =	sadd.s32 s17, s15  }
0x44: {  	[hbm4b:s15+s14] =	stream.strided.scatter [tilespmem:s16], [sflag:$0x2], $0x4000, s10, s14, $0x20;
	[tilespmem:$0x10100] =	vst v63  }
.LBB1_8:
0x45: {  	_ =	sfence.sel $0x180000  }
0x46: {  	s2 =	simm.s32 $0x1;
	[bflag:$0x0] =	sbarrier.arrive $0xFFFF  }
0x47: {  	s31 =	simm.s32 $0x2;
	[sflag:s2] =	ssyncpa.u1 $0x1  }
0x48: {  	[sflag:s31] =	ssyncpa.u1 $0x1  }
0x49: {  	p0 =	sne.s32 s0, $0x0;
	_ =	strace $0x9000004A  }
0x4a: {  	s0 =	sadd.s32 @!p0 $0x100000, s1;
	[bflag:$0x2] =	sbarrier.arrive $0xFFFF  }
0x4b: {  	[sflag:s0] =	ssyncadd.tile.s32 @!p0 $0x1;
	_ =	shalt  }
.Lfunc_end1:
_tile_overlayer_lowered:
.L_overlay_start_2:
0x4c: {  	(tag) =	ssettag $0x2  }
0x4d: {  	s0 =	rddreg [dreg:$0x0];
	s2 =	stileid.u32  }
0x4e: {  	s1 =	rddreg [dreg:$0x1];
	p0 =	sne.s32 s2, $0x0  }
0x4f: {  	s3 =	rddreg [dreg:$0x2];
	[bflag:$0x3] =	sbarrier.arrive $0xFFFF;
	s2 =	simm.s32 @!p0 $0x1C01  }
0x50: {  	[timem:s3], [sflag:s2] =	dma.local @!p0 [hbm:s0], s1  }
0x51: {  	s0 =	simm.s32 @!p0 $0x1  }
0x52: {  	_ =	swait.ge @!p0 [sflag:s0], s1  }
0x53: {  	s1 =	ssub.s32 @!p0 $0x0, s1;
	[sflag:s0] =	ssyncset.done @!p0 $0x0  }
0x54: {  	[sflag:s0] =	ssyncadd.s32 @!p0 s1  }
0x55: {  	[bflag:$0x3] =	sbarrier.arrive $0xFFFF  }
0x56: {  	_ =	shalt  }

</sc_bundles>
